<compile_context>
chip_gen: v7x
topology: tpu7x:2x2x1
jax: 0.10.2.dev20260603
libtpu: 0.0.44.dev20260713+nightly
codegen_flags: <defaults>
</compile_context>

<pallas_src>
import functools

import jax
import jax.numpy as jnp
from jax import lax
from jax.experimental import pallas as pl
from jax.experimental.pallas import tpu as pltpu
from jax.experimental.pallas import tpu_sc as plsc

_NC = 2
_NS = 16
_FC = 4



def _tc_mlp2_chunked(xx, w1, b1, w2, b2, npad):
    n, kin = xx.shape
    kh = w1.shape[1]
    br = 400

    def body(x_ref, w1_ref, b1_ref, w2_ref, b2_ref, o_ref):
        g = jnp.dot(x_ref[...], w1_ref[...], preferred_element_type=jnp.float32)
        g = jnp.maximum(g + b1_ref[...], 0.0)
        f = jnp.dot(g, w2_ref[...], preferred_element_type=jnp.float32) + b2_ref[...]
        for c in range(_FC):
            o_ref[c] = f[:, c * 128:(c + 1) * 128]

    return pl.pallas_call(
        body,
        grid=(n // br,),
        in_specs=[
            pl.BlockSpec((br, kin), lambda i: (i, 0)),
            pl.BlockSpec((kin, kh), lambda i: (0, 0)),
            pl.BlockSpec((1, kh), lambda i: (0, 0)),
            pl.BlockSpec((kh, kh), lambda i: (0, 0)),
            pl.BlockSpec((1, kh), lambda i: (0, 0)),
        ],
        out_specs=pl.BlockSpec((_FC, br, 128), lambda i: (0, i, 0)),
        out_shape=jax.ShapeDtypeStruct((_FC, npad, 128), jnp.float32),
    )(xx, w1, b1.reshape(1, -1), w2, b2.reshape(1, -1))


def _tc_out_mlp(fc, ac, p, n):
    br = 400
    eps = p['eps'].reshape(1, 1)
    bias = (p['o_b2'] + p['s_b']).reshape(1, -1)

    def body(f_ref, a_ref, eps_ref, w1_ref, b1_ref, w2_ref, sw_ref, b_ref,
             g_ref, bb_ref, o_ref):
        f = jnp.concatenate([f_ref[c] for c in range(_FC)], axis=-1)
        a = jnp.concatenate([a_ref[c] for c in range(_FC)], axis=-1)
        t = (1.0 + eps_ref[0, 0]) * f + a
        u = jnp.dot(t, w1_ref[...], preferred_element_type=jnp.float32)
        u = jnp.maximum(u + b1_ref[...], 0.0)
        v = (jnp.dot(u, w2_ref[...], preferred_element_type=jnp.float32)
             + jnp.dot(a, sw_ref[...], preferred_element_type=jnp.float32)
             + b_ref[...])
        mu = jnp.mean(v, axis=-1, keepdims=True)
        var = jnp.mean((v - mu) ** 2, axis=-1, keepdims=True)
        o_ref[...] = (v - mu) / jnp.sqrt(var + 1e-5) * g_ref[...] + bb_ref[...]

    d = fc.shape[0] * fc.shape[2]
    return pl.pallas_call(
        body,
        grid=(n // br,),
        in_specs=[
            pl.BlockSpec((_FC, br, 128), lambda i: (0, i, 0)),
            pl.BlockSpec((_FC, br, 128), lambda i: (0, i, 0)),
            pl.BlockSpec((1, 1), lambda i: (0, 0)),
            pl.BlockSpec((d, d), lambda i: (0, 0)),
            pl.BlockSpec((1, d), lambda i: (0, 0)),
            pl.BlockSpec((d, d), lambda i: (0, 0)),
            pl.BlockSpec((d, d), lambda i: (0, 0)),
            pl.BlockSpec((1, d), lambda i: (0, 0)),
            pl.BlockSpec((1, d), lambda i: (0, 0)),
            pl.BlockSpec((1, d), lambda i: (0, 0)),
        ],
        out_specs=pl.BlockSpec((br, d), lambda i: (i, 0)),
        out_shape=jax.ShapeDtypeStruct((n, d), jnp.float32),
    )(fc, ac, eps, p['o_W1'], p['o_b1'].reshape(1, -1), p['o_W2'], p['s_W'],
      bias, p['ln_g'].reshape(1, -1), p['ln_b'].reshape(1, -1))


def _tc_dual_mm(h, wt, wb):
    n, d = h.shape
    br = 400

    def body(h_ref, wt_ref, wb_ref, o_ref):
        o_ref[0] = jnp.dot(h_ref[...], wt_ref[...], preferred_element_type=jnp.float32)
        o_ref[1] = jnp.dot(h_ref[...], wb_ref[...], preferred_element_type=jnp.float32)

    return pl.pallas_call(
        body,
        grid=(n // br,),
        in_specs=[
            pl.BlockSpec((br, d), lambda i: (i, 0)),
            pl.BlockSpec((d, d), lambda i: (0, 0)),
            pl.BlockSpec((d, d), lambda i: (0, 0)),
        ],
        out_specs=pl.BlockSpec((2, br, d), lambda i: (0, i, 0)),
        out_shape=jax.ShapeDtypeStruct((2, n, d), jnp.float32),
    )(h, wt, wb)


def _tc_edge_mlp(ps, qd, b1, w2, b2):
    e, d = ps.shape
    ko = w2.shape[1]
    br = 400

    def body(p_ref, q_ref, b1_ref, w2_ref, b2_ref, o_ref):
        r = jnp.maximum(p_ref[...] + q_ref[...] + b1_ref[...], 0.0)
        o_ref[...] = jnp.dot(r, w2_ref[...], preferred_element_type=jnp.float32) + b2_ref[...]

    return pl.pallas_call(
        body,
        grid=(e // br,),
        in_specs=[
            pl.BlockSpec((br, d), lambda i: (i, 0)),
            pl.BlockSpec((br, d), lambda i: (i, 0)),
            pl.BlockSpec((1, d), lambda i: (0, 0)),
            pl.BlockSpec((d, ko), lambda i: (0, 0)),
            pl.BlockSpec((1, ko), lambda i: (0, 0)),
        ],
        out_specs=pl.BlockSpec((br, ko), lambda i: (i, 0)),
        out_shape=jax.ShapeDtypeStruct((e, ko), jnp.float32),
    )(ps, qd, b1.reshape(1, -1), w2, b2.reshape(1, -1))



def _sc_aggregate(fc, srcoff, dst, npad):
    e = dst.shape[0]
    blk = 80
    ept = e // _NS
    nb = ept // blk
    rpt = npad // _NS
    mesh = plsc.VectorSubcoreMesh(core_axis_name="c", subcore_axis_name="s")

    @functools.partial(
        pl.kernel,
        mesh=mesh,
        out_type=jax.ShapeDtypeStruct((_FC * npad, 128), jnp.float32),
        scratch_types=[
            pltpu.VMEM_SHARED((npad, 128), jnp.float32),
            pltpu.VMEM((blk,), jnp.int32),
            pltpu.VMEM((blk,), jnp.int32),
            pltpu.VMEM((blk,), jnp.int32),
            pltpu.VMEM((blk,), jnp.int32),
            pltpu.VMEM((blk, 128), jnp.float32),
            pltpu.VMEM((blk, 128), jnp.float32),
            pltpu.SemaphoreType.DMA,
            pltpu.SemaphoreType.DMA,
        ],
    )
    def k(fc_hbm, srcoff_hbm, dst_hbm, agg_hbm, shared,
          si0, di0, si1, di1, rows0, rows1, sem0, sem1):
        cid = lax.axis_index("c")
        sid = lax.axis_index("s")
        e0 = sid * ept
        bufs = ((si0, di0, rows0, sem0), (si1, di1, rows1, sem1))

        def start(b, j):
            si, di, rows, sem = bufs[j]
            off = e0 + b * blk
            pltpu.sync_copy(srcoff_hbm.at[pl.ds(chunk * e + off, blk)], si)
            pltpu.sync_copy(dst_hbm.at[pl.ds(off, blk)], di)
            pltpu.async_copy(fc_hbm.at[si], rows, sem)

        def finish(j):
            si, di, rows, sem = bufs[j]
            pltpu.make_async_copy(fc_hbm.at[si], rows, sem).wait()
            pltpu.sync_copy(rows, shared.at[di], add=True)

        for c2 in range(_FC // _NC):
            chunk = cid * (_FC // _NC) + c2
            crow = chunk * npad
            pltpu.sync_copy(fc_hbm.at[pl.ds(crow + sid * rpt, rpt)],
                            shared.at[pl.ds(sid * rpt, rpt)])
            plsc.subcore_barrier()

            start(0, 0)

            def step(g, carry):
                b0 = 2 * g

                @pl.when(b0 + 1 < nb)
                def _():
                    start(b0 + 1, 1)

                finish(0)

                @pl.when(b0 + 2 < nb)
                def _():
                    start(b0 + 2, 0)

                @pl.when(b0 + 1 < nb)
                def _():
                    finish(1)

                return carry

            lax.fori_loop(0, (nb + 1) // 2, step, 0)
            plsc.subcore_barrier()
            pltpu.sync_copy(shared.at[pl.ds(sid * rpt, rpt)],
                            agg_hbm.at[pl.ds(crow + sid * rpt, rpt)])
            plsc.subcore_barrier()

    return k(fc, srcoff, dst)


def _sc_edge_gather(pqc, si, di):
    e = si.shape[0]
    d = pqc.shape[1]
    blk = 40
    perw = e // (_NC * _NS)
    nb = perw // blk
    mesh = plsc.VectorSubcoreMesh(core_axis_name="c", subcore_axis_name="s")

    @functools.partial(
        pl.kernel,
        mesh=mesh,
        out_type=(jax.ShapeDtypeStruct((e, d), jnp.float32),
                  jax.ShapeDtypeStruct((e, d), jnp.float32)),
        scratch_types=[
            pltpu.VMEM((blk,), jnp.int32),
            pltpu.VMEM((blk,), jnp.int32),
            pltpu.VMEM((blk,), jnp.int32),
            pltpu.VMEM((blk,), jnp.int32),
            pltpu.VMEM((blk, d), jnp.float32),
            pltpu.VMEM((blk, d), jnp.float32),
            pltpu.VMEM((blk, d), jnp.float32),
            pltpu.VMEM((blk, d), jnp.float32),
            pltpu.SemaphoreType.DMA,
            pltpu.SemaphoreType.DMA,
        ],
    )
    def k(pq_hbm, si_hbm, di_hbm, ps_hbm, qd_hbm,
          si0, di0, si1, di1, pr0, qr0, pr1, qr1, s0, s1):
        wid = lax.axis_index("s") * _NC + lax.axis_index("c")
        base = wid * perw
        bufs = ((si0, di0, pr0, qr0, s0), (si1, di1, pr1, qr1, s1))

        def start(b, j):
            si, di, pr, qr, sm = bufs[j]
            off = base + b * blk
            pltpu.sync_copy(si_hbm.at[pl.ds(off, blk)], si)
            pltpu.sync_copy(di_hbm.at[pl.ds(off, blk)], di)
            pltpu.async_copy(pq_hbm.at[si], pr, sm)
            pltpu.async_copy(pq_hbm.at[di], qr, sm)

        def finish(b, j):
            si, di, pr, qr, sm = bufs[j]
            off = base + b * blk
            pltpu.make_async_copy(pq_hbm.at[si], pr, sm).wait()
            pltpu.make_async_copy(pq_hbm.at[di], qr, sm).wait()
            pltpu.sync_copy(pr, ps_hbm.at[pl.ds(off, blk)])
            pltpu.sync_copy(qr, qd_hbm.at[pl.ds(off, blk)])

        start(0, 0)

        def step(g, carry):
            b0 = 2 * g

            @pl.when(b0 + 1 < nb)
            def _():
                start(b0 + 1, 1)

            finish(b0, 0)

            @pl.when(b0 + 2 < nb)
            def _():
                start(b0 + 2, 0)

            @pl.when(b0 + 1 < nb)
            def _():
                finish(b0 + 1, 1)

            return carry

        lax.fori_loop(0, (nb + 1) // 2, step, 0)

    return k(pqc, si, di)



def kernel(x, edge_index, params):
    n = x.shape[0]
    npad = ((n + 127) // 128) * 128
    src = edge_index[0]
    dst = edge_index[1]
    srcoff = (src[None, :]
              + (jnp.arange(_FC, dtype=jnp.int32) * npad)[:, None]).reshape(-1)

    h = x
    for p in params['layers']:
        fc = _tc_mlp2_chunked(h, p['f_W1'], p['f_b1'], p['f_W2'], p['f_b2'], npad)
        aggc = _sc_aggregate(fc.reshape(_FC * npad, 128), srcoff, dst, npad)
        h = _tc_out_mlp(fc, aggc.reshape(_FC, npad, 128), p, n)

    w1 = params['lp_W1']
    dh = h.shape[1]
    pq = _tc_dual_mm(h, w1[:dh], w1[dh:])
    ps, qd = _sc_edge_gather(pq.reshape(2 * n, dh), src, dst + n)
    return _tc_edge_mlp(ps, qd, params['lp_b1'], params['lp_W2'], params['lp_b2'])

# --- scband reference (transcript-rebuilt; emitter-appended) ---
"""Pipeline reference for scband-my-gnn-69114613727382 (READ-ONLY COPY).

The authoritative reference and input builder live on the scoring server;
editing this copy changes nothing except your own understanding.
"""

import jax, jax.numpy as jnp
import numpy as np

N = 10000
E = 160000
D_IN = 256
D_HID = 512
D_OUT = 256
NUM_LAYERS = 3


def _linear(key, fan_in, fan_out):
    k1, k2 = jax.random.split(key)
    lim = 1.0 / np.sqrt(fan_in)
    W = jax.random.uniform(k1, (fan_in, fan_out), minval=-lim, maxval=lim, dtype=jnp.float32)
    b = jax.random.uniform(k2, (fan_out,), minval=-lim, maxval=lim, dtype=jnp.float32)
    return W, b


def _make_layer(key, d_in, d_hid, d_out):
    ks = jax.random.split(key, 8)
    f_W1, f_b1 = _linear(ks[0], d_in, d_hid)
    f_W2, f_b2 = _linear(ks[1], d_hid, d_hid)
    o_W1, o_b1 = _linear(ks[2], d_hid, d_hid)
    o_W2, o_b2 = _linear(ks[3], d_hid, d_out)
    s_W, s_b = _linear(ks[4], d_hid, d_out)
    eps = jax.random.uniform(ks[5], (1,), dtype=jnp.float32)
    ln_g = jnp.ones((d_out,), dtype=jnp.float32)
    ln_b = jnp.zeros((d_out,), dtype=jnp.float32)
    return {'f_W1': f_W1, 'f_b1': f_b1, 'f_W2': f_W2, 'f_b2': f_b2,
            'o_W1': o_W1, 'o_b1': o_b1, 'o_W2': o_W2, 'o_b2': o_b2,
            's_W': s_W, 's_b': s_b, 'eps': eps, 'ln_g': ln_g, 'ln_b': ln_b}


def setup_inputs(seed: int = 0) -> dict:
    key = jax.random.key(seed)
    ks = jax.random.split(key, 8)
    x = jax.random.normal(ks[0], (N, D_IN), dtype=jnp.float32)
    edge_index = jax.random.randint(ks[1], (2, E), 0, N, dtype=jnp.int32)
    layers = []
    layers.append(_make_layer(ks[2], D_IN, D_HID, D_HID))
    for i in range(NUM_LAYERS - 1):
        layers.append(_make_layer(ks[3 + i], D_HID, D_HID, D_HID))
    lp_W1, lp_b1 = _linear(ks[6], 2 * D_HID, D_HID)
    lp_W2, lp_b2 = _linear(ks[7], D_HID, D_OUT)
    params = {'layers': layers, 'lp_W1': lp_W1, 'lp_b1': lp_b1, 'lp_W2': lp_W2, 'lp_b2': lp_b2}
    return {'x': x, 'edge_index': edge_index, 'params': params}


def _gin_layer(x, edge_index, p):
    n = x.shape[0]
    loops = jnp.arange(n, dtype=edge_index.dtype)
    ei = jnp.concatenate([edge_index, jnp.stack([loops, loops])], axis=1)

    def mlp_f(h):
        return jax.nn.relu(h @ p['f_W1'] + p['f_b1']) @ p['f_W2'] + p['f_b2']

    def mlp_o(h):
        return jax.nn.relu(h @ p['o_W1'] + p['o_b1']) @ p['o_W2'] + p['o_b2']

    msg = mlp_f(x[ei[0]])
    agg = jax.ops.segment_sum(msg, ei[1], num_segments=n)
    skip_out = agg
    out = (1.0 + p['eps']) * mlp_f(x) + agg
    out = mlp_o(out) + (skip_out @ p['s_W'] + p['s_b'])
    # dropout in eval mode: identity
    mu = jnp.mean(out, axis=-1, keepdims=True)
    var = jnp.var(out, axis=-1, keepdims=True)
    out = (out - mu) / jnp.sqrt(var + 1e-5)
    out = out * p['ln_g'] + p['ln_b']
    return out


def reference(x, edge_index, params):
    h = x
    for p in params['layers']:
        h = _gin_layer(h, edge_index, p)
    cat = jnp.concatenate([h[edge_index[0]], h[edge_index[1]]], axis=-1)
    out = jax.nn.relu(cat @ params['lp_W1'] + params['lp_b1']) @ params['lp_W2'] + params['lp_b2']
    return out

if __name__ == "__main__":
    import jax
    _d = setup_inputs()
    print(jax.jit(kernel)(*tuple(_d.values())))

</pallas_src>

<mosaic_0001>
#map = affine_map<(d0, d1) -> (0, 0)>
#map1 = affine_map<(d0, d1) -> (0)>
module attributes {stable_mosaic.version = 14 : i64} {
  func.func @k(%arg0: i32, %arg1: i32, %arg2: memref<40448x128xf32, #tpu.memory_space<hbm>>, %arg3: memref<640000xi32, #tpu.memory_space<hbm>>, %arg4: memref<160000xi32, #tpu.memory_space<hbm>>, %arg5: memref<40448x128xf32, #tpu.memory_space<hbm>>, %arg6: memref<10112x128xf32, #tpu.memory_space<vmem_shared>>, %arg7: memref<80xi32, #tpu.memory_space<vmem>>, %arg8: memref<80xi32, #tpu.memory_space<vmem>>, %arg9: memref<80xi32, #tpu.memory_space<vmem>>, %arg10: memref<80xi32, #tpu.memory_space<vmem>>, %arg11: memref<80x128xf32, #tpu.memory_space<vmem>>, %arg12: memref<80x128xf32, #tpu.memory_space<vmem>>, %arg13: memref<!tpu.dma_semaphore, #tpu.memory_space<semaphore_mem>>, %arg14: memref<!tpu.dma_semaphore, #tpu.memory_space<semaphore_mem>>) attributes {dimension_semantics = [#tpu.dimension_semantics<core_parallel>, #tpu.dimension_semantics<subcore_parallel>], iteration_bounds = array<i64: 2, 16>, scalar_prefetch = 0 : i64, scratch_operands = 9 : i64, tpu.core_type = #tpu.core_type<sc_vector_subcore>, window_params = [{transform_indices = #map}, {transform_indices = #map1}, {transform_indices = #map1}, {transform_indices = #map}]} {
    %mul3A = arith.constant 10000 : i32
    %mul3A_0 = arith.muli %arg1, %mul3A : i32
    %mul3A_1 = arith.constant 2 : i32
    %mul3A_2 = arith.muli %arg0, %mul3A_1 : i32
    %add3A = arith.constant 0 : i32
    %add3A_3 = arith.addi %mul3A_2, %add3A : i32
    %mul3A_4 = arith.constant 10112 : i32
    %mul3A_5 = arith.muli %add3A_3, %mul3A_4 : i32
    %mul3A_6 = arith.constant 632 : i32
    %mul3A_7 = arith.muli %arg1, %mul3A_6 : i32
    %add3A_8 = arith.addi %mul3A_5, %mul3A_7 : i32
    %mul3A_9 = arith.constant 632 : i32
    %mul3A_10 = arith.muli %arg1, %mul3A_9 : i32
    "tpu.region"() ({
      %run_scoped3A = tpu.sem_alloc : memref<!tpu.dma_semaphore, #tpu.memory_space<semaphore_mem>>
      %dma_start3A_63 = arith.constant 0 : i32
      %dma_start3A_64 = tpu.memref_slice %arg6[%mul3A_10, %dma_start3A_63] : memref<10112x128xf32, #tpu.memory_space<vmem_shared>> -> memref<632x128xf32, #tpu.memory_space<vmem_shared>>
      %dma_start3A_65 = arith.constant 0 : i32
      %dma_start3A_66 = tpu.memref_slice %arg2[%add3A_8, %dma_start3A_65] : memref<40448x128xf32, #tpu.memory_space<hbm>> -> memref<632x128xf32, #tpu.memory_space<hbm>>
      tpu.enqueue_dma source(%dma_start3A_66 : memref<632x128xf32, #tpu.memory_space<hbm>>) target(%dma_start3A_64 : memref<632x128xf32, #tpu.memory_space<vmem_shared>>) target_semaphore(%run_scoped3A : memref<!tpu.dma_semaphore, #tpu.memory_space<semaphore_mem>>)
      %dma_wait3A = arith.constant 0 : i32
      %dma_wait3A_67 = tpu.memref_slice %arg6[%mul3A_10, %dma_wait3A] : memref<10112x128xf32, #tpu.memory_space<vmem_shared>> -> memref<632x128xf32, #tpu.memory_space<vmem_shared>>
      %dma_wait3A_68 = arith.constant 0 : i32
      %dma_wait3A_69 = tpu.memref_slice %arg2[%add3A_8, %dma_wait3A_68] : memref<40448x128xf32, #tpu.memory_space<hbm>> -> memref<632x128xf32, #tpu.memory_space<hbm>>
      tpu.wait_dma2 semaphore(%run_scoped3A : memref<!tpu.dma_semaphore, #tpu.memory_space<semaphore_mem>>) src(%dma_wait3A_69 : memref<632x128xf32, #tpu.memory_space<hbm>>) dst(%dma_wait3A_67 : memref<632x128xf32, #tpu.memory_space<vmem_shared>>)
      tpu.yield
    }) : () -> ()
    %barrier3A = arith.constant 0 : index
    tpu.barrier barrier_id(%barrier3A)
    %add3A_11 = arith.constant 0 : i32
    %add3A_12 = arith.addi %mul3A_0, %add3A_11 : i32
    %mul3A_13 = arith.constant 160000 : i32
    %mul3A_14 = arith.muli %add3A_3, %mul3A_13 : i32
    %add3A_15 = arith.addi %mul3A_14, %add3A_12 : i32
    "tpu.region"() ({
      %run_scoped3A = tpu.sem_alloc : memref<!tpu.dma_semaphore, #tpu.memory_space<semaphore_mem>>
      %dma_start3A_63 = tpu.memref_slice %arg3[%add3A_15] : memref<640000xi32, #tpu.memory_space<hbm>> -> memref<80xi32, #tpu.memory_space<hbm>>
      %dma_start3A_64 = tpu.memref_slice %arg3[%add3A_15] : memref<640000xi32, #tpu.memory_space<hbm>> -> memref<80xi32, #tpu.memory_space<hbm>>
      tpu.enqueue_dma source(%dma_start3A_64 : memref<80xi32, #tpu.memory_space<hbm>>) target(%arg7 : memref<80xi32, #tpu.memory_space<vmem>>) target_semaphore(%run_scoped3A : memref<!tpu.dma_semaphore, #tpu.memory_space<semaphore_mem>>)
      %dma_wait3A = tpu.memref_slice %arg3[%add3A_15] : memref<640000xi32, #tpu.memory_space<hbm>> -> memref<80xi32, #tpu.memory_space<hbm>>
      %dma_wait3A_65 = tpu.memref_slice %arg3[%add3A_15] : memref<640000xi32, #tpu.memory_space<hbm>> -> memref<80xi32, #tpu.memory_space<hbm>>
      tpu.wait_dma2 semaphore(%run_scoped3A : memref<!tpu.dma_semaphore, #tpu.memory_space<semaphore_mem>>) src(%dma_wait3A_65 : memref<80xi32, #tpu.memory_space<hbm>>) dst(%arg7 : memref<80xi32, #tpu.memory_space<vmem>>)
      tpu.yield
    }) : () -> ()
    "tpu.region"() ({
      %run_scoped3A = tpu.sem_alloc : memref<!tpu.dma_semaphore, #tpu.memory_space<semaphore_mem>>
      %dma_start3A_63 = tpu.memref_slice %arg4[%add3A_12] : memref<160000xi32, #tpu.memory_space<hbm>> -> memref<80xi32, #tpu.memory_space<hbm>>
      %dma_start3A_64 = tpu.memref_slice %arg4[%add3A_12] : memref<160000xi32, #tpu.memory_space<hbm>> -> memref<80xi32, #tpu.memory_space<hbm>>
      tpu.enqueue_dma source(%dma_start3A_64 : memref<80xi32, #tpu.memory_space<hbm>>) target(%arg8 : memref<80xi32, #tpu.memory_space<vmem>>) target_semaphore(%run_scoped3A : memref<!tpu.dma_semaphore, #tpu.memory_space<semaphore_mem>>)
      %dma_wait3A = tpu.memref_slice %arg4[%add3A_12] : memref<160000xi32, #tpu.memory_space<hbm>> -> memref<80xi32, #tpu.memory_space<hbm>>
      %dma_wait3A_65 = tpu.memref_slice %arg4[%add3A_12] : memref<160000xi32, #tpu.memory_space<hbm>> -> memref<80xi32, #tpu.memory_space<hbm>>
      tpu.wait_dma2 semaphore(%run_scoped3A : memref<!tpu.dma_semaphore, #tpu.memory_space<semaphore_mem>>) src(%dma_wait3A_65 : memref<80xi32, #tpu.memory_space<hbm>>) dst(%arg8 : memref<80xi32, #tpu.memory_space<vmem>>)
      tpu.yield
    }) : () -> ()
    %dma_start3A = arith.constant 0 : i32
    %dma_start3A_16 = arith.constant 0 : i32
    %dma_start3A_17 = tpu.memref_slice %arg2[%dma_start3A, %dma_start3A_16] : memref<40448x128xf32, #tpu.memory_space<hbm>> -> memref<40448x128xf32, #tpu.memory_space<hbm>>
    tpu.enqueue_indirect_dma source(%dma_start3A_17 : memref<40448x128xf32, #tpu.memory_space<hbm>>) target(%arg11 : memref<80x128xf32, #tpu.memory_space<vmem>>) offsets(%arg7 : memref<80xi32, #tpu.memory_space<vmem>>) semaphore(%arg13 : memref<!tpu.dma_semaphore, #tpu.memory_space<semaphore_mem>>)
    %scan3A = arith.constant 0 : i32
    %scan3A_18 = arith.constant 0 : i32
    %scan3A_19 = arith.constant 63 : i32
    %scan3A_20 = arith.addi %scan3A_18, %scan3A_19 : i32
    %scan3A_21 = arith.constant 1 : i32
    scf.for %scan3A_63 = %scan3A_18 to %scan3A_20 step %scan3A_21  : i32 {
      %mul3A_64 = arith.constant 2 : i32
      %mul3A_65 = arith.muli %mul3A_64, %scan3A_63 : i32
      %add3A_66 = arith.constant 1 : i32
      %add3A_67 = arith.addi %mul3A_65, %add3A_66 : i32
      %lt3A = arith.constant 125 : i32
      %lt3A_68 = arith.cmpi slt, %add3A_67, %lt3A : i32
      %convert_element_type3A = arith.extui %lt3A_68 : i1 to i32
      %cond3A = arith.constant 0 : i32
      %cond3A_69 = arith.cmpi ne, %convert_element_type3A, %cond3A : i32
      scf.if %cond3A_69 {
        %add3A_86 = arith.constant 1 : i32
        %add3A_87 = arith.addi %mul3A_65, %add3A_86 : i32
        %mul3A_88 = arith.constant 80 : i32
        %mul3A_89 = arith.muli %add3A_87, %mul3A_88 : i32
        %add3A_90 = arith.addi %mul3A_0, %mul3A_89 : i32
        %mul3A_91 = arith.constant 160000 : i32
        %mul3A_92 = arith.muli %add3A_3, %mul3A_91 : i32
        %add3A_93 = arith.addi %mul3A_92, %add3A_90 : i32
        "tpu.region"() ({
          %run_scoped3A = tpu.sem_alloc : memref<!tpu.dma_semaphore, #tpu.memory_space<semaphore_mem>>
          %dma_start3A_97 = tpu.memref_slice %arg3[%add3A_93] : memref<640000xi32, #tpu.memory_space<hbm>> -> memref<80xi32, #tpu.memory_space<hbm>>
          %dma_start3A_98 = tpu.memref_slice %arg3[%add3A_93] : memref<640000xi32, #tpu.memory_space<hbm>> -> memref<80xi32, #tpu.memory_space<hbm>>
          tpu.enqueue_dma source(%dma_start3A_98 : memref<80xi32, #tpu.memory_space<hbm>>) target(%arg9 : memref<80xi32, #tpu.memory_space<vmem>>) target_semaphore(%run_scoped3A : memref<!tpu.dma_semaphore, #tpu.memory_space<semaphore_mem>>)
          %dma_wait3A_99 = tpu.memref_slice %arg3[%add3A_93] : memref<640000xi32, #tpu.memory_space<hbm>> -> memref<80xi32, #tpu.memory_space<hbm>>
          %dma_wait3A_100 = tpu.memref_slice %arg3[%add3A_93] : memref<640000xi32, #tpu.memory_space<hbm>> -> memref<80xi32, #tpu.memory_space<hbm>>
          tpu.wait_dma2 semaphore(%run_scoped3A : memref<!tpu.dma_semaphore, #tpu.memory_space<semaphore_mem>>) src(%dma_wait3A_100 : memref<80xi32, #tpu.memory_space<hbm>>) dst(%arg9 : memref<80xi32, #tpu.memory_space<vmem>>)
          tpu.yield
        }) : () -> ()
        "tpu.region"() ({
          %run_scoped3A = tpu.sem_alloc : memref<!tpu.dma_semaphore, #tpu.memory_space<semaphore_mem>>
          %dma_start3A_97 = tpu.memref_slice %arg4[%add3A_90] : memref<160000xi32, #tpu.memory_space<hbm>> -> memref<80xi32, #tpu.memory_space<hbm>>
          %dma_start3A_98 = tpu.memref_slice %arg4[%add3A_90] : memref<160000xi32, #tpu.memory_space<hbm>> -> memref<80xi32, #tpu.memory_space<hbm>>
          tpu.enqueue_dma source(%dma_start3A_98 : memref<80xi32, #tpu.memory_space<hbm>>) target(%arg10 : memref<80xi32, #tpu.memory_space<vmem>>) target_semaphore(%run_scoped3A : memref<!tpu.dma_semaphore, #tpu.memory_space<semaphore_mem>>)
          %dma_wait3A_99 = tpu.memref_slice %arg4[%add3A_90] : memref<160000xi32, #tpu.memory_space<hbm>> -> memref<80xi32, #tpu.memory_space<hbm>>
          %dma_wait3A_100 = tpu.memref_slice %arg4[%add3A_90] : memref<160000xi32, #tpu.memory_space<hbm>> -> memref<80xi32, #tpu.memory_space<hbm>>
          tpu.wait_dma2 semaphore(%run_scoped3A : memref<!tpu.dma_semaphore, #tpu.memory_space<semaphore_mem>>) src(%dma_wait3A_100 : memref<80xi32, #tpu.memory_space<hbm>>) dst(%arg10 : memref<80xi32, #tpu.memory_space<vmem>>)
          tpu.yield
        }) : () -> ()
        %dma_start3A_94 = arith.constant 0 : i32
        %dma_start3A_95 = arith.constant 0 : i32
        %dma_start3A_96 = tpu.memref_slice %arg2[%dma_start3A_94, %dma_start3A_95] : memref<40448x128xf32, #tpu.memory_space<hbm>> -> memref<40448x128xf32, #tpu.memory_space<hbm>>
        tpu.enqueue_indirect_dma source(%dma_start3A_96 : memref<40448x128xf32, #tpu.memory_space<hbm>>) target(%arg12 : memref<80x128xf32, #tpu.memory_space<vmem>>) offsets(%arg9 : memref<80xi32, #tpu.memory_space<vmem>>) semaphore(%arg14 : memref<!tpu.dma_semaphore, #tpu.memory_space<semaphore_mem>>)
      } else {
      }
      %dma_wait3A = arith.constant 0 : i32
      %dma_wait3A_70 = arith.constant 0 : i32
      %dma_wait3A_71 = tpu.memref_slice %arg2[%dma_wait3A, %dma_wait3A_70] : memref<40448x128xf32, #tpu.memory_space<hbm>> -> memref<40448x128xf32, #tpu.memory_space<hbm>>
      tpu.wait_indirect_dma semaphore(%arg13 : memref<!tpu.dma_semaphore, #tpu.memory_space<semaphore_mem>>) src(%dma_wait3A_71 : memref<40448x128xf32, #tpu.memory_space<hbm>>) dst(%arg11 : memref<80x128xf32, #tpu.memory_space<vmem>>)
      "tpu.region"() ({
        %run_scoped3A = tpu.sem_alloc : memref<!tpu.dma_semaphore, #tpu.memory_space<semaphore_mem>>
        %dma_start3A_86 = arith.constant 0 : i32
        %dma_start3A_87 = arith.constant 0 : i32
        %dma_start3A_88 = tpu.memref_slice %arg6[%dma_start3A_86, %dma_start3A_87] : memref<10112x128xf32, #tpu.memory_space<vmem_shared>> -> memref<10112x128xf32, #tpu.memory_space<vmem_shared>>
        tpu.enqueue_indirect_dma source(%arg11 : memref<80x128xf32, #tpu.memory_space<vmem>>) target(%dma_start3A_88 : memref<10112x128xf32, #tpu.memory_space<vmem_shared>>) offsets(%arg8 : memref<80xi32, #tpu.memory_space<vmem>>) semaphore(%run_scoped3A : memref<!tpu.dma_semaphore, #tpu.memory_space<semaphore_mem>>) {add = true}
        %dma_wait3A_89 = arith.constant 0 : i32
        %dma_wait3A_90 = arith.constant 0 : i32
        %dma_wait3A_91 = tpu.memref_slice %arg6[%dma_wait3A_89, %dma_wait3A_90] : memref<10112x128xf32, #tpu.memory_space<vmem_shared>> -> memref<10112x128xf32, #tpu.memory_space<vmem_shared>>
        tpu.wait_indirect_dma semaphore(%run_scoped3A : memref<!tpu.dma_semaphore, #tpu.memory_space<semaphore_mem>>) src(%arg11 : memref<80x128xf32, #tpu.memory_space<vmem>>) dst(%dma_wait3A_91 : memref<10112x128xf32, #tpu.memory_space<vmem_shared>>)
        tpu.yield
      }) : () -> ()
      %add3A_72 = arith.constant 2 : i32
      %add3A_73 = arith.addi %mul3A_65, %add3A_72 : i32
      %lt3A_74 = arith.constant 125 : i32
      %lt3A_75 = arith.cmpi slt, %add3A_73, %lt3A_74 : i32
      %convert_element_type3A_76 = arith.extui %lt3A_75 : i1 to i32
      %cond3A_77 = arith.constant 0 : i32
      %cond3A_78 = arith.cmpi ne, %convert_element_type3A_76, %cond3A_77 : i32
      scf.if %cond3A_78 {
        %add3A_86 = arith.constant 2 : i32
        %add3A_87 = arith.addi %mul3A_65, %add3A_86 : i32
        %mul3A_88 = arith.constant 80 : i32
        %mul3A_89 = arith.muli %add3A_87, %mul3A_88 : i32
        %add3A_90 = arith.addi %mul3A_0, %mul3A_89 : i32
        %mul3A_91 = arith.constant 160000 : i32
        %mul3A_92 = arith.muli %add3A_3, %mul3A_91 : i32
        %add3A_93 = arith.addi %mul3A_92, %add3A_90 : i32
        "tpu.region"() ({
          %run_scoped3A = tpu.sem_alloc : memref<!tpu.dma_semaphore, #tpu.memory_space<semaphore_mem>>
          %dma_start3A_97 = tpu.memref_slice %arg3[%add3A_93] : memref<640000xi32, #tpu.memory_space<hbm>> -> memref<80xi32, #tpu.memory_space<hbm>>
          %dma_start3A_98 = tpu.memref_slice %arg3[%add3A_93] : memref<640000xi32, #tpu.memory_space<hbm>> -> memref<80xi32, #tpu.memory_space<hbm>>
          tpu.enqueue_dma source(%dma_start3A_98 : memref<80xi32, #tpu.memory_space<hbm>>) target(%arg7 : memref<80xi32, #tpu.memory_space<vmem>>) target_semaphore(%run_scoped3A : memref<!tpu.dma_semaphore, #tpu.memory_space<semaphore_mem>>)
          %dma_wait3A_99 = tpu.memref_slice %arg3[%add3A_93] : memref<640000xi32, #tpu.memory_space<hbm>> -> memref<80xi32, #tpu.memory_space<hbm>>
          %dma_wait3A_100 = tpu.memref_slice %arg3[%add3A_93] : memref<640000xi32, #tpu.memory_space<hbm>> -> memref<80xi32, #tpu.memory_space<hbm>>
          tpu.wait_dma2 semaphore(%run_scoped3A : memref<!tpu.dma_semaphore, #tpu.memory_space<semaphore_mem>>) src(%dma_wait3A_100 : memref<80xi32, #tpu.memory_space<hbm>>) dst(%arg7 : memref<80xi32, #tpu.memory_space<vmem>>)
          tpu.yield
        }) : () -> ()
        "tpu.region"() ({
          %run_scoped3A = tpu.sem_alloc : memref<!tpu.dma_semaphore, #tpu.memory_space<semaphore_mem>>
          %dma_start3A_97 = tpu.memref_slice %arg4[%add3A_90] : memref<160000xi32, #tpu.memory_space<hbm>> -> memref<80xi32, #tpu.memory_space<hbm>>
          %dma_start3A_98 = tpu.memref_slice %arg4[%add3A_90] : memref<160000xi32, #tpu.memory_space<hbm>> -> memref<80xi32, #tpu.memory_space<hbm>>
          tpu.enqueue_dma source(%dma_start3A_98 : memref<80xi32, #tpu.memory_space<hbm>>) target(%arg8 : memref<80xi32, #tpu.memory_space<vmem>>) target_semaphore(%run_scoped3A : memref<!tpu.dma_semaphore, #tpu.memory_space<semaphore_mem>>)
          %dma_wait3A_99 = tpu.memref_slice %arg4[%add3A_90] : memref<160000xi32, #tpu.memory_space<hbm>> -> memref<80xi32, #tpu.memory_space<hbm>>
          %dma_wait3A_100 = tpu.memref_slice %arg4[%add3A_90] : memref<160000xi32, #tpu.memory_space<hbm>> -> memref<80xi32, #tpu.memory_space<hbm>>
          tpu.wait_dma2 semaphore(%run_scoped3A : memref<!tpu.dma_semaphore, #tpu.memory_space<semaphore_mem>>) src(%dma_wait3A_100 : memref<80xi32, #tpu.memory_space<hbm>>) dst(%arg8 : memref<80xi32, #tpu.memory_space<vmem>>)
          tpu.yield
        }) : () -> ()
        %dma_start3A_94 = arith.constant 0 : i32
        %dma_start3A_95 = arith.constant 0 : i32
        %dma_start3A_96 = tpu.memref_slice %arg2[%dma_start3A_94, %dma_start3A_95] : memref<40448x128xf32, #tpu.memory_space<hbm>> -> memref<40448x128xf32, #tpu.memory_space<hbm>>
        tpu.enqueue_indirect_dma source(%dma_start3A_96 : memref<40448x128xf32, #tpu.memory_space<hbm>>) target(%arg11 : memref<80x128xf32, #tpu.memory_space<vmem>>) offsets(%arg7 : memref<80xi32, #tpu.memory_space<vmem>>) semaphore(%arg13 : memref<!tpu.dma_semaphore, #tpu.memory_space<semaphore_mem>>)
      } else {
      }
      %add3A_79 = arith.constant 1 : i32
      %add3A_80 = arith.addi %mul3A_65, %add3A_79 : i32
      %lt3A_81 = arith.constant 125 : i32
      %lt3A_82 = arith.cmpi slt, %add3A_80, %lt3A_81 : i32
      %convert_element_type3A_83 = arith.extui %lt3A_82 : i1 to i32
      %cond3A_84 = arith.constant 0 : i32
      %cond3A_85 = arith.cmpi ne, %convert_element_type3A_83, %cond3A_84 : i32
      scf.if %cond3A_85 {
        %dma_wait3A_86 = arith.constant 0 : i32
        %dma_wait3A_87 = arith.constant 0 : i32
        %dma_wait3A_88 = tpu.memref_slice %arg2[%dma_wait3A_86, %dma_wait3A_87] : memref<40448x128xf32, #tpu.memory_space<hbm>> -> memref<40448x128xf32, #tpu.memory_space<hbm>>
        tpu.wait_indirect_dma semaphore(%arg14 : memref<!tpu.dma_semaphore, #tpu.memory_space<semaphore_mem>>) src(%dma_wait3A_88 : memref<40448x128xf32, #tpu.memory_space<hbm>>) dst(%arg12 : memref<80x128xf32, #tpu.memory_space<vmem>>)
        "tpu.region"() ({
          %run_scoped3A = tpu.sem_alloc : memref<!tpu.dma_semaphore, #tpu.memory_space<semaphore_mem>>
          %dma_start3A_89 = arith.constant 0 : i32
          %dma_start3A_90 = arith.constant 0 : i32
          %dma_start3A_91 = tpu.memref_slice %arg6[%dma_start3A_89, %dma_start3A_90] : memref<10112x128xf32, #tpu.memory_space<vmem_shared>> -> memref<10112x128xf32, #tpu.memory_space<vmem_shared>>
          tpu.enqueue_indirect_dma source(%arg12 : memref<80x128xf32, #tpu.memory_space<vmem>>) target(%dma_start3A_91 : memref<10112x128xf32, #tpu.memory_space<vmem_shared>>) offsets(%arg10 : memref<80xi32, #tpu.memory_space<vmem>>) semaphore(%run_scoped3A : memref<!tpu.dma_semaphore, #tpu.memory_space<semaphore_mem>>) {add = true}
          %dma_wait3A_92 = arith.constant 0 : i32
          %dma_wait3A_93 = arith.constant 0 : i32
          %dma_wait3A_94 = tpu.memref_slice %arg6[%dma_wait3A_92, %dma_wait3A_93] : memref<10112x128xf32, #tpu.memory_space<vmem_shared>> -> memref<10112x128xf32, #tpu.memory_space<vmem_shared>>
          tpu.wait_indirect_dma semaphore(%run_scoped3A : memref<!tpu.dma_semaphore, #tpu.memory_space<semaphore_mem>>) src(%arg12 : memref<80x128xf32, #tpu.memory_space<vmem>>) dst(%dma_wait3A_94 : memref<10112x128xf32, #tpu.memory_space<vmem_shared>>)
          tpu.yield
        }) : () -> ()
      } else {
      }
    }
    %scan3A_22 = arith.constant 63 : i32
    %barrier3A_23 = arith.constant 0 : index
    tpu.barrier barrier_id(%barrier3A_23)
    %mul3A_24 = arith.constant 632 : i32
    %mul3A_25 = arith.muli %arg1, %mul3A_24 : i32
    %mul3A_26 = arith.constant 632 : i32
    %mul3A_27 = arith.muli %arg1, %mul3A_26 : i32
    %add3A_28 = arith.addi %mul3A_5, %mul3A_27 : i32
    "tpu.region"() ({
      %run_scoped3A = tpu.sem_alloc : memref<!tpu.dma_semaphore, #tpu.memory_space<semaphore_mem>>
      %dma_start3A_63 = arith.constant 0 : i32
      %dma_start3A_64 = tpu.memref_slice %arg5[%add3A_28, %dma_start3A_63] : memref<40448x128xf32, #tpu.memory_space<hbm>> -> memref<632x128xf32, #tpu.memory_space<hbm>>
      %dma_start3A_65 = arith.constant 0 : i32
      %dma_start3A_66 = tpu.memref_slice %arg6[%mul3A_25, %dma_start3A_65] : memref<10112x128xf32, #tpu.memory_space<vmem_shared>> -> memref<632x128xf32, #tpu.memory_space<vmem_shared>>
      tpu.enqueue_dma source(%dma_start3A_66 : memref<632x128xf32, #tpu.memory_space<vmem_shared>>) target(%dma_start3A_64 : memref<632x128xf32, #tpu.memory_space<hbm>>) target_semaphore(%run_scoped3A : memref<!tpu.dma_semaphore, #tpu.memory_space<semaphore_mem>>)
      %dma_wait3A = arith.constant 0 : i32
      %dma_wait3A_67 = tpu.memref_slice %arg5[%add3A_28, %dma_wait3A] : memref<40448x128xf32, #tpu.memory_space<hbm>> -> memref<632x128xf32, #tpu.memory_space<hbm>>
      %dma_wait3A_68 = arith.constant 0 : i32
      %dma_wait3A_69 = tpu.memref_slice %arg6[%mul3A_25, %dma_wait3A_68] : memref<10112x128xf32, #tpu.memory_space<vmem_shared>> -> memref<632x128xf32, #tpu.memory_space<vmem_shared>>
      tpu.wait_dma2 semaphore(%run_scoped3A : memref<!tpu.dma_semaphore, #tpu.memory_space<semaphore_mem>>) src(%dma_wait3A_69 : memref<632x128xf32, #tpu.memory_space<vmem_shared>>) dst(%dma_wait3A_67 : memref<632x128xf32, #tpu.memory_space<hbm>>)
      tpu.yield
    }) : () -> ()
    %barrier3A_29 = arith.constant 0 : index
    tpu.barrier barrier_id(%barrier3A_29)
    %mul3A_30 = arith.constant 2 : i32
    %mul3A_31 = arith.muli %arg0, %mul3A_30 : i32
    %add3A_32 = arith.constant 1 : i32
    %add3A_33 = arith.addi %mul3A_31, %add3A_32 : i32
    %mul3A_34 = arith.constant 10112 : i32
    %mul3A_35 = arith.muli %add3A_33, %mul3A_34 : i32
    %mul3A_36 = arith.constant 632 : i32
    %mul3A_37 = arith.muli %arg1, %mul3A_36 : i32
    %add3A_38 = arith.addi %mul3A_35, %mul3A_37 : i32
    %mul3A_39 = arith.constant 632 : i32
    %mul3A_40 = arith.muli %arg1, %mul3A_39 : i32
    "tpu.region"() ({
      %run_scoped3A = tpu.sem_alloc : memref<!tpu.dma_semaphore, #tpu.memory_space<semaphore_mem>>
      %dma_start3A_63 = arith.constant 0 : i32
      %dma_start3A_64 = tpu.memref_slice %arg6[%mul3A_40, %dma_start3A_63] : memref<10112x128xf32, #tpu.memory_space<vmem_shared>> -> memref<632x128xf32, #tpu.memory_space<vmem_shared>>
      %dma_start3A_65 = arith.constant 0 : i32
      %dma_start3A_66 = tpu.memref_slice %arg2[%add3A_38, %dma_start3A_65] : memref<40448x128xf32, #tpu.memory_space<hbm>> -> memref<632x128xf32, #tpu.memory_space<hbm>>
      tpu.enqueue_dma source(%dma_start3A_66 : memref<632x128xf32, #tpu.memory_space<hbm>>) target(%dma_start3A_64 : memref<632x128xf32, #tpu.memory_space<vmem_shared>>) target_semaphore(%run_scoped3A : memref<!tpu.dma_semaphore, #tpu.memory_space<semaphore_mem>>)
      %dma_wait3A = arith.constant 0 : i32
      %dma_wait3A_67 = tpu.memref_slice %arg6[%mul3A_40, %dma_wait3A] : memref<10112x128xf32, #tpu.memory_space<vmem_shared>> -> memref<632x128xf32, #tpu.memory_space<vmem_shared>>
      %dma_wait3A_68 = arith.constant 0 : i32
      %dma_wait3A_69 = tpu.memref_slice %arg2[%add3A_38, %dma_wait3A_68] : memref<40448x128xf32, #tpu.memory_space<hbm>> -> memref<632x128xf32, #tpu.memory_space<hbm>>
      tpu.wait_dma2 semaphore(%run_scoped3A : memref<!tpu.dma_semaphore, #tpu.memory_space<semaphore_mem>>) src(%dma_wait3A_69 : memref<632x128xf32, #tpu.memory_space<hbm>>) dst(%dma_wait3A_67 : memref<632x128xf32, #tpu.memory_space<vmem_shared>>)
      tpu.yield
    }) : () -> ()
    %barrier3A_41 = arith.constant 0 : index
    tpu.barrier barrier_id(%barrier3A_41)
    %add3A_42 = arith.constant 0 : i32
    %add3A_43 = arith.addi %mul3A_0, %add3A_42 : i32
    %mul3A_44 = arith.constant 160000 : i32
    %mul3A_45 = arith.muli %add3A_33, %mul3A_44 : i32
    %add3A_46 = arith.addi %mul3A_45, %add3A_43 : i32
    "tpu.region"() ({
      %run_scoped3A = tpu.sem_alloc : memref<!tpu.dma_semaphore, #tpu.memory_space<semaphore_mem>>
      %dma_start3A_63 = tpu.memref_slice %arg3[%add3A_46] : memref<640000xi32, #tpu.memory_space<hbm>> -> memref<80xi32, #tpu.memory_space<hbm>>
      %dma_start3A_64 = tpu.memref_slice %arg3[%add3A_46] : memref<640000xi32, #tpu.memory_space<hbm>> -> memref<80xi32, #tpu.memory_space<hbm>>
      tpu.enqueue_dma source(%dma_start3A_64 : memref<80xi32, #tpu.memory_space<hbm>>) target(%arg7 : memref<80xi32, #tpu.memory_space<vmem>>) target_semaphore(%run_scoped3A : memref<!tpu.dma_semaphore, #tpu.memory_space<semaphore_mem>>)
      %dma_wait3A = tpu.memref_slice %arg3[%add3A_46] : memref<640000xi32, #tpu.memory_space<hbm>> -> memref<80xi32, #tpu.memory_space<hbm>>
      %dma_wait3A_65 = tpu.memref_slice %arg3[%add3A_46] : memref<640000xi32, #tpu.memory_space<hbm>> -> memref<80xi32, #tpu.memory_space<hbm>>
      tpu.wait_dma2 semaphore(%run_scoped3A : memref<!tpu.dma_semaphore, #tpu.memory_space<semaphore_mem>>) src(%dma_wait3A_65 : memref<80xi32, #tpu.memory_space<hbm>>) dst(%arg7 : memref<80xi32, #tpu.memory_space<vmem>>)
      tpu.yield
    }) : () -> ()
    "tpu.region"() ({
      %run_scoped3A = tpu.sem_alloc : memref<!tpu.dma_semaphore, #tpu.memory_space<semaphore_mem>>
      %dma_start3A_63 = tpu.memref_slice %arg4[%add3A_43] : memref<160000xi32, #tpu.memory_space<hbm>> -> memref<80xi32, #tpu.memory_space<hbm>>
      %dma_start3A_64 = tpu.memref_slice %arg4[%add3A_43] : memref<160000xi32, #tpu.memory_space<hbm>> -> memref<80xi32, #tpu.memory_space<hbm>>
      tpu.enqueue_dma source(%dma_start3A_64 : memref<80xi32, #tpu.memory_space<hbm>>) target(%arg8 : memref<80xi32, #tpu.memory_space<vmem>>) target_semaphore(%run_scoped3A : memref<!tpu.dma_semaphore, #tpu.memory_space<semaphore_mem>>)
      %dma_wait3A = tpu.memref_slice %arg4[%add3A_43] : memref<160000xi32, #tpu.memory_space<hbm>> -> memref<80xi32, #tpu.memory_space<hbm>>
      %dma_wait3A_65 = tpu.memref_slice %arg4[%add3A_43] : memref<160000xi32, #tpu.memory_space<hbm>> -> memref<80xi32, #tpu.memory_space<hbm>>
      tpu.wait_dma2 semaphore(%run_scoped3A : memref<!tpu.dma_semaphore, #tpu.memory_space<semaphore_mem>>) src(%dma_wait3A_65 : memref<80xi32, #tpu.memory_space<hbm>>) dst(%arg8 : memref<80xi32, #tpu.memory_space<vmem>>)
      tpu.yield
    }) : () -> ()
    %dma_start3A_47 = arith.constant 0 : i32
    %dma_start3A_48 = arith.constant 0 : i32
    %dma_start3A_49 = tpu.memref_slice %arg2[%dma_start3A_47, %dma_start3A_48] : memref<40448x128xf32, #tpu.memory_space<hbm>> -> memref<40448x128xf32, #tpu.memory_space<hbm>>
    tpu.enqueue_indirect_dma source(%dma_start3A_49 : memref<40448x128xf32, #tpu.memory_space<hbm>>) target(%arg11 : memref<80x128xf32, #tpu.memory_space<vmem>>) offsets(%arg7 : memref<80xi32, #tpu.memory_space<vmem>>) semaphore(%arg13 : memref<!tpu.dma_semaphore, #tpu.memory_space<semaphore_mem>>)
    %scan3A_50 = arith.constant 0 : i32
    %scan3A_51 = arith.constant 0 : i32
    %scan3A_52 = arith.constant 63 : i32
    %scan3A_53 = arith.addi %scan3A_51, %scan3A_52 : i32
    %scan3A_54 = arith.constant 1 : i32
    scf.for %scan3A_63 = %scan3A_51 to %scan3A_53 step %scan3A_54  : i32 {
      %mul3A_64 = arith.constant 2 : i32
      %mul3A_65 = arith.muli %mul3A_64, %scan3A_63 : i32
      %add3A_66 = arith.constant 1 : i32
      %add3A_67 = arith.addi %mul3A_65, %add3A_66 : i32
      %lt3A = arith.constant 125 : i32
      %lt3A_68 = arith.cmpi slt, %add3A_67, %lt3A : i32
      %convert_element_type3A = arith.extui %lt3A_68 : i1 to i32
      %cond3A = arith.constant 0 : i32
      %cond3A_69 = arith.cmpi ne, %convert_element_type3A, %cond3A : i32
      scf.if %cond3A_69 {
        %add3A_86 = arith.constant 1 : i32
        %add3A_87 = arith.addi %mul3A_65, %add3A_86 : i32
        %mul3A_88 = arith.constant 80 : i32
        %mul3A_89 = arith.muli %add3A_87, %mul3A_88 : i32
        %add3A_90 = arith.addi %mul3A_0, %mul3A_89 : i32
        %mul3A_91 = arith.constant 160000 : i32
        %mul3A_92 = arith.muli %add3A_33, %mul3A_91 : i32
        %add3A_93 = arith.addi %mul3A_92, %add3A_90 : i32
        "tpu.region"() ({
          %run_scoped3A = tpu.sem_alloc : memref<!tpu.dma_semaphore, #tpu.memory_space<semaphore_mem>>
          %dma_start3A_97 = tpu.memref_slice %arg3[%add3A_93] : memref<640000xi32, #tpu.memory_space<hbm>> -> memref<80xi32, #tpu.memory_space<hbm>>
          %dma_start3A_98 = tpu.memref_slice %arg3[%add3A_93] : memref<640000xi32, #tpu.memory_space<hbm>> -> memref<80xi32, #tpu.memory_space<hbm>>
          tpu.enqueue_dma source(%dma_start3A_98 : memref<80xi32, #tpu.memory_space<hbm>>) target(%arg9 : memref<80xi32, #tpu.memory_space<vmem>>) target_semaphore(%run_scoped3A : memref<!tpu.dma_semaphore, #tpu.memory_space<semaphore_mem>>)
          %dma_wait3A_99 = tpu.memref_slice %arg3[%add3A_93] : memref<640000xi32, #tpu.memory_space<hbm>> -> memref<80xi32, #tpu.memory_space<hbm>>
          %dma_wait3A_100 = tpu.memref_slice %arg3[%add3A_93] : memref<640000xi32, #tpu.memory_space<hbm>> -> memref<80xi32, #tpu.memory_space<hbm>>
          tpu.wait_dma2 semaphore(%run_scoped3A : memref<!tpu.dma_semaphore, #tpu.memory_space<semaphore_mem>>) src(%dma_wait3A_100 : memref<80xi32, #tpu.memory_space<hbm>>) dst(%arg9 : memref<80xi32, #tpu.memory_space<vmem>>)
          tpu.yield
        }) : () -> ()
        "tpu.region"() ({
          %run_scoped3A = tpu.sem_alloc : memref<!tpu.dma_semaphore, #tpu.memory_space<semaphore_mem>>
          %dma_start3A_97 = tpu.memref_slice %arg4[%add3A_90] : memref<160000xi32, #tpu.memory_space<hbm>> -> memref<80xi32, #tpu.memory_space<hbm>>
          %dma_start3A_98 = tpu.memref_slice %arg4[%add3A_90] : memref<160000xi32, #tpu.memory_space<hbm>> -> memref<80xi32, #tpu.memory_space<hbm>>
          tpu.enqueue_dma source(%dma_start3A_98 : memref<80xi32, #tpu.memory_space<hbm>>) target(%arg10 : memref<80xi32, #tpu.memory_space<vmem>>) target_semaphore(%run_scoped3A : memref<!tpu.dma_semaphore, #tpu.memory_space<semaphore_mem>>)
          %dma_wait3A_99 = tpu.memref_slice %arg4[%add3A_90] : memref<160000xi32, #tpu.memory_space<hbm>> -> memref<80xi32, #tpu.memory_space<hbm>>
          %dma_wait3A_100 = tpu.memref_slice %arg4[%add3A_90] : memref<160000xi32, #tpu.memory_space<hbm>> -> memref<80xi32, #tpu.memory_space<hbm>>
          tpu.wait_dma2 semaphore(%run_scoped3A : memref<!tpu.dma_semaphore, #tpu.memory_space<semaphore_mem>>) src(%dma_wait3A_100 : memref<80xi32, #tpu.memory_space<hbm>>) dst(%arg10 : memref<80xi32, #tpu.memory_space<vmem>>)
          tpu.yield
        }) : () -> ()
        %dma_start3A_94 = arith.constant 0 : i32
        %dma_start3A_95 = arith.constant 0 : i32
        %dma_start3A_96 = tpu.memref_slice %arg2[%dma_start3A_94, %dma_start3A_95] : memref<40448x128xf32, #tpu.memory_space<hbm>> -> memref<40448x128xf32, #tpu.memory_space<hbm>>
        tpu.enqueue_indirect_dma source(%dma_start3A_96 : memref<40448x128xf32, #tpu.memory_space<hbm>>) target(%arg12 : memref<80x128xf32, #tpu.memory_space<vmem>>) offsets(%arg9 : memref<80xi32, #tpu.memory_space<vmem>>) semaphore(%arg14 : memref<!tpu.dma_semaphore, #tpu.memory_space<semaphore_mem>>)
      } else {
      }
      %dma_wait3A = arith.constant 0 : i32
      %dma_wait3A_70 = arith.constant 0 : i32
      %dma_wait3A_71 = tpu.memref_slice %arg2[%dma_wait3A, %dma_wait3A_70] : memref<40448x128xf32, #tpu.memory_space<hbm>> -> memref<40448x128xf32, #tpu.memory_space<hbm>>
      tpu.wait_indirect_dma semaphore(%arg13 : memref<!tpu.dma_semaphore, #tpu.memory_space<semaphore_mem>>) src(%dma_wait3A_71 : memref<40448x128xf32, #tpu.memory_space<hbm>>) dst(%arg11 : memref<80x128xf32, #tpu.memory_space<vmem>>)
      "tpu.region"() ({
        %run_scoped3A = tpu.sem_alloc : memref<!tpu.dma_semaphore, #tpu.memory_space<semaphore_mem>>
        %dma_start3A_86 = arith.constant 0 : i32
        %dma_start3A_87 = arith.constant 0 : i32
        %dma_start3A_88 = tpu.memref_slice %arg6[%dma_start3A_86, %dma_start3A_87] : memref<10112x128xf32, #tpu.memory_space<vmem_shared>> -> memref<10112x128xf32, #tpu.memory_space<vmem_shared>>
        tpu.enqueue_indirect_dma source(%arg11 : memref<80x128xf32, #tpu.memory_space<vmem>>) target(%dma_start3A_88 : memref<10112x128xf32, #tpu.memory_space<vmem_shared>>) offsets(%arg8 : memref<80xi32, #tpu.memory_space<vmem>>) semaphore(%run_scoped3A : memref<!tpu.dma_semaphore, #tpu.memory_space<semaphore_mem>>) {add = true}
        %dma_wait3A_89 = arith.constant 0 : i32
        %dma_wait3A_90 = arith.constant 0 : i32
        %dma_wait3A_91 = tpu.memref_slice %arg6[%dma_wait3A_89, %dma_wait3A_90] : memref<10112x128xf32, #tpu.memory_space<vmem_shared>> -> memref<10112x128xf32, #tpu.memory_space<vmem_shared>>
        tpu.wait_indirect_dma semaphore(%run_scoped3A : memref<!tpu.dma_semaphore, #tpu.memory_space<semaphore_mem>>) src(%arg11 : memref<80x128xf32, #tpu.memory_space<vmem>>) dst(%dma_wait3A_91 : memref<10112x128xf32, #tpu.memory_space<vmem_shared>>)
        tpu.yield
      }) : () -> ()
      %add3A_72 = arith.constant 2 : i32
      %add3A_73 = arith.addi %mul3A_65, %add3A_72 : i32
      %lt3A_74 = arith.constant 125 : i32
      %lt3A_75 = arith.cmpi slt, %add3A_73, %lt3A_74 : i32
      %convert_element_type3A_76 = arith.extui %lt3A_75 : i1 to i32
      %cond3A_77 = arith.constant 0 : i32
      %cond3A_78 = arith.cmpi ne, %convert_element_type3A_76, %cond3A_77 : i32
      scf.if %cond3A_78 {
        %add3A_86 = arith.constant 2 : i32
        %add3A_87 = arith.addi %mul3A_65, %add3A_86 : i32
        %mul3A_88 = arith.constant 80 : i32
        %mul3A_89 = arith.muli %add3A_87, %mul3A_88 : i32
        %add3A_90 = arith.addi %mul3A_0, %mul3A_89 : i32
        %mul3A_91 = arith.constant 160000 : i32
        %mul3A_92 = arith.muli %add3A_33, %mul3A_91 : i32
        %add3A_93 = arith.addi %mul3A_92, %add3A_90 : i32
        "tpu.region"() ({
          %run_scoped3A = tpu.sem_alloc : memref<!tpu.dma_semaphore, #tpu.memory_space<semaphore_mem>>
          %dma_start3A_97 = tpu.memref_slice %arg3[%add3A_93] : memref<640000xi32, #tpu.memory_space<hbm>> -> memref<80xi32, #tpu.memory_space<hbm>>
          %dma_start3A_98 = tpu.memref_slice %arg3[%add3A_93] : memref<640000xi32, #tpu.memory_space<hbm>> -> memref<80xi32, #tpu.memory_space<hbm>>
          tpu.enqueue_dma source(%dma_start3A_98 : memref<80xi32, #tpu.memory_space<hbm>>) target(%arg7 : memref<80xi32, #tpu.memory_space<vmem>>) target_semaphore(%run_scoped3A : memref<!tpu.dma_semaphore, #tpu.memory_space<semaphore_mem>>)
          %dma_wait3A_99 = tpu.memref_slice %arg3[%add3A_93] : memref<640000xi32, #tpu.memory_space<hbm>> -> memref<80xi32, #tpu.memory_space<hbm>>
          %dma_wait3A_100 = tpu.memref_slice %arg3[%add3A_93] : memref<640000xi32, #tpu.memory_space<hbm>> -> memref<80xi32, #tpu.memory_space<hbm>>
          tpu.wait_dma2 semaphore(%run_scoped3A : memref<!tpu.dma_semaphore, #tpu.memory_space<semaphore_mem>>) src(%dma_wait3A_100 : memref<80xi32, #tpu.memory_space<hbm>>) dst(%arg7 : memref<80xi32, #tpu.memory_space<vmem>>)
          tpu.yield
        }) : () -> ()
        "tpu.region"() ({
          %run_scoped3A = tpu.sem_alloc : memref<!tpu.dma_semaphore, #tpu.memory_space<semaphore_mem>>
          %dma_start3A_97 = tpu.memref_slice %arg4[%add3A_90] : memref<160000xi32, #tpu.memory_space<hbm>> -> memref<80xi32, #tpu.memory_space<hbm>>
          %dma_start3A_98 = tpu.memref_slice %arg4[%add3A_90] : memref<160000xi32, #tpu.memory_space<hbm>> -> memref<80xi32, #tpu.memory_space<hbm>>
          tpu.enqueue_dma source(%dma_start3A_98 : memref<80xi32, #tpu.memory_space<hbm>>) target(%arg8 : memref<80xi32, #tpu.memory_space<vmem>>) target_semaphore(%run_scoped3A : memref<!tpu.dma_semaphore, #tpu.memory_space<semaphore_mem>>)
          %dma_wait3A_99 = tpu.memref_slice %arg4[%add3A_90] : memref<160000xi32, #tpu.memory_space<hbm>> -> memref<80xi32, #tpu.memory_space<hbm>>
          %dma_wait3A_100 = tpu.memref_slice %arg4[%add3A_90] : memref<160000xi32, #tpu.memory_space<hbm>> -> memref<80xi32, #tpu.memory_space<hbm>>
          tpu.wait_dma2 semaphore(%run_scoped3A : memref<!tpu.dma_semaphore, #tpu.memory_space<semaphore_mem>>) src(%dma_wait3A_100 : memref<80xi32, #tpu.memory_space<hbm>>) dst(%arg8 : memref<80xi32, #tpu.memory_space<vmem>>)
          tpu.yield
        }) : () -> ()
        %dma_start3A_94 = arith.constant 0 : i32
        %dma_start3A_95 = arith.constant 0 : i32
        %dma_start3A_96 = tpu.memref_slice %arg2[%dma_start3A_94, %dma_start3A_95] : memref<40448x128xf32, #tpu.memory_space<hbm>> -> memref<40448x128xf32, #tpu.memory_space<hbm>>
        tpu.enqueue_indirect_dma source(%dma_start3A_96 : memref<40448x128xf32, #tpu.memory_space<hbm>>) target(%arg11 : memref<80x128xf32, #tpu.memory_space<vmem>>) offsets(%arg7 : memref<80xi32, #tpu.memory_space<vmem>>) semaphore(%arg13 : memref<!tpu.dma_semaphore, #tpu.memory_space<semaphore_mem>>)
      } else {
      }
      %add3A_79 = arith.constant 1 : i32
      %add3A_80 = arith.addi %mul3A_65, %add3A_79 : i32
      %lt3A_81 = arith.constant 125 : i32
      %lt3A_82 = arith.cmpi slt, %add3A_80, %lt3A_81 : i32
      %convert_element_type3A_83 = arith.extui %lt3A_82 : i1 to i32
      %cond3A_84 = arith.constant 0 : i32
      %cond3A_85 = arith.cmpi ne, %convert_element_type3A_83, %cond3A_84 : i32
      scf.if %cond3A_85 {
        %dma_wait3A_86 = arith.constant 0 : i32
        %dma_wait3A_87 = arith.constant 0 : i32
        %dma_wait3A_88 = tpu.memref_slice %arg2[%dma_wait3A_86, %dma_wait3A_87] : memref<40448x128xf32, #tpu.memory_space<hbm>> -> memref<40448x128xf32, #tpu.memory_space<hbm>>
        tpu.wait_indirect_dma semaphore(%arg14 : memref<!tpu.dma_semaphore, #tpu.memory_space<semaphore_mem>>) src(%dma_wait3A_88 : memref<40448x128xf32, #tpu.memory_space<hbm>>) dst(%arg12 : memref<80x128xf32, #tpu.memory_space<vmem>>)
        "tpu.region"() ({
          %run_scoped3A = tpu.sem_alloc : memref<!tpu.dma_semaphore, #tpu.memory_space<semaphore_mem>>
          %dma_start3A_89 = arith.constant 0 : i32
          %dma_start3A_90 = arith.constant 0 : i32
          %dma_start3A_91 = tpu.memref_slice %arg6[%dma_start3A_89, %dma_start3A_90] : memref<10112x128xf32, #tpu.memory_space<vmem_shared>> -> memref<10112x128xf32, #tpu.memory_space<vmem_shared>>
          tpu.enqueue_indirect_dma source(%arg12 : memref<80x128xf32, #tpu.memory_space<vmem>>) target(%dma_start3A_91 : memref<10112x128xf32, #tpu.memory_space<vmem_shared>>) offsets(%arg10 : memref<80xi32, #tpu.memory_space<vmem>>) semaphore(%run_scoped3A : memref<!tpu.dma_semaphore, #tpu.memory_space<semaphore_mem>>) {add = true}
          %dma_wait3A_92 = arith.constant 0 : i32
          %dma_wait3A_93 = arith.constant 0 : i32
          %dma_wait3A_94 = tpu.memref_slice %arg6[%dma_wait3A_92, %dma_wait3A_93] : memref<10112x128xf32, #tpu.memory_space<vmem_shared>> -> memref<10112x128xf32, #tpu.memory_space<vmem_shared>>
          tpu.wait_indirect_dma semaphore(%run_scoped3A : memref<!tpu.dma_semaphore, #tpu.memory_space<semaphore_mem>>) src(%arg12 : memref<80x128xf32, #tpu.memory_space<vmem>>) dst(%dma_wait3A_94 : memref<10112x128xf32, #tpu.memory_space<vmem_shared>>)
          tpu.yield
        }) : () -> ()
      } else {
      }
    }
    %scan3A_55 = arith.constant 63 : i32
    %barrier3A_56 = arith.constant 0 : index
    tpu.barrier barrier_id(%barrier3A_56)
    %mul3A_57 = arith.constant 632 : i32
    %mul3A_58 = arith.muli %arg1, %mul3A_57 : i32
    %mul3A_59 = arith.constant 632 : i32
    %mul3A_60 = arith.muli %arg1, %mul3A_59 : i32
    %add3A_61 = arith.addi %mul3A_35, %mul3A_60 : i32
    "tpu.region"() ({
      %run_scoped3A = tpu.sem_alloc : memref<!tpu.dma_semaphore, #tpu.memory_space<semaphore_mem>>
      %dma_start3A_63 = arith.constant 0 : i32
      %dma_start3A_64 = tpu.memref_slice %arg5[%add3A_61, %dma_start3A_63] : memref<40448x128xf32, #tpu.memory_space<hbm>> -> memref<632x128xf32, #tpu.memory_space<hbm>>
      %dma_start3A_65 = arith.constant 0 : i32
      %dma_start3A_66 = tpu.memref_slice %arg6[%mul3A_58, %dma_start3A_65] : memref<10112x128xf32, #tpu.memory_space<vmem_shared>> -> memref<632x128xf32, #tpu.memory_space<vmem_shared>>
      tpu.enqueue_dma source(%dma_start3A_66 : memref<632x128xf32, #tpu.memory_space<vmem_shared>>) target(%dma_start3A_64 : memref<632x128xf32, #tpu.memory_space<hbm>>) target_semaphore(%run_scoped3A : memref<!tpu.dma_semaphore, #tpu.memory_space<semaphore_mem>>)
      %dma_wait3A = arith.constant 0 : i32
      %dma_wait3A_67 = tpu.memref_slice %arg5[%add3A_61, %dma_wait3A] : memref<40448x128xf32, #tpu.memory_space<hbm>> -> memref<632x128xf32, #tpu.memory_space<hbm>>
      %dma_wait3A_68 = arith.constant 0 : i32
      %dma_wait3A_69 = tpu.memref_slice %arg6[%mul3A_58, %dma_wait3A_68] : memref<10112x128xf32, #tpu.memory_space<vmem_shared>> -> memref<632x128xf32, #tpu.memory_space<vmem_shared>>
      tpu.wait_dma2 semaphore(%run_scoped3A : memref<!tpu.dma_semaphore, #tpu.memory_space<semaphore_mem>>) src(%dma_wait3A_69 : memref<632x128xf32, #tpu.memory_space<vmem_shared>>) dst(%dma_wait3A_67 : memref<632x128xf32, #tpu.memory_space<hbm>>)
      tpu.yield
    }) : () -> ()
    %barrier3A_62 = arith.constant 0 : index
    tpu.barrier barrier_id(%barrier3A_62)
    return
  }
}

#map = affine_map<(d0, d1) -> (0, 0)>
#map1 = affine_map<(d0, d1) -> (0)>
module attributes {stable_mosaic.version = 14 : i64} {
  func.func @k(%arg0: i32, %arg1: i32, %arg2: memref<40448x128xf32, #tpu.memory_space<hbm>>, %arg3: memref<640000xi32, #tpu.memory_space<hbm>>, %arg4: memref<160000xi32, #tpu.memory_space<hbm>>, %arg5: memref<40448x128xf32, #tpu.memory_space<hbm>>, %arg6: memref<10112x128xf32, #tpu.memory_space<vmem_shared>>, %arg7: memref<80xi32, #tpu.memory_space<vmem>>, %arg8: memref<80xi32, #tpu.memory_space<vmem>>, %arg9: memref<80xi32, #tpu.memory_space<vmem>>, %arg10: memref<80xi32, #tpu.memory_space<vmem>>, %arg11: memref<80x128xf32, #tpu.memory_space<vmem>>, %arg12: memref<80x128xf32, #tpu.memory_space<vmem>>, %arg13: memref<!tpu.dma_semaphore, #tpu.memory_space<semaphore_mem>>, %arg14: memref<!tpu.dma_semaphore, #tpu.memory_space<semaphore_mem>>) attributes {dimension_semantics = [#tpu.dimension_semantics<core_parallel>, #tpu.dimension_semantics<subcore_parallel>], iteration_bounds = array<i64: 2, 16>, scalar_prefetch = 0 : i64, scratch_operands = 9 : i64, tpu.core_type = #tpu.core_type<sc_vector_subcore>, window_params = [{transform_indices = #map}, {transform_indices = #map1}, {transform_indices = #map1}, {transform_indices = #map}]} {
    %mul3A = arith.constant 10000 : i32
    %mul3A_0 = arith.muli %arg1, %mul3A : i32
    %mul3A_1 = arith.constant 2 : i32
    %mul3A_2 = arith.muli %arg0, %mul3A_1 : i32
    %add3A = arith.constant 0 : i32
    %add3A_3 = arith.addi %mul3A_2, %add3A : i32
    %mul3A_4 = arith.constant 10112 : i32
    %mul3A_5 = arith.muli %add3A_3, %mul3A_4 : i32
    %mul3A_6 = arith.constant 632 : i32
    %mul3A_7 = arith.muli %arg1, %mul3A_6 : i32
    %add3A_8 = arith.addi %mul3A_5, %mul3A_7 : i32
    %mul3A_9 = arith.constant 632 : i32
    %mul3A_10 = arith.muli %arg1, %mul3A_9 : i32
    "tpu.region"() ({
      %run_scoped3A = tpu.sem_alloc : memref<!tpu.dma_semaphore, #tpu.memory_space<semaphore_mem>>
      %dma_start3A_63 = arith.constant 0 : i32
      %dma_start3A_64 = tpu.memref_slice %arg6[%mul3A_10, %dma_start3A_63] : memref<10112x128xf32, #tpu.memory_space<vmem_shared>> -> memref<632x128xf32, #tpu.memory_space<vmem_shared>>
      %dma_start3A_65 = arith.constant 0 : i32
      %dma_start3A_66 = tpu.memref_slice %arg2[%add3A_8, %dma_start3A_65] : memref<40448x128xf32, #tpu.memory_space<hbm>> -> memref<632x128xf32, #tpu.memory_space<hbm>>
      tpu.enqueue_dma source(%dma_start3A_66 : memref<632x128xf32, #tpu.memory_space<hbm>>) target(%dma_start3A_64 : memref<632x128xf32, #tpu.memory_space<vmem_shared>>) target_semaphore(%run_scoped3A : memref<!tpu.dma_semaphore, #tpu.memory_space<semaphore_mem>>)
      %dma_wait3A = arith.constant 0 : i32
      %dma_wait3A_67 = tpu.memref_slice %arg6[%mul3A_10, %dma_wait3A] : memref<10112x128xf32, #tpu.memory_space<vmem_shared>> -> memref<632x128xf32, #tpu.memory_space<vmem_shared>>
      %dma_wait3A_68 = arith.constant 0 : i32
      %dma_wait3A_69 = tpu.memref_slice %arg2[%add3A_8, %dma_wait3A_68] : memref<40448x128xf32, #tpu.memory_space<hbm>> -> memref<632x128xf32, #tpu.memory_space<hbm>>
      tpu.wait_dma2 semaphore(%run_scoped3A : memref<!tpu.dma_semaphore, #tpu.memory_space<semaphore_mem>>) src(%dma_wait3A_69 : memref<632x128xf32, #tpu.memory_space<hbm>>) dst(%dma_wait3A_67 : memref<632x128xf32, #tpu.memory_space<vmem_shared>>)
      tpu.yield
    }) : () -> ()
    %barrier3A = arith.constant 0 : index
    tpu.barrier barrier_id(%barrier3A)
    %add3A_11 = arith.constant 0 : i32
    %add3A_12 = arith.addi %mul3A_0, %add3A_11 : i32
    %mul3A_13 = arith.constant 160000 : i32
    %mul3A_14 = arith.muli %add3A_3, %mul3A_13 : i32
    %add3A_15 = arith.addi %mul3A_14, %add3A_12 : i32
    "tpu.region"() ({
      %run_scoped3A = tpu.sem_alloc : memref<!tpu.dma_semaphore, #tpu.memory_space<semaphore_mem>>
      %dma_start3A_63 = tpu.memref_slice %arg3[%add3A_15] : memref<640000xi32, #tpu.memory_space<hbm>> -> memref<80xi32, #tpu.memory_space<hbm>>
      %dma_start3A_64 = tpu.memref_slice %arg3[%add3A_15] : memref<640000xi32, #tpu.memory_space<hbm>> -> memref<80xi32, #tpu.memory_space<hbm>>
      tpu.enqueue_dma source(%dma_start3A_64 : memref<80xi32, #tpu.memory_space<hbm>>) target(%arg7 : memref<80xi32, #tpu.memory_space<vmem>>) target_semaphore(%run_scoped3A : memref<!tpu.dma_semaphore, #tpu.memory_space<semaphore_mem>>)
      %dma_wait3A = tpu.memref_slice %arg3[%add3A_15] : memref<640000xi32, #tpu.memory_space<hbm>> -> memref<80xi32, #tpu.memory_space<hbm>>
      %dma_wait3A_65 = tpu.memref_slice %arg3[%add3A_15] : memref<640000xi32, #tpu.memory_space<hbm>> -> memref<80xi32, #tpu.memory_space<hbm>>
      tpu.wait_dma2 semaphore(%run_scoped3A : memref<!tpu.dma_semaphore, #tpu.memory_space<semaphore_mem>>) src(%dma_wait3A_65 : memref<80xi32, #tpu.memory_space<hbm>>) dst(%arg7 : memref<80xi32, #tpu.memory_space<vmem>>)
      tpu.yield
    }) : () -> ()
    "tpu.region"() ({
      %run_scoped3A = tpu.sem_alloc : memref<!tpu.dma_semaphore, #tpu.memory_space<semaphore_mem>>
      %dma_start3A_63 = tpu.memref_slice %arg4[%add3A_12] : memref<160000xi32, #tpu.memory_space<hbm>> -> memref<80xi32, #tpu.memory_space<hbm>>
      %dma_start3A_64 = tpu.memref_slice %arg4[%add3A_12] : memref<160000xi32, #tpu.memory_space<hbm>> -> memref<80xi32, #tpu.memory_space<hbm>>
      tpu.enqueue_dma source(%dma_start3A_64 : memref<80xi32, #tpu.memory_space<hbm>>) target(%arg8 : memref<80xi32, #tpu.memory_space<vmem>>) target_semaphore(%run_scoped3A : memref<!tpu.dma_semaphore, #tpu.memory_space<semaphore_mem>>)
      %dma_wait3A = tpu.memref_slice %arg4[%add3A_12] : memref<160000xi32, #tpu.memory_space<hbm>> -> memref<80xi32, #tpu.memory_space<hbm>>
      %dma_wait3A_65 = tpu.memref_slice %arg4[%add3A_12] : memref<160000xi32, #tpu.memory_space<hbm>> -> memref<80xi32, #tpu.memory_space<hbm>>
      tpu.wait_dma2 semaphore(%run_scoped3A : memref<!tpu.dma_semaphore, #tpu.memory_space<semaphore_mem>>) src(%dma_wait3A_65 : memref<80xi32, #tpu.memory_space<hbm>>) dst(%arg8 : memref<80xi32, #tpu.memory_space<vmem>>)
      tpu.yield
    }) : () -> ()
    %dma_start3A = arith.constant 0 : i32
    %dma_start3A_16 = arith.constant 0 : i32
    %dma_start3A_17 = tpu.memref_slice %arg2[%dma_start3A, %dma_start3A_16] : memref<40448x128xf32, #tpu.memory_space<hbm>> -> memref<40448x128xf32, #tpu.memory_space<hbm>>
    tpu.enqueue_indirect_dma source(%dma_start3A_17 : memref<40448x128xf32, #tpu.memory_space<hbm>>) target(%arg11 : memref<80x128xf32, #tpu.memory_space<vmem>>) offsets(%arg7 : memref<80xi32, #tpu.memory_space<vmem>>) semaphore(%arg13 : memref<!tpu.dma_semaphore, #tpu.memory_space<semaphore_mem>>)
    %scan3A = arith.constant 0 : i32
    %scan3A_18 = arith.constant 0 : i32
    %scan3A_19 = arith.constant 63 : i32
    %scan3A_20 = arith.addi %scan3A_18, %scan3A_19 : i32
    %scan3A_21 = arith.constant 1 : i32
    scf.for %scan3A_63 = %scan3A_18 to %scan3A_20 step %scan3A_21  : i32 {
      %mul3A_64 = arith.constant 2 : i32
      %mul3A_65 = arith.muli %mul3A_64, %scan3A_63 : i32
      %add3A_66 = arith.constant 1 : i32
      %add3A_67 = arith.addi %mul3A_65, %add3A_66 : i32
      %lt3A = arith.constant 125 : i32
      %lt3A_68 = arith.cmpi slt, %add3A_67, %lt3A : i32
      %convert_element_type3A = arith.extui %lt3A_68 : i1 to i32
      %cond3A = arith.constant 0 : i32
      %cond3A_69 = arith.cmpi ne, %convert_element_type3A, %cond3A : i32
      scf.if %cond3A_69 {
        %add3A_86 = arith.constant 1 : i32
        %add3A_87 = arith.addi %mul3A_65, %add3A_86 : i32
        %mul3A_88 = arith.constant 80 : i32
        %mul3A_89 = arith.muli %add3A_87, %mul3A_88 : i32
        %add3A_90 = arith.addi %mul3A_0, %mul3A_89 : i32
        %mul3A_91 = arith.constant 160000 : i32
        %mul3A_92 = arith.muli %add3A_3, %mul3A_91 : i32
        %add3A_93 = arith.addi %mul3A_92, %add3A_90 : i32
        "tpu.region"() ({
          %run_scoped3A = tpu.sem_alloc : memref<!tpu.dma_semaphore, #tpu.memory_space<semaphore_mem>>
          %dma_start3A_97 = tpu.memref_slice %arg3[%add3A_93] : memref<640000xi32, #tpu.memory_space<hbm>> -> memref<80xi32, #tpu.memory_space<hbm>>
          %dma_start3A_98 = tpu.memref_slice %arg3[%add3A_93] : memref<640000xi32, #tpu.memory_space<hbm>> -> memref<80xi32, #tpu.memory_space<hbm>>
          tpu.enqueue_dma source(%dma_start3A_98 : memref<80xi32, #tpu.memory_space<hbm>>) target(%arg9 : memref<80xi32, #tpu.memory_space<vmem>>) target_semaphore(%run_scoped3A : memref<!tpu.dma_semaphore, #tpu.memory_space<semaphore_mem>>)
          %dma_wait3A_99 = tpu.memref_slice %arg3[%add3A_93] : memref<640000xi32, #tpu.memory_space<hbm>> -> memref<80xi32, #tpu.memory_space<hbm>>
          %dma_wait3A_100 = tpu.memref_slice %arg3[%add3A_93] : memref<640000xi32, #tpu.memory_space<hbm>> -> memref<80xi32, #tpu.memory_space<hbm>>
          tpu.wait_dma2 semaphore(%run_scoped3A : memref<!tpu.dma_semaphore, #tpu.memory_space<semaphore_mem>>) src(%dma_wait3A_100 : memref<80xi32, #tpu.memory_space<hbm>>) dst(%arg9 : memref<80xi32, #tpu.memory_space<vmem>>)
          tpu.yield
        }) : () -> ()
        "tpu.region"() ({
          %run_scoped3A = tpu.sem_alloc : memref<!tpu.dma_semaphore, #tpu.memory_space<semaphore_mem>>
          %dma_start3A_97 = tpu.memref_slice %arg4[%add3A_90] : memref<160000xi32, #tpu.memory_space<hbm>> -> memref<80xi32, #tpu.memory_space<hbm>>
          %dma_start3A_98 = tpu.memref_slice %arg4[%add3A_90] : memref<160000xi32, #tpu.memory_space<hbm>> -> memref<80xi32, #tpu.memory_space<hbm>>
          tpu.enqueue_dma source(%dma_start3A_98 : memref<80xi32, #tpu.memory_space<hbm>>) target(%arg10 : memref<80xi32, #tpu.memory_space<vmem>>) target_semaphore(%run_scoped3A : memref<!tpu.dma_semaphore, #tpu.memory_space<semaphore_mem>>)
          %dma_wait3A_99 = tpu.memref_slice %arg4[%add3A_90] : memref<160000xi32, #tpu.memory_space<hbm>> -> memref<80xi32, #tpu.memory_space<hbm>>
          %dma_wait3A_100 = tpu.memref_slice %arg4[%add3A_90] : memref<160000xi32, #tpu.memory_space<hbm>> -> memref<80xi32, #tpu.memory_space<hbm>>
          tpu.wait_dma2 semaphore(%run_scoped3A : memref<!tpu.dma_semaphore, #tpu.memory_space<semaphore_mem>>) src(%dma_wait3A_100 : memref<80xi32, #tpu.memory_space<hbm>>) dst(%arg10 : memref<80xi32, #tpu.memory_space<vmem>>)
          tpu.yield
        }) : () -> ()
        %dma_start3A_94 = arith.constant 0 : i32
        %dma_start3A_95 = arith.constant 0 : i32
        %dma_start3A_96 = tpu.memref_slice %arg2[%dma_start3A_94, %dma_start3A_95] : memref<40448x128xf32, #tpu.memory_space<hbm>> -> memref<40448x128xf32, #tpu.memory_space<hbm>>
        tpu.enqueue_indirect_dma source(%dma_start3A_96 : memref<40448x128xf32, #tpu.memory_space<hbm>>) target(%arg12 : memref<80x128xf32, #tpu.memory_space<vmem>>) offsets(%arg9 : memref<80xi32, #tpu.memory_space<vmem>>) semaphore(%arg14 : memref<!tpu.dma_semaphore, #tpu.memory_space<semaphore_mem>>)
      } else {
      }
      %dma_wait3A = arith.constant 0 : i32
      %dma_wait3A_70 = arith.constant 0 : i32
      %dma_wait3A_71 = tpu.memref_slice %arg2[%dma_wait3A, %dma_wait3A_70] : memref<40448x128xf32, #tpu.memory_space<hbm>> -> memref<40448x128xf32, #tpu.memory_space<hbm>>
      tpu.wait_indirect_dma semaphore(%arg13 : memref<!tpu.dma_semaphore, #tpu.memory_space<semaphore_mem>>) src(%dma_wait3A_71 : memref<40448x128xf32, #tpu.memory_space<hbm>>) dst(%arg11 : memref<80x128xf32, #tpu.memory_space<vmem>>)
      "tpu.region"() ({
        %run_scoped3A = tpu.sem_alloc : memref<!tpu.dma_semaphore, #tpu.memory_space<semaphore_mem>>
        %dma_start3A_86 = arith.constant 0 : i32
        %dma_start3A_87 = arith.constant 0 : i32
        %dma_start3A_88 = tpu.memref_slice %arg6[%dma_start3A_86, %dma_start3A_87] : memref<10112x128xf32, #tpu.memory_space<vmem_shared>> -> memref<10112x128xf32, #tpu.memory_space<vmem_shared>>
        tpu.enqueue_indirect_dma source(%arg11 : memref<80x128xf32, #tpu.memory_space<vmem>>) target(%dma_start3A_88 : memref<10112x128xf32, #tpu.memory_space<vmem_shared>>) offsets(%arg8 : memref<80xi32, #tpu.memory_space<vmem>>) semaphore(%run_scoped3A : memref<!tpu.dma_semaphore, #tpu.memory_space<semaphore_mem>>) {add = true}
        %dma_wait3A_89 = arith.constant 0 : i32
        %dma_wait3A_90 = arith.constant 0 : i32
        %dma_wait3A_91 = tpu.memref_slice %arg6[%dma_wait3A_89, %dma_wait3A_90] : memref<10112x128xf32, #tpu.memory_space<vmem_shared>> -> memref<10112x128xf32, #tpu.memory_space<vmem_shared>>
        tpu.wait_indirect_dma semaphore(%run_scoped3A : memref<!tpu.dma_semaphore, #tpu.memory_space<semaphore_mem>>) src(%arg11 : memref<80x128xf32, #tpu.memory_space<vmem>>) dst(%dma_wait3A_91 : memref<10112x128xf32, #tpu.memory_space<vmem_shared>>)
        tpu.yield
      }) : () -> ()
      %add3A_72 = arith.constant 2 : i32
      %add3A_73 = arith.addi %mul3A_65, %add3A_72 : i32
      %lt3A_74 = arith.constant 125 : i32
      %lt3A_75 = arith.cmpi slt, %add3A_73, %lt3A_74 : i32
      %convert_element_type3A_76 = arith.extui %lt3A_75 : i1 to i32
      %cond3A_77 = arith.constant 0 : i32
      %cond3A_78 = arith.cmpi ne, %convert_element_type3A_76, %cond3A_77 : i32
      scf.if %cond3A_78 {
        %add3A_86 = arith.constant 2 : i32
        %add3A_87 = arith.addi %mul3A_65, %add3A_86 : i32
        %mul3A_88 = arith.constant 80 : i32
        %mul3A_89 = arith.muli %add3A_87, %mul3A_88 : i32
        %add3A_90 = arith.addi %mul3A_0, %mul3A_89 : i32
        %mul3A_91 = arith.constant 160000 : i32
        %mul3A_92 = arith.muli %add3A_3, %mul3A_91 : i32
        %add3A_93 = arith.addi %mul3A_92, %add3A_90 : i32
        "tpu.region"() ({
          %run_scoped3A = tpu.sem_alloc : memref<!tpu.dma_semaphore, #tpu.memory_space<semaphore_mem>>
          %dma_start3A_97 = tpu.memref_slice %arg3[%add3A_93] : memref<640000xi32, #tpu.memory_space<hbm>> -> memref<80xi32, #tpu.memory_space<hbm>>
          %dma_start3A_98 = tpu.memref_slice %arg3[%add3A_93] : memref<640000xi32, #tpu.memory_space<hbm>> -> memref<80xi32, #tpu.memory_space<hbm>>
          tpu.enqueue_dma source(%dma_start3A_98 : memref<80xi32, #tpu.memory_space<hbm>>) target(%arg7 : memref<80xi32, #tpu.memory_space<vmem>>) target_semaphore(%run_scoped3A : memref<!tpu.dma_semaphore, #tpu.memory_space<semaphore_mem>>)
          %dma_wait3A_99 = tpu.memref_slice %arg3[%add3A_93] : memref<640000xi32, #tpu.memory_space<hbm>> -> memref<80xi32, #tpu.memory_space<hbm>>
          %dma_wait3A_100 = tpu.memref_slice %arg3[%add3A_93] : memref<640000xi32, #tpu.memory_space<hbm>> -> memref<80xi32, #tpu.memory_space<hbm>>
          tpu.wait_dma2 semaphore(%run_scoped3A : memref<!tpu.dma_semaphore, #tpu.memory_space<semaphore_mem>>) src(%dma_wait3A_100 : memref<80xi32, #tpu.memory_space<hbm>>) dst(%arg7 : memref<80xi32, #tpu.memory_space<vmem>>)
          tpu.yield
        }) : () -> ()
        "tpu.region"() ({
          %run_scoped3A = tpu.sem_alloc : memref<!tpu.dma_semaphore, #tpu.memory_space<semaphore_mem>>
          %dma_start3A_97 = tpu.memref_slice %arg4[%add3A_90] : memref<160000xi32, #tpu.memory_space<hbm>> -> memref<80xi32, #tpu.memory_space<hbm>>
          %dma_start3A_98 = tpu.memref_slice %arg4[%add3A_90] : memref<160000xi32, #tpu.memory_space<hbm>> -> memref<80xi32, #tpu.memory_space<hbm>>
          tpu.enqueue_dma source(%dma_start3A_98 : memref<80xi32, #tpu.memory_space<hbm>>) target(%arg8 : memref<80xi32, #tpu.memory_space<vmem>>) target_semaphore(%run_scoped3A : memref<!tpu.dma_semaphore, #tpu.memory_space<semaphore_mem>>)
          %dma_wait3A_99 = tpu.memref_slice %arg4[%add3A_90] : memref<160000xi32, #tpu.memory_space<hbm>> -> memref<80xi32, #tpu.memory_space<hbm>>
          %dma_wait3A_100 = tpu.memref_slice %arg4[%add3A_90] : memref<160000xi32, #tpu.memory_space<hbm>> -> memref<80xi32, #tpu.memory_space<hbm>>
          tpu.wait_dma2 semaphore(%run_scoped3A : memref<!tpu.dma_semaphore, #tpu.memory_space<semaphore_mem>>) src(%dma_wait3A_100 : memref<80xi32, #tpu.memory_space<hbm>>) dst(%arg8 : memref<80xi32, #tpu.memory_space<vmem>>)
          tpu.yield
        }) : () -> ()
        %dma_start3A_94 = arith.constant 0 : i32
        %dma_start3A_95 = arith.constant 0 : i32
        %dma_start3A_96 = tpu.memref_slice %arg2[%dma_start3A_94, %dma_start3A_95] : memref<40448x128xf32, #tpu.memory_space<hbm>> -> memref<40448x128xf32, #tpu.memory_space<hbm>>
        tpu.enqueue_indirect_dma source(%dma_start3A_96 : memref<40448x128xf32, #tpu.memory_space<hbm>>) target(%arg11 : memref<80x128xf32, #tpu.memory_space<vmem>>) offsets(%arg7 : memref<80xi32, #tpu.memory_space<vmem>>) semaphore(%arg13 : memref<!tpu.dma_semaphore, #tpu.memory_space<semaphore_mem>>)
      } else {
      }
      %add3A_79 = arith.constant 1 : i32
      %add3A_80 = arith.addi %mul3A_65, %add3A_79 : i32
      %lt3A_81 = arith.constant 125 : i32
      %lt3A_82 = arith.cmpi slt, %add3A_80, %lt3A_81 : i32
      %convert_element_type3A_83 = arith.extui %lt3A_82 : i1 to i32
      %cond3A_84 = arith.constant 0 : i32
      %cond3A_85 = arith.cmpi ne, %convert_element_type3A_83, %cond3A_84 : i32
      scf.if %cond3A_85 {
        %dma_wait3A_86 = arith.constant 0 : i32
        %dma_wait3A_87 = arith.constant 0 : i32
        %dma_wait3A_88 = tpu.memref_slice %arg2[%dma_wait3A_86, %dma_wait3A_87] : memref<40448x128xf32, #tpu.memory_space<hbm>> -> memref<40448x128xf32, #tpu.memory_space<hbm>>
        tpu.wait_indirect_dma semaphore(%arg14 : memref<!tpu.dma_semaphore, #tpu.memory_space<semaphore_mem>>) src(%dma_wait3A_88 : memref<40448x128xf32, #tpu.memory_space<hbm>>) dst(%arg12 : memref<80x128xf32, #tpu.memory_space<vmem>>)
        "tpu.region"() ({
          %run_scoped3A = tpu.sem_alloc : memref<!tpu.dma_semaphore, #tpu.memory_space<semaphore_mem>>
          %dma_start3A_89 = arith.constant 0 : i32
          %dma_start3A_90 = arith.constant 0 : i32
          %dma_start3A_91 = tpu.memref_slice %arg6[%dma_start3A_89, %dma_start3A_90] : memref<10112x128xf32, #tpu.memory_space<vmem_shared>> -> memref<10112x128xf32, #tpu.memory_space<vmem_shared>>
          tpu.enqueue_indirect_dma source(%arg12 : memref<80x128xf32, #tpu.memory_space<vmem>>) target(%dma_start3A_91 : memref<10112x128xf32, #tpu.memory_space<vmem_shared>>) offsets(%arg10 : memref<80xi32, #tpu.memory_space<vmem>>) semaphore(%run_scoped3A : memref<!tpu.dma_semaphore, #tpu.memory_space<semaphore_mem>>) {add = true}
          %dma_wait3A_92 = arith.constant 0 : i32
          %dma_wait3A_93 = arith.constant 0 : i32
          %dma_wait3A_94 = tpu.memref_slice %arg6[%dma_wait3A_92, %dma_wait3A_93] : memref<10112x128xf32, #tpu.memory_space<vmem_shared>> -> memref<10112x128xf32, #tpu.memory_space<vmem_shared>>
          tpu.wait_indirect_dma semaphore(%run_scoped3A : memref<!tpu.dma_semaphore, #tpu.memory_space<semaphore_mem>>) src(%arg12 : memref<80x128xf32, #tpu.memory_space<vmem>>) dst(%dma_wait3A_94 : memref<10112x128xf32, #tpu.memory_space<vmem_shared>>)
          tpu.yield
        }) : () -> ()
      } else {
      }
    }
    %scan3A_22 = arith.constant 63 : i32
    %barrier3A_23 = arith.constant 0 : index
    tpu.barrier barrier_id(%barrier3A_23)
    %mul3A_24 = arith.constant 632 : i32
    %mul3A_25 = arith.muli %arg1, %mul3A_24 : i32
    %mul3A_26 = arith.constant 632 : i32
    %mul3A_27 = arith.muli %arg1, %mul3A_26 : i32
    %add3A_28 = arith.addi %mul3A_5, %mul3A_27 : i32
    "tpu.region"() ({
      %run_scoped3A = tpu.sem_alloc : memref<!tpu.dma_semaphore, #tpu.memory_space<semaphore_mem>>
      %dma_start3A_63 = arith.constant 0 : i32
      %dma_start3A_64 = tpu.memref_slice %arg5[%add3A_28, %dma_start3A_63] : memref<40448x128xf32, #tpu.memory_space<hbm>> -> memref<632x128xf32, #tpu.memory_space<hbm>>
      %dma_start3A_65 = arith.constant 0 : i32
      %dma_start3A_66 = tpu.memref_slice %arg6[%mul3A_25, %dma_start3A_65] : memref<10112x128xf32, #tpu.memory_space<vmem_shared>> -> memref<632x128xf32, #tpu.memory_space<vmem_shared>>
      tpu.enqueue_dma source(%dma_start3A_66 : memref<632x128xf32, #tpu.memory_space<vmem_shared>>) target(%dma_start3A_64 : memref<632x128xf32, #tpu.memory_space<hbm>>) target_semaphore(%run_scoped3A : memref<!tpu.dma_semaphore, #tpu.memory_space<semaphore_mem>>)
      %dma_wait3A = arith.constant 0 : i32
      %dma_wait3A_67 = tpu.memref_slice %arg5[%add3A_28, %dma_wait3A] : memref<40448x128xf32, #tpu.memory_space<hbm>> -> memref<632x128xf32, #tpu.memory_space<hbm>>
      %dma_wait3A_68 = arith.constant 0 : i32
      %dma_wait3A_69 = tpu.memref_slice %arg6[%mul3A_25, %dma_wait3A_68] : memref<10112x128xf32, #tpu.memory_space<vmem_shared>> -> memref<632x128xf32, #tpu.memory_space<vmem_shared>>
      tpu.wait_dma2 semaphore(%run_scoped3A : memref<!tpu.dma_semaphore, #tpu.memory_space<semaphore_mem>>) src(%dma_wait3A_69 : memref<632x128xf32, #tpu.memory_space<vmem_shared>>) dst(%dma_wait3A_67 : memref<632x128xf32, #tpu.memory_space<hbm>>)
      tpu.yield
    }) : () -> ()
    %barrier3A_29 = arith.constant 0 : index
    tpu.barrier barrier_id(%barrier3A_29)
    %mul3A_30 = arith.constant 2 : i32
    %mul3A_31 = arith.muli %arg0, %mul3A_30 : i32
    %add3A_32 = arith.constant 1 : i32
    %add3A_33 = arith.addi %mul3A_31, %add3A_32 : i32
    %mul3A_34 = arith.constant 10112 : i32
    %mul3A_35 = arith.muli %add3A_33, %mul3A_34 : i32
    %mul3A_36 = arith.constant 632 : i32
    %mul3A_37 = arith.muli %arg1, %mul3A_36 : i32
    %add3A_38 = arith.addi %mul3A_35, %mul3A_37 : i32
    %mul3A_39 = arith.constant 632 : i32
    %mul3A_40 = arith.muli %arg1, %mul3A_39 : i32
    "tpu.region"() ({
      %run_scoped3A = tpu.sem_alloc : memref<!tpu.dma_semaphore, #tpu.memory_space<semaphore_mem>>
      %dma_start3A_63 = arith.constant 0 : i32
      %dma_start3A_64 = tpu.memref_slice %arg6[%mul3A_40, %dma_start3A_63] : memref<10112x128xf32, #tpu.memory_space<vmem_shared>> -> memref<632x128xf32, #tpu.memory_space<vmem_shared>>
      %dma_start3A_65 = arith.constant 0 : i32
      %dma_start3A_66 = tpu.memref_slice %arg2[%add3A_38, %dma_start3A_65] : memref<40448x128xf32, #tpu.memory_space<hbm>> -> memref<632x128xf32, #tpu.memory_space<hbm>>
      tpu.enqueue_dma source(%dma_start3A_66 : memref<632x128xf32, #tpu.memory_space<hbm>>) target(%dma_start3A_64 : memref<632x128xf32, #tpu.memory_space<vmem_shared>>) target_semaphore(%run_scoped3A : memref<!tpu.dma_semaphore, #tpu.memory_space<semaphore_mem>>)
      %dma_wait3A = arith.constant 0 : i32
      %dma_wait3A_67 = tpu.memref_slice %arg6[%mul3A_40, %dma_wait3A] : memref<10112x128xf32, #tpu.memory_space<vmem_shared>> -> memref<632x128xf32, #tpu.memory_space<vmem_shared>>
      %dma_wait3A_68 = arith.constant 0 : i32
      %dma_wait3A_69 = tpu.memref_slice %arg2[%add3A_38, %dma_wait3A_68] : memref<40448x128xf32, #tpu.memory_space<hbm>> -> memref<632x128xf32, #tpu.memory_space<hbm>>
      tpu.wait_dma2 semaphore(%run_scoped3A : memref<!tpu.dma_semaphore, #tpu.memory_space<semaphore_mem>>) src(%dma_wait3A_69 : memref<632x128xf32, #tpu.memory_space<hbm>>) dst(%dma_wait3A_67 : memref<632x128xf32, #tpu.memory_space<vmem_shared>>)
      tpu.yield
    }) : () -> ()
    %barrier3A_41 = arith.constant 0 : index
    tpu.barrier barrier_id(%barrier3A_41)
    %add3A_42 = arith.constant 0 : i32
    %add3A_43 = arith.addi %mul3A_0, %add3A_42 : i32
    %mul3A_44 = arith.constant 160000 : i32
    %mul3A_45 = arith.muli %add3A_33, %mul3A_44 : i32
    %add3A_46 = arith.addi %mul3A_45, %add3A_43 : i32
    "tpu.region"() ({
      %run_scoped3A = tpu.sem_alloc : memref<!tpu.dma_semaphore, #tpu.memory_space<semaphore_mem>>
      %dma_start3A_63 = tpu.memref_slice %arg3[%add3A_46] : memref<640000xi32, #tpu.memory_space<hbm>> -> memref<80xi32, #tpu.memory_space<hbm>>
      %dma_start3A_64 = tpu.memref_slice %arg3[%add3A_46] : memref<640000xi32, #tpu.memory_space<hbm>> -> memref<80xi32, #tpu.memory_space<hbm>>
      tpu.enqueue_dma source(%dma_start3A_64 : memref<80xi32, #tpu.memory_space<hbm>>) target(%arg7 : memref<80xi32, #tpu.memory_space<vmem>>) target_semaphore(%run_scoped3A : memref<!tpu.dma_semaphore, #tpu.memory_space<semaphore_mem>>)
      %dma_wait3A = tpu.memref_slice %arg3[%add3A_46] : memref<640000xi32, #tpu.memory_space<hbm>> -> memref<80xi32, #tpu.memory_space<hbm>>
      %dma_wait3A_65 = tpu.memref_slice %arg3[%add3A_46] : memref<640000xi32, #tpu.memory_space<hbm>> -> memref<80xi32, #tpu.memory_space<hbm>>
      tpu.wait_dma2 semaphore(%run_scoped3A : memref<!tpu.dma_semaphore, #tpu.memory_space<semaphore_mem>>) src(%dma_wait3A_65 : memref<80xi32, #tpu.memory_space<hbm>>) dst(%arg7 : memref<80xi32, #tpu.memory_space<vmem>>)
      tpu.yield
    }) : () -> ()
    "tpu.region"() ({
      %run_scoped3A = tpu.sem_alloc : memref<!tpu.dma_semaphore, #tpu.memory_space<semaphore_mem>>
      %dma_start3A_63 = tpu.memref_slice %arg4[%add3A_43] : memref<160000xi32, #tpu.memory_space<hbm>> -> memref<80xi32, #tpu.memory_space<hbm>>
      %dma_start3A_64 = tpu.memref_slice %arg4[%add3A_43] : memref<160000xi32, #tpu.memory_space<hbm>> -> memref<80xi32, #tpu.memory_space<hbm>>
      tpu.enqueue_dma source(%dma_start3A_64 : memref<80xi32, #tpu.memory_space<hbm>>) target(%arg8 : memref<80xi32, #tpu.memory_space<vmem>>) target_semaphore(%run_scoped3A : memref<!tpu.dma_semaphore, #tpu.memory_space<semaphore_mem>>)
      %dma_wait3A = tpu.memref_slice %arg4[%add3A_43] : memref<160000xi32, #tpu.memory_space<hbm>> -> memref<80xi32, #tpu.memory_space<hbm>>
      %dma_wait3A_65 = tpu.memref_slice %arg4[%add3A_43] : memref<160000xi32, #tpu.memory_space<hbm>> -> memref<80xi32, #tpu.memory_space<hbm>>
      tpu.wait_dma2 semaphore(%run_scoped3A : memref<!tpu.dma_semaphore, #tpu.memory_space<semaphore_mem>>) src(%dma_wait3A_65 : memref<80xi32, #tpu.memory_space<hbm>>) dst(%arg8 : memref<80xi32, #tpu.memory_space<vmem>>)
      tpu.yield
    }) : () -> ()
    %dma_start3A_47 = arith.constant 0 : i32
    %dma_start3A_48 = arith.constant 0 : i32
    %dma_start3A_49 = tpu.memref_slice %arg2[%dma_start3A_47, %dma_start3A_48] : memref<40448x128xf32, #tpu.memory_space<hbm>> -> memref<40448x128xf32, #tpu.memory_space<hbm>>
    tpu.enqueue_indirect_dma source(%dma_start3A_49 : memref<40448x128xf32, #tpu.memory_space<hbm>>) target(%arg11 : memref<80x128xf32, #tpu.memory_space<vmem>>) offsets(%arg7 : memref<80xi32, #tpu.memory_space<vmem>>) semaphore(%arg13 : memref<!tpu.dma_semaphore, #tpu.memory_space<semaphore_mem>>)
    %scan3A_50 = arith.constant 0 : i32
    %scan3A_51 = arith.constant 0 : i32
    %scan3A_52 = arith.constant 63 : i32
    %scan3A_53 = arith.addi %scan3A_51, %scan3A_52 : i32
    %scan3A_54 = arith.constant 1 : i32
    scf.for %scan3A_63 = %scan3A_51 to %scan3A_53 step %scan3A_54  : i32 {
      %mul3A_64 = arith.constant 2 : i32
      %mul3A_65 = arith.muli %mul3A_64, %scan3A_63 : i32
      %add3A_66 = arith.constant 1 : i32
      %add3A_67 = arith.addi %mul3A_65, %add3A_66 : i32
      %lt3A = arith.constant 125 : i32
      %lt3A_68 = arith.cmpi slt, %add3A_67, %lt3A : i32
      %convert_element_type3A = arith.extui %lt3A_68 : i1 to i32
      %cond3A = arith.constant 0 : i32
      %cond3A_69 = arith.cmpi ne, %convert_element_type3A, %cond3A : i32
      scf.if %cond3A_69 {
        %add3A_86 = arith.constant 1 : i32
        %add3A_87 = arith.addi %mul3A_65, %add3A_86 : i32
        %mul3A_88 = arith.constant 80 : i32
        %mul3A_89 = arith.muli %add3A_87, %mul3A_88 : i32
        %add3A_90 = arith.addi %mul3A_0, %mul3A_89 : i32
        %mul3A_91 = arith.constant 160000 : i32
        %mul3A_92 = arith.muli %add3A_33, %mul3A_91 : i32
        %add3A_93 = arith.addi %mul3A_92, %add3A_90 : i32
        "tpu.region"() ({
          %run_scoped3A = tpu.sem_alloc : memref<!tpu.dma_semaphore, #tpu.memory_space<semaphore_mem>>
          %dma_start3A_97 = tpu.memref_slice %arg3[%add3A_93] : memref<640000xi32, #tpu.memory_space<hbm>> -> memref<80xi32, #tpu.memory_space<hbm>>
          %dma_start3A_98 = tpu.memref_slice %arg3[%add3A_93] : memref<640000xi32, #tpu.memory_space<hbm>> -> memref<80xi32, #tpu.memory_space<hbm>>
          tpu.enqueue_dma source(%dma_start3A_98 : memref<80xi32, #tpu.memory_space<hbm>>) target(%arg9 : memref<80xi32, #tpu.memory_space<vmem>>) target_semaphore(%run_scoped3A : memref<!tpu.dma_semaphore, #tpu.memory_space<semaphore_mem>>)
          %dma_wait3A_99 = tpu.memref_slice %arg3[%add3A_93] : memref<640000xi32, #tpu.memory_space<hbm>> -> memref<80xi32, #tpu.memory_space<hbm>>
          %dma_wait3A_100 = tpu.memref_slice %arg3[%add3A_93] : memref<640000xi32, #tpu.memory_space<hbm>> -> memref<80xi32, #tpu.memory_space<hbm>>
          tpu.wait_dma2 semaphore(%run_scoped3A : memref<!tpu.dma_semaphore, #tpu.memory_space<semaphore_mem>>) src(%dma_wait3A_100 : memref<80xi32, #tpu.memory_space<hbm>>) dst(%arg9 : memref<80xi32, #tpu.memory_space<vmem>>)
          tpu.yield
        }) : () -> ()
        "tpu.region"() ({
          %run_scoped3A = tpu.sem_alloc : memref<!tpu.dma_semaphore, #tpu.memory_space<semaphore_mem>>
          %dma_start3A_97 = tpu.memref_slice %arg4[%add3A_90] : memref<160000xi32, #tpu.memory_space<hbm>> -> memref<80xi32, #tpu.memory_space<hbm>>
          %dma_start3A_98 = tpu.memref_slice %arg4[%add3A_90] : memref<160000xi32, #tpu.memory_space<hbm>> -> memref<80xi32, #tpu.memory_space<hbm>>
          tpu.enqueue_dma source(%dma_start3A_98 : memref<80xi32, #tpu.memory_space<hbm>>) target(%arg10 : memref<80xi32, #tpu.memory_space<vmem>>) target_semaphore(%run_scoped3A : memref<!tpu.dma_semaphore, #tpu.memory_space<semaphore_mem>>)
          %dma_wait3A_99 = tpu.memref_slice %arg4[%add3A_90] : memref<160000xi32, #tpu.memory_space<hbm>> -> memref<80xi32, #tpu.memory_space<hbm>>
          %dma_wait3A_100 = tpu.memref_slice %arg4[%add3A_90] : memref<160000xi32, #tpu.memory_space<hbm>> -> memref<80xi32, #tpu.memory_space<hbm>>
          tpu.wait_dma2 semaphore(%run_scoped3A : memref<!tpu.dma_semaphore, #tpu.memory_space<semaphore_mem>>) src(%dma_wait3A_100 : memref<80xi32, #tpu.memory_space<hbm>>) dst(%arg10 : memref<80xi32, #tpu.memory_space<vmem>>)
          tpu.yield
        }) : () -> ()
        %dma_start3A_94 = arith.constant 0 : i32
        %dma_start3A_95 = arith.constant 0 : i32
        %dma_start3A_96 = tpu.memref_slice %arg2[%dma_start3A_94, %dma_start3A_95] : memref<40448x128xf32, #tpu.memory_space<hbm>> -> memref<40448x128xf32, #tpu.memory_space<hbm>>
        tpu.enqueue_indirect_dma source(%dma_start3A_96 : memref<40448x128xf32, #tpu.memory_space<hbm>>) target(%arg12 : memref<80x128xf32, #tpu.memory_space<vmem>>) offsets(%arg9 : memref<80xi32, #tpu.memory_space<vmem>>) semaphore(%arg14 : memref<!tpu.dma_semaphore, #tpu.memory_space<semaphore_mem>>)
      } else {
      }
      %dma_wait3A = arith.constant 0 : i32
      %dma_wait3A_70 = arith.constant 0 : i32
      %dma_wait3A_71 = tpu.memref_slice %arg2[%dma_wait3A, %dma_wait3A_70] : memref<40448x128xf32, #tpu.memory_space<hbm>> -> memref<40448x128xf32, #tpu.memory_space<hbm>>
      tpu.wait_indirect_dma semaphore(%arg13 : memref<!tpu.dma_semaphore, #tpu.memory_space<semaphore_mem>>) src(%dma_wait3A_71 : memref<40448x128xf32, #tpu.memory_space<hbm>>) dst(%arg11 : memref<80x128xf32, #tpu.memory_space<vmem>>)
      "tpu.region"() ({
        %run_scoped3A = tpu.sem_alloc : memref<!tpu.dma_semaphore, #tpu.memory_space<semaphore_mem>>
        %dma_start3A_86 = arith.constant 0 : i32
        %dma_start3A_87 = arith.constant 0 : i32
        %dma_start3A_88 = tpu.memref_slice %arg6[%dma_start3A_86, %dma_start3A_87] : memref<10112x128xf32, #tpu.memory_space<vmem_shared>> -> memref<10112x128xf32, #tpu.memory_space<vmem_shared>>
        tpu.enqueue_indirect_dma source(%arg11 : memref<80x128xf32, #tpu.memory_space<vmem>>) target(%dma_start3A_88 : memref<10112x128xf32, #tpu.memory_space<vmem_shared>>) offsets(%arg8 : memref<80xi32, #tpu.memory_space<vmem>>) semaphore(%run_scoped3A : memref<!tpu.dma_semaphore, #tpu.memory_space<semaphore_mem>>) {add = true}
        %dma_wait3A_89 = arith.constant 0 : i32
        %dma_wait3A_90 = arith.constant 0 : i32
        %dma_wait3A_91 = tpu.memref_slice %arg6[%dma_wait3A_89, %dma_wait3A_90] : memref<10112x128xf32, #tpu.memory_space<vmem_shared>> -> memref<10112x128xf32, #tpu.memory_space<vmem_shared>>
        tpu.wait_indirect_dma semaphore(%run_scoped3A : memref<!tpu.dma_semaphore, #tpu.memory_space<semaphore_mem>>) src(%arg11 : memref<80x128xf32, #tpu.memory_space<vmem>>) dst(%dma_wait3A_91 : memref<10112x128xf32, #tpu.memory_space<vmem_shared>>)
        tpu.yield
      }) : () -> ()
      %add3A_72 = arith.constant 2 : i32
      %add3A_73 = arith.addi %mul3A_65, %add3A_72 : i32
      %lt3A_74 = arith.constant 125 : i32
      %lt3A_75 = arith.cmpi slt, %add3A_73, %lt3A_74 : i32
      %convert_element_type3A_76 = arith.extui %lt3A_75 : i1 to i32
      %cond3A_77 = arith.constant 0 : i32
      %cond3A_78 = arith.cmpi ne, %convert_element_type3A_76, %cond3A_77 : i32
      scf.if %cond3A_78 {
        %add3A_86 = arith.constant 2 : i32
        %add3A_87 = arith.addi %mul3A_65, %add3A_86 : i32
        %mul3A_88 = arith.constant 80 : i32
        %mul3A_89 = arith.muli %add3A_87, %mul3A_88 : i32
        %add3A_90 = arith.addi %mul3A_0, %mul3A_89 : i32
        %mul3A_91 = arith.constant 160000 : i32
        %mul3A_92 = arith.muli %add3A_33, %mul3A_91 : i32
        %add3A_93 = arith.addi %mul3A_92, %add3A_90 : i32
        "tpu.region"() ({
          %run_scoped3A = tpu.sem_alloc : memref<!tpu.dma_semaphore, #tpu.memory_space<semaphore_mem>>
          %dma_start3A_97 = tpu.memref_slice %arg3[%add3A_93] : memref<640000xi32, #tpu.memory_space<hbm>> -> memref<80xi32, #tpu.memory_space<hbm>>
          %dma_start3A_98 = tpu.memref_slice %arg3[%add3A_93] : memref<640000xi32, #tpu.memory_space<hbm>> -> memref<80xi32, #tpu.memory_space<hbm>>
          tpu.enqueue_dma source(%dma_start3A_98 : memref<80xi32, #tpu.memory_space<hbm>>) target(%arg7 : memref<80xi32, #tpu.memory_space<vmem>>) target_semaphore(%run_scoped3A : memref<!tpu.dma_semaphore, #tpu.memory_space<semaphore_mem>>)
          %dma_wait3A_99 = tpu.memref_slice %arg3[%add3A_93] : memref<640000xi32, #tpu.memory_space<hbm>> -> memref<80xi32, #tpu.memory_space<hbm>>
          %dma_wait3A_100 = tpu.memref_slice %arg3[%add3A_93] : memref<640000xi32, #tpu.memory_space<hbm>> -> memref<80xi32, #tpu.memory_space<hbm>>
          tpu.wait_dma2 semaphore(%run_scoped3A : memref<!tpu.dma_semaphore, #tpu.memory_space<semaphore_mem>>) src(%dma_wait3A_100 : memref<80xi32, #tpu.memory_space<hbm>>) dst(%arg7 : memref<80xi32, #tpu.memory_space<vmem>>)
          tpu.yield
        }) : () -> ()
        "tpu.region"() ({
          %run_scoped3A = tpu.sem_alloc : memref<!tpu.dma_semaphore, #tpu.memory_space<semaphore_mem>>
          %dma_start3A_97 = tpu.memref_slice %arg4[%add3A_90] : memref<160000xi32, #tpu.memory_space<hbm>> -> memref<80xi32, #tpu.memory_space<hbm>>
          %dma_start3A_98 = tpu.memref_slice %arg4[%add3A_90] : memref<160000xi32, #tpu.memory_space<hbm>> -> memref<80xi32, #tpu.memory_space<hbm>>
          tpu.enqueue_dma source(%dma_start3A_98 : memref<80xi32, #tpu.memory_space<hbm>>) target(%arg8 : memref<80xi32, #tpu.memory_space<vmem>>) target_semaphore(%run_scoped3A : memref<!tpu.dma_semaphore, #tpu.memory_space<semaphore_mem>>)
          %dma_wait3A_99 = tpu.memref_slice %arg4[%add3A_90] : memref<160000xi32, #tpu.memory_space<hbm>> -> memref<80xi32, #tpu.memory_space<hbm>>
          %dma_wait3A_100 = tpu.memref_slice %arg4[%add3A_90] : memref<160000xi32, #tpu.memory_space<hbm>> -> memref<80xi32, #tpu.memory_space<hbm>>
          tpu.wait_dma2 semaphore(%run_scoped3A : memref<!tpu.dma_semaphore, #tpu.memory_space<semaphore_mem>>) src(%dma_wait3A_100 : memref<80xi32, #tpu.memory_space<hbm>>) dst(%arg8 : memref<80xi32, #tpu.memory_space<vmem>>)
          tpu.yield
        }) : () -> ()
        %dma_start3A_94 = arith.constant 0 : i32
        %dma_start3A_95 = arith.constant 0 : i32
        %dma_start3A_96 = tpu.memref_slice %arg2[%dma_start3A_94, %dma_start3A_95] : memref<40448x128xf32, #tpu.memory_space<hbm>> -> memref<40448x128xf32, #tpu.memory_space<hbm>>
        tpu.enqueue_indirect_dma source(%dma_start3A_96 : memref<40448x128xf32, #tpu.memory_space<hbm>>) target(%arg11 : memref<80x128xf32, #tpu.memory_space<vmem>>) offsets(%arg7 : memref<80xi32, #tpu.memory_space<vmem>>) semaphore(%arg13 : memref<!tpu.dma_semaphore, #tpu.memory_space<semaphore_mem>>)
      } else {
      }
      %add3A_79 = arith.constant 1 : i32
      %add3A_80 = arith.addi %mul3A_65, %add3A_79 : i32
      %lt3A_81 = arith.constant 125 : i32
      %lt3A_82 = arith.cmpi slt, %add3A_80, %lt3A_81 : i32
      %convert_element_type3A_83 = arith.extui %lt3A_82 : i1 to i32
      %cond3A_84 = arith.constant 0 : i32
      %cond3A_85 = arith.cmpi ne, %convert_element_type3A_83, %cond3A_84 : i32
      scf.if %cond3A_85 {
        %dma_wait3A_86 = arith.constant 0 : i32
        %dma_wait3A_87 = arith.constant 0 : i32
        %dma_wait3A_88 = tpu.memref_slice %arg2[%dma_wait3A_86, %dma_wait3A_87] : memref<40448x128xf32, #tpu.memory_space<hbm>> -> memref<40448x128xf32, #tpu.memory_space<hbm>>
        tpu.wait_indirect_dma semaphore(%arg14 : memref<!tpu.dma_semaphore, #tpu.memory_space<semaphore_mem>>) src(%dma_wait3A_88 : memref<40448x128xf32, #tpu.memory_space<hbm>>) dst(%arg12 : memref<80x128xf32, #tpu.memory_space<vmem>>)
        "tpu.region"() ({
          %run_scoped3A = tpu.sem_alloc : memref<!tpu.dma_semaphore, #tpu.memory_space<semaphore_mem>>
          %dma_start3A_89 = arith.constant 0 : i32
          %dma_start3A_90 = arith.constant 0 : i32
          %dma_start3A_91 = tpu.memref_slice %arg6[%dma_start3A_89, %dma_start3A_90] : memref<10112x128xf32, #tpu.memory_space<vmem_shared>> -> memref<10112x128xf32, #tpu.memory_space<vmem_shared>>
          tpu.enqueue_indirect_dma source(%arg12 : memref<80x128xf32, #tpu.memory_space<vmem>>) target(%dma_start3A_91 : memref<10112x128xf32, #tpu.memory_space<vmem_shared>>) offsets(%arg10 : memref<80xi32, #tpu.memory_space<vmem>>) semaphore(%run_scoped3A : memref<!tpu.dma_semaphore, #tpu.memory_space<semaphore_mem>>) {add = true}
          %dma_wait3A_92 = arith.constant 0 : i32
          %dma_wait3A_93 = arith.constant 0 : i32
          %dma_wait3A_94 = tpu.memref_slice %arg6[%dma_wait3A_92, %dma_wait3A_93] : memref<10112x128xf32, #tpu.memory_space<vmem_shared>> -> memref<10112x128xf32, #tpu.memory_space<vmem_shared>>
          tpu.wait_indirect_dma semaphore(%run_scoped3A : memref<!tpu.dma_semaphore, #tpu.memory_space<semaphore_mem>>) src(%arg12 : memref<80x128xf32, #tpu.memory_space<vmem>>) dst(%dma_wait3A_94 : memref<10112x128xf32, #tpu.memory_space<vmem_shared>>)
          tpu.yield
        }) : () -> ()
      } else {
      }
    }
    %scan3A_55 = arith.constant 63 : i32
    %barrier3A_56 = arith.constant 0 : index
    tpu.barrier barrier_id(%barrier3A_56)
    %mul3A_57 = arith.constant 632 : i32
    %mul3A_58 = arith.muli %arg1, %mul3A_57 : i32
    %mul3A_59 = arith.constant 632 : i32
    %mul3A_60 = arith.muli %arg1, %mul3A_59 : i32
    %add3A_61 = arith.addi %mul3A_35, %mul3A_60 : i32
    "tpu.region"() ({
      %run_scoped3A = tpu.sem_alloc : memref<!tpu.dma_semaphore, #tpu.memory_space<semaphore_mem>>
      %dma_start3A_63 = arith.constant 0 : i32
      %dma_start3A_64 = tpu.memref_slice %arg5[%add3A_61, %dma_start3A_63] : memref<40448x128xf32, #tpu.memory_space<hbm>> -> memref<632x128xf32, #tpu.memory_space<hbm>>
      %dma_start3A_65 = arith.constant 0 : i32
      %dma_start3A_66 = tpu.memref_slice %arg6[%mul3A_58, %dma_start3A_65] : memref<10112x128xf32, #tpu.memory_space<vmem_shared>> -> memref<632x128xf32, #tpu.memory_space<vmem_shared>>
      tpu.enqueue_dma source(%dma_start3A_66 : memref<632x128xf32, #tpu.memory_space<vmem_shared>>) target(%dma_start3A_64 : memref<632x128xf32, #tpu.memory_space<hbm>>) target_semaphore(%run_scoped3A : memref<!tpu.dma_semaphore, #tpu.memory_space<semaphore_mem>>)
      %dma_wait3A = arith.constant 0 : i32
      %dma_wait3A_67 = tpu.memref_slice %arg5[%add3A_61, %dma_wait3A] : memref<40448x128xf32, #tpu.memory_space<hbm>> -> memref<632x128xf32, #tpu.memory_space<hbm>>
      %dma_wait3A_68 = arith.constant 0 : i32
      %dma_wait3A_69 = tpu.memref_slice %arg6[%mul3A_58, %dma_wait3A_68] : memref<10112x128xf32, #tpu.memory_space<vmem_shared>> -> memref<632x128xf32, #tpu.memory_space<vmem_shared>>
      tpu.wait_dma2 semaphore(%run_scoped3A : memref<!tpu.dma_semaphore, #tpu.memory_space<semaphore_mem>>) src(%dma_wait3A_69 : memref<632x128xf32, #tpu.memory_space<vmem_shared>>) dst(%dma_wait3A_67 : memref<632x128xf32, #tpu.memory_space<hbm>>)
      tpu.yield
    }) : () -> ()
    %barrier3A_62 = arith.constant 0 : index
    tpu.barrier barrier_id(%barrier3A_62)
    return
  }
}

#map = affine_map<(d0, d1) -> (0, 0)>
#map1 = affine_map<(d0, d1) -> (0)>
module attributes {stable_mosaic.version = 14 : i64} {
  func.func @k(%arg0: i32, %arg1: i32, %arg2: memref<40448x128xf32, #tpu.memory_space<hbm>>, %arg3: memref<640000xi32, #tpu.memory_space<hbm>>, %arg4: memref<160000xi32, #tpu.memory_space<hbm>>, %arg5: memref<40448x128xf32, #tpu.memory_space<hbm>>, %arg6: memref<10112x128xf32, #tpu.memory_space<vmem_shared>>, %arg7: memref<80xi32, #tpu.memory_space<vmem>>, %arg8: memref<80xi32, #tpu.memory_space<vmem>>, %arg9: memref<80xi32, #tpu.memory_space<vmem>>, %arg10: memref<80xi32, #tpu.memory_space<vmem>>, %arg11: memref<80x128xf32, #tpu.memory_space<vmem>>, %arg12: memref<80x128xf32, #tpu.memory_space<vmem>>, %arg13: memref<!tpu.dma_semaphore, #tpu.memory_space<semaphore_mem>>, %arg14: memref<!tpu.dma_semaphore, #tpu.memory_space<semaphore_mem>>) attributes {dimension_semantics = [#tpu.dimension_semantics<core_parallel>, #tpu.dimension_semantics<subcore_parallel>], iteration_bounds = array<i64: 2, 16>, scalar_prefetch = 0 : i64, scratch_operands = 9 : i64, tpu.core_type = #tpu.core_type<sc_vector_subcore>, window_params = [{transform_indices = #map}, {transform_indices = #map1}, {transform_indices = #map1}, {transform_indices = #map}]} {
    %mul3A = arith.constant 10000 : i32
    %mul3A_0 = arith.muli %arg1, %mul3A : i32
    %mul3A_1 = arith.constant 2 : i32
    %mul3A_2 = arith.muli %arg0, %mul3A_1 : i32
    %add3A = arith.constant 0 : i32
    %add3A_3 = arith.addi %mul3A_2, %add3A : i32
    %mul3A_4 = arith.constant 10112 : i32
    %mul3A_5 = arith.muli %add3A_3, %mul3A_4 : i32
    %mul3A_6 = arith.constant 632 : i32
    %mul3A_7 = arith.muli %arg1, %mul3A_6 : i32
    %add3A_8 = arith.addi %mul3A_5, %mul3A_7 : i32
    %mul3A_9 = arith.constant 632 : i32
    %mul3A_10 = arith.muli %arg1, %mul3A_9 : i32
    "tpu.region"() ({
      %run_scoped3A = tpu.sem_alloc : memref<!tpu.dma_semaphore, #tpu.memory_space<semaphore_mem>>
      %dma_start3A_63 = arith.constant 0 : i32
      %dma_start3A_64 = tpu.memref_slice %arg6[%mul3A_10, %dma_start3A_63] : memref<10112x128xf32, #tpu.memory_space<vmem_shared>> -> memref<632x128xf32, #tpu.memory_space<vmem_shared>>
      %dma_start3A_65 = arith.constant 0 : i32
      %dma_start3A_66 = tpu.memref_slice %arg2[%add3A_8, %dma_start3A_65] : memref<40448x128xf32, #tpu.memory_space<hbm>> -> memref<632x128xf32, #tpu.memory_space<hbm>>
      tpu.enqueue_dma source(%dma_start3A_66 : memref<632x128xf32, #tpu.memory_space<hbm>>) target(%dma_start3A_64 : memref<632x128xf32, #tpu.memory_space<vmem_shared>>) target_semaphore(%run_scoped3A : memref<!tpu.dma_semaphore, #tpu.memory_space<semaphore_mem>>)
      %dma_wait3A = arith.constant 0 : i32
      %dma_wait3A_67 = tpu.memref_slice %arg6[%mul3A_10, %dma_wait3A] : memref<10112x128xf32, #tpu.memory_space<vmem_shared>> -> memref<632x128xf32, #tpu.memory_space<vmem_shared>>
      %dma_wait3A_68 = arith.constant 0 : i32
      %dma_wait3A_69 = tpu.memref_slice %arg2[%add3A_8, %dma_wait3A_68] : memref<40448x128xf32, #tpu.memory_space<hbm>> -> memref<632x128xf32, #tpu.memory_space<hbm>>
      tpu.wait_dma2 semaphore(%run_scoped3A : memref<!tpu.dma_semaphore, #tpu.memory_space<semaphore_mem>>) src(%dma_wait3A_69 : memref<632x128xf32, #tpu.memory_space<hbm>>) dst(%dma_wait3A_67 : memref<632x128xf32, #tpu.memory_space<vmem_shared>>)
      tpu.yield
    }) : () -> ()
    %barrier3A = arith.constant 0 : index
    tpu.barrier barrier_id(%barrier3A)
    %add3A_11 = arith.constant 0 : i32
    %add3A_12 = arith.addi %mul3A_0, %add3A_11 : i32
    %mul3A_13 = arith.constant 160000 : i32
    %mul3A_14 = arith.muli %add3A_3, %mul3A_13 : i32
    %add3A_15 = arith.addi %mul3A_14, %add3A_12 : i32
    "tpu.region"() ({
      %run_scoped3A = tpu.sem_alloc : memref<!tpu.dma_semaphore, #tpu.memory_space<semaphore_mem>>
      %dma_start3A_63 = tpu.memref_slice %arg3[%add3A_15] : memref<640000xi32, #tpu.memory_space<hbm>> -> memref<80xi32, #tpu.memory_space<hbm>>
      %dma_start3A_64 = tpu.memref_slice %arg3[%add3A_15] : memref<640000xi32, #tpu.memory_space<hbm>> -> memref<80xi32, #tpu.memory_space<hbm>>
      tpu.enqueue_dma source(%dma_start3A_64 : memref<80xi32, #tpu.memory_space<hbm>>) target(%arg7 : memref<80xi32, #tpu.memory_space<vmem>>) target_semaphore(%run_scoped3A : memref<!tpu.dma_semaphore, #tpu.memory_space<semaphore_mem>>)
      %dma_wait3A = tpu.memref_slice %arg3[%add3A_15] : memref<640000xi32, #tpu.memory_space<hbm>> -> memref<80xi32, #tpu.memory_space<hbm>>
      %dma_wait3A_65 = tpu.memref_slice %arg3[%add3A_15] : memref<640000xi32, #tpu.memory_space<hbm>> -> memref<80xi32, #tpu.memory_space<hbm>>
      tpu.wait_dma2 semaphore(%run_scoped3A : memref<!tpu.dma_semaphore, #tpu.memory_space<semaphore_mem>>) src(%dma_wait3A_65 : memref<80xi32, #tpu.memory_space<hbm>>) dst(%arg7 : memref<80xi32, #tpu.memory_space<vmem>>)
      tpu.yield
    }) : () -> ()
    "tpu.region"() ({
      %run_scoped3A = tpu.sem_alloc : memref<!tpu.dma_semaphore, #tpu.memory_space<semaphore_mem>>
      %dma_start3A_63 = tpu.memref_slice %arg4[%add3A_12] : memref<160000xi32, #tpu.memory_space<hbm>> -> memref<80xi32, #tpu.memory_space<hbm>>
      %dma_start3A_64 = tpu.memref_slice %arg4[%add3A_12] : memref<160000xi32, #tpu.memory_space<hbm>> -> memref<80xi32, #tpu.memory_space<hbm>>
      tpu.enqueue_dma source(%dma_start3A_64 : memref<80xi32, #tpu.memory_space<hbm>>) target(%arg8 : memref<80xi32, #tpu.memory_space<vmem>>) target_semaphore(%run_scoped3A : memref<!tpu.dma_semaphore, #tpu.memory_space<semaphore_mem>>)
      %dma_wait3A = tpu.memref_slice %arg4[%add3A_12] : memref<160000xi32, #tpu.memory_space<hbm>> -> memref<80xi32, #tpu.memory_space<hbm>>
      %dma_wait3A_65 = tpu.memref_slice %arg4[%add3A_12] : memref<160000xi32, #tpu.memory_space<hbm>> -> memref<80xi32, #tpu.memory_space<hbm>>
      tpu.wait_dma2 semaphore(%run_scoped3A : memref<!tpu.dma_semaphore, #tpu.memory_space<semaphore_mem>>) src(%dma_wait3A_65 : memref<80xi32, #tpu.memory_space<hbm>>) dst(%arg8 : memref<80xi32, #tpu.memory_space<vmem>>)
      tpu.yield
    }) : () -> ()
    %dma_start3A = arith.constant 0 : i32
    %dma_start3A_16 = arith.constant 0 : i32
    %dma_start3A_17 = tpu.memref_slice %arg2[%dma_start3A, %dma_start3A_16] : memref<40448x128xf32, #tpu.memory_space<hbm>> -> memref<40448x128xf32, #tpu.memory_space<hbm>>
    tpu.enqueue_indirect_dma source(%dma_start3A_17 : memref<40448x128xf32, #tpu.memory_space<hbm>>) target(%arg11 : memref<80x128xf32, #tpu.memory_space<vmem>>) offsets(%arg7 : memref<80xi32, #tpu.memory_space<vmem>>) semaphore(%arg13 : memref<!tpu.dma_semaphore, #tpu.memory_space<semaphore_mem>>)
    %scan3A = arith.constant 0 : i32
    %scan3A_18 = arith.constant 0 : i32
    %scan3A_19 = arith.constant 63 : i32
    %scan3A_20 = arith.addi %scan3A_18, %scan3A_19 : i32
    %scan3A_21 = arith.constant 1 : i32
    scf.for %scan3A_63 = %scan3A_18 to %scan3A_20 step %scan3A_21  : i32 {
      %mul3A_64 = arith.constant 2 : i32
      %mul3A_65 = arith.muli %mul3A_64, %scan3A_63 : i32
      %add3A_66 = arith.constant 1 : i32
      %add3A_67 = arith.addi %mul3A_65, %add3A_66 : i32
      %lt3A = arith.constant 125 : i32
      %lt3A_68 = arith.cmpi slt, %add3A_67, %lt3A : i32
      %convert_element_type3A = arith.extui %lt3A_68 : i1 to i32
      %cond3A = arith.constant 0 : i32
      %cond3A_69 = arith.cmpi ne, %convert_element_type3A, %cond3A : i32
      scf.if %cond3A_69 {
        %add3A_86 = arith.constant 1 : i32
        %add3A_87 = arith.addi %mul3A_65, %add3A_86 : i32
        %mul3A_88 = arith.constant 80 : i32
        %mul3A_89 = arith.muli %add3A_87, %mul3A_88 : i32
        %add3A_90 = arith.addi %mul3A_0, %mul3A_89 : i32
        %mul3A_91 = arith.constant 160000 : i32
        %mul3A_92 = arith.muli %add3A_3, %mul3A_91 : i32
        %add3A_93 = arith.addi %mul3A_92, %add3A_90 : i32
        "tpu.region"() ({
          %run_scoped3A = tpu.sem_alloc : memref<!tpu.dma_semaphore, #tpu.memory_space<semaphore_mem>>
          %dma_start3A_97 = tpu.memref_slice %arg3[%add3A_93] : memref<640000xi32, #tpu.memory_space<hbm>> -> memref<80xi32, #tpu.memory_space<hbm>>
          %dma_start3A_98 = tpu.memref_slice %arg3[%add3A_93] : memref<640000xi32, #tpu.memory_space<hbm>> -> memref<80xi32, #tpu.memory_space<hbm>>
          tpu.enqueue_dma source(%dma_start3A_98 : memref<80xi32, #tpu.memory_space<hbm>>) target(%arg9 : memref<80xi32, #tpu.memory_space<vmem>>) target_semaphore(%run_scoped3A : memref<!tpu.dma_semaphore, #tpu.memory_space<semaphore_mem>>)
          %dma_wait3A_99 = tpu.memref_slice %arg3[%add3A_93] : memref<640000xi32, #tpu.memory_space<hbm>> -> memref<80xi32, #tpu.memory_space<hbm>>
          %dma_wait3A_100 = tpu.memref_slice %arg3[%add3A_93] : memref<640000xi32, #tpu.memory_space<hbm>> -> memref<80xi32, #tpu.memory_space<hbm>>
          tpu.wait_dma2 semaphore(%run_scoped3A : memref<!tpu.dma_semaphore, #tpu.memory_space<semaphore_mem>>) src(%dma_wait3A_100 : memref<80xi32, #tpu.memory_space<hbm>>) dst(%arg9 : memref<80xi32, #tpu.memory_space<vmem>>)
          tpu.yield
        }) : () -> ()
        "tpu.region"() ({
          %run_scoped3A = tpu.sem_alloc : memref<!tpu.dma_semaphore, #tpu.memory_space<semaphore_mem>>
          %dma_start3A_97 = tpu.memref_slice %arg4[%add3A_90] : memref<160000xi32, #tpu.memory_space<hbm>> -> memref<80xi32, #tpu.memory_space<hbm>>
          %dma_start3A_98 = tpu.memref_slice %arg4[%add3A_90] : memref<160000xi32, #tpu.memory_space<hbm>> -> memref<80xi32, #tpu.memory_space<hbm>>
          tpu.enqueue_dma source(%dma_start3A_98 : memref<80xi32, #tpu.memory_space<hbm>>) target(%arg10 : memref<80xi32, #tpu.memory_space<vmem>>) target_semaphore(%run_scoped3A : memref<!tpu.dma_semaphore, #tpu.memory_space<semaphore_mem>>)
          %dma_wait3A_99 = tpu.memref_slice %arg4[%add3A_90] : memref<160000xi32, #tpu.memory_space<hbm>> -> memref<80xi32, #tpu.memory_space<hbm>>
          %dma_wait3A_100 = tpu.memref_slice %arg4[%add3A_90] : memref<160000xi32, #tpu.memory_space<hbm>> -> memref<80xi32, #tpu.memory_space<hbm>>
          tpu.wait_dma2 semaphore(%run_scoped3A : memref<!tpu.dma_semaphore, #tpu.memory_space<semaphore_mem>>) src(%dma_wait3A_100 : memref<80xi32, #tpu.memory_space<hbm>>) dst(%arg10 : memref<80xi32, #tpu.memory_space<vmem>>)
          tpu.yield
        }) : () -> ()
        %dma_start3A_94 = arith.constant 0 : i32
        %dma_start3A_95 = arith.constant 0 : i32
        %dma_start3A_96 = tpu.memref_slice %arg2[%dma_start3A_94, %dma_start3A_95] : memref<40448x128xf32, #tpu.memory_space<hbm>> -> memref<40448x128xf32, #tpu.memory_space<hbm>>
        tpu.enqueue_indirect_dma source(%dma_start3A_96 : memref<40448x128xf32, #tpu.memory_space<hbm>>) target(%arg12 : memref<80x128xf32, #tpu.memory_space<vmem>>) offsets(%arg9 : memref<80xi32, #tpu.memory_space<vmem>>) semaphore(%arg14 : memref<!tpu.dma_semaphore, #tpu.memory_space<semaphore_mem>>)
      } else {
      }
      %dma_wait3A = arith.constant 0 : i32
      %dma_wait3A_70 = arith.constant 0 : i32
      %dma_wait3A_71 = tpu.memref_slice %arg2[%dma_wait3A, %dma_wait3A_70] : memref<40448x128xf32, #tpu.memory_space<hbm>> -> memref<40448x128xf32, #tpu.memory_space<hbm>>
      tpu.wait_indirect_dma semaphore(%arg13 : memref<!tpu.dma_semaphore, #tpu.memory_space<semaphore_mem>>) src(%dma_wait3A_71 : memref<40448x128xf32, #tpu.memory_space<hbm>>) dst(%arg11 : memref<80x128xf32, #tpu.memory_space<vmem>>)
      "tpu.region"() ({
        %run_scoped3A = tpu.sem_alloc : memref<!tpu.dma_semaphore, #tpu.memory_space<semaphore_mem>>
        %dma_start3A_86 = arith.constant 0 : i32
        %dma_start3A_87 = arith.constant 0 : i32
        %dma_start3A_88 = tpu.memref_slice %arg6[%dma_start3A_86, %dma_start3A_87] : memref<10112x128xf32, #tpu.memory_space<vmem_shared>> -> memref<10112x128xf32, #tpu.memory_space<vmem_shared>>
        tpu.enqueue_indirect_dma source(%arg11 : memref<80x128xf32, #tpu.memory_space<vmem>>) target(%dma_start3A_88 : memref<10112x128xf32, #tpu.memory_space<vmem_shared>>) offsets(%arg8 : memref<80xi32, #tpu.memory_space<vmem>>) semaphore(%run_scoped3A : memref<!tpu.dma_semaphore, #tpu.memory_space<semaphore_mem>>) {add = true}
        %dma_wait3A_89 = arith.constant 0 : i32
        %dma_wait3A_90 = arith.constant 0 : i32
        %dma_wait3A_91 = tpu.memref_slice %arg6[%dma_wait3A_89, %dma_wait3A_90] : memref<10112x128xf32, #tpu.memory_space<vmem_shared>> -> memref<10112x128xf32, #tpu.memory_space<vmem_shared>>
        tpu.wait_indirect_dma semaphore(%run_scoped3A : memref<!tpu.dma_semaphore, #tpu.memory_space<semaphore_mem>>) src(%arg11 : memref<80x128xf32, #tpu.memory_space<vmem>>) dst(%dma_wait3A_91 : memref<10112x128xf32, #tpu.memory_space<vmem_shared>>)
        tpu.yield
      }) : () -> ()
      %add3A_72 = arith.constant 2 : i32
      %add3A_73 = arith.addi %mul3A_65, %add3A_72 : i32
      %lt3A_74 = arith.constant 125 : i32
      %lt3A_75 = arith.cmpi slt, %add3A_73, %lt3A_74 : i32
      %convert_element_type3A_76 = arith.extui %lt3A_75 : i1 to i32
      %cond3A_77 = arith.constant 0 : i32
      %cond3A_78 = arith.cmpi ne, %convert_element_type3A_76, %cond3A_77 : i32
      scf.if %cond3A_78 {
        %add3A_86 = arith.constant 2 : i32
        %add3A_87 = arith.addi %mul3A_65, %add3A_86 : i32
        %mul3A_88 = arith.constant 80 : i32
        %mul3A_89 = arith.muli %add3A_87, %mul3A_88 : i32
        %add3A_90 = arith.addi %mul3A_0, %mul3A_89 : i32
        %mul3A_91 = arith.constant 160000 : i32
        %mul3A_92 = arith.muli %add3A_3, %mul3A_91 : i32
        %add3A_93 = arith.addi %mul3A_92, %add3A_90 : i32
        "tpu.region"() ({
          %run_scoped3A = tpu.sem_alloc : memref<!tpu.dma_semaphore, #tpu.memory_space<semaphore_mem>>
          %dma_start3A_97 = tpu.memref_slice %arg3[%add3A_93] : memref<640000xi32, #tpu.memory_space<hbm>> -> memref<80xi32, #tpu.memory_space<hbm>>
          %dma_start3A_98 = tpu.memref_slice %arg3[%add3A_93] : memref<640000xi32, #tpu.memory_space<hbm>> -> memref<80xi32, #tpu.memory_space<hbm>>
          tpu.enqueue_dma source(%dma_start3A_98 : memref<80xi32, #tpu.memory_space<hbm>>) target(%arg7 : memref<80xi32, #tpu.memory_space<vmem>>) target_semaphore(%run_scoped3A : memref<!tpu.dma_semaphore, #tpu.memory_space<semaphore_mem>>)
          %dma_wait3A_99 = tpu.memref_slice %arg3[%add3A_93] : memref<640000xi32, #tpu.memory_space<hbm>> -> memref<80xi32, #tpu.memory_space<hbm>>
          %dma_wait3A_100 = tpu.memref_slice %arg3[%add3A_93] : memref<640000xi32, #tpu.memory_space<hbm>> -> memref<80xi32, #tpu.memory_space<hbm>>
          tpu.wait_dma2 semaphore(%run_scoped3A : memref<!tpu.dma_semaphore, #tpu.memory_space<semaphore_mem>>) src(%dma_wait3A_100 : memref<80xi32, #tpu.memory_space<hbm>>) dst(%arg7 : memref<80xi32, #tpu.memory_space<vmem>>)
          tpu.yield
        }) : () -> ()
        "tpu.region"() ({
          %run_scoped3A = tpu.sem_alloc : memref<!tpu.dma_semaphore, #tpu.memory_space<semaphore_mem>>
          %dma_start3A_97 = tpu.memref_slice %arg4[%add3A_90] : memref<160000xi32, #tpu.memory_space<hbm>> -> memref<80xi32, #tpu.memory_space<hbm>>
          %dma_start3A_98 = tpu.memref_slice %arg4[%add3A_90] : memref<160000xi32, #tpu.memory_space<hbm>> -> memref<80xi32, #tpu.memory_space<hbm>>
          tpu.enqueue_dma source(%dma_start3A_98 : memref<80xi32, #tpu.memory_space<hbm>>) target(%arg8 : memref<80xi32, #tpu.memory_space<vmem>>) target_semaphore(%run_scoped3A : memref<!tpu.dma_semaphore, #tpu.memory_space<semaphore_mem>>)
          %dma_wait3A_99 = tpu.memref_slice %arg4[%add3A_90] : memref<160000xi32, #tpu.memory_space<hbm>> -> memref<80xi32, #tpu.memory_space<hbm>>
          %dma_wait3A_100 = tpu.memref_slice %arg4[%add3A_90] : memref<160000xi32, #tpu.memory_space<hbm>> -> memref<80xi32, #tpu.memory_space<hbm>>
          tpu.wait_dma2 semaphore(%run_scoped3A : memref<!tpu.dma_semaphore, #tpu.memory_space<semaphore_mem>>) src(%dma_wait3A_100 : memref<80xi32, #tpu.memory_space<hbm>>) dst(%arg8 : memref<80xi32, #tpu.memory_space<vmem>>)
          tpu.yield
        }) : () -> ()
        %dma_start3A_94 = arith.constant 0 : i32
        %dma_start3A_95 = arith.constant 0 : i32
        %dma_start3A_96 = tpu.memref_slice %arg2[%dma_start3A_94, %dma_start3A_95] : memref<40448x128xf32, #tpu.memory_space<hbm>> -> memref<40448x128xf32, #tpu.memory_space<hbm>>
        tpu.enqueue_indirect_dma source(%dma_start3A_96 : memref<40448x128xf32, #tpu.memory_space<hbm>>) target(%arg11 : memref<80x128xf32, #tpu.memory_space<vmem>>) offsets(%arg7 : memref<80xi32, #tpu.memory_space<vmem>>) semaphore(%arg13 : memref<!tpu.dma_semaphore, #tpu.memory_space<semaphore_mem>>)
      } else {
      }
      %add3A_79 = arith.constant 1 : i32
      %add3A_80 = arith.addi %mul3A_65, %add3A_79 : i32
      %lt3A_81 = arith.constant 125 : i32
      %lt3A_82 = arith.cmpi slt, %add3A_80, %lt3A_81 : i32
      %convert_element_type3A_83 = arith.extui %lt3A_82 : i1 to i32
      %cond3A_84 = arith.constant 0 : i32
      %cond3A_85 = arith.cmpi ne, %convert_element_type3A_83, %cond3A_84 : i32
      scf.if %cond3A_85 {
        %dma_wait3A_86 = arith.constant 0 : i32
        %dma_wait3A_87 = arith.constant 0 : i32
        %dma_wait3A_88 = tpu.memref_slice %arg2[%dma_wait3A_86, %dma_wait3A_87] : memref<40448x128xf32, #tpu.memory_space<hbm>> -> memref<40448x128xf32, #tpu.memory_space<hbm>>
        tpu.wait_indirect_dma semaphore(%arg14 : memref<!tpu.dma_semaphore, #tpu.memory_space<semaphore_mem>>) src(%dma_wait3A_88 : memref<40448x128xf32, #tpu.memory_space<hbm>>) dst(%arg12 : memref<80x128xf32, #tpu.memory_space<vmem>>)
        "tpu.region"() ({
          %run_scoped3A = tpu.sem_alloc : memref<!tpu.dma_semaphore, #tpu.memory_space<semaphore_mem>>
          %dma_start3A_89 = arith.constant 0 : i32
          %dma_start3A_90 = arith.constant 0 : i32
          %dma_start3A_91 = tpu.memref_slice %arg6[%dma_start3A_89, %dma_start3A_90] : memref<10112x128xf32, #tpu.memory_space<vmem_shared>> -> memref<10112x128xf32, #tpu.memory_space<vmem_shared>>
          tpu.enqueue_indirect_dma source(%arg12 : memref<80x128xf32, #tpu.memory_space<vmem>>) target(%dma_start3A_91 : memref<10112x128xf32, #tpu.memory_space<vmem_shared>>) offsets(%arg10 : memref<80xi32, #tpu.memory_space<vmem>>) semaphore(%run_scoped3A : memref<!tpu.dma_semaphore, #tpu.memory_space<semaphore_mem>>) {add = true}
          %dma_wait3A_92 = arith.constant 0 : i32
          %dma_wait3A_93 = arith.constant 0 : i32
          %dma_wait3A_94 = tpu.memref_slice %arg6[%dma_wait3A_92, %dma_wait3A_93] : memref<10112x128xf32, #tpu.memory_space<vmem_shared>> -> memref<10112x128xf32, #tpu.memory_space<vmem_shared>>
          tpu.wait_indirect_dma semaphore(%run_scoped3A : memref<!tpu.dma_semaphore, #tpu.memory_space<semaphore_mem>>) src(%arg12 : memref<80x128xf32, #tpu.memory_space<vmem>>) dst(%dma_wait3A_94 : memref<10112x128xf32, #tpu.memory_space<vmem_shared>>)
          tpu.yield
        }) : () -> ()
      } else {
      }
    }
    %scan3A_22 = arith.constant 63 : i32
    %barrier3A_23 = arith.constant 0 : index
    tpu.barrier barrier_id(%barrier3A_23)
    %mul3A_24 = arith.constant 632 : i32
    %mul3A_25 = arith.muli %arg1, %mul3A_24 : i32
    %mul3A_26 = arith.constant 632 : i32
    %mul3A_27 = arith.muli %arg1, %mul3A_26 : i32
    %add3A_28 = arith.addi %mul3A_5, %mul3A_27 : i32
    "tpu.region"() ({
      %run_scoped3A = tpu.sem_alloc : memref<!tpu.dma_semaphore, #tpu.memory_space<semaphore_mem>>
      %dma_start3A_63 = arith.constant 0 : i32
      %dma_start3A_64 = tpu.memref_slice %arg5[%add3A_28, %dma_start3A_63] : memref<40448x128xf32, #tpu.memory_space<hbm>> -> memref<632x128xf32, #tpu.memory_space<hbm>>
      %dma_start3A_65 = arith.constant 0 : i32
      %dma_start3A_66 = tpu.memref_slice %arg6[%mul3A_25, %dma_start3A_65] : memref<10112x128xf32, #tpu.memory_space<vmem_shared>> -> memref<632x128xf32, #tpu.memory_space<vmem_shared>>
      tpu.enqueue_dma source(%dma_start3A_66 : memref<632x128xf32, #tpu.memory_space<vmem_shared>>) target(%dma_start3A_64 : memref<632x128xf32, #tpu.memory_space<hbm>>) target_semaphore(%run_scoped3A : memref<!tpu.dma_semaphore, #tpu.memory_space<semaphore_mem>>)
      %dma_wait3A = arith.constant 0 : i32
      %dma_wait3A_67 = tpu.memref_slice %arg5[%add3A_28, %dma_wait3A] : memref<40448x128xf32, #tpu.memory_space<hbm>> -> memref<632x128xf32, #tpu.memory_space<hbm>>
      %dma_wait3A_68 = arith.constant 0 : i32
      %dma_wait3A_69 = tpu.memref_slice %arg6[%mul3A_25, %dma_wait3A_68] : memref<10112x128xf32, #tpu.memory_space<vmem_shared>> -> memref<632x128xf32, #tpu.memory_space<vmem_shared>>
      tpu.wait_dma2 semaphore(%run_scoped3A : memref<!tpu.dma_semaphore, #tpu.memory_space<semaphore_mem>>) src(%dma_wait3A_69 : memref<632x128xf32, #tpu.memory_space<vmem_shared>>) dst(%dma_wait3A_67 : memref<632x128xf32, #tpu.memory_space<hbm>>)
      tpu.yield
    }) : () -> ()
    %barrier3A_29 = arith.constant 0 : index
    tpu.barrier barrier_id(%barrier3A_29)
    %mul3A_30 = arith.constant 2 : i32
    %mul3A_31 = arith.muli %arg0, %mul3A_30 : i32
    %add3A_32 = arith.constant 1 : i32
    %add3A_33 = arith.addi %mul3A_31, %add3A_32 : i32
    %mul3A_34 = arith.constant 10112 : i32
    %mul3A_35 = arith.muli %add3A_33, %mul3A_34 : i32
    %mul3A_36 = arith.constant 632 : i32
    %mul3A_37 = arith.muli %arg1, %mul3A_36 : i32
    %add3A_38 = arith.addi %mul3A_35, %mul3A_37 : i32
    %mul3A_39 = arith.constant 632 : i32
    %mul3A_40 = arith.muli %arg1, %mul3A_39 : i32
    "tpu.region"() ({
      %run_scoped3A = tpu.sem_alloc : memref<!tpu.dma_semaphore, #tpu.memory_space<semaphore_mem>>
      %dma_start3A_63 = arith.constant 0 : i32
      %dma_start3A_64 = tpu.memref_slice %arg6[%mul3A_40, %dma_start3A_63] : memref<10112x128xf32, #tpu.memory_space<vmem_shared>> -> memref<632x128xf32, #tpu.memory_space<vmem_shared>>
      %dma_start3A_65 = arith.constant 0 : i32
      %dma_start3A_66 = tpu.memref_slice %arg2[%add3A_38, %dma_start3A_65] : memref<40448x128xf32, #tpu.memory_space<hbm>> -> memref<632x128xf32, #tpu.memory_space<hbm>>
      tpu.enqueue_dma source(%dma_start3A_66 : memref<632x128xf32, #tpu.memory_space<hbm>>) target(%dma_start3A_64 : memref<632x128xf32, #tpu.memory_space<vmem_shared>>) target_semaphore(%run_scoped3A : memref<!tpu.dma_semaphore, #tpu.memory_space<semaphore_mem>>)
      %dma_wait3A = arith.constant 0 : i32
      %dma_wait3A_67 = tpu.memref_slice %arg6[%mul3A_40, %dma_wait3A] : memref<10112x128xf32, #tpu.memory_space<vmem_shared>> -> memref<632x128xf32, #tpu.memory_space<vmem_shared>>
      %dma_wait3A_68 = arith.constant 0 : i32
      %dma_wait3A_69 = tpu.memref_slice %arg2[%add3A_38, %dma_wait3A_68] : memref<40448x128xf32, #tpu.memory_space<hbm>> -> memref<632x128xf32, #tpu.memory_space<hbm>>
      tpu.wait_dma2 semaphore(%run_scoped3A : memref<!tpu.dma_semaphore, #tpu.memory_space<semaphore_mem>>) src(%dma_wait3A_69 : memref<632x128xf32, #tpu.memory_space<hbm>>) dst(%dma_wait3A_67 : memref<632x128xf32, #tpu.memory_space<vmem_shared>>)
      tpu.yield
    }) : () -> ()
    %barrier3A_41 = arith.constant 0 : index
    tpu.barrier barrier_id(%barrier3A_41)
    %add3A_42 = arith.constant 0 : i32
    %add3A_43 = arith.addi %mul3A_0, %add3A_42 : i32
    %mul3A_44 = arith.constant 160000 : i32
    %mul3A_45 = arith.muli %add3A_33, %mul3A_44 : i32
    %add3A_46 = arith.addi %mul3A_45, %add3A_43 : i32
    "tpu.region"() ({
      %run_scoped3A = tpu.sem_alloc : memref<!tpu.dma_semaphore, #tpu.memory_space<semaphore_mem>>
      %dma_start3A_63 = tpu.memref_slice %arg3[%add3A_46] : memref<640000xi32, #tpu.memory_space<hbm>> -> memref<80xi32, #tpu.memory_space<hbm>>
      %dma_start3A_64 = tpu.memref_slice %arg3[%add3A_46] : memref<640000xi32, #tpu.memory_space<hbm>> -> memref<80xi32, #tpu.memory_space<hbm>>
      tpu.enqueue_dma source(%dma_start3A_64 : memref<80xi32, #tpu.memory_space<hbm>>) target(%arg7 : memref<80xi32, #tpu.memory_space<vmem>>) target_semaphore(%run_scoped3A : memref<!tpu.dma_semaphore, #tpu.memory_space<semaphore_mem>>)
      %dma_wait3A = tpu.memref_slice %arg3[%add3A_46] : memref<640000xi32, #tpu.memory_space<hbm>> -> memref<80xi32, #tpu.memory_space<hbm>>
      %dma_wait3A_65 = tpu.memref_slice %arg3[%add3A_46] : memref<640000xi32, #tpu.memory_space<hbm>> -> memref<80xi32, #tpu.memory_space<hbm>>
      tpu.wait_dma2 semaphore(%run_scoped3A : memref<!tpu.dma_semaphore, #tpu.memory_space<semaphore_mem>>) src(%dma_wait3A_65 : memref<80xi32, #tpu.memory_space<hbm>>) dst(%arg7 : memref<80xi32, #tpu.memory_space<vmem>>)
      tpu.yield
    }) : () -> ()
    "tpu.region"() ({
      %run_scoped3A = tpu.sem_alloc : memref<!tpu.dma_semaphore, #tpu.memory_space<semaphore_mem>>
      %dma_start3A_63 = tpu.memref_slice %arg4[%add3A_43] : memref<160000xi32, #tpu.memory_space<hbm>> -> memref<80xi32, #tpu.memory_space<hbm>>
      %dma_start3A_64 = tpu.memref_slice %arg4[%add3A_43] : memref<160000xi32, #tpu.memory_space<hbm>> -> memref<80xi32, #tpu.memory_space<hbm>>
      tpu.enqueue_dma source(%dma_start3A_64 : memref<80xi32, #tpu.memory_space<hbm>>) target(%arg8 : memref<80xi32, #tpu.memory_space<vmem>>) target_semaphore(%run_scoped3A : memref<!tpu.dma_semaphore, #tpu.memory_space<semaphore_mem>>)
      %dma_wait3A = tpu.memref_slice %arg4[%add3A_43] : memref<160000xi32, #tpu.memory_space<hbm>> -> memref<80xi32, #tpu.memory_space<hbm>>
      %dma_wait3A_65 = tpu.memref_slice %arg4[%add3A_43] : memref<160000xi32, #tpu.memory_space<hbm>> -> memref<80xi32, #tpu.memory_space<hbm>>
      tpu.wait_dma2 semaphore(%run_scoped3A : memref<!tpu.dma_semaphore, #tpu.memory_space<semaphore_mem>>) src(%dma_wait3A_65 : memref<80xi32, #tpu.memory_space<hbm>>) dst(%arg8 : memref<80xi32, #tpu.memory_space<vmem>>)
      tpu.yield
    }) : () -> ()
    %dma_start3A_47 = arith.constant 0 : i32
    %dma_start3A_48 = arith.constant 0 : i32
    %dma_start3A_49 = tpu.memref_slice %arg2[%dma_start3A_47, %dma_start3A_48] : memref<40448x128xf32, #tpu.memory_space<hbm>> -> memref<40448x128xf32, #tpu.memory_space<hbm>>
    tpu.enqueue_indirect_dma source(%dma_start3A_49 : memref<40448x128xf32, #tpu.memory_space<hbm>>) target(%arg11 : memref<80x128xf32, #tpu.memory_space<vmem>>) offsets(%arg7 : memref<80xi32, #tpu.memory_space<vmem>>) semaphore(%arg13 : memref<!tpu.dma_semaphore, #tpu.memory_space<semaphore_mem>>)
    %scan3A_50 = arith.constant 0 : i32
    %scan3A_51 = arith.constant 0 : i32
    %scan3A_52 = arith.constant 63 : i32
    %scan3A_53 = arith.addi %scan3A_51, %scan3A_52 : i32
    %scan3A_54 = arith.constant 1 : i32
    scf.for %scan3A_63 = %scan3A_51 to %scan3A_53 step %scan3A_54  : i32 {
      %mul3A_64 = arith.constant 2 : i32
      %mul3A_65 = arith.muli %mul3A_64, %scan3A_63 : i32
      %add3A_66 = arith.constant 1 : i32
      %add3A_67 = arith.addi %mul3A_65, %add3A_66 : i32
      %lt3A = arith.constant 125 : i32
      %lt3A_68 = arith.cmpi slt, %add3A_67, %lt3A : i32
      %convert_element_type3A = arith.extui %lt3A_68 : i1 to i32
      %cond3A = arith.constant 0 : i32
      %cond3A_69 = arith.cmpi ne, %convert_element_type3A, %cond3A : i32
      scf.if %cond3A_69 {
        %add3A_86 = arith.constant 1 : i32
        %add3A_87 = arith.addi %mul3A_65, %add3A_86 : i32
        %mul3A_88 = arith.constant 80 : i32
        %mul3A_89 = arith.muli %add3A_87, %mul3A_88 : i32
        %add3A_90 = arith.addi %mul3A_0, %mul3A_89 : i32
        %mul3A_91 = arith.constant 160000 : i32
        %mul3A_92 = arith.muli %add3A_33, %mul3A_91 : i32
        %add3A_93 = arith.addi %mul3A_92, %add3A_90 : i32
        "tpu.region"() ({
          %run_scoped3A = tpu.sem_alloc : memref<!tpu.dma_semaphore, #tpu.memory_space<semaphore_mem>>
          %dma_start3A_97 = tpu.memref_slice %arg3[%add3A_93] : memref<640000xi32, #tpu.memory_space<hbm>> -> memref<80xi32, #tpu.memory_space<hbm>>
          %dma_start3A_98 = tpu.memref_slice %arg3[%add3A_93] : memref<640000xi32, #tpu.memory_space<hbm>> -> memref<80xi32, #tpu.memory_space<hbm>>
          tpu.enqueue_dma source(%dma_start3A_98 : memref<80xi32, #tpu.memory_space<hbm>>) target(%arg9 : memref<80xi32, #tpu.memory_space<vmem>>) target_semaphore(%run_scoped3A : memref<!tpu.dma_semaphore, #tpu.memory_space<semaphore_mem>>)
          %dma_wait3A_99 = tpu.memref_slice %arg3[%add3A_93] : memref<640000xi32, #tpu.memory_space<hbm>> -> memref<80xi32, #tpu.memory_space<hbm>>
          %dma_wait3A_100 = tpu.memref_slice %arg3[%add3A_93] : memref<640000xi32, #tpu.memory_space<hbm>> -> memref<80xi32, #tpu.memory_space<hbm>>
          tpu.wait_dma2 semaphore(%run_scoped3A : memref<!tpu.dma_semaphore, #tpu.memory_space<semaphore_mem>>) src(%dma_wait3A_100 : memref<80xi32, #tpu.memory_space<hbm>>) dst(%arg9 : memref<80xi32, #tpu.memory_space<vmem>>)
          tpu.yield
        }) : () -> ()
        "tpu.region"() ({
          %run_scoped3A = tpu.sem_alloc : memref<!tpu.dma_semaphore, #tpu.memory_space<semaphore_mem>>
          %dma_start3A_97 = tpu.memref_slice %arg4[%add3A_90] : memref<160000xi32, #tpu.memory_space<hbm>> -> memref<80xi32, #tpu.memory_space<hbm>>
          %dma_start3A_98 = tpu.memref_slice %arg4[%add3A_90] : memref<160000xi32, #tpu.memory_space<hbm>> -> memref<80xi32, #tpu.memory_space<hbm>>
          tpu.enqueue_dma source(%dma_start3A_98 : memref<80xi32, #tpu.memory_space<hbm>>) target(%arg10 : memref<80xi32, #tpu.memory_space<vmem>>) target_semaphore(%run_scoped3A : memref<!tpu.dma_semaphore, #tpu.memory_space<semaphore_mem>>)
          %dma_wait3A_99 = tpu.memref_slice %arg4[%add3A_90] : memref<160000xi32, #tpu.memory_space<hbm>> -> memref<80xi32, #tpu.memory_space<hbm>>
          %dma_wait3A_100 = tpu.memref_slice %arg4[%add3A_90] : memref<160000xi32, #tpu.memory_space<hbm>> -> memref<80xi32, #tpu.memory_space<hbm>>
          tpu.wait_dma2 semaphore(%run_scoped3A : memref<!tpu.dma_semaphore, #tpu.memory_space<semaphore_mem>>) src(%dma_wait3A_100 : memref<80xi32, #tpu.memory_space<hbm>>) dst(%arg10 : memref<80xi32, #tpu.memory_space<vmem>>)
          tpu.yield
        }) : () -> ()
        %dma_start3A_94 = arith.constant 0 : i32
        %dma_start3A_95 = arith.constant 0 : i32
        %dma_start3A_96 = tpu.memref_slice %arg2[%dma_start3A_94, %dma_start3A_95] : memref<40448x128xf32, #tpu.memory_space<hbm>> -> memref<40448x128xf32, #tpu.memory_space<hbm>>
        tpu.enqueue_indirect_dma source(%dma_start3A_96 : memref<40448x128xf32, #tpu.memory_space<hbm>>) target(%arg12 : memref<80x128xf32, #tpu.memory_space<vmem>>) offsets(%arg9 : memref<80xi32, #tpu.memory_space<vmem>>) semaphore(%arg14 : memref<!tpu.dma_semaphore, #tpu.memory_space<semaphore_mem>>)
      } else {
      }
      %dma_wait3A = arith.constant 0 : i32
      %dma_wait3A_70 = arith.constant 0 : i32
      %dma_wait3A_71 = tpu.memref_slice %arg2[%dma_wait3A, %dma_wait3A_70] : memref<40448x128xf32, #tpu.memory_space<hbm>> -> memref<40448x128xf32, #tpu.memory_space<hbm>>
      tpu.wait_indirect_dma semaphore(%arg13 : memref<!tpu.dma_semaphore, #tpu.memory_space<semaphore_mem>>) src(%dma_wait3A_71 : memref<40448x128xf32, #tpu.memory_space<hbm>>) dst(%arg11 : memref<80x128xf32, #tpu.memory_space<vmem>>)
      "tpu.region"() ({
        %run_scoped3A = tpu.sem_alloc : memref<!tpu.dma_semaphore, #tpu.memory_space<semaphore_mem>>
        %dma_start3A_86 = arith.constant 0 : i32
        %dma_start3A_87 = arith.constant 0 : i32
        %dma_start3A_88 = tpu.memref_slice %arg6[%dma_start3A_86, %dma_start3A_87] : memref<10112x128xf32, #tpu.memory_space<vmem_shared>> -> memref<10112x128xf32, #tpu.memory_space<vmem_shared>>
        tpu.enqueue_indirect_dma source(%arg11 : memref<80x128xf32, #tpu.memory_space<vmem>>) target(%dma_start3A_88 : memref<10112x128xf32, #tpu.memory_space<vmem_shared>>) offsets(%arg8 : memref<80xi32, #tpu.memory_space<vmem>>) semaphore(%run_scoped3A : memref<!tpu.dma_semaphore, #tpu.memory_space<semaphore_mem>>) {add = true}
        %dma_wait3A_89 = arith.constant 0 : i32
        %dma_wait3A_90 = arith.constant 0 : i32
        %dma_wait3A_91 = tpu.memref_slice %arg6[%dma_wait3A_89, %dma_wait3A_90] : memref<10112x128xf32, #tpu.memory_space<vmem_shared>> -> memref<10112x128xf32, #tpu.memory_space<vmem_shared>>
        tpu.wait_indirect_dma semaphore(%run_scoped3A : memref<!tpu.dma_semaphore, #tpu.memory_space<semaphore_mem>>) src(%arg11 : memref<80x128xf32, #tpu.memory_space<vmem>>) dst(%dma_wait3A_91 : memref<10112x128xf32, #tpu.memory_space<vmem_shared>>)
        tpu.yield
      }) : () -> ()
      %add3A_72 = arith.constant 2 : i32
      %add3A_73 = arith.addi %mul3A_65, %add3A_72 : i32
      %lt3A_74 = arith.constant 125 : i32
      %lt3A_75 = arith.cmpi slt, %add3A_73, %lt3A_74 : i32
      %convert_element_type3A_76 = arith.extui %lt3A_75 : i1 to i32
      %cond3A_77 = arith.constant 0 : i32
      %cond3A_78 = arith.cmpi ne, %convert_element_type3A_76, %cond3A_77 : i32
      scf.if %cond3A_78 {
        %add3A_86 = arith.constant 2 : i32
        %add3A_87 = arith.addi %mul3A_65, %add3A_86 : i32
        %mul3A_88 = arith.constant 80 : i32
        %mul3A_89 = arith.muli %add3A_87, %mul3A_88 : i32
        %add3A_90 = arith.addi %mul3A_0, %mul3A_89 : i32
        %mul3A_91 = arith.constant 160000 : i32
        %mul3A_92 = arith.muli %add3A_33, %mul3A_91 : i32
        %add3A_93 = arith.addi %mul3A_92, %add3A_90 : i32
        "tpu.region"() ({
          %run_scoped3A = tpu.sem_alloc : memref<!tpu.dma_semaphore, #tpu.memory_space<semaphore_mem>>
          %dma_start3A_97 = tpu.memref_slice %arg3[%add3A_93] : memref<640000xi32, #tpu.memory_space<hbm>> -> memref<80xi32, #tpu.memory_space<hbm>>
          %dma_start3A_98 = tpu.memref_slice %arg3[%add3A_93] : memref<640000xi32, #tpu.memory_space<hbm>> -> memref<80xi32, #tpu.memory_space<hbm>>
          tpu.enqueue_dma source(%dma_start3A_98 : memref<80xi32, #tpu.memory_space<hbm>>) target(%arg7 : memref<80xi32, #tpu.memory_space<vmem>>) target_semaphore(%run_scoped3A : memref<!tpu.dma_semaphore, #tpu.memory_space<semaphore_mem>>)
          %dma_wait3A_99 = tpu.memref_slice %arg3[%add3A_93] : memref<640000xi32, #tpu.memory_space<hbm>> -> memref<80xi32, #tpu.memory_space<hbm>>
          %dma_wait3A_100 = tpu.memref_slice %arg3[%add3A_93] : memref<640000xi32, #tpu.memory_space<hbm>> -> memref<80xi32, #tpu.memory_space<hbm>>
          tpu.wait_dma2 semaphore(%run_scoped3A : memref<!tpu.dma_semaphore, #tpu.memory_space<semaphore_mem>>) src(%dma_wait3A_100 : memref<80xi32, #tpu.memory_space<hbm>>) dst(%arg7 : memref<80xi32, #tpu.memory_space<vmem>>)
          tpu.yield
        }) : () -> ()
        "tpu.region"() ({
          %run_scoped3A = tpu.sem_alloc : memref<!tpu.dma_semaphore, #tpu.memory_space<semaphore_mem>>
          %dma_start3A_97 = tpu.memref_slice %arg4[%add3A_90] : memref<160000xi32, #tpu.memory_space<hbm>> -> memref<80xi32, #tpu.memory_space<hbm>>
          %dma_start3A_98 = tpu.memref_slice %arg4[%add3A_90] : memref<160000xi32, #tpu.memory_space<hbm>> -> memref<80xi32, #tpu.memory_space<hbm>>
          tpu.enqueue_dma source(%dma_start3A_98 : memref<80xi32, #tpu.memory_space<hbm>>) target(%arg8 : memref<80xi32, #tpu.memory_space<vmem>>) target_semaphore(%run_scoped3A : memref<!tpu.dma_semaphore, #tpu.memory_space<semaphore_mem>>)
          %dma_wait3A_99 = tpu.memref_slice %arg4[%add3A_90] : memref<160000xi32, #tpu.memory_space<hbm>> -> memref<80xi32, #tpu.memory_space<hbm>>
          %dma_wait3A_100 = tpu.memref_slice %arg4[%add3A_90] : memref<160000xi32, #tpu.memory_space<hbm>> -> memref<80xi32, #tpu.memory_space<hbm>>
          tpu.wait_dma2 semaphore(%run_scoped3A : memref<!tpu.dma_semaphore, #tpu.memory_space<semaphore_mem>>) src(%dma_wait3A_100 : memref<80xi32, #tpu.memory_space<hbm>>) dst(%arg8 : memref<80xi32, #tpu.memory_space<vmem>>)
          tpu.yield
        }) : () -> ()
        %dma_start3A_94 = arith.constant 0 : i32
        %dma_start3A_95 = arith.constant 0 : i32
        %dma_start3A_96 = tpu.memref_slice %arg2[%dma_start3A_94, %dma_start3A_95] : memref<40448x128xf32, #tpu.memory_space<hbm>> -> memref<40448x128xf32, #tpu.memory_space<hbm>>
        tpu.enqueue_indirect_dma source(%dma_start3A_96 : memref<40448x128xf32, #tpu.memory_space<hbm>>) target(%arg11 : memref<80x128xf32, #tpu.memory_space<vmem>>) offsets(%arg7 : memref<80xi32, #tpu.memory_space<vmem>>) semaphore(%arg13 : memref<!tpu.dma_semaphore, #tpu.memory_space<semaphore_mem>>)
      } else {
      }
      %add3A_79 = arith.constant 1 : i32
      %add3A_80 = arith.addi %mul3A_65, %add3A_79 : i32
      %lt3A_81 = arith.constant 125 : i32
      %lt3A_82 = arith.cmpi slt, %add3A_80, %lt3A_81 : i32
      %convert_element_type3A_83 = arith.extui %lt3A_82 : i1 to i32
      %cond3A_84 = arith.constant 0 : i32
      %cond3A_85 = arith.cmpi ne, %convert_element_type3A_83, %cond3A_84 : i32
      scf.if %cond3A_85 {
        %dma_wait3A_86 = arith.constant 0 : i32
        %dma_wait3A_87 = arith.constant 0 : i32
        %dma_wait3A_88 = tpu.memref_slice %arg2[%dma_wait3A_86, %dma_wait3A_87] : memref<40448x128xf32, #tpu.memory_space<hbm>> -> memref<40448x128xf32, #tpu.memory_space<hbm>>
        tpu.wait_indirect_dma semaphore(%arg14 : memref<!tpu.dma_semaphore, #tpu.memory_space<semaphore_mem>>) src(%dma_wait3A_88 : memref<40448x128xf32, #tpu.memory_space<hbm>>) dst(%arg12 : memref<80x128xf32, #tpu.memory_space<vmem>>)
        "tpu.region"() ({
          %run_scoped3A = tpu.sem_alloc : memref<!tpu.dma_semaphore, #tpu.memory_space<semaphore_mem>>
          %dma_start3A_89 = arith.constant 0 : i32
          %dma_start3A_90 = arith.constant 0 : i32
          %dma_start3A_91 = tpu.memref_slice %arg6[%dma_start3A_89, %dma_start3A_90] : memref<10112x128xf32, #tpu.memory_space<vmem_shared>> -> memref<10112x128xf32, #tpu.memory_space<vmem_shared>>
          tpu.enqueue_indirect_dma source(%arg12 : memref<80x128xf32, #tpu.memory_space<vmem>>) target(%dma_start3A_91 : memref<10112x128xf32, #tpu.memory_space<vmem_shared>>) offsets(%arg10 : memref<80xi32, #tpu.memory_space<vmem>>) semaphore(%run_scoped3A : memref<!tpu.dma_semaphore, #tpu.memory_space<semaphore_mem>>) {add = true}
          %dma_wait3A_92 = arith.constant 0 : i32
          %dma_wait3A_93 = arith.constant 0 : i32
          %dma_wait3A_94 = tpu.memref_slice %arg6[%dma_wait3A_92, %dma_wait3A_93] : memref<10112x128xf32, #tpu.memory_space<vmem_shared>> -> memref<10112x128xf32, #tpu.memory_space<vmem_shared>>
          tpu.wait_indirect_dma semaphore(%run_scoped3A : memref<!tpu.dma_semaphore, #tpu.memory_space<semaphore_mem>>) src(%arg12 : memref<80x128xf32, #tpu.memory_space<vmem>>) dst(%dma_wait3A_94 : memref<10112x128xf32, #tpu.memory_space<vmem_shared>>)
          tpu.yield
        }) : () -> ()
      } else {
      }
    }
    %scan3A_55 = arith.constant 63 : i32
    %barrier3A_56 = arith.constant 0 : index
    tpu.barrier barrier_id(%barrier3A_56)
    %mul3A_57 = arith.constant 632 : i32
    %mul3A_58 = arith.muli %arg1, %mul3A_57 : i32
    %mul3A_59 = arith.constant 632 : i32
    %mul3A_60 = arith.muli %arg1, %mul3A_59 : i32
    %add3A_61 = arith.addi %mul3A_35, %mul3A_60 : i32
    "tpu.region"() ({
      %run_scoped3A = tpu.sem_alloc : memref<!tpu.dma_semaphore, #tpu.memory_space<semaphore_mem>>
      %dma_start3A_63 = arith.constant 0 : i32
      %dma_start3A_64 = tpu.memref_slice %arg5[%add3A_61, %dma_start3A_63] : memref<40448x128xf32, #tpu.memory_space<hbm>> -> memref<632x128xf32, #tpu.memory_space<hbm>>
      %dma_start3A_65 = arith.constant 0 : i32
      %dma_start3A_66 = tpu.memref_slice %arg6[%mul3A_58, %dma_start3A_65] : memref<10112x128xf32, #tpu.memory_space<vmem_shared>> -> memref<632x128xf32, #tpu.memory_space<vmem_shared>>
      tpu.enqueue_dma source(%dma_start3A_66 : memref<632x128xf32, #tpu.memory_space<vmem_shared>>) target(%dma_start3A_64 : memref<632x128xf32, #tpu.memory_space<hbm>>) target_semaphore(%run_scoped3A : memref<!tpu.dma_semaphore, #tpu.memory_space<semaphore_mem>>)
      %dma_wait3A = arith.constant 0 : i32
      %dma_wait3A_67 = tpu.memref_slice %arg5[%add3A_61, %dma_wait3A] : memref<40448x128xf32, #tpu.memory_space<hbm>> -> memref<632x128xf32, #tpu.memory_space<hbm>>
      %dma_wait3A_68 = arith.constant 0 : i32
      %dma_wait3A_69 = tpu.memref_slice %arg6[%mul3A_58, %dma_wait3A_68] : memref<10112x128xf32, #tpu.memory_space<vmem_shared>> -> memref<632x128xf32, #tpu.memory_space<vmem_shared>>
      tpu.wait_dma2 semaphore(%run_scoped3A : memref<!tpu.dma_semaphore, #tpu.memory_space<semaphore_mem>>) src(%dma_wait3A_69 : memref<632x128xf32, #tpu.memory_space<vmem_shared>>) dst(%dma_wait3A_67 : memref<632x128xf32, #tpu.memory_space<hbm>>)
      tpu.yield
    }) : () -> ()
    %barrier3A_62 = arith.constant 0 : index
    tpu.barrier barrier_id(%barrier3A_62)
    return
  }
}

#map = affine_map<(d0, d1) -> (0, 0)>
#map1 = affine_map<(d0, d1) -> (0)>
module attributes {stable_mosaic.version = 14 : i64} {
  func.func @k(%arg0: i32, %arg1: i32, %arg2: memref<20000x512xf32, #tpu.memory_space<hbm>>, %arg3: memref<160000xi32, #tpu.memory_space<hbm>>, %arg4: memref<160000xi32, #tpu.memory_space<hbm>>, %arg5: memref<160000x512xf32, #tpu.memory_space<hbm>>, %arg6: memref<160000x512xf32, #tpu.memory_space<hbm>>, %arg7: memref<40xi32, #tpu.memory_space<vmem>>, %arg8: memref<40xi32, #tpu.memory_space<vmem>>, %arg9: memref<40xi32, #tpu.memory_space<vmem>>, %arg10: memref<40xi32, #tpu.memory_space<vmem>>, %arg11: memref<40x512xf32, #tpu.memory_space<vmem>>, %arg12: memref<40x512xf32, #tpu.memory_space<vmem>>, %arg13: memref<40x512xf32, #tpu.memory_space<vmem>>, %arg14: memref<40x512xf32, #tpu.memory_space<vmem>>, %arg15: memref<!tpu.dma_semaphore, #tpu.memory_space<semaphore_mem>>, %arg16: memref<!tpu.dma_semaphore, #tpu.memory_space<semaphore_mem>>) attributes {dimension_semantics = [#tpu.dimension_semantics<core_parallel>, #tpu.dimension_semantics<subcore_parallel>], iteration_bounds = array<i64: 2, 16>, scalar_prefetch = 0 : i64, scratch_operands = 10 : i64, tpu.core_type = #tpu.core_type<sc_vector_subcore>, window_params = [{transform_indices = #map}, {transform_indices = #map1}, {transform_indices = #map1}, {transform_indices = #map}, {transform_indices = #map}]} {
    %mul3A = arith.constant 2 : i32
    %mul3A_0 = arith.muli %arg1, %mul3A : i32
    %add3A = arith.addi %mul3A_0, %arg0 : i32
    %mul3A_1 = arith.constant 5000 : i32
    %mul3A_2 = arith.muli %add3A, %mul3A_1 : i32
    %add3A_3 = arith.constant 0 : i32
    %add3A_4 = arith.addi %mul3A_2, %add3A_3 : i32
    "tpu.region"() ({
      %run_scoped3A = tpu.sem_alloc : memref<!tpu.dma_semaphore, #tpu.memory_space<semaphore_mem>>
      %dma_start3A_15 = tpu.memref_slice %arg3[%add3A_4] : memref<160000xi32, #tpu.memory_space<hbm>> -> memref<40xi32, #tpu.memory_space<hbm>>
      %dma_start3A_16 = tpu.memref_slice %arg3[%add3A_4] : memref<160000xi32, #tpu.memory_space<hbm>> -> memref<40xi32, #tpu.memory_space<hbm>>
      tpu.enqueue_dma source(%dma_start3A_16 : memref<40xi32, #tpu.memory_space<hbm>>) target(%arg7 : memref<40xi32, #tpu.memory_space<vmem>>) target_semaphore(%run_scoped3A : memref<!tpu.dma_semaphore, #tpu.memory_space<semaphore_mem>>)
      %dma_wait3A = tpu.memref_slice %arg3[%add3A_4] : memref<160000xi32, #tpu.memory_space<hbm>> -> memref<40xi32, #tpu.memory_space<hbm>>
      %dma_wait3A_17 = tpu.memref_slice %arg3[%add3A_4] : memref<160000xi32, #tpu.memory_space<hbm>> -> memref<40xi32, #tpu.memory_space<hbm>>
      tpu.wait_dma2 semaphore(%run_scoped3A : memref<!tpu.dma_semaphore, #tpu.memory_space<semaphore_mem>>) src(%dma_wait3A_17 : memref<40xi32, #tpu.memory_space<hbm>>) dst(%arg7 : memref<40xi32, #tpu.memory_space<vmem>>)
      tpu.yield
    }) : () -> ()
    "tpu.region"() ({
      %run_scoped3A = tpu.sem_alloc : memref<!tpu.dma_semaphore, #tpu.memory_space<semaphore_mem>>
      %dma_start3A_15 = tpu.memref_slice %arg4[%add3A_4] : memref<160000xi32, #tpu.memory_space<hbm>> -> memref<40xi32, #tpu.memory_space<hbm>>
      %dma_start3A_16 = tpu.memref_slice %arg4[%add3A_4] : memref<160000xi32, #tpu.memory_space<hbm>> -> memref<40xi32, #tpu.memory_space<hbm>>
      tpu.enqueue_dma source(%dma_start3A_16 : memref<40xi32, #tpu.memory_space<hbm>>) target(%arg8 : memref<40xi32, #tpu.memory_space<vmem>>) target_semaphore(%run_scoped3A : memref<!tpu.dma_semaphore, #tpu.memory_space<semaphore_mem>>)
      %dma_wait3A = tpu.memref_slice %arg4[%add3A_4] : memref<160000xi32, #tpu.memory_space<hbm>> -> memref<40xi32, #tpu.memory_space<hbm>>
      %dma_wait3A_17 = tpu.memref_slice %arg4[%add3A_4] : memref<160000xi32, #tpu.memory_space<hbm>> -> memref<40xi32, #tpu.memory_space<hbm>>
      tpu.wait_dma2 semaphore(%run_scoped3A : memref<!tpu.dma_semaphore, #tpu.memory_space<semaphore_mem>>) src(%dma_wait3A_17 : memref<40xi32, #tpu.memory_space<hbm>>) dst(%arg8 : memref<40xi32, #tpu.memory_space<vmem>>)
      tpu.yield
    }) : () -> ()
    %dma_start3A = arith.constant 0 : i32
    %dma_start3A_5 = arith.constant 0 : i32
    %dma_start3A_6 = tpu.memref_slice %arg2[%dma_start3A, %dma_start3A_5] : memref<20000x512xf32, #tpu.memory_space<hbm>> -> memref<20000x512xf32, #tpu.memory_space<hbm>>
    tpu.enqueue_indirect_dma source(%dma_start3A_6 : memref<20000x512xf32, #tpu.memory_space<hbm>>) target(%arg11 : memref<40x512xf32, #tpu.memory_space<vmem>>) offsets(%arg7 : memref<40xi32, #tpu.memory_space<vmem>>) semaphore(%arg15 : memref<!tpu.dma_semaphore, #tpu.memory_space<semaphore_mem>>)
    %dma_start3A_7 = arith.constant 0 : i32
    %dma_start3A_8 = arith.constant 0 : i32
    %dma_start3A_9 = tpu.memref_slice %arg2[%dma_start3A_7, %dma_start3A_8] : memref<20000x512xf32, #tpu.memory_space<hbm>> -> memref<20000x512xf32, #tpu.memory_space<hbm>>
    tpu.enqueue_indirect_dma source(%dma_start3A_9 : memref<20000x512xf32, #tpu.memory_space<hbm>>) target(%arg12 : memref<40x512xf32, #tpu.memory_space<vmem>>) offsets(%arg8 : memref<40xi32, #tpu.memory_space<vmem>>) semaphore(%arg15 : memref<!tpu.dma_semaphore, #tpu.memory_space<semaphore_mem>>)
    %scan3A = arith.constant 0 : i32
    %scan3A_10 = arith.constant 0 : i32
    %scan3A_11 = arith.constant 63 : i32
    %scan3A_12 = arith.addi %scan3A_10, %scan3A_11 : i32
    %scan3A_13 = arith.constant 1 : i32
    scf.for %scan3A_15 = %scan3A_10 to %scan3A_12 step %scan3A_13  : i32 {
      %mul3A_16 = arith.constant 2 : i32
      %mul3A_17 = arith.muli %mul3A_16, %scan3A_15 : i32
      %add3A_18 = arith.constant 1 : i32
      %add3A_19 = arith.addi %mul3A_17, %add3A_18 : i32
      %lt3A = arith.constant 125 : i32
      %lt3A_20 = arith.cmpi slt, %add3A_19, %lt3A : i32
      %convert_element_type3A = arith.extui %lt3A_20 : i1 to i32
      %cond3A = arith.constant 0 : i32
      %cond3A_21 = arith.cmpi ne, %convert_element_type3A, %cond3A : i32
      scf.if %cond3A_21 {
        %add3A_44 = arith.constant 1 : i32
        %add3A_45 = arith.addi %mul3A_17, %add3A_44 : i32
        %mul3A_46 = arith.constant 40 : i32
        %mul3A_47 = arith.muli %add3A_45, %mul3A_46 : i32
        %add3A_48 = arith.addi %mul3A_2, %mul3A_47 : i32
        "tpu.region"() ({
          %run_scoped3A = tpu.sem_alloc : memref<!tpu.dma_semaphore, #tpu.memory_space<semaphore_mem>>
          %dma_start3A_55 = tpu.memref_slice %arg3[%add3A_48] : memref<160000xi32, #tpu.memory_space<hbm>> -> memref<40xi32, #tpu.memory_space<hbm>>
          %dma_start3A_56 = tpu.memref_slice %arg3[%add3A_48] : memref<160000xi32, #tpu.memory_space<hbm>> -> memref<40xi32, #tpu.memory_space<hbm>>
          tpu.enqueue_dma source(%dma_start3A_56 : memref<40xi32, #tpu.memory_space<hbm>>) target(%arg9 : memref<40xi32, #tpu.memory_space<vmem>>) target_semaphore(%run_scoped3A : memref<!tpu.dma_semaphore, #tpu.memory_space<semaphore_mem>>)
          %dma_wait3A_57 = tpu.memref_slice %arg3[%add3A_48] : memref<160000xi32, #tpu.memory_space<hbm>> -> memref<40xi32, #tpu.memory_space<hbm>>
          %dma_wait3A_58 = tpu.memref_slice %arg3[%add3A_48] : memref<160000xi32, #tpu.memory_space<hbm>> -> memref<40xi32, #tpu.memory_space<hbm>>
          tpu.wait_dma2 semaphore(%run_scoped3A : memref<!tpu.dma_semaphore, #tpu.memory_space<semaphore_mem>>) src(%dma_wait3A_58 : memref<40xi32, #tpu.memory_space<hbm>>) dst(%arg9 : memref<40xi32, #tpu.memory_space<vmem>>)
          tpu.yield
        }) : () -> ()
        "tpu.region"() ({
          %run_scoped3A = tpu.sem_alloc : memref<!tpu.dma_semaphore, #tpu.memory_space<semaphore_mem>>
          %dma_start3A_55 = tpu.memref_slice %arg4[%add3A_48] : memref<160000xi32, #tpu.memory_space<hbm>> -> memref<40xi32, #tpu.memory_space<hbm>>
          %dma_start3A_56 = tpu.memref_slice %arg4[%add3A_48] : memref<160000xi32, #tpu.memory_space<hbm>> -> memref<40xi32, #tpu.memory_space<hbm>>
          tpu.enqueue_dma source(%dma_start3A_56 : memref<40xi32, #tpu.memory_space<hbm>>) target(%arg10 : memref<40xi32, #tpu.memory_space<vmem>>) target_semaphore(%run_scoped3A : memref<!tpu.dma_semaphore, #tpu.memory_space<semaphore_mem>>)
          %dma_wait3A_57 = tpu.memref_slice %arg4[%add3A_48] : memref<160000xi32, #tpu.memory_space<hbm>> -> memref<40xi32, #tpu.memory_space<hbm>>
          %dma_wait3A_58 = tpu.memref_slice %arg4[%add3A_48] : memref<160000xi32, #tpu.memory_space<hbm>> -> memref<40xi32, #tpu.memory_space<hbm>>
          tpu.wait_dma2 semaphore(%run_scoped3A : memref<!tpu.dma_semaphore, #tpu.memory_space<semaphore_mem>>) src(%dma_wait3A_58 : memref<40xi32, #tpu.memory_space<hbm>>) dst(%arg10 : memref<40xi32, #tpu.memory_space<vmem>>)
          tpu.yield
        }) : () -> ()
        %dma_start3A_49 = arith.constant 0 : i32
        %dma_start3A_50 = arith.constant 0 : i32
        %dma_start3A_51 = tpu.memref_slice %arg2[%dma_start3A_49, %dma_start3A_50] : memref<20000x512xf32, #tpu.memory_space<hbm>> -> memref<20000x512xf32, #tpu.memory_space<hbm>>
        tpu.enqueue_indirect_dma source(%dma_start3A_51 : memref<20000x512xf32, #tpu.memory_space<hbm>>) target(%arg13 : memref<40x512xf32, #tpu.memory_space<vmem>>) offsets(%arg9 : memref<40xi32, #tpu.memory_space<vmem>>) semaphore(%arg16 : memref<!tpu.dma_semaphore, #tpu.memory_space<semaphore_mem>>)
        %dma_start3A_52 = arith.constant 0 : i32
        %dma_start3A_53 = arith.constant 0 : i32
        %dma_start3A_54 = tpu.memref_slice %arg2[%dma_start3A_52, %dma_start3A_53] : memref<20000x512xf32, #tpu.memory_space<hbm>> -> memref<20000x512xf32, #tpu.memory_space<hbm>>
        tpu.enqueue_indirect_dma source(%dma_start3A_54 : memref<20000x512xf32, #tpu.memory_space<hbm>>) target(%arg14 : memref<40x512xf32, #tpu.memory_space<vmem>>) offsets(%arg10 : memref<40xi32, #tpu.memory_space<vmem>>) semaphore(%arg16 : memref<!tpu.dma_semaphore, #tpu.memory_space<semaphore_mem>>)
      } else {
      }
      %mul3A_22 = arith.constant 40 : i32
      %mul3A_23 = arith.muli %mul3A_17, %mul3A_22 : i32
      %add3A_24 = arith.addi %mul3A_2, %mul3A_23 : i32
      %dma_wait3A = arith.constant 0 : i32
      %dma_wait3A_25 = arith.constant 0 : i32
      %dma_wait3A_26 = tpu.memref_slice %arg2[%dma_wait3A, %dma_wait3A_25] : memref<20000x512xf32, #tpu.memory_space<hbm>> -> memref<20000x512xf32, #tpu.memory_space<hbm>>
      tpu.wait_indirect_dma semaphore(%arg15 : memref<!tpu.dma_semaphore, #tpu.memory_space<semaphore_mem>>) src(%dma_wait3A_26 : memref<20000x512xf32, #tpu.memory_space<hbm>>) dst(%arg11 : memref<40x512xf32, #tpu.memory_space<vmem>>)
      %dma_wait3A_27 = arith.constant 0 : i32
      %dma_wait3A_28 = arith.constant 0 : i32
      %dma_wait3A_29 = tpu.memref_slice %arg2[%dma_wait3A_27, %dma_wait3A_28] : memref<20000x512xf32, #tpu.memory_space<hbm>> -> memref<20000x512xf32, #tpu.memory_space<hbm>>
      tpu.wait_indirect_dma semaphore(%arg15 : memref<!tpu.dma_semaphore, #tpu.memory_space<semaphore_mem>>) src(%dma_wait3A_29 : memref<20000x512xf32, #tpu.memory_space<hbm>>) dst(%arg12 : memref<40x512xf32, #tpu.memory_space<vmem>>)
      "tpu.region"() ({
        %run_scoped3A = tpu.sem_alloc : memref<!tpu.dma_semaphore, #tpu.memory_space<semaphore_mem>>
        %dma_start3A_44 = arith.constant 0 : i32
        %dma_start3A_45 = tpu.memref_slice %arg5[%add3A_24, %dma_start3A_44] : memref<160000x512xf32, #tpu.memory_space<hbm>> -> memref<40x512xf32, #tpu.memory_space<hbm>>
        %dma_start3A_46 = arith.constant 0 : i32
        %dma_start3A_47 = tpu.memref_slice %arg5[%add3A_24, %dma_start3A_46] : memref<160000x512xf32, #tpu.memory_space<hbm>> -> memref<40x512xf32, #tpu.memory_space<hbm>>
        tpu.enqueue_dma source(%arg11 : memref<40x512xf32, #tpu.memory_space<vmem>>) target(%dma_start3A_47 : memref<40x512xf32, #tpu.memory_space<hbm>>) target_semaphore(%run_scoped3A : memref<!tpu.dma_semaphore, #tpu.memory_space<semaphore_mem>>)
        %dma_wait3A_48 = arith.constant 0 : i32
        %dma_wait3A_49 = tpu.memref_slice %arg5[%add3A_24, %dma_wait3A_48] : memref<160000x512xf32, #tpu.memory_space<hbm>> -> memref<40x512xf32, #tpu.memory_space<hbm>>
        %dma_wait3A_50 = arith.constant 0 : i32
        %dma_wait3A_51 = tpu.memref_slice %arg5[%add3A_24, %dma_wait3A_50] : memref<160000x512xf32, #tpu.memory_space<hbm>> -> memref<40x512xf32, #tpu.memory_space<hbm>>
        tpu.wait_dma2 semaphore(%run_scoped3A : memref<!tpu.dma_semaphore, #tpu.memory_space<semaphore_mem>>) src(%arg11 : memref<40x512xf32, #tpu.memory_space<vmem>>) dst(%dma_wait3A_51 : memref<40x512xf32, #tpu.memory_space<hbm>>)
        tpu.yield
      }) : () -> ()
      "tpu.region"() ({
        %run_scoped3A = tpu.sem_alloc : memref<!tpu.dma_semaphore, #tpu.memory_space<semaphore_mem>>
        %dma_start3A_44 = arith.constant 0 : i32
        %dma_start3A_45 = tpu.memref_slice %arg6[%add3A_24, %dma_start3A_44] : memref<160000x512xf32, #tpu.memory_space<hbm>> -> memref<40x512xf32, #tpu.memory_space<hbm>>
        %dma_start3A_46 = arith.constant 0 : i32
        %dma_start3A_47 = tpu.memref_slice %arg6[%add3A_24, %dma_start3A_46] : memref<160000x512xf32, #tpu.memory_space<hbm>> -> memref<40x512xf32, #tpu.memory_space<hbm>>
        tpu.enqueue_dma source(%arg12 : memref<40x512xf32, #tpu.memory_space<vmem>>) target(%dma_start3A_47 : memref<40x512xf32, #tpu.memory_space<hbm>>) target_semaphore(%run_scoped3A : memref<!tpu.dma_semaphore, #tpu.memory_space<semaphore_mem>>)
        %dma_wait3A_48 = arith.constant 0 : i32
        %dma_wait3A_49 = tpu.memref_slice %arg6[%add3A_24, %dma_wait3A_48] : memref<160000x512xf32, #tpu.memory_space<hbm>> -> memref<40x512xf32, #tpu.memory_space<hbm>>
        %dma_wait3A_50 = arith.constant 0 : i32
        %dma_wait3A_51 = tpu.memref_slice %arg6[%add3A_24, %dma_wait3A_50] : memref<160000x512xf32, #tpu.memory_space<hbm>> -> memref<40x512xf32, #tpu.memory_space<hbm>>
        tpu.wait_dma2 semaphore(%run_scoped3A : memref<!tpu.dma_semaphore, #tpu.memory_space<semaphore_mem>>) src(%arg12 : memref<40x512xf32, #tpu.memory_space<vmem>>) dst(%dma_wait3A_51 : memref<40x512xf32, #tpu.memory_space<hbm>>)
        tpu.yield
      }) : () -> ()
      %add3A_30 = arith.constant 2 : i32
      %add3A_31 = arith.addi %mul3A_17, %add3A_30 : i32
      %lt3A_32 = arith.constant 125 : i32
      %lt3A_33 = arith.cmpi slt, %add3A_31, %lt3A_32 : i32
      %convert_element_type3A_34 = arith.extui %lt3A_33 : i1 to i32
      %cond3A_35 = arith.constant 0 : i32
      %cond3A_36 = arith.cmpi ne, %convert_element_type3A_34, %cond3A_35 : i32
      scf.if %cond3A_36 {
        %add3A_44 = arith.constant 2 : i32
        %add3A_45 = arith.addi %mul3A_17, %add3A_44 : i32
        %mul3A_46 = arith.constant 40 : i32
        %mul3A_47 = arith.muli %add3A_45, %mul3A_46 : i32
        %add3A_48 = arith.addi %mul3A_2, %mul3A_47 : i32
        "tpu.region"() ({
          %run_scoped3A = tpu.sem_alloc : memref<!tpu.dma_semaphore, #tpu.memory_space<semaphore_mem>>
          %dma_start3A_55 = tpu.memref_slice %arg3[%add3A_48] : memref<160000xi32, #tpu.memory_space<hbm>> -> memref<40xi32, #tpu.memory_space<hbm>>
          %dma_start3A_56 = tpu.memref_slice %arg3[%add3A_48] : memref<160000xi32, #tpu.memory_space<hbm>> -> memref<40xi32, #tpu.memory_space<hbm>>
          tpu.enqueue_dma source(%dma_start3A_56 : memref<40xi32, #tpu.memory_space<hbm>>) target(%arg7 : memref<40xi32, #tpu.memory_space<vmem>>) target_semaphore(%run_scoped3A : memref<!tpu.dma_semaphore, #tpu.memory_space<semaphore_mem>>)
          %dma_wait3A_57 = tpu.memref_slice %arg3[%add3A_48] : memref<160000xi32, #tpu.memory_space<hbm>> -> memref<40xi32, #tpu.memory_space<hbm>>
          %dma_wait3A_58 = tpu.memref_slice %arg3[%add3A_48] : memref<160000xi32, #tpu.memory_space<hbm>> -> memref<40xi32, #tpu.memory_space<hbm>>
          tpu.wait_dma2 semaphore(%run_scoped3A : memref<!tpu.dma_semaphore, #tpu.memory_space<semaphore_mem>>) src(%dma_wait3A_58 : memref<40xi32, #tpu.memory_space<hbm>>) dst(%arg7 : memref<40xi32, #tpu.memory_space<vmem>>)
          tpu.yield
        }) : () -> ()
        "tpu.region"() ({
          %run_scoped3A = tpu.sem_alloc : memref<!tpu.dma_semaphore, #tpu.memory_space<semaphore_mem>>
          %dma_start3A_55 = tpu.memref_slice %arg4[%add3A_48] : memref<160000xi32, #tpu.memory_space<hbm>> -> memref<40xi32, #tpu.memory_space<hbm>>
          %dma_start3A_56 = tpu.memref_slice %arg4[%add3A_48] : memref<160000xi32, #tpu.memory_space<hbm>> -> memref<40xi32, #tpu.memory_space<hbm>>
          tpu.enqueue_dma source(%dma_start3A_56 : memref<40xi32, #tpu.memory_space<hbm>>) target(%arg8 : memref<40xi32, #tpu.memory_space<vmem>>) target_semaphore(%run_scoped3A : memref<!tpu.dma_semaphore, #tpu.memory_space<semaphore_mem>>)
          %dma_wait3A_57 = tpu.memref_slice %arg4[%add3A_48] : memref<160000xi32, #tpu.memory_space<hbm>> -> memref<40xi32, #tpu.memory_space<hbm>>
          %dma_wait3A_58 = tpu.memref_slice %arg4[%add3A_48] : memref<160000xi32, #tpu.memory_space<hbm>> -> memref<40xi32, #tpu.memory_space<hbm>>
          tpu.wait_dma2 semaphore(%run_scoped3A : memref<!tpu.dma_semaphore, #tpu.memory_space<semaphore_mem>>) src(%dma_wait3A_58 : memref<40xi32, #tpu.memory_space<hbm>>) dst(%arg8 : memref<40xi32, #tpu.memory_space<vmem>>)
          tpu.yield
        }) : () -> ()
        %dma_start3A_49 = arith.constant 0 : i32
        %dma_start3A_50 = arith.constant 0 : i32
        %dma_start3A_51 = tpu.memref_slice %arg2[%dma_start3A_49, %dma_start3A_50] : memref<20000x512xf32, #tpu.memory_space<hbm>> -> memref<20000x512xf32, #tpu.memory_space<hbm>>
        tpu.enqueue_indirect_dma source(%dma_start3A_51 : memref<20000x512xf32, #tpu.memory_space<hbm>>) target(%arg11 : memref<40x512xf32, #tpu.memory_space<vmem>>) offsets(%arg7 : memref<40xi32, #tpu.memory_space<vmem>>) semaphore(%arg15 : memref<!tpu.dma_semaphore, #tpu.memory_space<semaphore_mem>>)
        %dma_start3A_52 = arith.constant 0 : i32
        %dma_start3A_53 = arith.constant 0 : i32
        %dma_start3A_54 = tpu.memref_slice %arg2[%dma_start3A_52, %dma_start3A_53] : memref<20000x512xf32, #tpu.memory_space<hbm>> -> memref<20000x512xf32, #tpu.memory_space<hbm>>
        tpu.enqueue_indirect_dma source(%dma_start3A_54 : memref<20000x512xf32, #tpu.memory_space<hbm>>) target(%arg12 : memref<40x512xf32, #tpu.memory_space<vmem>>) offsets(%arg8 : memref<40xi32, #tpu.memory_space<vmem>>) semaphore(%arg15 : memref<!tpu.dma_semaphore, #tpu.memory_space<semaphore_mem>>)
      } else {
      }
      %add3A_37 = arith.constant 1 : i32
      %add3A_38 = arith.addi %mul3A_17, %add3A_37 : i32
      %lt3A_39 = arith.constant 125 : i32
      %lt3A_40 = arith.cmpi slt, %add3A_38, %lt3A_39 : i32
      %convert_element_type3A_41 = arith.extui %lt3A_40 : i1 to i32
      %cond3A_42 = arith.constant 0 : i32
      %cond3A_43 = arith.cmpi ne, %convert_element_type3A_41, %cond3A_42 : i32
      scf.if %cond3A_43 {
        %add3A_44 = arith.constant 1 : i32
        %add3A_45 = arith.addi %mul3A_17, %add3A_44 : i32
        %mul3A_46 = arith.constant 40 : i32
        %mul3A_47 = arith.muli %add3A_45, %mul3A_46 : i32
        %add3A_48 = arith.addi %mul3A_2, %mul3A_47 : i32
        %dma_wait3A_49 = arith.constant 0 : i32
        %dma_wait3A_50 = arith.constant 0 : i32
        %dma_wait3A_51 = tpu.memref_slice %arg2[%dma_wait3A_49, %dma_wait3A_50] : memref<20000x512xf32, #tpu.memory_space<hbm>> -> memref<20000x512xf32, #tpu.memory_space<hbm>>
        tpu.wait_indirect_dma semaphore(%arg16 : memref<!tpu.dma_semaphore, #tpu.memory_space<semaphore_mem>>) src(%dma_wait3A_51 : memref<20000x512xf32, #tpu.memory_space<hbm>>) dst(%arg13 : memref<40x512xf32, #tpu.memory_space<vmem>>)
        %dma_wait3A_52 = arith.constant 0 : i32
        %dma_wait3A_53 = arith.constant 0 : i32
        %dma_wait3A_54 = tpu.memref_slice %arg2[%dma_wait3A_52, %dma_wait3A_53] : memref<20000x512xf32, #tpu.memory_space<hbm>> -> memref<20000x512xf32, #tpu.memory_space<hbm>>
        tpu.wait_indirect_dma semaphore(%arg16 : memref<!tpu.dma_semaphore, #tpu.memory_space<semaphore_mem>>) src(%dma_wait3A_54 : memref<20000x512xf32, #tpu.memory_space<hbm>>) dst(%arg14 : memref<40x512xf32, #tpu.memory_space<vmem>>)
        "tpu.region"() ({
          %run_scoped3A = tpu.sem_alloc : memref<!tpu.dma_semaphore, #tpu.memory_space<semaphore_mem>>
          %dma_start3A_55 = arith.constant 0 : i32
          %dma_start3A_56 = tpu.memref_slice %arg5[%add3A_48, %dma_start3A_55] : memref<160000x512xf32, #tpu.memory_space<hbm>> -> memref<40x512xf32, #tpu.memory_space<hbm>>
          %dma_start3A_57 = arith.constant 0 : i32
          %dma_start3A_58 = tpu.memref_slice %arg5[%add3A_48, %dma_start3A_57] : memref<160000x512xf32, #tpu.memory_space<hbm>> -> memref<40x512xf32, #tpu.memory_space<hbm>>
          tpu.enqueue_dma source(%arg13 : memref<40x512xf32, #tpu.memory_space<vmem>>) target(%dma_start3A_58 : memref<40x512xf32, #tpu.memory_space<hbm>>) target_semaphore(%run_scoped3A : memref<!tpu.dma_semaphore, #tpu.memory_space<semaphore_mem>>)
          %dma_wait3A_59 = arith.constant 0 : i32
          %dma_wait3A_60 = tpu.memref_slice %arg5[%add3A_48, %dma_wait3A_59] : memref<160000x512xf32, #tpu.memory_space<hbm>> -> memref<40x512xf32, #tpu.memory_space<hbm>>
          %dma_wait3A_61 = arith.constant 0 : i32
          %dma_wait3A_62 = tpu.memref_slice %arg5[%add3A_48, %dma_wait3A_61] : memref<160000x512xf32, #tpu.memory_space<hbm>> -> memref<40x512xf32, #tpu.memory_space<hbm>>
          tpu.wait_dma2 semaphore(%run_scoped3A : memref<!tpu.dma_semaphore, #tpu.memory_space<semaphore_mem>>) src(%arg13 : memref<40x512xf32, #tpu.memory_space<vmem>>) dst(%dma_wait3A_62 : memref<40x512xf32, #tpu.memory_space<hbm>>)
          tpu.yield
        }) : () -> ()
        "tpu.region"() ({
          %run_scoped3A = tpu.sem_alloc : memref<!tpu.dma_semaphore, #tpu.memory_space<semaphore_mem>>
          %dma_start3A_55 = arith.constant 0 : i32
          %dma_start3A_56 = tpu.memref_slice %arg6[%add3A_48, %dma_start3A_55] : memref<160000x512xf32, #tpu.memory_space<hbm>> -> memref<40x512xf32, #tpu.memory_space<hbm>>
          %dma_start3A_57 = arith.constant 0 : i32
          %dma_start3A_58 = tpu.memref_slice %arg6[%add3A_48, %dma_start3A_57] : memref<160000x512xf32, #tpu.memory_space<hbm>> -> memref<40x512xf32, #tpu.memory_space<hbm>>
          tpu.enqueue_dma source(%arg14 : memref<40x512xf32, #tpu.memory_space<vmem>>) target(%dma_start3A_58 : memref<40x512xf32, #tpu.memory_space<hbm>>) target_semaphore(%run_scoped3A : memref<!tpu.dma_semaphore, #tpu.memory_space<semaphore_mem>>)
          %dma_wait3A_59 = arith.constant 0 : i32
          %dma_wait3A_60 = tpu.memref_slice %arg6[%add3A_48, %dma_wait3A_59] : memref<160000x512xf32, #tpu.memory_space<hbm>> -> memref<40x512xf32, #tpu.memory_space<hbm>>
          %dma_wait3A_61 = arith.constant 0 : i32
          %dma_wait3A_62 = tpu.memref_slice %arg6[%add3A_48, %dma_wait3A_61] : memref<160000x512xf32, #tpu.memory_space<hbm>> -> memref<40x512xf32, #tpu.memory_space<hbm>>
          tpu.wait_dma2 semaphore(%run_scoped3A : memref<!tpu.dma_semaphore, #tpu.memory_space<semaphore_mem>>) src(%arg14 : memref<40x512xf32, #tpu.memory_space<vmem>>) dst(%dma_wait3A_62 : memref<40x512xf32, #tpu.memory_space<hbm>>)
          tpu.yield
        }) : () -> ()
      } else {
      }
    }
    %scan3A_14 = arith.constant 63 : i32
    return
  }
}

module attributes {stable_mosaic.version = 14 : i64} {
  func.func @body(%arg0: i32, %arg1: memref<400x256xf32, #tpu.memory_space<vmem>>, %arg2: memref<256x512xf32, #tpu.memory_space<vmem>>, %arg3: memref<1x512xf32, #tpu.memory_space<vmem>>, %arg4: memref<512x512xf32, #tpu.memory_space<vmem>>, %arg5: memref<1x512xf32, #tpu.memory_space<vmem>>, %arg6: memref<4x400x128xf32, #tpu.memory_space<vmem>>) attributes {dimension_semantics = [#tpu.dimension_semantics<arbitrary>], iteration_bounds = array<i64: 25>, scalar_prefetch = 0 : i64, scratch_operands = 0 : i64, tpu.core_type = #tpu.core_type<tc>, window_params = [{transform_indices = @transform_0, window_bounds = array<i64: 400, 256>}, {pipeline_mode = #tpu.pipeline_mode<synchronous>, transform_indices = @transform_1, window_bounds = array<i64: 256, 512>}, {pipeline_mode = #tpu.pipeline_mode<synchronous>, transform_indices = @transform_2, window_bounds = array<i64: 1, 512>}, {pipeline_mode = #tpu.pipeline_mode<synchronous>, transform_indices = @transform_3, window_bounds = array<i64: 512, 512>}, {pipeline_mode = #tpu.pipeline_mode<synchronous>, transform_indices = @transform_4, window_bounds = array<i64: 1, 512>}, {transform_indices = @transform_5, window_bounds = array<i64: 4, 400, 128>}]} {
    %get3A = arith.constant 0 : index
    %get3A_0 = arith.constant 0 : index
    %get3A_1 = vector.load %arg1[%get3A, %get3A_0] : memref<400x256xf32, #tpu.memory_space<vmem>>, vector<400x256xf32>
    %get3A_2 = arith.constant 0 : index
    %get3A_3 = arith.constant 0 : index
    %get3A_4 = vector.load %arg2[%get3A_2, %get3A_3] : memref<256x512xf32, #tpu.memory_space<vmem>>, vector<256x512xf32>
    %dot_general3A = arith.constant dense<0.000000e+00> : vector<400x512xf32>
    %dot_general3A_5 = tpu.matmul %get3A_1, %get3A_4, %dot_general3A {dimension_numbers = #tpu.dot_dimension_numbers<[1], [0], [0], [1], [0, 0, 1, 1], [], []>, transpose_lhs_hint = false} : vector<400x256xf32>, vector<256x512xf32>, vector<400x512xf32> -> vector<400x512xf32>
    %get3A_6 = arith.constant 0 : index
    %get3A_7 = arith.constant 0 : index
    %get3A_8 = vector.load %arg3[%get3A_6, %get3A_7] : memref<1x512xf32, #tpu.memory_space<vmem>>, vector<1x512xf32>
    %add3A = vector.broadcast %get3A_8 : vector<1x512xf32> to vector<400x512xf32>
    %add3A_9 = arith.addf %dot_general3A_5, %add3A : vector<400x512xf32>
    %max3A = arith.constant 0.000000e+00 : f32
    %max3A_10 = vector.broadcast %max3A : f32 to vector<400x512xf32>
    %max3A_11 = arith.maximumf %add3A_9, %max3A_10 : vector<400x512xf32>
    %get3A_12 = arith.constant 0 : index
    %get3A_13 = arith.constant 0 : index
    %get3A_14 = vector.load %arg4[%get3A_12, %get3A_13] : memref<512x512xf32, #tpu.memory_space<vmem>>, vector<512x512xf32>
    %dot_general3A_15 = arith.constant dense<0.000000e+00> : vector<400x512xf32>
    %dot_general3A_16 = tpu.matmul %max3A_11, %get3A_14, %dot_general3A_15 {dimension_numbers = #tpu.dot_dimension_numbers<[1], [0], [0], [1], [0, 0, 1, 1], [], []>, transpose_lhs_hint = false} : vector<400x512xf32>, vector<512x512xf32>, vector<400x512xf32> -> vector<400x512xf32>
    %get3A_17 = arith.constant 0 : index
    %get3A_18 = arith.constant 0 : index
    %get3A_19 = vector.load %arg5[%get3A_17, %get3A_18] : memref<1x512xf32, #tpu.memory_space<vmem>>, vector<1x512xf32>
    %add3A_20 = vector.broadcast %get3A_19 : vector<1x512xf32> to vector<400x512xf32>
    %add3A_21 = arith.addf %dot_general3A_16, %add3A_20 : vector<400x512xf32>
    %slice3A = vector.extract_strided_slice %add3A_21 {offsets = [0, 0], sizes = [400, 128], strides = [1, 1]} : vector<400x512xf32> to vector<400x128xf32>
    %swap3A = arith.constant 0 : index
    %swap3A_22 = arith.constant 0 : index
    %swap3A_23 = arith.constant 0 : index
    %swap3A_24 = vector.load %arg6[%swap3A, %swap3A_22, %swap3A_23] : memref<4x400x128xf32, #tpu.memory_space<vmem>>, vector<1x400x128xf32>
    %swap3A_25 = vector.shape_cast %swap3A_24 : vector<1x400x128xf32> to vector<400x128xf32>
    %swap3A_26 = vector.shape_cast %slice3A : vector<400x128xf32> to vector<1x400x128xf32>
    tpu.vector_store %arg6[%swap3A, %swap3A_22, %swap3A_23], %swap3A_26 {strides = array<i32>} : memref<4x400x128xf32, #tpu.memory_space<vmem>>, vector<1x400x128xf32>,
    %slice3A_27 = vector.extract_strided_slice %add3A_21 {offsets = [0, 128], sizes = [400, 128], strides = [1, 1]} : vector<400x512xf32> to vector<400x128xf32>
    %swap3A_28 = arith.constant 1 : index
    %swap3A_29 = arith.constant 0 : index
    %swap3A_30 = arith.constant 0 : index
    %swap3A_31 = vector.load %arg6[%swap3A_28, %swap3A_29, %swap3A_30] : memref<4x400x128xf32, #tpu.memory_space<vmem>>, vector<1x400x128xf32>
    %swap3A_32 = vector.shape_cast %swap3A_31 : vector<1x400x128xf32> to vector<400x128xf32>
    %swap3A_33 = vector.shape_cast %slice3A_27 : vector<400x128xf32> to vector<1x400x128xf32>
    tpu.vector_store %arg6[%swap3A_28, %swap3A_29, %swap3A_30], %swap3A_33 {strides = array<i32>} : memref<4x400x128xf32, #tpu.memory_space<vmem>>, vector<1x400x128xf32>,
    %slice3A_34 = vector.extract_strided_slice %add3A_21 {offsets = [0, 256], sizes = [400, 128], strides = [1, 1]} : vector<400x512xf32> to vector<400x128xf32>
    %swap3A_35 = arith.constant 2 : index
    %swap3A_36 = arith.constant 0 : index
    %swap3A_37 = arith.constant 0 : index
    %swap3A_38 = vector.load %arg6[%swap3A_35, %swap3A_36, %swap3A_37] : memref<4x400x128xf32, #tpu.memory_space<vmem>>, vector<1x400x128xf32>
    %swap3A_39 = vector.shape_cast %swap3A_38 : vector<1x400x128xf32> to vector<400x128xf32>
    %swap3A_40 = vector.shape_cast %slice3A_34 : vector<400x128xf32> to vector<1x400x128xf32>
    tpu.vector_store %arg6[%swap3A_35, %swap3A_36, %swap3A_37], %swap3A_40 {strides = array<i32>} : memref<4x400x128xf32, #tpu.memory_space<vmem>>, vector<1x400x128xf32>,
    %slice3A_41 = vector.extract_strided_slice %add3A_21 {offsets = [0, 384], sizes = [400, 128], strides = [1, 1]} : vector<400x512xf32> to vector<400x128xf32>
    %swap3A_42 = arith.constant 3 : index
    %swap3A_43 = arith.constant 0 : index
    %swap3A_44 = arith.constant 0 : index
    %swap3A_45 = vector.load %arg6[%swap3A_42, %swap3A_43, %swap3A_44] : memref<4x400x128xf32, #tpu.memory_space<vmem>>, vector<1x400x128xf32>
    %swap3A_46 = vector.shape_cast %swap3A_45 : vector<1x400x128xf32> to vector<400x128xf32>
    %swap3A_47 = vector.shape_cast %slice3A_41 : vector<400x128xf32> to vector<1x400x128xf32>
    tpu.vector_store %arg6[%swap3A_42, %swap3A_43, %swap3A_44], %swap3A_47 {strides = array<i32>} : memref<4x400x128xf32, #tpu.memory_space<vmem>>, vector<1x400x128xf32>,
    return
  }
  func.func @transform_0(%arg0: i32) -> (i32, i32) {
    %c0_i32 = arith.constant 0 : i32
    %c0_i32_0 = arith.constant 0 : i32
    return %arg0, %c0_i32 : i32, i32
  }
  func.func @transform_1(%arg0: i32) -> (i32, i32) {
    %c0_i32 = arith.constant 0 : i32
    %c0_i32_0 = arith.constant 0 : i32
    %c0_i32_1 = arith.constant 0 : i32
    return %c0_i32, %c0_i32_0 : i32, i32
  }
  func.func @transform_2(%arg0: i32) -> (i32, i32) {
    %c0_i32 = arith.constant 0 : i32
    %c0_i32_0 = arith.constant 0 : i32
    %c0_i32_1 = arith.constant 0 : i32
    return %c0_i32, %c0_i32_0 : i32, i32
  }
  func.func @transform_3(%arg0: i32) -> (i32, i32) {
    %c0_i32 = arith.constant 0 : i32
    %c0_i32_0 = arith.constant 0 : i32
    %c0_i32_1 = arith.constant 0 : i32
    return %c0_i32, %c0_i32_0 : i32, i32
  }
  func.func @transform_4(%arg0: i32) -> (i32, i32) {
    %c0_i32 = arith.constant 0 : i32
    %c0_i32_0 = arith.constant 0 : i32
    %c0_i32_1 = arith.constant 0 : i32
    return %c0_i32, %c0_i32_0 : i32, i32
  }
  func.func @transform_5(%arg0: i32) -> (i32, i32, i32) {
    %c0_i32 = arith.constant 0 : i32
    %c0_i32_0 = arith.constant 0 : i32
    %c0_i32_1 = arith.constant 0 : i32
    return %c0_i32, %arg0, %c0_i32_0 : i32, i32, i32
  }
}

module attributes {stable_mosaic.version = 14 : i64} {
  func.func @body(%arg0: i32, %arg1: memref<400x512xf32, #tpu.memory_space<vmem>>, %arg2: memref<512x512xf32, #tpu.memory_space<vmem>>, %arg3: memref<1x512xf32, #tpu.memory_space<vmem>>, %arg4: memref<512x512xf32, #tpu.memory_space<vmem>>, %arg5: memref<1x512xf32, #tpu.memory_space<vmem>>, %arg6: memref<4x400x128xf32, #tpu.memory_space<vmem>>) attributes {dimension_semantics = [#tpu.dimension_semantics<arbitrary>], iteration_bounds = array<i64: 25>, scalar_prefetch = 0 : i64, scratch_operands = 0 : i64, tpu.core_type = #tpu.core_type<tc>, window_params = [{transform_indices = @transform_0, window_bounds = array<i64: 400, 512>}, {pipeline_mode = #tpu.pipeline_mode<synchronous>, transform_indices = @transform_1, window_bounds = array<i64: 512, 512>}, {pipeline_mode = #tpu.pipeline_mode<synchronous>, transform_indices = @transform_2, window_bounds = array<i64: 1, 512>}, {pipeline_mode = #tpu.pipeline_mode<synchronous>, transform_indices = @transform_3, window_bounds = array<i64: 512, 512>}, {pipeline_mode = #tpu.pipeline_mode<synchronous>, transform_indices = @transform_4, window_bounds = array<i64: 1, 512>}, {transform_indices = @transform_5, window_bounds = array<i64: 4, 400, 128>}]} {
    %get3A = arith.constant 0 : index
    %get3A_0 = arith.constant 0 : index
    %get3A_1 = vector.load %arg1[%get3A, %get3A_0] : memref<400x512xf32, #tpu.memory_space<vmem>>, vector<400x512xf32>
    %get3A_2 = arith.constant 0 : index
    %get3A_3 = arith.constant 0 : index
    %get3A_4 = vector.load %arg2[%get3A_2, %get3A_3] : memref<512x512xf32, #tpu.memory_space<vmem>>, vector<512x512xf32>
    %dot_general3A = arith.constant dense<0.000000e+00> : vector<400x512xf32>
    %dot_general3A_5 = tpu.matmul %get3A_1, %get3A_4, %dot_general3A {dimension_numbers = #tpu.dot_dimension_numbers<[1], [0], [0], [1], [0, 0, 1, 1], [], []>, transpose_lhs_hint = false} : vector<400x512xf32>, vector<512x512xf32>, vector<400x512xf32> -> vector<400x512xf32>
    %get3A_6 = arith.constant 0 : index
    %get3A_7 = arith.constant 0 : index
    %get3A_8 = vector.load %arg3[%get3A_6, %get3A_7] : memref<1x512xf32, #tpu.memory_space<vmem>>, vector<1x512xf32>
    %add3A = vector.broadcast %get3A_8 : vector<1x512xf32> to vector<400x512xf32>
    %add3A_9 = arith.addf %dot_general3A_5, %add3A : vector<400x512xf32>
    %max3A = arith.constant 0.000000e+00 : f32
    %max3A_10 = vector.broadcast %max3A : f32 to vector<400x512xf32>
    %max3A_11 = arith.maximumf %add3A_9, %max3A_10 : vector<400x512xf32>
    %get3A_12 = arith.constant 0 : index
    %get3A_13 = arith.constant 0 : index
    %get3A_14 = vector.load %arg4[%get3A_12, %get3A_13] : memref<512x512xf32, #tpu.memory_space<vmem>>, vector<512x512xf32>
    %dot_general3A_15 = arith.constant dense<0.000000e+00> : vector<400x512xf32>
    %dot_general3A_16 = tpu.matmul %max3A_11, %get3A_14, %dot_general3A_15 {dimension_numbers = #tpu.dot_dimension_numbers<[1], [0], [0], [1], [0, 0, 1, 1], [], []>, transpose_lhs_hint = false} : vector<400x512xf32>, vector<512x512xf32>, vector<400x512xf32> -> vector<400x512xf32>
    %get3A_17 = arith.constant 0 : index
    %get3A_18 = arith.constant 0 : index
    %get3A_19 = vector.load %arg5[%get3A_17, %get3A_18] : memref<1x512xf32, #tpu.memory_space<vmem>>, vector<1x512xf32>
    %add3A_20 = vector.broadcast %get3A_19 : vector<1x512xf32> to vector<400x512xf32>
    %add3A_21 = arith.addf %dot_general3A_16, %add3A_20 : vector<400x512xf32>
    %slice3A = vector.extract_strided_slice %add3A_21 {offsets = [0, 0], sizes = [400, 128], strides = [1, 1]} : vector<400x512xf32> to vector<400x128xf32>
    %swap3A = arith.constant 0 : index
    %swap3A_22 = arith.constant 0 : index
    %swap3A_23 = arith.constant 0 : index
    %swap3A_24 = vector.load %arg6[%swap3A, %swap3A_22, %swap3A_23] : memref<4x400x128xf32, #tpu.memory_space<vmem>>, vector<1x400x128xf32>
    %swap3A_25 = vector.shape_cast %swap3A_24 : vector<1x400x128xf32> to vector<400x128xf32>
    %swap3A_26 = vector.shape_cast %slice3A : vector<400x128xf32> to vector<1x400x128xf32>
    tpu.vector_store %arg6[%swap3A, %swap3A_22, %swap3A_23], %swap3A_26 {strides = array<i32>} : memref<4x400x128xf32, #tpu.memory_space<vmem>>, vector<1x400x128xf32>,
    %slice3A_27 = vector.extract_strided_slice %add3A_21 {offsets = [0, 128], sizes = [400, 128], strides = [1, 1]} : vector<400x512xf32> to vector<400x128xf32>
    %swap3A_28 = arith.constant 1 : index
    %swap3A_29 = arith.constant 0 : index
    %swap3A_30 = arith.constant 0 : index
    %swap3A_31 = vector.load %arg6[%swap3A_28, %swap3A_29, %swap3A_30] : memref<4x400x128xf32, #tpu.memory_space<vmem>>, vector<1x400x128xf32>
    %swap3A_32 = vector.shape_cast %swap3A_31 : vector<1x400x128xf32> to vector<400x128xf32>
    %swap3A_33 = vector.shape_cast %slice3A_27 : vector<400x128xf32> to vector<1x400x128xf32>
    tpu.vector_store %arg6[%swap3A_28, %swap3A_29, %swap3A_30], %swap3A_33 {strides = array<i32>} : memref<4x400x128xf32, #tpu.memory_space<vmem>>, vector<1x400x128xf32>,
    %slice3A_34 = vector.extract_strided_slice %add3A_21 {offsets = [0, 256], sizes = [400, 128], strides = [1, 1]} : vector<400x512xf32> to vector<400x128xf32>
    %swap3A_35 = arith.constant 2 : index
    %swap3A_36 = arith.constant 0 : index
    %swap3A_37 = arith.constant 0 : index
    %swap3A_38 = vector.load %arg6[%swap3A_35, %swap3A_36, %swap3A_37] : memref<4x400x128xf32, #tpu.memory_space<vmem>>, vector<1x400x128xf32>
    %swap3A_39 = vector.shape_cast %swap3A_38 : vector<1x400x128xf32> to vector<400x128xf32>
    %swap3A_40 = vector.shape_cast %slice3A_34 : vector<400x128xf32> to vector<1x400x128xf32>
    tpu.vector_store %arg6[%swap3A_35, %swap3A_36, %swap3A_37], %swap3A_40 {strides = array<i32>} : memref<4x400x128xf32, #tpu.memory_space<vmem>>, vector<1x400x128xf32>,
    %slice3A_41 = vector.extract_strided_slice %add3A_21 {offsets = [0, 384], sizes = [400, 128], strides = [1, 1]} : vector<400x512xf32> to vector<400x128xf32>
    %swap3A_42 = arith.constant 3 : index
    %swap3A_43 = arith.constant 0 : index
    %swap3A_44 = arith.constant 0 : index
    %swap3A_45 = vector.load %arg6[%swap3A_42, %swap3A_43, %swap3A_44] : memref<4x400x128xf32, #tpu.memory_space<vmem>>, vector<1x400x128xf32>
    %swap3A_46 = vector.shape_cast %swap3A_45 : vector<1x400x128xf32> to vector<400x128xf32>
    %swap3A_47 = vector.shape_cast %slice3A_41 : vector<400x128xf32> to vector<1x400x128xf32>
    tpu.vector_store %arg6[%swap3A_42, %swap3A_43, %swap3A_44], %swap3A_47 {strides = array<i32>} : memref<4x400x128xf32, #tpu.memory_space<vmem>>, vector<1x400x128xf32>,
    return
  }
  func.func @transform_0(%arg0: i32) -> (i32, i32) {
    %c0_i32 = arith.constant 0 : i32
    %c0_i32_0 = arith.constant 0 : i32
    return %arg0, %c0_i32 : i32, i32
  }
  func.func @transform_1(%arg0: i32) -> (i32, i32) {
    %c0_i32 = arith.constant 0 : i32
    %c0_i32_0 = arith.constant 0 : i32
    %c0_i32_1 = arith.constant 0 : i32
    return %c0_i32, %c0_i32_0 : i32, i32
  }
  func.func @transform_2(%arg0: i32) -> (i32, i32) {
    %c0_i32 = arith.constant 0 : i32
    %c0_i32_0 = arith.constant 0 : i32
    %c0_i32_1 = arith.constant 0 : i32
    return %c0_i32, %c0_i32_0 : i32, i32
  }
  func.func @transform_3(%arg0: i32) -> (i32, i32) {
    %c0_i32 = arith.constant 0 : i32
    %c0_i32_0 = arith.constant 0 : i32
    %c0_i32_1 = arith.constant 0 : i32
    return %c0_i32, %c0_i32_0 : i32, i32
  }
  func.func @transform_4(%arg0: i32) -> (i32, i32) {
    %c0_i32 = arith.constant 0 : i32
    %c0_i32_0 = arith.constant 0 : i32
    %c0_i32_1 = arith.constant 0 : i32
    return %c0_i32, %c0_i32_0 : i32, i32
  }
  func.func @transform_5(%arg0: i32) -> (i32, i32, i32) {
    %c0_i32 = arith.constant 0 : i32
    %c0_i32_0 = arith.constant 0 : i32
    %c0_i32_1 = arith.constant 0 : i32
    return %c0_i32, %arg0, %c0_i32_0 : i32, i32, i32
  }
}

module attributes {stable_mosaic.version = 14 : i64} {
  func.func @body(%arg0: i32, %arg1: memref<4x400x128xf32, #tpu.memory_space<vmem>>, %arg2: memref<4x400x128xf32, #tpu.memory_space<vmem>>, %arg3: memref<1x1xf32, #tpu.memory_space<vmem>>, %arg4: memref<512x512xf32, #tpu.memory_space<vmem>>, %arg5: memref<1x512xf32, #tpu.memory_space<vmem>>, %arg6: memref<512x512xf32, #tpu.memory_space<vmem>>, %arg7: memref<512x512xf32, #tpu.memory_space<vmem>>, %arg8: memref<1x512xf32, #tpu.memory_space<vmem>>, %arg9: memref<1x512xf32, #tpu.memory_space<vmem>>, %arg10: memref<1x512xf32, #tpu.memory_space<vmem>>, %arg11: memref<400x512xf32, #tpu.memory_space<vmem>>) attributes {dimension_semantics = [#tpu.dimension_semantics<arbitrary>], iteration_bounds = array<i64: 25>, scalar_prefetch = 0 : i64, scratch_operands = 0 : i64, tpu.core_type = #tpu.core_type<tc>, window_params = [{transform_indices = @transform_0, window_bounds = array<i64: 4, 400, 128>}, {transform_indices = @transform_1, window_bounds = array<i64: 4, 400, 128>}, {pipeline_mode = #tpu.pipeline_mode<synchronous>, transform_indices = @transform_2, window_bounds = array<i64: 1, 1>}, {pipeline_mode = #tpu.pipeline_mode<synchronous>, transform_indices = @transform_3, window_bounds = array<i64: 512, 512>}, {pipeline_mode = #tpu.pipeline_mode<synchronous>, transform_indices = @transform_4, window_bounds = array<i64: 1, 512>}, {pipeline_mode = #tpu.pipeline_mode<synchronous>, transform_indices = @transform_5, window_bounds = array<i64: 512, 512>}, {pipeline_mode = #tpu.pipeline_mode<synchronous>, transform_indices = @transform_6, window_bounds = array<i64: 512, 512>}, {pipeline_mode = #tpu.pipeline_mode<synchronous>, transform_indices = @transform_7, window_bounds = array<i64: 1, 512>}, {pipeline_mode = #tpu.pipeline_mode<synchronous>, transform_indices = @transform_8, window_bounds = array<i64: 1, 512>}, {pipeline_mode = #tpu.pipeline_mode<synchronous>, transform_indices = @transform_9, window_bounds = array<i64: 1, 512>}, {transform_indices = @transform_10, window_bounds = array<i64: 400, 512>}]} {
    %get3A = arith.constant 0 : index
    %get3A_0 = arith.constant 0 : index
    %get3A_1 = arith.constant 0 : index
    %get3A_2 = vector.load %arg1[%get3A, %get3A_0, %get3A_1] : memref<4x400x128xf32, #tpu.memory_space<vmem>>, vector<1x400x128xf32>
    %get3A_3 = vector.shape_cast %get3A_2 : vector<1x400x128xf32> to vector<400x128xf32>
    %get3A_4 = arith.constant 1 : index
    %get3A_5 = arith.constant 0 : index
    %get3A_6 = arith.constant 0 : index
    %get3A_7 = vector.load %arg1[%get3A_4, %get3A_5, %get3A_6] : memref<4x400x128xf32, #tpu.memory_space<vmem>>, vector<1x400x128xf32>
    %get3A_8 = vector.shape_cast %get3A_7 : vector<1x400x128xf32> to vector<400x128xf32>
    %get3A_9 = arith.constant 2 : index
    %get3A_10 = arith.constant 0 : index
    %get3A_11 = arith.constant 0 : index
    %get3A_12 = vector.load %arg1[%get3A_9, %get3A_10, %get3A_11] : memref<4x400x128xf32, #tpu.memory_space<vmem>>, vector<1x400x128xf32>
    %get3A_13 = vector.shape_cast %get3A_12 : vector<1x400x128xf32> to vector<400x128xf32>
    %get3A_14 = arith.constant 3 : index
    %get3A_15 = arith.constant 0 : index
    %get3A_16 = arith.constant 0 : index
    %get3A_17 = vector.load %arg1[%get3A_14, %get3A_15, %get3A_16] : memref<4x400x128xf32, #tpu.memory_space<vmem>>, vector<1x400x128xf32>
    %get3A_18 = vector.shape_cast %get3A_17 : vector<1x400x128xf32> to vector<400x128xf32>
    %concatenate3A = tpu.concatenate %get3A_3, %get3A_8, %get3A_13, %get3A_18 in 1 : vector<400x128xf32>, vector<400x128xf32>, vector<400x128xf32>, vector<400x128xf32> -> vector<400x512xf32>
    %get3A_19 = arith.constant 0 : index
    %get3A_20 = arith.constant 0 : index
    %get3A_21 = arith.constant 0 : index
    %get3A_22 = vector.load %arg2[%get3A_19, %get3A_20, %get3A_21] : memref<4x400x128xf32, #tpu.memory_space<vmem>>, vector<1x400x128xf32>
    %get3A_23 = vector.shape_cast %get3A_22 : vector<1x400x128xf32> to vector<400x128xf32>
    %get3A_24 = arith.constant 1 : index
    %get3A_25 = arith.constant 0 : index
    %get3A_26 = arith.constant 0 : index
    %get3A_27 = vector.load %arg2[%get3A_24, %get3A_25, %get3A_26] : memref<4x400x128xf32, #tpu.memory_space<vmem>>, vector<1x400x128xf32>
    %get3A_28 = vector.shape_cast %get3A_27 : vector<1x400x128xf32> to vector<400x128xf32>
    %get3A_29 = arith.constant 2 : index
    %get3A_30 = arith.constant 0 : index
    %get3A_31 = arith.constant 0 : index
    %get3A_32 = vector.load %arg2[%get3A_29, %get3A_30, %get3A_31] : memref<4x400x128xf32, #tpu.memory_space<vmem>>, vector<1x400x128xf32>
    %get3A_33 = vector.shape_cast %get3A_32 : vector<1x400x128xf32> to vector<400x128xf32>
    %get3A_34 = arith.constant 3 : index
    %get3A_35 = arith.constant 0 : index
    %get3A_36 = arith.constant 0 : index
    %get3A_37 = vector.load %arg2[%get3A_34, %get3A_35, %get3A_36] : memref<4x400x128xf32, #tpu.memory_space<vmem>>, vector<1x400x128xf32>
    %get3A_38 = vector.shape_cast %get3A_37 : vector<1x400x128xf32> to vector<400x128xf32>
    %concatenate3A_39 = tpu.concatenate %get3A_23, %get3A_28, %get3A_33, %get3A_38 in 1 : vector<400x128xf32>, vector<400x128xf32>, vector<400x128xf32>, vector<400x128xf32> -> vector<400x512xf32>
    %get3A_40 = arith.constant 0 : index
    %get3A_41 = arith.constant 0 : index
    %get3A_42 = vector.load %arg3[%get3A_40, %get3A_41] : memref<1x1xf32, #tpu.memory_space<vmem>>, vector<1x1xf32>
    %get3A_43 = vector.extract %get3A_42[0, 0] : f32 from vector<1x1xf32>
    %add3A = arith.constant 1.000000e+00 : f32
    %add3A_44 = arith.addf %add3A, %get3A_43 : f32
    %mul3A = vector.broadcast %add3A_44 : f32 to vector<400x512xf32>
    %mul3A_45 = arith.mulf %mul3A, %concatenate3A : vector<400x512xf32>
    %add3A_46 = arith.addf %mul3A_45, %concatenate3A_39 : vector<400x512xf32>
    %get3A_47 = arith.constant 0 : index
    %get3A_48 = arith.constant 0 : index
    %get3A_49 = vector.load %arg4[%get3A_47, %get3A_48] : memref<512x512xf32, #tpu.memory_space<vmem>>, vector<512x512xf32>
    %dot_general3A = arith.constant dense<0.000000e+00> : vector<400x512xf32>
    %dot_general3A_50 = tpu.matmul %add3A_46, %get3A_49, %dot_general3A {dimension_numbers = #tpu.dot_dimension_numbers<[1], [0], [0], [1], [0, 0, 1, 1], [], []>, transpose_lhs_hint = false} : vector<400x512xf32>, vector<512x512xf32>, vector<400x512xf32> -> vector<400x512xf32>
    %get3A_51 = arith.constant 0 : index
    %get3A_52 = arith.constant 0 : index
    %get3A_53 = vector.load %arg5[%get3A_51, %get3A_52] : memref<1x512xf32, #tpu.memory_space<vmem>>, vector<1x512xf32>
    %add3A_54 = vector.broadcast %get3A_53 : vector<1x512xf32> to vector<400x512xf32>
    %add3A_55 = arith.addf %dot_general3A_50, %add3A_54 : vector<400x512xf32>
    %max3A = arith.constant 0.000000e+00 : f32
    %max3A_56 = vector.broadcast %max3A : f32 to vector<400x512xf32>
    %max3A_57 = arith.maximumf %add3A_55, %max3A_56 : vector<400x512xf32>
    %get3A_58 = arith.constant 0 : index
    %get3A_59 = arith.constant 0 : index
    %get3A_60 = vector.load %arg6[%get3A_58, %get3A_59] : memref<512x512xf32, #tpu.memory_space<vmem>>, vector<512x512xf32>
    %dot_general3A_61 = arith.constant dense<0.000000e+00> : vector<400x512xf32>
    %dot_general3A_62 = tpu.matmul %max3A_57, %get3A_60, %dot_general3A_61 {dimension_numbers = #tpu.dot_dimension_numbers<[1], [0], [0], [1], [0, 0, 1, 1], [], []>, transpose_lhs_hint = false} : vector<400x512xf32>, vector<512x512xf32>, vector<400x512xf32> -> vector<400x512xf32>
    %get3A_63 = arith.constant 0 : index
    %get3A_64 = arith.constant 0 : index
    %get3A_65 = vector.load %arg7[%get3A_63, %get3A_64] : memref<512x512xf32, #tpu.memory_space<vmem>>, vector<512x512xf32>
    %dot_general3A_66 = arith.constant dense<0.000000e+00> : vector<400x512xf32>
    %dot_general3A_67 = tpu.matmul %concatenate3A_39, %get3A_65, %dot_general3A_66 {dimension_numbers = #tpu.dot_dimension_numbers<[1], [0], [0], [1], [0, 0, 1, 1], [], []>, transpose_lhs_hint = false} : vector<400x512xf32>, vector<512x512xf32>, vector<400x512xf32> -> vector<400x512xf32>
    %add3A_68 = arith.addf %dot_general3A_62, %dot_general3A_67 : vector<400x512xf32>
    %get3A_69 = arith.constant 0 : index
    %get3A_70 = arith.constant 0 : index
    %get3A_71 = vector.load %arg8[%get3A_69, %get3A_70] : memref<1x512xf32, #tpu.memory_space<vmem>>, vector<1x512xf32>
    %add3A_72 = vector.broadcast %get3A_71 : vector<1x512xf32> to vector<400x512xf32>
    %add3A_73 = arith.addf %add3A_68, %add3A_72 : vector<400x512xf32>
    %reduce_sum3A = arith.constant dense<0.000000e+00> : vector<400xf32>
    %reduce_sum3A_74 = vector.multi_reduction <add>, %add3A_73, %reduce_sum3A [1] : vector<400x512xf32> to vector<400xf32>
    %broadcast_in_dim3A = vector.shape_cast %reduce_sum3A_74 : vector<400xf32> to vector<400x1xf32>
    %div3A = arith.constant 5.120000e+02 : f32
    %div3A_75 = vector.broadcast %div3A : f32 to vector<400x1xf32>
    %div3A_76 = arith.divf %broadcast_in_dim3A, %div3A_75 : vector<400x1xf32>
    %sub3A = vector.broadcast %div3A_76 : vector<400x1xf32> to vector<400x512xf32>
    %sub3A_77 = arith.subf %add3A_73, %sub3A : vector<400x512xf32>
    %integer_pow3A = arith.mulf %sub3A_77, %sub3A_77 : vector<400x512xf32>
    %reduce_sum3A_78 = arith.constant dense<0.000000e+00> : vector<400xf32>
    %reduce_sum3A_79 = vector.multi_reduction <add>, %integer_pow3A, %reduce_sum3A_78 [1] : vector<400x512xf32> to vector<400xf32>
    %broadcast_in_dim3A_80 = vector.shape_cast %reduce_sum3A_79 : vector<400xf32> to vector<400x1xf32>
    %div3A_81 = arith.constant 5.120000e+02 : f32
    %div3A_82 = vector.broadcast %div3A_81 : f32 to vector<400x1xf32>
    %div3A_83 = arith.divf %broadcast_in_dim3A_80, %div3A_82 : vector<400x1xf32>
    %sub3A_84 = vector.broadcast %div3A_76 : vector<400x1xf32> to vector<400x512xf32>
    %sub3A_85 = arith.subf %add3A_73, %sub3A_84 : vector<400x512xf32>
    %add3A_86 = arith.constant 9.99999974E-6 : f32
    %add3A_87 = vector.broadcast %add3A_86 : f32 to vector<400x1xf32>
    %add3A_88 = arith.addf %div3A_83, %add3A_87 : vector<400x1xf32>
    %sqrt3A = math.sqrt %add3A_88 : vector<400x1xf32>
    %div3A_89 = vector.broadcast %sqrt3A : vector<400x1xf32> to vector<400x512xf32>
    %div3A_90 = arith.divf %sub3A_85, %div3A_89 : vector<400x512xf32>
    %get3A_91 = arith.constant 0 : index
    %get3A_92 = arith.constant 0 : index
    %get3A_93 = vector.load %arg9[%get3A_91, %get3A_92] : memref<1x512xf32, #tpu.memory_space<vmem>>, vector<1x512xf32>
    %mul3A_94 = vector.broadcast %get3A_93 : vector<1x512xf32> to vector<400x512xf32>
    %mul3A_95 = arith.mulf %div3A_90, %mul3A_94 : vector<400x512xf32>
    %get3A_96 = arith.constant 0 : index
    %get3A_97 = arith.constant 0 : index
    %get3A_98 = vector.load %arg10[%get3A_96, %get3A_97] : memref<1x512xf32, #tpu.memory_space<vmem>>, vector<1x512xf32>
    %add3A_99 = vector.broadcast %get3A_98 : vector<1x512xf32> to vector<400x512xf32>
    %add3A_100 = arith.addf %mul3A_95, %add3A_99 : vector<400x512xf32>
    %swap3A = arith.constant 0 : index
    %swap3A_101 = arith.constant 0 : index
    %swap3A_102 = vector.load %arg11[%swap3A, %swap3A_101] : memref<400x512xf32, #tpu.memory_space<vmem>>, vector<400x512xf32>
    tpu.vector_store %arg11[%swap3A, %swap3A_101], %add3A_100 {strides = array<i32>} : memref<400x512xf32, #tpu.memory_space<vmem>>, vector<400x512xf32>,
    return
  }
  func.func @transform_0(%arg0: i32) -> (i32, i32, i32) {
    %c0_i32 = arith.constant 0 : i32
    %c0_i32_0 = arith.constant 0 : i32
    %c0_i32_1 = arith.constant 0 : i32
    return %c0_i32, %arg0, %c0_i32_0 : i32, i32, i32
  }
  func.func @transform_1(%arg0: i32) -> (i32, i32, i32) {
    %c0_i32 = arith.constant 0 : i32
    %c0_i32_0 = arith.constant 0 : i32
    %c0_i32_1 = arith.constant 0 : i32
    return %c0_i32, %arg0, %c0_i32_0 : i32, i32, i32
  }
  func.func @transform_2(%arg0: i32) -> (i32, i32) {
    %c0_i32 = arith.constant 0 : i32
    %c0_i32_0 = arith.constant 0 : i32
    %c0_i32_1 = arith.constant 0 : i32
    return %c0_i32, %c0_i32_0 : i32, i32
  }
  func.func @transform_3(%arg0: i32) -> (i32, i32) {
    %c0_i32 = arith.constant 0 : i32
    %c0_i32_0 = arith.constant 0 : i32
    %c0_i32_1 = arith.constant 0 : i32
    return %c0_i32, %c0_i32_0 : i32, i32
  }
  func.func @transform_4(%arg0: i32) -> (i32, i32) {
    %c0_i32 = arith.constant 0 : i32
    %c0_i32_0 = arith.constant 0 : i32
    %c0_i32_1 = arith.constant 0 : i32
    return %c0_i32, %c0_i32_0 : i32, i32
  }
  func.func @transform_5(%arg0: i32) -> (i32, i32) {
    %c0_i32 = arith.constant 0 : i32
    %c0_i32_0 = arith.constant 0 : i32
    %c0_i32_1 = arith.constant 0 : i32
    return %c0_i32, %c0_i32_0 : i32, i32
  }
  func.func @transform_6(%arg0: i32) -> (i32, i32) {
    %c0_i32 = arith.constant 0 : i32
    %c0_i32_0 = arith.constant 0 : i32
    %c0_i32_1 = arith.constant 0 : i32
    return %c0_i32, %c0_i32_0 : i32, i32
  }
  func.func @transform_7(%arg0: i32) -> (i32, i32) {
    %c0_i32 = arith.constant 0 : i32
    %c0_i32_0 = arith.constant 0 : i32
    %c0_i32_1 = arith.constant 0 : i32
    return %c0_i32, %c0_i32_0 : i32, i32
  }
  func.func @transform_8(%arg0: i32) -> (i32, i32) {
    %c0_i32 = arith.constant 0 : i32
    %c0_i32_0 = arith.constant 0 : i32
    %c0_i32_1 = arith.constant 0 : i32
    return %c0_i32, %c0_i32_0 : i32, i32
  }
  func.func @transform_9(%arg0: i32) -> (i32, i32) {
    %c0_i32 = arith.constant 0 : i32
    %c0_i32_0 = arith.constant 0 : i32
    %c0_i32_1 = arith.constant 0 : i32
    return %c0_i32, %c0_i32_0 : i32, i32
  }
  func.func @transform_10(%arg0: i32) -> (i32, i32) {
    %c0_i32 = arith.constant 0 : i32
    %c0_i32_0 = arith.constant 0 : i32
    return %arg0, %c0_i32 : i32, i32
  }
}

module attributes {stable_mosaic.version = 14 : i64} {
  func.func @body(%arg0: i32, %arg1: memref<400x512xf32, #tpu.memory_space<vmem>>, %arg2: memref<512x512xf32, #tpu.memory_space<vmem>>, %arg3: memref<512x512xf32, #tpu.memory_space<vmem>>, %arg4: memref<2x400x512xf32, #tpu.memory_space<vmem>>) attributes {dimension_semantics = [#tpu.dimension_semantics<arbitrary>], iteration_bounds = array<i64: 25>, scalar_prefetch = 0 : i64, scratch_operands = 0 : i64, tpu.core_type = #tpu.core_type<tc>, window_params = [{transform_indices = @transform_0, window_bounds = array<i64: 400, 512>}, {pipeline_mode = #tpu.pipeline_mode<synchronous>, transform_indices = @transform_1, window_bounds = array<i64: 512, 512>}, {pipeline_mode = #tpu.pipeline_mode<synchronous>, transform_indices = @transform_2, window_bounds = array<i64: 512, 512>}, {transform_indices = @transform_3, window_bounds = array<i64: 2, 400, 512>}]} {
    %get3A = arith.constant 0 : index
    %get3A_0 = arith.constant 0 : index
    %get3A_1 = vector.load %arg1[%get3A, %get3A_0] : memref<400x512xf32, #tpu.memory_space<vmem>>, vector<400x512xf32>
    %get3A_2 = arith.constant 0 : index
    %get3A_3 = arith.constant 0 : index
    %get3A_4 = vector.load %arg2[%get3A_2, %get3A_3] : memref<512x512xf32, #tpu.memory_space<vmem>>, vector<512x512xf32>
    %dot_general3A = arith.constant dense<0.000000e+00> : vector<400x512xf32>
    %dot_general3A_5 = tpu.matmul %get3A_1, %get3A_4, %dot_general3A {dimension_numbers = #tpu.dot_dimension_numbers<[1], [0], [0], [1], [0, 0, 1, 1], [], []>, transpose_lhs_hint = false} : vector<400x512xf32>, vector<512x512xf32>, vector<400x512xf32> -> vector<400x512xf32>
    %swap3A = arith.constant 0 : index
    %swap3A_6 = arith.constant 0 : index
    %swap3A_7 = arith.constant 0 : index
    %swap3A_8 = vector.load %arg4[%swap3A, %swap3A_6, %swap3A_7] : memref<2x400x512xf32, #tpu.memory_space<vmem>>, vector<1x400x512xf32>
    %swap3A_9 = vector.shape_cast %swap3A_8 : vector<1x400x512xf32> to vector<400x512xf32>
    %swap3A_10 = vector.shape_cast %dot_general3A_5 : vector<400x512xf32> to vector<1x400x512xf32>
    tpu.vector_store %arg4[%swap3A, %swap3A_6, %swap3A_7], %swap3A_10 {strides = array<i32>} : memref<2x400x512xf32, #tpu.memory_space<vmem>>, vector<1x400x512xf32>,
    %get3A_11 = arith.constant 0 : index
    %get3A_12 = arith.constant 0 : index
    %get3A_13 = vector.load %arg1[%get3A_11, %get3A_12] : memref<400x512xf32, #tpu.memory_space<vmem>>, vector<400x512xf32>
    %get3A_14 = arith.constant 0 : index
    %get3A_15 = arith.constant 0 : index
    %get3A_16 = vector.load %arg3[%get3A_14, %get3A_15] : memref<512x512xf32, #tpu.memory_space<vmem>>, vector<512x512xf32>
    %dot_general3A_17 = arith.constant dense<0.000000e+00> : vector<400x512xf32>
    %dot_general3A_18 = tpu.matmul %get3A_13, %get3A_16, %dot_general3A_17 {dimension_numbers = #tpu.dot_dimension_numbers<[1], [0], [0], [1], [0, 0, 1, 1], [], []>, transpose_lhs_hint = false} : vector<400x512xf32>, vector<512x512xf32>, vector<400x512xf32> -> vector<400x512xf32>
    %swap3A_19 = arith.constant 1 : index
    %swap3A_20 = arith.constant 0 : index
    %swap3A_21 = arith.constant 0 : index
    %swap3A_22 = vector.load %arg4[%swap3A_19, %swap3A_20, %swap3A_21] : memref<2x400x512xf32, #tpu.memory_space<vmem>>, vector<1x400x512xf32>
    %swap3A_23 = vector.shape_cast %swap3A_22 : vector<1x400x512xf32> to vector<400x512xf32>
    %swap3A_24 = vector.shape_cast %dot_general3A_18 : vector<400x512xf32> to vector<1x400x512xf32>
    tpu.vector_store %arg4[%swap3A_19, %swap3A_20, %swap3A_21], %swap3A_24 {strides = array<i32>} : memref<2x400x512xf32, #tpu.memory_space<vmem>>, vector<1x400x512xf32>,
    return
  }
  func.func @transform_0(%arg0: i32) -> (i32, i32) {
    %c0_i32 = arith.constant 0 : i32
    %c0_i32_0 = arith.constant 0 : i32
    return %arg0, %c0_i32 : i32, i32
  }
  func.func @transform_1(%arg0: i32) -> (i32, i32) {
    %c0_i32 = arith.constant 0 : i32
    %c0_i32_0 = arith.constant 0 : i32
    %c0_i32_1 = arith.constant 0 : i32
    return %c0_i32, %c0_i32_0 : i32, i32
  }
  func.func @transform_2(%arg0: i32) -> (i32, i32) {
    %c0_i32 = arith.constant 0 : i32
    %c0_i32_0 = arith.constant 0 : i32
    %c0_i32_1 = arith.constant 0 : i32
    return %c0_i32, %c0_i32_0 : i32, i32
  }
  func.func @transform_3(%arg0: i32) -> (i32, i32, i32) {
    %c0_i32 = arith.constant 0 : i32
    %c0_i32_0 = arith.constant 0 : i32
    %c0_i32_1 = arith.constant 0 : i32
    return %c0_i32, %arg0, %c0_i32_0 : i32, i32, i32
  }
}

module attributes {stable_mosaic.version = 14 : i64} {
  func.func @body(%arg0: i32, %arg1: memref<400x512xf32, #tpu.memory_space<vmem>>, %arg2: memref<400x512xf32, #tpu.memory_space<vmem>>, %arg3: memref<1x512xf32, #tpu.memory_space<vmem>>, %arg4: memref<512x256xf32, #tpu.memory_space<vmem>>, %arg5: memref<1x256xf32, #tpu.memory_space<vmem>>, %arg6: memref<400x256xf32, #tpu.memory_space<vmem>>) attributes {dimension_semantics = [#tpu.dimension_semantics<arbitrary>], iteration_bounds = array<i64: 400>, scalar_prefetch = 0 : i64, scratch_operands = 0 : i64, tpu.core_type = #tpu.core_type<tc>, window_params = [{transform_indices = @transform_0, window_bounds = array<i64: 400, 512>}, {transform_indices = @transform_1, window_bounds = array<i64: 400, 512>}, {pipeline_mode = #tpu.pipeline_mode<synchronous>, transform_indices = @transform_2, window_bounds = array<i64: 1, 512>}, {pipeline_mode = #tpu.pipeline_mode<synchronous>, transform_indices = @transform_3, window_bounds = array<i64: 512, 256>}, {pipeline_mode = #tpu.pipeline_mode<synchronous>, transform_indices = @transform_4, window_bounds = array<i64: 1, 256>}, {transform_indices = @transform_5, window_bounds = array<i64: 400, 256>}]} {
    %get3A = arith.constant 0 : index
    %get3A_0 = arith.constant 0 : index
    %get3A_1 = vector.load %arg1[%get3A, %get3A_0] : memref<400x512xf32, #tpu.memory_space<vmem>>, vector<400x512xf32>
    %get3A_2 = arith.constant 0 : index
    %get3A_3 = arith.constant 0 : index
    %get3A_4 = vector.load %arg2[%get3A_2, %get3A_3] : memref<400x512xf32, #tpu.memory_space<vmem>>, vector<400x512xf32>
    %add3A = arith.addf %get3A_1, %get3A_4 : vector<400x512xf32>
    %get3A_5 = arith.constant 0 : index
    %get3A_6 = arith.constant 0 : index
    %get3A_7 = vector.load %arg3[%get3A_5, %get3A_6] : memref<1x512xf32, #tpu.memory_space<vmem>>, vector<1x512xf32>
    %add3A_8 = vector.broadcast %get3A_7 : vector<1x512xf32> to vector<400x512xf32>
    %add3A_9 = arith.addf %add3A, %add3A_8 : vector<400x512xf32>
    %max3A = arith.constant 0.000000e+00 : f32
    %max3A_10 = vector.broadcast %max3A : f32 to vector<400x512xf32>
    %max3A_11 = arith.maximumf %add3A_9, %max3A_10 : vector<400x512xf32>
    %get3A_12 = arith.constant 0 : index
    %get3A_13 = arith.constant 0 : index
    %get3A_14 = vector.load %arg4[%get3A_12, %get3A_13] : memref<512x256xf32, #tpu.memory_space<vmem>>, vector<512x256xf32>
    %dot_general3A = arith.constant dense<0.000000e+00> : vector<400x256xf32>
    %dot_general3A_15 = tpu.matmul %max3A_11, %get3A_14, %dot_general3A {dimension_numbers = #tpu.dot_dimension_numbers<[1], [0], [0], [1], [0, 0, 1, 1], [], []>, transpose_lhs_hint = false} : vector<400x512xf32>, vector<512x256xf32>, vector<400x256xf32> -> vector<400x256xf32>
    %get3A_16 = arith.constant 0 : index
    %get3A_17 = arith.constant 0 : index
    %get3A_18 = vector.load %arg5[%get3A_16, %get3A_17] : memref<1x256xf32, #tpu.memory_space<vmem>>, vector<1x256xf32>
    %add3A_19 = vector.broadcast %get3A_18 : vector<1x256xf32> to vector<400x256xf32>
    %add3A_20 = arith.addf %dot_general3A_15, %add3A_19 : vector<400x256xf32>
    %swap3A = arith.constant 0 : index
    %swap3A_21 = arith.constant 0 : index
    %swap3A_22 = vector.load %arg6[%swap3A, %swap3A_21] : memref<400x256xf32, #tpu.memory_space<vmem>>, vector<400x256xf32>
    tpu.vector_store %arg6[%swap3A, %swap3A_21], %add3A_20 {strides = array<i32>} : memref<400x256xf32, #tpu.memory_space<vmem>>, vector<400x256xf32>,
    return
  }
  func.func @transform_0(%arg0: i32) -> (i32, i32) {
    %c0_i32 = arith.constant 0 : i32
    %c0_i32_0 = arith.constant 0 : i32
    return %arg0, %c0_i32 : i32, i32
  }
  func.func @transform_1(%arg0: i32) -> (i32, i32) {
    %c0_i32 = arith.constant 0 : i32
    %c0_i32_0 = arith.constant 0 : i32
    return %arg0, %c0_i32 : i32, i32
  }
  func.func @transform_2(%arg0: i32) -> (i32, i32) {
    %c0_i32 = arith.constant 0 : i32
    %c0_i32_0 = arith.constant 0 : i32
    %c0_i32_1 = arith.constant 0 : i32
    return %c0_i32, %c0_i32_0 : i32, i32
  }
  func.func @transform_3(%arg0: i32) -> (i32, i32) {
    %c0_i32 = arith.constant 0 : i32
    %c0_i32_0 = arith.constant 0 : i32
    %c0_i32_1 = arith.constant 0 : i32
    return %c0_i32, %c0_i32_0 : i32, i32
  }
  func.func @transform_4(%arg0: i32) -> (i32, i32) {
    %c0_i32 = arith.constant 0 : i32
    %c0_i32_0 = arith.constant 0 : i32
    %c0_i32_1 = arith.constant 0 : i32
    return %c0_i32, %c0_i32_0 : i32, i32
  }
  func.func @transform_5(%arg0: i32) -> (i32, i32) {
    %c0_i32 = arith.constant 0 : i32
    %c0_i32_0 = arith.constant 0 : i32
    return %arg0, %c0_i32 : i32, i32
  }
}

</mosaic_0001>

<sc_bundles>
// kernel: kernel.14.cloned.1.call-start
scs
__scs_entry_jumppad:
0x0: {  	(pc) =	sbr.rel $0x88, $3  }
0x1: {  	(tag) =	ssettag $0x0;
	lr =	simm.s32 $0x1  }
0x2: {  	[smem:$0x3F74] =	sst lr;
	_ =	strace $0xD0000000  }
0x3: {  	_ = 	snop  }
0x4: {  	_ = 	snop  }
0x5: {  	_ = 	snop  }
0x6: {  	_ = 	snop  }
0x7: {  	_ = 	snop  }
__scs_overlays_trampoline_lowered:
0x8: {  	[smem:$0x3F83] =	sst s0  }
0x9: {  	[smem:$0x3F84] =	sst s1  }
0xa: {  	[smem:$0x3F85] =	sst s2  }
0xb: {  	[smem:$0x3F86] =	sst s3  }
0xc: {  	[smem:$0x3F87] =	sst s4  }
0xd: {  	[smem:$0x3F88] =	sst s5  }
0xe: {  	[smem:$0x3F89] =	sst s6  }
0xf: {  	[smem:$0x3F8A] =	sst s7  }
0x10: {  	[smem:$0x3F8B] =	sst s8  }
0x11: {  	[smem:$0x3F8C] =	sst s9;
	s0 =	simm.s32 @!p0 $0x0  }
0x12: {  	s1 =	sld [smem:$0x3F72];
	s0 =	simm.s32 @p0 $0x1  }
0x13: {  	[smem:$0x3F8D] =	sst s0;
	s0 =	simm.s32 @!p1 $0x0  }
0x14: {  	s2 =	sld [smem:$0x3F71];
	s0 =	simm.s32 @p1 $0x1  }
0x15: {  	[smem:$0x3F8E] =	sst s0;
	s0 =	simm.s32 @!p2 $0x0  }
0x16: {  	s3 =	sld [smem:$0x3FDB];
	s0 =	simm.s32 @p2 $0x1  }
0x17: {  	s4 =	simm.s32 $0x1BF5;
	[smem:$0x3F90] =	sst s0  }
0x18: {  	s0 =	sld [smem:$0x3F73];
	_ =	swait.ge [sflag:s4], $0x0  }
0x19: {  	s7 =	sld [smem:$0x3F74]  }
0x1a: {  	s8 =	sadd.s32 $0xFFFFE003, lr  }
0x1b: {  	s9 =	sadd.s32 $0xFFFFFEF7, lr;
	s5 =	simm.s32 $0xFFFFFFFF;
	p2 =	slt.u32 s8, $0xFFFFF086  }
0x1c: {  	p1 =	slt.u32 s9, $0xF7A;
	s5 =	simm.s32 @!p2 $0x0  }
0x1d: {  	s5 =	simm.s32 @p1 $0x1;
	p0 =	seq.s32 s7, s2  }
0x1e: {  	s7 =	smul.u32 @!p0 $0xF7A, s2;
	p2 =	seq.s32 @!p0 s5, $0x0  }
0x1f: {  	s9 =	smul.u32 $0xF7A, s1;
	s8 =	simm.s32 @!p0 $0x1BF5;
	p2 =	por !p2, p0  }
0x20: {  	[sflag:s8] =	ssyncset.s32 @!p0 $0xFFFFF086;
	s6 =	sadd.s32 @!p0 s3, s7;
	s7 =	simm.s32 @!p0 $0x108  }
0x21: {  	s3 =	sadd.s32 s3, s9;
	s6 =	sadd.s32 @!p0 $0x88, s6;
	s7 =	simm.s32 @p2 $0x1082  }
0x22: {  	[simem:s7], [sflag:s8] =	dma.local @!p0 [hbm:s6], $0xF7A  }
0x23: {  	s9 =	sor.u32 $0xD0000000, s2;
	s6 =	simm.s32 $0x108;
	_ =	swait.ge @!p0 [sflag:s8], $0x0  }
0x24: {  	s3 =	sadd.s32 $0x88, s3;
	s6 =	simm.s32 @!p1 $0x1082;
	[sflag:s4] =	ssyncset.s32 $0xFFFFF086  }
0x25: {  	[simem:s6], [sflag:s4] =	dma.local [hbm:s3], $0xF7A  }
0x26: {  	[smem:$0x3F74] =	sst s1;
	(tag) =	ssettag s2;
	_ =	strace s9  }
0x27: {  	s1 =	sld [smem:$0x3F84]  }
0x28: {  	s2 =	sld [smem:$0x3F85]  }
0x29: {  	s4 =	sld [smem:$0x3F87]  }
0x2a: {  	p0 =	seq.s32 s5, $0x0;
	s5 =	sld [smem:$0x3F88]  }
0x2b: {  	s6 =	sld [smem:$0x3F89]  }
0x2c: {  	s7 =	sld [smem:$0x3F8A]  }
0x2d: {  	s3 =	simm.s32 $0x108;
	s8 =	sld [smem:$0x3F8B]  }
0x2e: {  	s3 =	simm.s32 @!p0 $0x1082;
	s9 =	sld [smem:$0x3F8C]  }
0x2f: {  	lr =	sadd.s32 s0, s3;
	s0 =	sld [smem:$0x3F83]  }
0x30: {  	s3 =	sld [smem:$0x3F86]  }
0x31: {  	[smem:$0x3F8F] =	sst s10  }
0x32: {  	s10 =	sld [smem:$0x3F8D];
	_ =	sdelay $0x3  }
0x33: {  	p0 =	seq.s32 s10, $0x1;
	s10 =	sld [smem:$0x3F8F];
	_ =	sdelay $0x3  }
0x34: {  	[smem:$0x3F8F] =	sst s10  }
0x35: {  	s10 =	sld [smem:$0x3F8E];
	_ =	sdelay $0x3  }
0x36: {  	p1 =	seq.s32 s10, $0x1;
	s10 =	sld [smem:$0x3F8F];
	_ =	sdelay $0x3  }
0x37: {  	[smem:$0x3F8F] =	sst s10  }
0x38: {  	s10 =	sld [smem:$0x3F90]  }
0x39: {  	_ = 	snop;
	(pc) =	sbr.ind lr, $3  }
0x3a: {  	_ = 	snop  }
0x3b: {  	_ = 	snop  }
0x3c: {  	p2 =	seq.s32 s10, $0x1;
	s10 =	sld [smem:$0x3F8F]  }
0x3d: {  	_ =	shalt  }
0x3e: {  	_ =	shalt  }
0x3f: {  	_ =	shalt  }
0x40: {  	_ =	shalt  }
0x41: {  	_ =	shalt  }
0x42: {  	_ =	shalt  }
0x43: {  	_ =	shalt  }
0x44: {  	_ =	shalt  }
0x45: {  	_ =	shalt  }
0x46: {  	_ =	shalt  }
0x47: {  	_ =	shalt  }
0x48: {  	_ =	shalt  }
0x49: {  	_ =	shalt  }
0x4a: {  	_ =	shalt  }
0x4b: {  	_ =	shalt  }
0x4c: {  	_ =	shalt  }
0x4d: {  	_ =	shalt  }
0x4e: {  	_ =	shalt  }
0x4f: {  	_ =	shalt  }
0x50: {  	_ =	shalt  }
0x51: {  	_ =	shalt  }
0x52: {  	_ =	shalt  }
0x53: {  	_ =	shalt  }
0x54: {  	_ =	shalt  }
0x55: {  	_ =	shalt  }
0x56: {  	_ =	shalt  }
0x57: {  	_ =	shalt  }
0x58: {  	_ =	shalt  }
0x59: {  	_ =	shalt  }
0x5a: {  	_ =	shalt  }
0x5b: {  	_ =	shalt  }
0x5c: {  	_ =	shalt  }
0x5d: {  	_ =	shalt  }
0x5e: {  	_ =	shalt  }
0x5f: {  	_ =	shalt  }
0x60: {  	_ =	shalt  }
0x61: {  	_ =	shalt  }
0x62: {  	_ =	shalt  }
0x63: {  	_ =	shalt  }
0x64: {  	_ =	shalt  }
0x65: {  	_ =	shalt  }
0x66: {  	_ =	shalt  }
0x67: {  	_ =	shalt  }
0x68: {  	_ =	shalt  }
0x69: {  	_ =	shalt  }
0x6a: {  	_ =	shalt  }
0x6b: {  	_ =	shalt  }
0x6c: {  	_ =	shalt  }
0x6d: {  	_ =	shalt  }
0x6e: {  	_ =	shalt  }
0x6f: {  	_ =	shalt  }
0x70: {  	_ =	shalt  }
0x71: {  	_ =	shalt  }
0x72: {  	_ =	shalt  }
0x73: {  	_ =	shalt  }
0x74: {  	_ =	shalt  }
0x75: {  	_ =	shalt  }
0x76: {  	_ =	shalt  }
0x77: {  	_ =	shalt  }
0x78: {  	_ =	shalt  }
0x79: {  	_ =	shalt  }
0x7a: {  	_ =	shalt  }
0x7b: {  	_ =	shalt  }
0x7c: {  	_ =	shalt  }
0x7d: {  	_ =	shalt  }
0x7e: {  	_ =	shalt  }
0x7f: {  	_ =	shalt  }
0x80: {  	_ =	shalt  }
0x81: {  	_ =	shalt  }
0x82: {  	_ =	shalt  }
0x83: {  	_ =	shalt  }
0x84: {  	_ =	shalt  }
0x85: {  	_ =	shalt  }
0x86: {  	_ =	shalt  }
0x87: {  	_ =	shalt  }
.Lfunc_end0:
.L_simem_size_0:
called_computation_lowered:
.L_overlay_start_0:
0x88: {  	s2 =	sld [smem:$0x3FD9]  }
0x89: {  	s3 =	sld [smem:$0x3FFE];
	_ =	sdelay $0x1  }
0x8a: {  	s1 =	srdreg.scid  }
0x8b: {  	s0 =	sand.u32 $0x1, s1  }
0x8c: {  	s17 =	sshll.u32 s0, $0xA;
	s2 =	sadd.s32 s3, s2  }
0x8d: {  	s2 =	sadd.s32 s2, s17  }
0x8e: {  	[smem:$0x3F9B] =	sst s2  }
0x8f: {  	_ = 	snop  }
0x90: {  	s2 =	sld [smem:$0x3FD0];
	(tm) =	ssettm $0x1  }
0x91: {  	s18 =	sld [smem:$0x3FFB];
	_ =	sdelay $0x3  }
0x92: {  	_ =	strace s18  }
0x93: {  	s3 =	sld [smem:$0x3FFC];
	_ =	sdelay $0x3  }
0x94: {  	_ =	strace s3  }
0x95: {  	s3 =	sld [smem:$0x3FFD];
	_ =	sdelay $0x3  }
0x96: {  	_ =	strace s3  }
0x97: {  	_ =	strace $0x8FFFFFFF  }
0x98: {  	s19 =	sld [smem:$0x3FDB];
	_ =	sdelay $0x1  }
0x99: {  	s4 =	simm.s32 $_scs_section_size  }
0x9a: {  	s5 =	simm.s32 $_size__tile_overlayer_lowered;
	s6 =	simm.s32 $_tile_overlayer_lowered  }
0x9b: {  	s22 =	simm.s32 $0x1BFF;
	s21 =	sshll.u32 s6, $0x1;
	s3 =	sadd.s32 s4, s19  }
0x9c: {  	s7 =	simm.s32 $0x0;
	s20 =	sshll.u32 s5, $0x1;
	s5 =	sadd.s32 s21, s3  }
0x9d: {  	[timem:s7], [sflag:s22] =	dma.local [hbm:s5], s20  }
0x9e: {  	_ =	swait.ge [sflag:s22], s20  }
0x9f: {  	s4 =	ssub.s32 $0x0, s20;
	[sflag:s22] =	ssyncset.done $0x0  }
0xa0: {  	[sflag:s22] =	ssyncadd.s32 s4;
	_ =	sdelay $0x1  }
0xa1: {  	s23 =	simm.s32 $0x1B8B  }
0xa2: {  	_ =	swait.ge [sflag:s23], $0x1  }
0xa3: {  	[sflag:s23] =	ssyncset.done $0x0  }
0xa4: {  	s25 =	simm.s32 $0x1B8E;
	s24 =	sld [smem:$0x3FFE];
	[sflag:s23] =	ssyncadd.s32 $0xFFFFFFFF  }
0xa5: {  	s26 =	simm.s32 $execute0_lowered;
	[smem:$0x3FD2] =	sst s25  }
0xa6: {  	s5 =	sshll.u32 s26, $0x1;
	_ =	strace $0x80000046;
	[dreg:$0x1] =	wrdreg $0xFFFFFFFF  }
0xa7: {  	s28 =	simm.s32 $_size_execute0_lowered;
	s3 =	sadd.s32 s3, s5;
	[dreg:$0x0] =	wrdreg $0x0  }
0xa8: {  	s5 =	sshll.u32 s28, $0x1;
	[dreg:$0x2] =	wrdreg s3  }
0xa9: {  	[dreg:$0x3] =	wrdreg s5  }
0xaa: {  	[dreg:$0x4] =	wrdreg $0xC0  }
0xab: {  	_ =	task [dreg:s7], $0x5FFFF  }
0xac: {  	[dreg:$0x1] =	wrdreg $0xFFFFFFFF  }
0xad: {  	[dreg:$0x0] =	wrdreg $0x60  }
0xae: {  	[dreg:$0x2] =	wrdreg s2  }
0xaf: {  	[dreg:$0x3] =	wrdreg s24  }
0xb0: {  	[dreg:$0x4] =	wrdreg $0x0  }
0xb1: {  	[dreg:$0x5] =	wrdreg $0x9  }
0xb2: {  	_ =	task.clear_ibuf [dreg:s7], $0x6FFFF;
	_ =	strace $0x90000046  }
0xb3: {  	s29 =	simm.s32 $0x9;
	_ =	strace $0x80000048  }
0xb4: {  	_ =	swait.ge [sflag:s29], $0x1  }
0xb5: {  	[sflag:s29] =	ssyncadd.s32 $0xFFFFFFFF  }
0xb6: {  	_ =	strace $0x90000048  }
0xb7: {  	_ =	sfence  }
0xb8: {  	s30 =	sld [smem:$0x0];
	_ =	sdelay $0x2  }
0xb9: {  	s31 =	sshll.u32 s1, $0xD;
	s1 =	sshrl.u32 s1, $0x2  }
0xba: {  	s3 =	sand.u32 $0x4000, s31;
	s1 =	sadd.s32 s1, s30  }
0xbb: {  	s0 =	sor.u32 s3, s0;
	s1 =	sshll.u32 s1, $0x11  }
0xbc: {  	s0 =	sor.u32 s1, s0  }
0xbd: {  	s0 =	sadd.s32 $0x8F2B, s0  }
0xbe: {  	[sflag:s0] =	ssyncadd.remote.s32 $0x1  }
0xbf: {  	_ =	sfence.sel $0xFFFF  }
0xc0: {  	[dreg:$0x0] =	wrdreg $0xFFFFFFFF;
	(pc) =	sbr.abs _section_cstart, $3  }
0xc1: {  	[dreg:$0x1] =	wrdreg $0xFFFFFFFF  }
0xc2: {  	_ =	task.clear_ibuf [dreg:s7], $0x2FFFF;
	_ =	strace $0x9FFFFFFF  }
0xc3: {  	(tm) =	ssettm $0x7FFFFFFF  }
tec
execute0_lowered:
.L_overlay_start_1:
0x0: {  	(tag) =	ssettag $0x1  }
0x1: {  	s1 =	rddreg [dreg:$0x0]  }
0x2: {  	s0 =	rddreg [dreg:$0x1]  }
0x3: {  	s2 =	rddreg [dreg:$0x2]  }
0x4: {  	s4 =	simm.s32 $0x0;
	s3 =	srdreg.scid;
	s16 =	stileid.u32  }
0x5: {  	s28 =	simm.s32 $0x4;
	s29 =	simm.s32 $0x13D80;
	s6 =	smul.u32 $0x278, s16  }
0x6: {  	s30 =	simm.s32 $0x16600;
	s31 =	simm.s32 $0x1;
	s11 =	smul.u32 $0x4F000, s16  }
0x7: {  	[smem:$0x7FF] =	sst s4;
	s5 =	sadd.s32 $0x10A00, s0;
	s13 =	smul.u32 $0x2710, s16  }
0x8: {  	s3 =	sand.u32 $0x1, s3;
	s7 =	sadd.s32 $0x6A00, s0;
	s22 =	smul.u32 $0x4E2, s16  }
0x9: {  	s0 =	sadd.s32 $0x24400, s0;
	s17 =	sshll.u32 s16, $0x6;
	s9 =	smul.u32 $0x4F00, s3  }
0xa: {  	_ =	strace $0x80000047;
	s8 =	ssub.s32 $0x2, s3;
	s14 =	smul.u32 $0x4E200, s3  }
0xb: {  	s3 =	sshllo.u32 s3, $0x1;
	s10 =	sshrl.u32 s8, $0x1;
	s25 =	sshrl.u32 s11, $0x2  }
0xc: {  	s16 =	sadd.s32 s22, s7;
	s22 =	simm.s32 $0x13C00;
	s12 =	ssub.s32 s8, s10  }
0xd: {  	s24 =	sadd.s32 s6, s9;
	s18 =	sadd.s32 s13, s14;
	s14 =	smul.u32 $0x2780, s3  }
0xe: {  	s9 =	sadd.s32 s25, s2;
	s3 =	smul.u32 $0x27100, s3;
	s8 =	sor.u32 $0x1C03, s17  }
0xf: {  	s26 =	sshll.u32 s24, $0x4;
	[dreg:$0x4] =	wrdreg s9;
	s19 =	sshrl.u32 s18, $0x3  }
0x10: {  	s17 =	sadd.s32 $0xA0, s18;
	s24 =	sadd.s32 $0x50, s18;
	s25 =	sadd.s32 $0x271A0, s18  }
0x11: {  	s15 =	sadd.s32 s1, s26;
	s20 =	sadd.s32 s5, s19;
	s21 =	sadd.s32 s0, s26  }
0x12: {  	s6 =	sadd.s32 s6, s14;
	s3 =	sadd.s32 s13, s3;
	[dreg:$0x5] =	wrdreg s15  }
0x13: {  	s26 =	sadd.s32 $0x27150, s18;
	s15 =	sshrl.u32 s13, $0x3;
	[dreg:$0x6] =	wrdreg s20  }
0x14: {  	[dreg:$0x7] =	wrdreg s21;
	s6 =	sshll.u32 s6, $0x4;
	s3 =	sshrl.u32 s3, $0x3  }
0x15: {  	s21 =	simm.s32 $0x3;
	s10 =	sadd.s32 s7, s15;
	s23 =	sadd.s32 s1, s6  }
0x16: {  	s3 =	sadd.s32 s5, s3;
	s0 =	sadd.s32 s0, s6;
	[dreg:$0x8] =	wrdreg s23  }
0x17: {  	s15 =	smax.u32 s12, $0x1;
	s6 =	sshrl.u32 s26, $0x3;
	[dreg:$0x9] =	wrdreg s3  }
0x18: {  	s26 =	simm.s32 $0x13D00;
	[dreg:$0xa] =	wrdreg s0;
	s0 =	sshrl.u32 s24, $0x3  }
0x19: {  	s3 =	sshrl.u32 s25, $0x3;
	s20 =	sadd.s32 s6, s5;
	s23 =	simm.s32 $0x13C80  }
0x1a: {  	s24 =	simm.s32 $0x50;
	s25 =	simm.s32 $0x13E00;
	s18 =	sadd.s32 s0, s5  }
0x1b: {  	s19 =	sadd.s32 s3, s5;
	s0 =	simm.s32 $0x2;
	s3 =	simm.s32 $0x0  }
.LBB2_1:
0x1c: {  	s6 =	rddreg [dreg:$0x4]  }
0x1d: {  	s7 =	rddreg [dreg:$0x5];
	s6 =	sshrl.u32 s6, $0x3  }
0x1e: {  	[spmem:s6], [sflag:s8] =	dma.local [hbm:s7], $0x2780  }
0x1f: {  	_ =	swait.ge [sflag:s21], $0x2780  }
0x20: {  	[sflag:s21] =	ssyncset.done $0x0  }
0x21: {  	[sflag:s21] =	ssyncadd.s32 $0xFFFFD880  }
0x22: {  	[bflag:$0x0] =	sbarrier.arrive $0xFFFF  }
0x23: {  	s11 =	rddreg [dreg:$0x6]  }
0x24: {  	[tilespmem:s22], [sflag:$0x3] =	stream.linear.gather [hbm4b:s11+s4], $0x50, $0x38;
	[tilespmem:$0x18E00] =	vst v63  }
0x25: {  	_ =	swait.ge [sflag:s21], $0x50  }
0x26: {  	[sflag:s21] =	ssyncset.done $0x0  }
0x27: {  	[sflag:s21] =	ssyncadd.s32 $0xFFFFFFB0  }
0x28: {  	[tilespmem:s23], [sflag:$0x3] =	stream.linear.gather [hbm4b:s10+s4], $0x50, $0x38;
	[tilespmem:$0x18E00] =	vst v63  }
0x29: {  	_ =	swait.ge [sflag:s21], $0x50  }
0x2a: {  	[sflag:s21] =	ssyncset.done $0x0  }
0x2b: {  	[sflag:s21] =	ssyncadd.s32 $0xFFFFFFB0  }
0x2c: {  	[tilespmem:s25], [sflag:$0x1] =	stream.indirect.gather [hbm4b:s1+s24], $0x80, s22, s24, $0xb8;
	[tilespmem:$0x18E00] =	vst v63  }
0x2d: {  	s12 =	sadd.s32 $0x0, s18  }
0x2e: {  	[tilespmem:s26], [sflag:$0x4] =	stream.linear.gather [hbm4b:s12+s4], $0x50, $0x38;
	[tilespmem:$0x18E00] =	vst v63  }
0x2f: {  	_ =	swait.ge [sflag:s28], $0x50  }
0x30: {  	s13 =	sadd.s32 $0x0, s16;
	[sflag:s28] =	ssyncset.done $0x0  }
0x31: {  	s9 =	sadd.s32 $0xA, s13;
	[sflag:s28] =	ssyncadd.s32 $0xFFFFFFB0  }
0x32: {  	[tilespmem:s29], [sflag:$0x4] =	stream.linear.gather [hbm4b:s9+s4], $0x50, $0x38;
	[tilespmem:$0x18E00] =	vst v63  }
0x33: {  	_ =	swait.ge [sflag:s28], $0x50  }
0x34: {  	[sflag:s28] =	ssyncset.done $0x0  }
0x35: {  	[sflag:s28] =	ssyncadd.s32 $0xFFFFFFB0  }
0x36: {  	[tilespmem:s30], [sflag:$0x2] =	stream.indirect.gather [hbm4b:s1+s24], $0x80, s26, s24, $0xb8;
	[tilespmem:$0x18E00] =	vst v63  }
0x37: {  	_ =	swait.ge [sflag:s31], $0x2800  }
0x38: {  	[sflag:s31] =	ssyncset.done $0x0  }
0x39: {  	[sflag:s31] =	ssyncadd.s32 $0xFFFFD800  }
0x3a: {  	[spmem:s2] =	stream.indirect.scatter.add.f32 [tilespmem:s25], [sflag:$0x4], $0x80, s23, s24, $0xb8;
	[tilespmem:$0x18E00] =	vst v63  }
0x3b: {  	_ =	swait.ge [sflag:s28], $0x2800  }
0x3c: {  	s14 =	sshrl.u32 s17, $0x3;
	[sflag:s28] =	ssyncset.done $0x0  }
0x3d: {  	s9 =	sadd.s32 s5, s14;
	[sflag:s28] =	ssyncadd.s32 $0xFFFFD800  }
0x3e: {  	[tilespmem:s22], [sflag:$0x4] =	stream.linear.gather [hbm4b:s9+s4], $0x50, $0x38;
	[tilespmem:$0x18E00] =	vst v63  }
0x3f: {  	_ =	swait.ge [sflag:s28], $0x50  }
0x40: {  	[sflag:s28] =	ssyncset.done $0x0  }
0x41: {  	s7 =	sadd.s32 $0x14, s13;
	[sflag:s28] =	ssyncadd.s32 $0xFFFFFFB0  }
0x42: {  	[tilespmem:s23], [sflag:$0x4] =	stream.linear.gather [hbm4b:s7+s4], $0x50, $0x38;
	[tilespmem:$0x18E00] =	vst v63  }
0x43: {  	_ =	swait.ge [sflag:s28], $0x50  }
0x44: {  	[sflag:s28] =	ssyncset.done $0x0  }
0x45: {  	[sflag:s28] =	ssyncadd.s32 $0xFFFFFFB0  }
0x46: {  	[tilespmem:s25], [sflag:$0x1] =	stream.indirect.gather [hbm4b:s1+s24], $0x80, s22, s24, $0xb8;
	[tilespmem:$0x18E00] =	vst v63  }
0x47: {  	_ =	swait.ge [sflag:s0], $0x2800  }
0x48: {  	[sflag:s0] =	ssyncset.done $0x0  }
0x49: {  	[sflag:s0] =	ssyncadd.s32 $0xFFFFD800  }
0x4a: {  	[spmem:s2] =	stream.indirect.scatter.add.f32 [tilespmem:s30], [sflag:$0x3], $0x80, s29, s24, $0xb8;
	[tilespmem:$0x18E00] =	vst v63  }
0x4b: {  	s11 =	simm.s32 $0x28;
	_ =	swait.ge [sflag:s21], $0x2800  }
0x4c: {  	s9 =	simm.s32 $0x14;
	s7 =	sadd.s32 $0xA0, s17;
	[sflag:s21] =	ssyncset.done $0x0  }
.LBB2_2:
0x4d: {  	s13 =	sadd.s32 s9, s18  }
0x4e: {  	[sflag:s21] =	ssyncadd.s32 $0xFFFFD800;
	s14 =	smov.u32 s11;
	s12 =	sadd.s32 $0x14, s11  }
0x4f: {  	[tilespmem:s26], [sflag:$0x4] =	stream.linear.gather [hbm4b:s13+s4], $0x50, $0x38;
	[tilespmem:$0x18E00] =	vst v63  }
0x50: {  	p0 =	sne.s32 s11, $0x4C4;
	_ =	swait.ge [sflag:s28], $0x50  }
0x51: {  	s11 =	sadd.s32 s9, s16;
	s9 =	smov.u32 s14;
	[sflag:s28] =	ssyncset.done $0x0  }
0x52: {  	s13 =	sadd.s32 $0xA, s11;
	[sflag:s28] =	ssyncadd.s32 $0xFFFFFFB0  }
0x53: {  	[tilespmem:s29], [sflag:$0x4] =	stream.linear.gather [hbm4b:s13+s4], $0x50, $0x38;
	[tilespmem:$0x18E00] =	vst v63  }
0x54: {  	_ =	swait.ge [sflag:s28], $0x50  }
0x55: {  	[sflag:s28] =	ssyncset.done $0x0  }
0x56: {  	[sflag:s28] =	ssyncadd.s32 $0xFFFFFFB0  }
0x57: {  	[tilespmem:s30], [sflag:$0x2] =	stream.indirect.gather [hbm4b:s1+s24], $0x80, s26, s24, $0xb8;
	[tilespmem:$0x18E00] =	vst v63  }
0x58: {  	_ =	swait.ge [sflag:s31], $0x2800  }
0x59: {  	[sflag:s31] =	ssyncset.done $0x0  }
0x5a: {  	[sflag:s31] =	ssyncadd.s32 $0xFFFFD800  }
0x5b: {  	[spmem:s2] =	stream.indirect.scatter.add.f32 [tilespmem:s25], [sflag:$0x4], $0x80, s23, s24, $0xb8;
	[tilespmem:$0x18E00] =	vst v63  }
0x5c: {  	_ =	swait.ge [sflag:s28], $0x2800  }
0x5d: {  	s13 =	sshrl.u32 s7, $0x3;
	[sflag:s28] =	ssyncset.done $0x0  }
0x5e: {  	s13 =	sadd.s32 s5, s13;
	[sflag:s28] =	ssyncadd.s32 $0xFFFFD800  }
0x5f: {  	[tilespmem:s22], [sflag:$0x4] =	stream.linear.gather [hbm4b:s13+s4], $0x50, $0x38;
	[tilespmem:$0x18E00] =	vst v63  }
0x60: {  	_ =	swait.ge [sflag:s28], $0x50  }
0x61: {  	[sflag:s28] =	ssyncset.done $0x0  }
0x62: {  	s11 =	sadd.s32 $0x14, s11;
	[sflag:s28] =	ssyncadd.s32 $0xFFFFFFB0  }
0x63: {  	[tilespmem:s23], [sflag:$0x4] =	stream.linear.gather [hbm4b:s11+s4], $0x50, $0x38;
	[tilespmem:$0x18E00] =	vst v63  }
0x64: {  	_ =	swait.ge [sflag:s28], $0x50  }
0x65: {  	[sflag:s28] =	ssyncset.done $0x0  }
0x66: {  	[sflag:s28] =	ssyncadd.s32 $0xFFFFFFB0  }
0x67: {  	[tilespmem:s25], [sflag:$0x1] =	stream.indirect.gather [hbm4b:s1+s24], $0x80, s22, s24, $0xb8;
	[tilespmem:$0x18E00] =	vst v63  }
0x68: {  	_ =	swait.ge [sflag:s0], $0x2800  }
.Ltmp0:
0x69: {  	[sflag:s0] =	ssyncset.done $0x0;
	(pc) =	sbr.rel @p0 .LBB2_2-.Ltmp0, $4  }
0x6a: {  	[sflag:s0] =	ssyncadd.s32 $0xFFFFD800  }
0x6b: {  	[spmem:s2] =	stream.indirect.scatter.add.f32 [tilespmem:s30], [sflag:$0x3], $0x80, s29, s24, $0xb8;
	[tilespmem:$0x18E00] =	vst v63  }
0x6c: {  	_ =	swait.ge [sflag:s21], $0x2800  }
0x6d: {  	s7 =	sadd.s32 $0xA0, s7;
	s11 =	smov.u32 s12;
	[sflag:s21] =	ssyncset.done $0x0  }
0x6e: {  	s11 =	sadd.s32 s9, s18;
	[sflag:s21] =	ssyncadd.s32 $0xFFFFD800  }
0x6f: {  	[tilespmem:s26], [sflag:$0x4] =	stream.linear.gather [hbm4b:s11+s4], $0x50, $0x38;
	[tilespmem:$0x18E00] =	vst v63  }
0x70: {  	_ =	swait.ge [sflag:s28], $0x50  }
0x71: {  	s13 =	sadd.s32 s9, s16;
	[sflag:s28] =	ssyncset.done $0x0  }
0x72: {  	s14 =	sadd.s32 $0xA, s13;
	[sflag:s28] =	ssyncadd.s32 $0xFFFFFFB0  }
0x73: {  	[tilespmem:s29], [sflag:$0x4] =	stream.linear.gather [hbm4b:s14+s4], $0x50, $0x38;
	[tilespmem:$0x18E00] =	vst v63  }
0x74: {  	_ =	swait.ge [sflag:s28], $0x50  }
0x75: {  	[sflag:s28] =	ssyncset.done $0x0  }
0x76: {  	[sflag:s28] =	ssyncadd.s32 $0xFFFFFFB0  }
0x77: {  	[tilespmem:s30], [sflag:$0x2] =	stream.indirect.gather [hbm4b:s1+s24], $0x80, s26, s24, $0xb8;
	[tilespmem:$0x18E00] =	vst v63  }
0x78: {  	_ =	swait.ge [sflag:s31], $0x2800  }
0x79: {  	[sflag:s31] =	ssyncset.done $0x0  }
0x7a: {  	[sflag:s31] =	ssyncadd.s32 $0xFFFFD800  }
0x7b: {  	[spmem:s2] =	stream.indirect.scatter.add.f32 [tilespmem:s25], [sflag:$0x4], $0x80, s23, s24, $0xb8;
	[tilespmem:$0x18E00] =	vst v63  }
0x7c: {  	_ =	swait.ge [sflag:s28], $0x2800  }
0x7d: {  	s7 =	sshrl.u32 s7, $0x3;
	[sflag:s28] =	ssyncset.done $0x0  }
0x7e: {  	s7 =	sadd.s32 s5, s7;
	[sflag:s28] =	ssyncadd.s32 $0xFFFFD800  }
0x7f: {  	[tilespmem:s22], [sflag:$0x4] =	stream.linear.gather [hbm4b:s7+s4], $0x50, $0x38;
	[tilespmem:$0x18E00] =	vst v63  }
0x80: {  	_ =	swait.ge [sflag:s28], $0x50  }
0x81: {  	[sflag:s28] =	ssyncset.done $0x0  }
0x82: {  	s9 =	sadd.s32 $0x14, s13;
	[sflag:s28] =	ssyncadd.s32 $0xFFFFFFB0  }
0x83: {  	[tilespmem:s23], [sflag:$0x4] =	stream.linear.gather [hbm4b:s9+s4], $0x50, $0x38;
	[tilespmem:$0x18E00] =	vst v63  }
0x84: {  	_ =	swait.ge [sflag:s28], $0x50  }
0x85: {  	[sflag:s28] =	ssyncset.done $0x0  }
0x86: {  	[sflag:s28] =	ssyncadd.s32 $0xFFFFFFB0  }
0x87: {  	[tilespmem:s25], [sflag:$0x1] =	stream.indirect.gather [hbm4b:s1+s24], $0x80, s22, s24, $0xb8;
	[tilespmem:$0x18E00] =	vst v63  }
0x88: {  	_ =	swait.ge [sflag:s0], $0x2800  }
0x89: {  	[sflag:s0] =	ssyncset.done $0x0  }
0x8a: {  	[sflag:s0] =	ssyncadd.s32 $0xFFFFD800  }
0x8b: {  	[spmem:s2] =	stream.indirect.scatter.add.f32 [tilespmem:s30], [sflag:$0x3], $0x80, s29, s24, $0xb8;
	[tilespmem:$0x18E00] =	vst v63  }
0x8c: {  	_ =	swait.ge [sflag:s21], $0x2800  }
0x8d: {  	[sflag:s21] =	ssyncset.done $0x0  }
0x8e: {  	[sflag:s21] =	ssyncadd.s32 $0xFFFFD800  }
0x8f: {  	_ =	swait.ge [sflag:s31], $0x2800  }
0x90: {  	[sflag:s31] =	ssyncset.done $0x0  }
0x91: {  	[sflag:s31] =	ssyncadd.s32 $0xFFFFD800  }
0x92: {  	[spmem:s2] =	stream.indirect.scatter.add.f32 [tilespmem:s25], [sflag:$0x4], $0x80, s23, s24, $0xb8;
	[tilespmem:$0x18E00] =	vst v63  }
0x93: {  	_ =	swait.ge [sflag:s28], $0x2800  }
0x94: {  	[sflag:s28] =	ssyncset.done $0x0  }
0x95: {  	[sflag:s28] =	ssyncadd.s32 $0xFFFFD800  }
0x96: {  	[bflag:$0x0] =	sbarrier.arrive $0xFFFF  }
0x97: {  	s11 =	rddreg [dreg:$0x7]  }
0x98: {  	[hbm:s11], [sflag:s8] =	dma.local [spmem:s6], $0x2780  }
0x99: {  	_ =	swait.ge [sflag:s21], $0x2780  }
0x9a: {  	[sflag:s21] =	ssyncset.done $0x0  }
0x9b: {  	[sflag:s21] =	ssyncadd.s32 $0xFFFFD880  }
0x9c: {  	[bflag:$0x0] =	sbarrier.arrive $0xFFFF  }
0x9d: {  	s12 =	rddreg [dreg:$0x8]  }
0x9e: {  	[spmem:s6], [sflag:s8] =	dma.local [hbm:s12], $0x2780  }
0x9f: {  	_ =	swait.ge [sflag:s21], $0x2780  }
0xa0: {  	[sflag:s21] =	ssyncset.done $0x0  }
0xa1: {  	[sflag:s21] =	ssyncadd.s32 $0xFFFFD880  }
0xa2: {  	[bflag:$0x0] =	sbarrier.arrive $0xFFFF  }
0xa3: {  	s13 =	simm.s32 $0x0;
	s14 =	rddreg [dreg:$0x9]  }
0xa4: {  	[tilespmem:s22], [sflag:$0x3] =	stream.linear.gather [hbm4b:s14+s13], $0x50, $0x38;
	[tilespmem:$0x18E00] =	vst v63  }
0xa5: {  	_ =	swait.ge [sflag:s21], $0x50  }
0xa6: {  	[sflag:s21] =	ssyncset.done $0x0  }
0xa7: {  	[sflag:s21] =	ssyncadd.s32 $0xFFFFFFB0  }
0xa8: {  	[tilespmem:s23], [sflag:$0x3] =	stream.linear.gather [hbm4b:s10+s13], $0x50, $0x38;
	[tilespmem:$0x18E00] =	vst v63  }
0xa9: {  	_ =	swait.ge [sflag:s21], $0x50  }
0xaa: {  	[sflag:s21] =	ssyncset.done $0x0  }
0xab: {  	[sflag:s21] =	ssyncadd.s32 $0xFFFFFFB0  }
0xac: {  	[tilespmem:s25], [sflag:$0x1] =	stream.indirect.gather [hbm4b:s1+s24], $0x80, s22, s24, $0xb8;
	[tilespmem:$0x18E00] =	vst v63  }
0xad: {  	s11 =	sadd.s32 $0x0, s20  }
0xae: {  	[tilespmem:s26], [sflag:$0x4] =	stream.linear.gather [hbm4b:s11+s4], $0x50, $0x38;
	[tilespmem:$0x18E00] =	vst v63  }
0xaf: {  	_ =	swait.ge [sflag:s28], $0x50  }
0xb0: {  	s12 =	sadd.s32 $0x0, s16;
	[sflag:s28] =	ssyncset.done $0x0  }
0xb1: {  	s13 =	sadd.s32 $0xA, s12;
	[sflag:s28] =	ssyncadd.s32 $0xFFFFFFB0  }
0xb2: {  	[tilespmem:s29], [sflag:$0x4] =	stream.linear.gather [hbm4b:s13+s4], $0x50, $0x38;
	[tilespmem:$0x18E00] =	vst v63  }
0xb3: {  	_ =	swait.ge [sflag:s28], $0x50  }
0xb4: {  	[sflag:s28] =	ssyncset.done $0x0  }
0xb5: {  	[sflag:s28] =	ssyncadd.s32 $0xFFFFFFB0  }
0xb6: {  	[tilespmem:s30], [sflag:$0x2] =	stream.indirect.gather [hbm4b:s1+s24], $0x80, s26, s24, $0xb8;
	[tilespmem:$0x18E00] =	vst v63  }
0xb7: {  	_ =	swait.ge [sflag:s31], $0x2800  }
0xb8: {  	[sflag:s31] =	ssyncset.done $0x0  }
0xb9: {  	[sflag:s31] =	ssyncadd.s32 $0xFFFFD800  }
0xba: {  	[spmem:s2] =	stream.indirect.scatter.add.f32 [tilespmem:s25], [sflag:$0x4], $0x80, s23, s24, $0xb8;
	[tilespmem:$0x18E00] =	vst v63  }
0xbb: {  	_ =	swait.ge [sflag:s28], $0x2800  }
0xbc: {  	[sflag:s28] =	ssyncset.done $0x0  }
0xbd: {  	s14 =	sadd.s32 $0x0, s19;
	[sflag:s28] =	ssyncadd.s32 $0xFFFFD800  }
0xbe: {  	[tilespmem:s22], [sflag:$0x4] =	stream.linear.gather [hbm4b:s14+s4], $0x50, $0x38;
	[tilespmem:$0x18E00] =	vst v63  }
0xbf: {  	_ =	swait.ge [sflag:s28], $0x50  }
0xc0: {  	[sflag:s28] =	ssyncset.done $0x0  }
0xc1: {  	s7 =	sadd.s32 $0x14, s12;
	[sflag:s28] =	ssyncadd.s32 $0xFFFFFFB0  }
0xc2: {  	[tilespmem:s23], [sflag:$0x4] =	stream.linear.gather [hbm4b:s7+s4], $0x50, $0x38;
	[tilespmem:$0x18E00] =	vst v63  }
0xc3: {  	_ =	swait.ge [sflag:s28], $0x50  }
0xc4: {  	[sflag:s28] =	ssyncset.done $0x0  }
0xc5: {  	[sflag:s28] =	ssyncadd.s32 $0xFFFFFFB0  }
0xc6: {  	[tilespmem:s25], [sflag:$0x1] =	stream.indirect.gather [hbm4b:s1+s24], $0x80, s22, s24, $0xb8;
	[tilespmem:$0x18E00] =	vst v63  }
0xc7: {  	_ =	swait.ge [sflag:s0], $0x2800  }
0xc8: {  	[sflag:s0] =	ssyncset.done $0x0  }
0xc9: {  	[sflag:s0] =	ssyncadd.s32 $0xFFFFD800  }
0xca: {  	[spmem:s2] =	stream.indirect.scatter.add.f32 [tilespmem:s30], [sflag:$0x3], $0x80, s29, s24, $0xb8;
	[tilespmem:$0x18E00] =	vst v63  }
0xcb: {  	_ =	swait.ge [sflag:s21], $0x2800  }
0xcc: {  	s11 =	simm.s32 $0x28;
	s7 =	simm.s32 $0x14;
	[sflag:s21] =	ssyncset.done $0x0  }
.LBB2_4:
0xcd: {  	s12 =	sadd.s32 s7, s20  }
0xce: {  	[sflag:s21] =	ssyncadd.s32 $0xFFFFD800;
	s13 =	smov.u32 s11;
	s9 =	sadd.s32 $0x14, s11  }
0xcf: {  	[tilespmem:s26], [sflag:$0x4] =	stream.linear.gather [hbm4b:s12+s4], $0x50, $0x38;
	[tilespmem:$0x18E00] =	vst v63  }
0xd0: {  	p0 =	sne.s32 s11, $0x4C4;
	_ =	swait.ge [sflag:s28], $0x50  }
0xd1: {  	s11 =	sadd.s32 s7, s16;
	[sflag:s28] =	ssyncset.done $0x0  }
0xd2: {  	s12 =	sadd.s32 $0xA, s11;
	[sflag:s28] =	ssyncadd.s32 $0xFFFFFFB0  }
0xd3: {  	[tilespmem:s29], [sflag:$0x4] =	stream.linear.gather [hbm4b:s12+s4], $0x50, $0x38;
	[tilespmem:$0x18E00] =	vst v63  }
0xd4: {  	_ =	swait.ge [sflag:s28], $0x50  }
0xd5: {  	[sflag:s28] =	ssyncset.done $0x0  }
0xd6: {  	[sflag:s28] =	ssyncadd.s32 $0xFFFFFFB0  }
0xd7: {  	[tilespmem:s30], [sflag:$0x2] =	stream.indirect.gather [hbm4b:s1+s24], $0x80, s26, s24, $0xb8;
	[tilespmem:$0x18E00] =	vst v63  }
0xd8: {  	_ =	swait.ge [sflag:s31], $0x2800  }
0xd9: {  	[sflag:s31] =	ssyncset.done $0x0  }
0xda: {  	[sflag:s31] =	ssyncadd.s32 $0xFFFFD800  }
0xdb: {  	[spmem:s2] =	stream.indirect.scatter.add.f32 [tilespmem:s25], [sflag:$0x4], $0x80, s23, s24, $0xb8;
	[tilespmem:$0x18E00] =	vst v63  }
0xdc: {  	_ =	swait.ge [sflag:s28], $0x2800  }
0xdd: {  	[sflag:s28] =	ssyncset.done $0x0  }
0xde: {  	s12 =	sadd.s32 s7, s19;
	s7 =	smov.u32 s13;
	[sflag:s28] =	ssyncadd.s32 $0xFFFFD800  }
0xdf: {  	[tilespmem:s22], [sflag:$0x4] =	stream.linear.gather [hbm4b:s12+s4], $0x50, $0x38;
	[tilespmem:$0x18E00] =	vst v63  }
0xe0: {  	_ =	swait.ge [sflag:s28], $0x50  }
0xe1: {  	[sflag:s28] =	ssyncset.done $0x0  }
0xe2: {  	s11 =	sadd.s32 $0x14, s11;
	[sflag:s28] =	ssyncadd.s32 $0xFFFFFFB0  }
0xe3: {  	[tilespmem:s23], [sflag:$0x4] =	stream.linear.gather [hbm4b:s11+s4], $0x50, $0x38;
	[tilespmem:$0x18E00] =	vst v63  }
0xe4: {  	_ =	swait.ge [sflag:s28], $0x50  }
0xe5: {  	[sflag:s28] =	ssyncset.done $0x0  }
0xe6: {  	[sflag:s28] =	ssyncadd.s32 $0xFFFFFFB0  }
0xe7: {  	[tilespmem:s25], [sflag:$0x1] =	stream.indirect.gather [hbm4b:s1+s24], $0x80, s22, s24, $0xb8;
	[tilespmem:$0x18E00] =	vst v63  }
0xe8: {  	_ =	swait.ge [sflag:s0], $0x2800  }
.Ltmp1:
0xe9: {  	[sflag:s0] =	ssyncset.done $0x0;
	(pc) =	sbr.rel @p0 .LBB2_4-.Ltmp1, $4  }
0xea: {  	[sflag:s0] =	ssyncadd.s32 $0xFFFFD800  }
0xeb: {  	[spmem:s2] =	stream.indirect.scatter.add.f32 [tilespmem:s30], [sflag:$0x3], $0x80, s29, s24, $0xb8;
	[tilespmem:$0x18E00] =	vst v63  }
0xec: {  	_ =	swait.ge [sflag:s21], $0x2800  }
0xed: {  	s11 =	smov.u32 s9;
	[sflag:s21] =	ssyncset.done $0x0  }
0xee: {  	s9 =	sadd.s32 s7, s20;
	[sflag:s21] =	ssyncadd.s32 $0xFFFFD800  }
0xef: {  	[tilespmem:s26], [sflag:$0x4] =	stream.linear.gather [hbm4b:s9+s4], $0x50, $0x38;
	[tilespmem:$0x18E00] =	vst v63  }
0xf0: {  	_ =	swait.ge [sflag:s28], $0x50  }
0xf1: {  	s14 =	sadd.s32 s7, s16;
	[sflag:s28] =	ssyncset.done $0x0  }
0xf2: {  	s11 =	sadd.s32 $0xA, s14;
	[sflag:s28] =	ssyncadd.s32 $0xFFFFFFB0  }
0xf3: {  	[tilespmem:s29], [sflag:$0x4] =	stream.linear.gather [hbm4b:s11+s4], $0x50, $0x38;
	[tilespmem:$0x18E00] =	vst v63  }
0xf4: {  	_ =	swait.ge [sflag:s28], $0x50  }
0xf5: {  	[sflag:s28] =	ssyncset.done $0x0  }
0xf6: {  	[sflag:s28] =	ssyncadd.s32 $0xFFFFFFB0  }
0xf7: {  	[tilespmem:s30], [sflag:$0x2] =	stream.indirect.gather [hbm4b:s1+s24], $0x80, s26, s24, $0xb8;
	[tilespmem:$0x18E00] =	vst v63  }
0xf8: {  	_ =	swait.ge [sflag:s31], $0x2800  }
0xf9: {  	[sflag:s31] =	ssyncset.done $0x0  }
0xfa: {  	[sflag:s31] =	ssyncadd.s32 $0xFFFFD800  }
0xfb: {  	[spmem:s2] =	stream.indirect.scatter.add.f32 [tilespmem:s25], [sflag:$0x4], $0x80, s23, s24, $0xb8;
	[tilespmem:$0x18E00] =	vst v63  }
0xfc: {  	_ =	swait.ge [sflag:s28], $0x2800  }
0xfd: {  	[sflag:s28] =	ssyncset.done $0x0  }
0xfe: {  	s12 =	sadd.s32 s7, s19;
	[sflag:s28] =	ssyncadd.s32 $0xFFFFD800  }
0xff: {  	[tilespmem:s22], [sflag:$0x4] =	stream.linear.gather [hbm4b:s12+s4], $0x50, $0x38;
	[tilespmem:$0x18E00] =	vst v63  }
0x100: {  	_ =	swait.ge [sflag:s28], $0x50  }
0x101: {  	[sflag:s28] =	ssyncset.done $0x0  }
0x102: {  	s13 =	sadd.s32 $0x14, s14;
	[sflag:s28] =	ssyncadd.s32 $0xFFFFFFB0  }
0x103: {  	[tilespmem:s23], [sflag:$0x4] =	stream.linear.gather [hbm4b:s13+s4], $0x50, $0x38;
	[tilespmem:$0x18E00] =	vst v63  }
0x104: {  	_ =	swait.ge [sflag:s28], $0x50  }
0x105: {  	[sflag:s28] =	ssyncset.done $0x0  }
0x106: {  	[sflag:s28] =	ssyncadd.s32 $0xFFFFFFB0  }
0x107: {  	[tilespmem:s25], [sflag:$0x1] =	stream.indirect.gather [hbm4b:s1+s24], $0x80, s22, s24, $0xb8;
	[tilespmem:$0x18E00] =	vst v63  }
0x108: {  	_ =	swait.ge [sflag:s0], $0x2800  }
0x109: {  	[sflag:s0] =	ssyncset.done $0x0  }
0x10a: {  	[sflag:s0] =	ssyncadd.s32 $0xFFFFD800  }
0x10b: {  	[spmem:s2] =	stream.indirect.scatter.add.f32 [tilespmem:s30], [sflag:$0x3], $0x80, s29, s24, $0xb8;
	[tilespmem:$0x18E00] =	vst v63  }
0x10c: {  	_ =	swait.ge [sflag:s21], $0x2800  }
0x10d: {  	[sflag:s21] =	ssyncset.done $0x0  }
0x10e: {  	[sflag:s21] =	ssyncadd.s32 $0xFFFFD800  }
0x10f: {  	_ =	swait.ge [sflag:s31], $0x2800  }
0x110: {  	[sflag:s31] =	ssyncset.done $0x0  }
0x111: {  	[sflag:s31] =	ssyncadd.s32 $0xFFFFD800  }
0x112: {  	[spmem:s2] =	stream.indirect.scatter.add.f32 [tilespmem:s25], [sflag:$0x4], $0x80, s23, s24, $0xb8;
	[tilespmem:$0x18E00] =	vst v63  }
0x113: {  	_ =	swait.ge [sflag:s28], $0x2800  }
0x114: {  	[sflag:s28] =	ssyncset.done $0x0  }
0x115: {  	[sflag:s28] =	ssyncadd.s32 $0xFFFFD800  }
0x116: {  	s3 =	sadd.s32 $0x1, s3;
	[bflag:$0x0] =	sbarrier.arrive $0xFFFF  }
0x117: {  	p0 =	sne.s32 s3, s15;
	s14 =	rddreg [dreg:$0xa]  }
0x118: {  	[hbm:s14], [sflag:s8] =	dma.local [spmem:s6], $0x2780  }
.Ltmp2:
0x119: {  	_ =	swait.ge [sflag:s21], $0x2780;
	(pc) =	sbr.rel @p0 .LBB2_1-.Ltmp2, $3  }
0x11a: {  	[sflag:s21] =	ssyncset.done $0x0  }
0x11b: {  	[sflag:s21] =	ssyncadd.s32 $0xFFFFD880  }
0x11c: {  	[bflag:$0x0] =	sbarrier.arrive $0xFFFF;
	_ =	sdelay $0x1  }
0x11d: {  	_ =	sfence.sel $0x180000  }
0x11e: {  	[bflag:$0x0] =	sbarrier.arrive $0xFFFF  }
0x11f: {  	_ =	strace $0x90000047  }
0x120: {  	s0 =	stileid.u32;
	[bflag:$0x2] =	sbarrier.arrive $0xFFFF  }
0x121: {  	p0 =	sne.s32 s0, $0x0;
	s0 =	rddreg [dreg:$0x3]  }
0x122: {  	s0 =	sadd.s32 @!p0 $0x100000, s0  }
0x123: {  	[sflag:s0] =	ssyncadd.tile.s32 @!p0 $0x1;
	_ =	shalt  }
.Lfunc_end2:
_tile_overlayer_lowered:
.L_overlay_start_2:
0x124: {  	(tag) =	ssettag $0x2  }
0x125: {  	s0 =	rddreg [dreg:$0x0];
	s2 =	stileid.u32  }
0x126: {  	s1 =	rddreg [dreg:$0x1];
	p0 =	sne.s32 s2, $0x0  }
0x127: {  	s3 =	rddreg [dreg:$0x2];
	[bflag:$0x3] =	sbarrier.arrive $0xFFFF;
	s2 =	simm.s32 @!p0 $0x1C03  }
0x128: {  	[timem:s3], [sflag:s2] =	dma.local @!p0 [hbm:s0], s1  }
0x129: {  	s0 =	simm.s32 @!p0 $0x3  }
0x12a: {  	_ =	swait.ge @!p0 [sflag:s0], s1  }
0x12b: {  	s1 =	ssub.s32 @!p0 $0x0, s1;
	[sflag:s0] =	ssyncset.done @!p0 $0x0  }
0x12c: {  	[sflag:s0] =	ssyncadd.s32 @!p0 s1  }
0x12d: {  	[bflag:$0x3] =	sbarrier.arrive $0xFFFF  }
0x12e: {  	_ =	shalt  }

// kernel: kernel.17.cloned.1.call-start
scs
__scs_entry_jumppad:
0x0: {  	(pc) =	sbr.rel $0x88, $3  }
0x1: {  	(tag) =	ssettag $0x0;
	lr =	simm.s32 $0x1  }
0x2: {  	[smem:$0x3F74] =	sst lr;
	_ =	strace $0xD0000000  }
0x3: {  	_ = 	snop  }
0x4: {  	_ = 	snop  }
0x5: {  	_ = 	snop  }
0x6: {  	_ = 	snop  }
0x7: {  	_ = 	snop  }
__scs_overlays_trampoline_lowered:
0x8: {  	[smem:$0x3F83] =	sst s0  }
0x9: {  	[smem:$0x3F84] =	sst s1  }
0xa: {  	[smem:$0x3F85] =	sst s2  }
0xb: {  	[smem:$0x3F86] =	sst s3  }
0xc: {  	[smem:$0x3F87] =	sst s4  }
0xd: {  	[smem:$0x3F88] =	sst s5  }
0xe: {  	[smem:$0x3F89] =	sst s6  }
0xf: {  	[smem:$0x3F8A] =	sst s7  }
0x10: {  	[smem:$0x3F8B] =	sst s8  }
0x11: {  	[smem:$0x3F8C] =	sst s9;
	s0 =	simm.s32 @!p0 $0x0  }
0x12: {  	s1 =	sld [smem:$0x3F72];
	s0 =	simm.s32 @p0 $0x1  }
0x13: {  	[smem:$0x3F8D] =	sst s0;
	s0 =	simm.s32 @!p1 $0x0  }
0x14: {  	s2 =	sld [smem:$0x3F71];
	s0 =	simm.s32 @p1 $0x1  }
0x15: {  	[smem:$0x3F8E] =	sst s0;
	s0 =	simm.s32 @!p2 $0x0  }
0x16: {  	s3 =	sld [smem:$0x3FDB];
	s0 =	simm.s32 @p2 $0x1  }
0x17: {  	s4 =	simm.s32 $0x1BF5;
	[smem:$0x3F90] =	sst s0  }
0x18: {  	s0 =	sld [smem:$0x3F73];
	_ =	swait.ge [sflag:s4], $0x0  }
0x19: {  	s7 =	sld [smem:$0x3F74]  }
0x1a: {  	s8 =	sadd.s32 $0xFFFFE003, lr  }
0x1b: {  	s9 =	sadd.s32 $0xFFFFFEF7, lr;
	s5 =	simm.s32 $0xFFFFFFFF;
	p2 =	slt.u32 s8, $0xFFFFF086  }
0x1c: {  	p1 =	slt.u32 s9, $0xF7A;
	s5 =	simm.s32 @!p2 $0x0  }
0x1d: {  	s5 =	simm.s32 @p1 $0x1;
	p0 =	seq.s32 s7, s2  }
0x1e: {  	s7 =	smul.u32 @!p0 $0xF7A, s2;
	p2 =	seq.s32 @!p0 s5, $0x0  }
0x1f: {  	s9 =	smul.u32 $0xF7A, s1;
	s8 =	simm.s32 @!p0 $0x1BF5;
	p2 =	por !p2, p0  }
0x20: {  	[sflag:s8] =	ssyncset.s32 @!p0 $0xFFFFF086;
	s6 =	sadd.s32 @!p0 s3, s7;
	s7 =	simm.s32 @!p0 $0x108  }
0x21: {  	s3 =	sadd.s32 s3, s9;
	s6 =	sadd.s32 @!p0 $0x88, s6;
	s7 =	simm.s32 @p2 $0x1082  }
0x22: {  	[simem:s7], [sflag:s8] =	dma.local @!p0 [hbm:s6], $0xF7A  }
0x23: {  	s9 =	sor.u32 $0xD0000000, s2;
	s6 =	simm.s32 $0x108;
	_ =	swait.ge @!p0 [sflag:s8], $0x0  }
0x24: {  	s3 =	sadd.s32 $0x88, s3;
	s6 =	simm.s32 @!p1 $0x1082;
	[sflag:s4] =	ssyncset.s32 $0xFFFFF086  }
0x25: {  	[simem:s6], [sflag:s4] =	dma.local [hbm:s3], $0xF7A  }
0x26: {  	[smem:$0x3F74] =	sst s1;
	(tag) =	ssettag s2;
	_ =	strace s9  }
0x27: {  	s1 =	sld [smem:$0x3F84]  }
0x28: {  	s2 =	sld [smem:$0x3F85]  }
0x29: {  	s4 =	sld [smem:$0x3F87]  }
0x2a: {  	p0 =	seq.s32 s5, $0x0;
	s5 =	sld [smem:$0x3F88]  }
0x2b: {  	s6 =	sld [smem:$0x3F89]  }
0x2c: {  	s7 =	sld [smem:$0x3F8A]  }
0x2d: {  	s3 =	simm.s32 $0x108;
	s8 =	sld [smem:$0x3F8B]  }
0x2e: {  	s3 =	simm.s32 @!p0 $0x1082;
	s9 =	sld [smem:$0x3F8C]  }
0x2f: {  	lr =	sadd.s32 s0, s3;
	s0 =	sld [smem:$0x3F83]  }
0x30: {  	s3 =	sld [smem:$0x3F86]  }
0x31: {  	[smem:$0x3F8F] =	sst s10  }
0x32: {  	s10 =	sld [smem:$0x3F8D];
	_ =	sdelay $0x3  }
0x33: {  	p0 =	seq.s32 s10, $0x1;
	s10 =	sld [smem:$0x3F8F];
	_ =	sdelay $0x3  }
0x34: {  	[smem:$0x3F8F] =	sst s10  }
0x35: {  	s10 =	sld [smem:$0x3F8E];
	_ =	sdelay $0x3  }
0x36: {  	p1 =	seq.s32 s10, $0x1;
	s10 =	sld [smem:$0x3F8F];
	_ =	sdelay $0x3  }
0x37: {  	[smem:$0x3F8F] =	sst s10  }
0x38: {  	s10 =	sld [smem:$0x3F90]  }
0x39: {  	_ = 	snop;
	(pc) =	sbr.ind lr, $3  }
0x3a: {  	_ = 	snop  }
0x3b: {  	_ = 	snop  }
0x3c: {  	p2 =	seq.s32 s10, $0x1;
	s10 =	sld [smem:$0x3F8F]  }
0x3d: {  	_ =	shalt  }
0x3e: {  	_ =	shalt  }
0x3f: {  	_ =	shalt  }
0x40: {  	_ =	shalt  }
0x41: {  	_ =	shalt  }
0x42: {  	_ =	shalt  }
0x43: {  	_ =	shalt  }
0x44: {  	_ =	shalt  }
0x45: {  	_ =	shalt  }
0x46: {  	_ =	shalt  }
0x47: {  	_ =	shalt  }
0x48: {  	_ =	shalt  }
0x49: {  	_ =	shalt  }
0x4a: {  	_ =	shalt  }
0x4b: {  	_ =	shalt  }
0x4c: {  	_ =	shalt  }
0x4d: {  	_ =	shalt  }
0x4e: {  	_ =	shalt  }
0x4f: {  	_ =	shalt  }
0x50: {  	_ =	shalt  }
0x51: {  	_ =	shalt  }
0x52: {  	_ =	shalt  }
0x53: {  	_ =	shalt  }
0x54: {  	_ =	shalt  }
0x55: {  	_ =	shalt  }
0x56: {  	_ =	shalt  }
0x57: {  	_ =	shalt  }
0x58: {  	_ =	shalt  }
0x59: {  	_ =	shalt  }
0x5a: {  	_ =	shalt  }
0x5b: {  	_ =	shalt  }
0x5c: {  	_ =	shalt  }
0x5d: {  	_ =	shalt  }
0x5e: {  	_ =	shalt  }
0x5f: {  	_ =	shalt  }
0x60: {  	_ =	shalt  }
0x61: {  	_ =	shalt  }
0x62: {  	_ =	shalt  }
0x63: {  	_ =	shalt  }
0x64: {  	_ =	shalt  }
0x65: {  	_ =	shalt  }
0x66: {  	_ =	shalt  }
0x67: {  	_ =	shalt  }
0x68: {  	_ =	shalt  }
0x69: {  	_ =	shalt  }
0x6a: {  	_ =	shalt  }
0x6b: {  	_ =	shalt  }
0x6c: {  	_ =	shalt  }
0x6d: {  	_ =	shalt  }
0x6e: {  	_ =	shalt  }
0x6f: {  	_ =	shalt  }
0x70: {  	_ =	shalt  }
0x71: {  	_ =	shalt  }
0x72: {  	_ =	shalt  }
0x73: {  	_ =	shalt  }
0x74: {  	_ =	shalt  }
0x75: {  	_ =	shalt  }
0x76: {  	_ =	shalt  }
0x77: {  	_ =	shalt  }
0x78: {  	_ =	shalt  }
0x79: {  	_ =	shalt  }
0x7a: {  	_ =	shalt  }
0x7b: {  	_ =	shalt  }
0x7c: {  	_ =	shalt  }
0x7d: {  	_ =	shalt  }
0x7e: {  	_ =	shalt  }
0x7f: {  	_ =	shalt  }
0x80: {  	_ =	shalt  }
0x81: {  	_ =	shalt  }
0x82: {  	_ =	shalt  }
0x83: {  	_ =	shalt  }
0x84: {  	_ =	shalt  }
0x85: {  	_ =	shalt  }
0x86: {  	_ =	shalt  }
0x87: {  	_ =	shalt  }
.Lfunc_end0:
.L_simem_size_0:
called_computation.1_lowered:
.L_overlay_start_0:
0x88: {  	s2 =	sld [smem:$0x3FD9]  }
0x89: {  	s3 =	sld [smem:$0x3FFE];
	_ =	sdelay $0x1  }
0x8a: {  	s1 =	srdreg.scid  }
0x8b: {  	s0 =	sand.u32 $0x1, s1  }
0x8c: {  	s17 =	sshll.u32 s0, $0xA;
	s2 =	sadd.s32 s3, s2  }
0x8d: {  	s2 =	sadd.s32 s2, s17  }
0x8e: {  	[smem:$0x3F9B] =	sst s2  }
0x8f: {  	_ = 	snop  }
0x90: {  	s2 =	sld [smem:$0x3FD0];
	(tm) =	ssettm $0x1  }
0x91: {  	s18 =	sld [smem:$0x3FFB];
	_ =	sdelay $0x3  }
0x92: {  	_ =	strace s18  }
0x93: {  	s3 =	sld [smem:$0x3FFC];
	_ =	sdelay $0x3  }
0x94: {  	_ =	strace s3  }
0x95: {  	s3 =	sld [smem:$0x3FFD];
	_ =	sdelay $0x3  }
0x96: {  	_ =	strace s3  }
0x97: {  	_ =	strace $0x8FFFFFFF  }
0x98: {  	s19 =	sld [smem:$0x3FDB];
	_ =	sdelay $0x1  }
0x99: {  	s4 =	simm.s32 $_scs_section_size  }
0x9a: {  	s5 =	simm.s32 $_size__tile_overlayer_lowered;
	s6 =	simm.s32 $_tile_overlayer_lowered  }
0x9b: {  	s22 =	simm.s32 $0x1BFF;
	s21 =	sshll.u32 s6, $0x1;
	s3 =	sadd.s32 s4, s19  }
0x9c: {  	s7 =	simm.s32 $0x0;
	s20 =	sshll.u32 s5, $0x1;
	s5 =	sadd.s32 s21, s3  }
0x9d: {  	[timem:s7], [sflag:s22] =	dma.local [hbm:s5], s20  }
0x9e: {  	_ =	swait.ge [sflag:s22], s20  }
0x9f: {  	s4 =	ssub.s32 $0x0, s20;
	[sflag:s22] =	ssyncset.done $0x0  }
0xa0: {  	[sflag:s22] =	ssyncadd.s32 s4;
	_ =	sdelay $0x1  }
0xa1: {  	s23 =	simm.s32 $0x1B8B  }
0xa2: {  	_ =	swait.ge [sflag:s23], $0x1  }
0xa3: {  	[sflag:s23] =	ssyncset.done $0x0  }
0xa4: {  	s25 =	simm.s32 $0x1B8E;
	s24 =	sld [smem:$0x3FFE];
	[sflag:s23] =	ssyncadd.s32 $0xFFFFFFFF  }
0xa5: {  	s26 =	simm.s32 $execute0_lowered;
	[smem:$0x3FD2] =	sst s25  }
0xa6: {  	s5 =	sshll.u32 s26, $0x1;
	_ =	strace $0x80000049;
	[dreg:$0x1] =	wrdreg $0xFFFFFFFF  }
0xa7: {  	s28 =	simm.s32 $_size_execute0_lowered;
	s3 =	sadd.s32 s3, s5;
	[dreg:$0x0] =	wrdreg $0x0  }
0xa8: {  	s5 =	sshll.u32 s28, $0x1;
	[dreg:$0x2] =	wrdreg s3  }
0xa9: {  	[dreg:$0x3] =	wrdreg s5  }
0xaa: {  	[dreg:$0x4] =	wrdreg $0xC0  }
0xab: {  	_ =	task [dreg:s7], $0x5FFFF  }
0xac: {  	[dreg:$0x1] =	wrdreg $0xFFFFFFFF  }
0xad: {  	[dreg:$0x0] =	wrdreg $0x60  }
0xae: {  	[dreg:$0x2] =	wrdreg s2  }
0xaf: {  	[dreg:$0x3] =	wrdreg s24  }
0xb0: {  	[dreg:$0x4] =	wrdreg $0x0  }
0xb1: {  	[dreg:$0x5] =	wrdreg $0x9  }
0xb2: {  	_ =	task.clear_ibuf [dreg:s7], $0x6FFFF;
	_ =	strace $0x90000049  }
0xb3: {  	s29 =	simm.s32 $0x9;
	_ =	strace $0x8000004B  }
0xb4: {  	_ =	swait.ge [sflag:s29], $0x1  }
0xb5: {  	[sflag:s29] =	ssyncadd.s32 $0xFFFFFFFF  }
0xb6: {  	_ =	strace $0x9000004B  }
0xb7: {  	_ =	sfence  }
0xb8: {  	s30 =	sld [smem:$0x0];
	_ =	sdelay $0x2  }
0xb9: {  	s31 =	sshll.u32 s1, $0xD;
	s1 =	sshrl.u32 s1, $0x2  }
0xba: {  	s3 =	sand.u32 $0x4000, s31;
	s1 =	sadd.s32 s1, s30  }
0xbb: {  	s0 =	sor.u32 s3, s0;
	s1 =	sshll.u32 s1, $0x11  }
0xbc: {  	s0 =	sor.u32 s1, s0  }
0xbd: {  	s0 =	sadd.s32 $0x8F2B, s0  }
0xbe: {  	[sflag:s0] =	ssyncadd.remote.s32 $0x1  }
0xbf: {  	_ =	sfence.sel $0xFFFF  }
0xc0: {  	[dreg:$0x0] =	wrdreg $0xFFFFFFFF;
	(pc) =	sbr.abs _section_cstart, $3  }
0xc1: {  	[dreg:$0x1] =	wrdreg $0xFFFFFFFF  }
0xc2: {  	_ =	task.clear_ibuf [dreg:s7], $0x2FFFF;
	_ =	strace $0x9FFFFFFF  }
0xc3: {  	(tm) =	ssettm $0x7FFFFFFF  }
tec
execute0_lowered:
.L_overlay_start_1:
0x0: {  	(tag) =	ssettag $0x1  }
0x1: {  	s1 =	rddreg [dreg:$0x0]  }
0x2: {  	s0 =	rddreg [dreg:$0x1]  }
0x3: {  	s2 =	rddreg [dreg:$0x2]  }
0x4: {  	s4 =	simm.s32 $0x0;
	s3 =	srdreg.scid;
	s16 =	stileid.u32  }
0x5: {  	s28 =	simm.s32 $0x4;
	s29 =	simm.s32 $0x13D80;
	s6 =	smul.u32 $0x278, s16  }
0x6: {  	s30 =	simm.s32 $0x16600;
	s31 =	simm.s32 $0x1;
	s11 =	smul.u32 $0x4F000, s16  }
0x7: {  	[smem:$0x7FF] =	sst s4;
	s5 =	sadd.s32 $0x10A00, s0;
	s13 =	smul.u32 $0x2710, s16  }
0x8: {  	s3 =	sand.u32 $0x1, s3;
	s7 =	sadd.s32 $0x6A00, s0;
	s22 =	smul.u32 $0x4E2, s16  }
0x9: {  	s0 =	sadd.s32 $0x24400, s0;
	s17 =	sshll.u32 s16, $0x6;
	s9 =	smul.u32 $0x4F00, s3  }
0xa: {  	_ =	strace $0x8000004A;
	s8 =	ssub.s32 $0x2, s3;
	s14 =	smul.u32 $0x4E200, s3  }
0xb: {  	s3 =	sshllo.u32 s3, $0x1;
	s10 =	sshrl.u32 s8, $0x1;
	s25 =	sshrl.u32 s11, $0x2  }
0xc: {  	s16 =	sadd.s32 s22, s7;
	s22 =	simm.s32 $0x13C00;
	s12 =	ssub.s32 s8, s10  }
0xd: {  	s24 =	sadd.s32 s6, s9;
	s18 =	sadd.s32 s13, s14;
	s14 =	smul.u32 $0x2780, s3  }
0xe: {  	s9 =	sadd.s32 s25, s2;
	s3 =	smul.u32 $0x27100, s3;
	s8 =	sor.u32 $0x1C03, s17  }
0xf: {  	s26 =	sshll.u32 s24, $0x4;
	[dreg:$0x4] =	wrdreg s9;
	s19 =	sshrl.u32 s18, $0x3  }
0x10: {  	s17 =	sadd.s32 $0xA0, s18;
	s24 =	sadd.s32 $0x50, s18;
	s25 =	sadd.s32 $0x271A0, s18  }
0x11: {  	s15 =	sadd.s32 s1, s26;
	s20 =	sadd.s32 s5, s19;
	s21 =	sadd.s32 s0, s26  }
0x12: {  	s6 =	sadd.s32 s6, s14;
	s3 =	sadd.s32 s13, s3;
	[dreg:$0x5] =	wrdreg s15  }
0x13: {  	s26 =	sadd.s32 $0x27150, s18;
	s15 =	sshrl.u32 s13, $0x3;
	[dreg:$0x6] =	wrdreg s20  }
0x14: {  	[dreg:$0x7] =	wrdreg s21;
	s6 =	sshll.u32 s6, $0x4;
	s3 =	sshrl.u32 s3, $0x3  }
0x15: {  	s21 =	simm.s32 $0x3;
	s10 =	sadd.s32 s7, s15;
	s23 =	sadd.s32 s1, s6  }
0x16: {  	s3 =	sadd.s32 s5, s3;
	s0 =	sadd.s32 s0, s6;
	[dreg:$0x8] =	wrdreg s23  }
0x17: {  	s15 =	smax.u32 s12, $0x1;
	s6 =	sshrl.u32 s26, $0x3;
	[dreg:$0x9] =	wrdreg s3  }
0x18: {  	s26 =	simm.s32 $0x13D00;
	[dreg:$0xa] =	wrdreg s0;
	s0 =	sshrl.u32 s24, $0x3  }
0x19: {  	s3 =	sshrl.u32 s25, $0x3;
	s20 =	sadd.s32 s6, s5;
	s23 =	simm.s32 $0x13C80  }
0x1a: {  	s24 =	simm.s32 $0x50;
	s25 =	simm.s32 $0x13E00;
	s18 =	sadd.s32 s0, s5  }
0x1b: {  	s19 =	sadd.s32 s3, s5;
	s0 =	simm.s32 $0x2;
	s3 =	simm.s32 $0x0  }
.LBB2_1:
0x1c: {  	s6 =	rddreg [dreg:$0x4]  }
0x1d: {  	s7 =	rddreg [dreg:$0x5];
	s6 =	sshrl.u32 s6, $0x3  }
0x1e: {  	[spmem:s6], [sflag:s8] =	dma.local [hbm:s7], $0x2780  }
0x1f: {  	_ =	swait.ge [sflag:s21], $0x2780  }
0x20: {  	[sflag:s21] =	ssyncset.done $0x0  }
0x21: {  	[sflag:s21] =	ssyncadd.s32 $0xFFFFD880  }
0x22: {  	[bflag:$0x0] =	sbarrier.arrive $0xFFFF  }
0x23: {  	s11 =	rddreg [dreg:$0x6]  }
0x24: {  	[tilespmem:s22], [sflag:$0x3] =	stream.linear.gather [hbm4b:s11+s4], $0x50, $0x38;
	[tilespmem:$0x18E00] =	vst v63  }
0x25: {  	_ =	swait.ge [sflag:s21], $0x50  }
0x26: {  	[sflag:s21] =	ssyncset.done $0x0  }
0x27: {  	[sflag:s21] =	ssyncadd.s32 $0xFFFFFFB0  }
0x28: {  	[tilespmem:s23], [sflag:$0x3] =	stream.linear.gather [hbm4b:s10+s4], $0x50, $0x38;
	[tilespmem:$0x18E00] =	vst v63  }
0x29: {  	_ =	swait.ge [sflag:s21], $0x50  }
0x2a: {  	[sflag:s21] =	ssyncset.done $0x0  }
0x2b: {  	[sflag:s21] =	ssyncadd.s32 $0xFFFFFFB0  }
0x2c: {  	[tilespmem:s25], [sflag:$0x1] =	stream.indirect.gather [hbm4b:s1+s24], $0x80, s22, s24, $0xb8;
	[tilespmem:$0x18E00] =	vst v63  }
0x2d: {  	s12 =	sadd.s32 $0x0, s18  }
0x2e: {  	[tilespmem:s26], [sflag:$0x4] =	stream.linear.gather [hbm4b:s12+s4], $0x50, $0x38;
	[tilespmem:$0x18E00] =	vst v63  }
0x2f: {  	_ =	swait.ge [sflag:s28], $0x50  }
0x30: {  	s13 =	sadd.s32 $0x0, s16;
	[sflag:s28] =	ssyncset.done $0x0  }
0x31: {  	s9 =	sadd.s32 $0xA, s13;
	[sflag:s28] =	ssyncadd.s32 $0xFFFFFFB0  }
0x32: {  	[tilespmem:s29], [sflag:$0x4] =	stream.linear.gather [hbm4b:s9+s4], $0x50, $0x38;
	[tilespmem:$0x18E00] =	vst v63  }
0x33: {  	_ =	swait.ge [sflag:s28], $0x50  }
0x34: {  	[sflag:s28] =	ssyncset.done $0x0  }
0x35: {  	[sflag:s28] =	ssyncadd.s32 $0xFFFFFFB0  }
0x36: {  	[tilespmem:s30], [sflag:$0x2] =	stream.indirect.gather [hbm4b:s1+s24], $0x80, s26, s24, $0xb8;
	[tilespmem:$0x18E00] =	vst v63  }
0x37: {  	_ =	swait.ge [sflag:s31], $0x2800  }
0x38: {  	[sflag:s31] =	ssyncset.done $0x0  }
0x39: {  	[sflag:s31] =	ssyncadd.s32 $0xFFFFD800  }
0x3a: {  	[spmem:s2] =	stream.indirect.scatter.add.f32 [tilespmem:s25], [sflag:$0x4], $0x80, s23, s24, $0xb8;
	[tilespmem:$0x18E00] =	vst v63  }
0x3b: {  	_ =	swait.ge [sflag:s28], $0x2800  }
0x3c: {  	s14 =	sshrl.u32 s17, $0x3;
	[sflag:s28] =	ssyncset.done $0x0  }
0x3d: {  	s9 =	sadd.s32 s5, s14;
	[sflag:s28] =	ssyncadd.s32 $0xFFFFD800  }
0x3e: {  	[tilespmem:s22], [sflag:$0x4] =	stream.linear.gather [hbm4b:s9+s4], $0x50, $0x38;
	[tilespmem:$0x18E00] =	vst v63  }
0x3f: {  	_ =	swait.ge [sflag:s28], $0x50  }
0x40: {  	[sflag:s28] =	ssyncset.done $0x0  }
0x41: {  	s7 =	sadd.s32 $0x14, s13;
	[sflag:s28] =	ssyncadd.s32 $0xFFFFFFB0  }
0x42: {  	[tilespmem:s23], [sflag:$0x4] =	stream.linear.gather [hbm4b:s7+s4], $0x50, $0x38;
	[tilespmem:$0x18E00] =	vst v63  }
0x43: {  	_ =	swait.ge [sflag:s28], $0x50  }
0x44: {  	[sflag:s28] =	ssyncset.done $0x0  }
0x45: {  	[sflag:s28] =	ssyncadd.s32 $0xFFFFFFB0  }
0x46: {  	[tilespmem:s25], [sflag:$0x1] =	stream.indirect.gather [hbm4b:s1+s24], $0x80, s22, s24, $0xb8;
	[tilespmem:$0x18E00] =	vst v63  }
0x47: {  	_ =	swait.ge [sflag:s0], $0x2800  }
0x48: {  	[sflag:s0] =	ssyncset.done $0x0  }
0x49: {  	[sflag:s0] =	ssyncadd.s32 $0xFFFFD800  }
0x4a: {  	[spmem:s2] =	stream.indirect.scatter.add.f32 [tilespmem:s30], [sflag:$0x3], $0x80, s29, s24, $0xb8;
	[tilespmem:$0x18E00] =	vst v63  }
0x4b: {  	s11 =	simm.s32 $0x28;
	_ =	swait.ge [sflag:s21], $0x2800  }
0x4c: {  	s9 =	simm.s32 $0x14;
	s7 =	sadd.s32 $0xA0, s17;
	[sflag:s21] =	ssyncset.done $0x0  }
.LBB2_2:
0x4d: {  	s13 =	sadd.s32 s9, s18  }
0x4e: {  	[sflag:s21] =	ssyncadd.s32 $0xFFFFD800;
	s14 =	smov.u32 s11;
	s12 =	sadd.s32 $0x14, s11  }
0x4f: {  	[tilespmem:s26], [sflag:$0x4] =	stream.linear.gather [hbm4b:s13+s4], $0x50, $0x38;
	[tilespmem:$0x18E00] =	vst v63  }
0x50: {  	p0 =	sne.s32 s11, $0x4C4;
	_ =	swait.ge [sflag:s28], $0x50  }
0x51: {  	s11 =	sadd.s32 s9, s16;
	s9 =	smov.u32 s14;
	[sflag:s28] =	ssyncset.done $0x0  }
0x52: {  	s13 =	sadd.s32 $0xA, s11;
	[sflag:s28] =	ssyncadd.s32 $0xFFFFFFB0  }
0x53: {  	[tilespmem:s29], [sflag:$0x4] =	stream.linear.gather [hbm4b:s13+s4], $0x50, $0x38;
	[tilespmem:$0x18E00] =	vst v63  }
0x54: {  	_ =	swait.ge [sflag:s28], $0x50  }
0x55: {  	[sflag:s28] =	ssyncset.done $0x0  }
0x56: {  	[sflag:s28] =	ssyncadd.s32 $0xFFFFFFB0  }
0x57: {  	[tilespmem:s30], [sflag:$0x2] =	stream.indirect.gather [hbm4b:s1+s24], $0x80, s26, s24, $0xb8;
	[tilespmem:$0x18E00] =	vst v63  }
0x58: {  	_ =	swait.ge [sflag:s31], $0x2800  }
0x59: {  	[sflag:s31] =	ssyncset.done $0x0  }
0x5a: {  	[sflag:s31] =	ssyncadd.s32 $0xFFFFD800  }
0x5b: {  	[spmem:s2] =	stream.indirect.scatter.add.f32 [tilespmem:s25], [sflag:$0x4], $0x80, s23, s24, $0xb8;
	[tilespmem:$0x18E00] =	vst v63  }
0x5c: {  	_ =	swait.ge [sflag:s28], $0x2800  }
0x5d: {  	s13 =	sshrl.u32 s7, $0x3;
	[sflag:s28] =	ssyncset.done $0x0  }
0x5e: {  	s13 =	sadd.s32 s5, s13;
	[sflag:s28] =	ssyncadd.s32 $0xFFFFD800  }
0x5f: {  	[tilespmem:s22], [sflag:$0x4] =	stream.linear.gather [hbm4b:s13+s4], $0x50, $0x38;
	[tilespmem:$0x18E00] =	vst v63  }
0x60: {  	_ =	swait.ge [sflag:s28], $0x50  }
0x61: {  	[sflag:s28] =	ssyncset.done $0x0  }
0x62: {  	s11 =	sadd.s32 $0x14, s11;
	[sflag:s28] =	ssyncadd.s32 $0xFFFFFFB0  }
0x63: {  	[tilespmem:s23], [sflag:$0x4] =	stream.linear.gather [hbm4b:s11+s4], $0x50, $0x38;
	[tilespmem:$0x18E00] =	vst v63  }
0x64: {  	_ =	swait.ge [sflag:s28], $0x50  }
0x65: {  	[sflag:s28] =	ssyncset.done $0x0  }
0x66: {  	[sflag:s28] =	ssyncadd.s32 $0xFFFFFFB0  }
0x67: {  	[tilespmem:s25], [sflag:$0x1] =	stream.indirect.gather [hbm4b:s1+s24], $0x80, s22, s24, $0xb8;
	[tilespmem:$0x18E00] =	vst v63  }
0x68: {  	_ =	swait.ge [sflag:s0], $0x2800  }
.Ltmp0:
0x69: {  	[sflag:s0] =	ssyncset.done $0x0;
	(pc) =	sbr.rel @p0 .LBB2_2-.Ltmp0, $4  }
0x6a: {  	[sflag:s0] =	ssyncadd.s32 $0xFFFFD800  }
0x6b: {  	[spmem:s2] =	stream.indirect.scatter.add.f32 [tilespmem:s30], [sflag:$0x3], $0x80, s29, s24, $0xb8;
	[tilespmem:$0x18E00] =	vst v63  }
0x6c: {  	_ =	swait.ge [sflag:s21], $0x2800  }
0x6d: {  	s7 =	sadd.s32 $0xA0, s7;
	s11 =	smov.u32 s12;
	[sflag:s21] =	ssyncset.done $0x0  }
0x6e: {  	s11 =	sadd.s32 s9, s18;
	[sflag:s21] =	ssyncadd.s32 $0xFFFFD800  }
0x6f: {  	[tilespmem:s26], [sflag:$0x4] =	stream.linear.gather [hbm4b:s11+s4], $0x50, $0x38;
	[tilespmem:$0x18E00] =	vst v63  }
0x70: {  	_ =	swait.ge [sflag:s28], $0x50  }
0x71: {  	s13 =	sadd.s32 s9, s16;
	[sflag:s28] =	ssyncset.done $0x0  }
0x72: {  	s14 =	sadd.s32 $0xA, s13;
	[sflag:s28] =	ssyncadd.s32 $0xFFFFFFB0  }
0x73: {  	[tilespmem:s29], [sflag:$0x4] =	stream.linear.gather [hbm4b:s14+s4], $0x50, $0x38;
	[tilespmem:$0x18E00] =	vst v63  }
0x74: {  	_ =	swait.ge [sflag:s28], $0x50  }
0x75: {  	[sflag:s28] =	ssyncset.done $0x0  }
0x76: {  	[sflag:s28] =	ssyncadd.s32 $0xFFFFFFB0  }
0x77: {  	[tilespmem:s30], [sflag:$0x2] =	stream.indirect.gather [hbm4b:s1+s24], $0x80, s26, s24, $0xb8;
	[tilespmem:$0x18E00] =	vst v63  }
0x78: {  	_ =	swait.ge [sflag:s31], $0x2800  }
0x79: {  	[sflag:s31] =	ssyncset.done $0x0  }
0x7a: {  	[sflag:s31] =	ssyncadd.s32 $0xFFFFD800  }
0x7b: {  	[spmem:s2] =	stream.indirect.scatter.add.f32 [tilespmem:s25], [sflag:$0x4], $0x80, s23, s24, $0xb8;
	[tilespmem:$0x18E00] =	vst v63  }
0x7c: {  	_ =	swait.ge [sflag:s28], $0x2800  }
0x7d: {  	s7 =	sshrl.u32 s7, $0x3;
	[sflag:s28] =	ssyncset.done $0x0  }
0x7e: {  	s7 =	sadd.s32 s5, s7;
	[sflag:s28] =	ssyncadd.s32 $0xFFFFD800  }
0x7f: {  	[tilespmem:s22], [sflag:$0x4] =	stream.linear.gather [hbm4b:s7+s4], $0x50, $0x38;
	[tilespmem:$0x18E00] =	vst v63  }
0x80: {  	_ =	swait.ge [sflag:s28], $0x50  }
0x81: {  	[sflag:s28] =	ssyncset.done $0x0  }
0x82: {  	s9 =	sadd.s32 $0x14, s13;
	[sflag:s28] =	ssyncadd.s32 $0xFFFFFFB0  }
0x83: {  	[tilespmem:s23], [sflag:$0x4] =	stream.linear.gather [hbm4b:s9+s4], $0x50, $0x38;
	[tilespmem:$0x18E00] =	vst v63  }
0x84: {  	_ =	swait.ge [sflag:s28], $0x50  }
0x85: {  	[sflag:s28] =	ssyncset.done $0x0  }
0x86: {  	[sflag:s28] =	ssyncadd.s32 $0xFFFFFFB0  }
0x87: {  	[tilespmem:s25], [sflag:$0x1] =	stream.indirect.gather [hbm4b:s1+s24], $0x80, s22, s24, $0xb8;
	[tilespmem:$0x18E00] =	vst v63  }
0x88: {  	_ =	swait.ge [sflag:s0], $0x2800  }
0x89: {  	[sflag:s0] =	ssyncset.done $0x0  }
0x8a: {  	[sflag:s0] =	ssyncadd.s32 $0xFFFFD800  }
0x8b: {  	[spmem:s2] =	stream.indirect.scatter.add.f32 [tilespmem:s30], [sflag:$0x3], $0x80, s29, s24, $0xb8;
	[tilespmem:$0x18E00] =	vst v63  }
0x8c: {  	_ =	swait.ge [sflag:s21], $0x2800  }
0x8d: {  	[sflag:s21] =	ssyncset.done $0x0  }
0x8e: {  	[sflag:s21] =	ssyncadd.s32 $0xFFFFD800  }
0x8f: {  	_ =	swait.ge [sflag:s31], $0x2800  }
0x90: {  	[sflag:s31] =	ssyncset.done $0x0  }
0x91: {  	[sflag:s31] =	ssyncadd.s32 $0xFFFFD800  }
0x92: {  	[spmem:s2] =	stream.indirect.scatter.add.f32 [tilespmem:s25], [sflag:$0x4], $0x80, s23, s24, $0xb8;
	[tilespmem:$0x18E00] =	vst v63  }
0x93: {  	_ =	swait.ge [sflag:s28], $0x2800  }
0x94: {  	[sflag:s28] =	ssyncset.done $0x0  }
0x95: {  	[sflag:s28] =	ssyncadd.s32 $0xFFFFD800  }
0x96: {  	[bflag:$0x0] =	sbarrier.arrive $0xFFFF  }
0x97: {  	s11 =	rddreg [dreg:$0x7]  }
0x98: {  	[hbm:s11], [sflag:s8] =	dma.local [spmem:s6], $0x2780  }
0x99: {  	_ =	swait.ge [sflag:s21], $0x2780  }
0x9a: {  	[sflag:s21] =	ssyncset.done $0x0  }
0x9b: {  	[sflag:s21] =	ssyncadd.s32 $0xFFFFD880  }
0x9c: {  	[bflag:$0x0] =	sbarrier.arrive $0xFFFF  }
0x9d: {  	s12 =	rddreg [dreg:$0x8]  }
0x9e: {  	[spmem:s6], [sflag:s8] =	dma.local [hbm:s12], $0x2780  }
0x9f: {  	_ =	swait.ge [sflag:s21], $0x2780  }
0xa0: {  	[sflag:s21] =	ssyncset.done $0x0  }
0xa1: {  	[sflag:s21] =	ssyncadd.s32 $0xFFFFD880  }
0xa2: {  	[bflag:$0x0] =	sbarrier.arrive $0xFFFF  }
0xa3: {  	s13 =	simm.s32 $0x0;
	s14 =	rddreg [dreg:$0x9]  }
0xa4: {  	[tilespmem:s22], [sflag:$0x3] =	stream.linear.gather [hbm4b:s14+s13], $0x50, $0x38;
	[tilespmem:$0x18E00] =	vst v63  }
0xa5: {  	_ =	swait.ge [sflag:s21], $0x50  }
0xa6: {  	[sflag:s21] =	ssyncset.done $0x0  }
0xa7: {  	[sflag:s21] =	ssyncadd.s32 $0xFFFFFFB0  }
0xa8: {  	[tilespmem:s23], [sflag:$0x3] =	stream.linear.gather [hbm4b:s10+s13], $0x50, $0x38;
	[tilespmem:$0x18E00] =	vst v63  }
0xa9: {  	_ =	swait.ge [sflag:s21], $0x50  }
0xaa: {  	[sflag:s21] =	ssyncset.done $0x0  }
0xab: {  	[sflag:s21] =	ssyncadd.s32 $0xFFFFFFB0  }
0xac: {  	[tilespmem:s25], [sflag:$0x1] =	stream.indirect.gather [hbm4b:s1+s24], $0x80, s22, s24, $0xb8;
	[tilespmem:$0x18E00] =	vst v63  }
0xad: {  	s11 =	sadd.s32 $0x0, s20  }
0xae: {  	[tilespmem:s26], [sflag:$0x4] =	stream.linear.gather [hbm4b:s11+s4], $0x50, $0x38;
	[tilespmem:$0x18E00] =	vst v63  }
0xaf: {  	_ =	swait.ge [sflag:s28], $0x50  }
0xb0: {  	s12 =	sadd.s32 $0x0, s16;
	[sflag:s28] =	ssyncset.done $0x0  }
0xb1: {  	s13 =	sadd.s32 $0xA, s12;
	[sflag:s28] =	ssyncadd.s32 $0xFFFFFFB0  }
0xb2: {  	[tilespmem:s29], [sflag:$0x4] =	stream.linear.gather [hbm4b:s13+s4], $0x50, $0x38;
	[tilespmem:$0x18E00] =	vst v63  }
0xb3: {  	_ =	swait.ge [sflag:s28], $0x50  }
0xb4: {  	[sflag:s28] =	ssyncset.done $0x0  }
0xb5: {  	[sflag:s28] =	ssyncadd.s32 $0xFFFFFFB0  }
0xb6: {  	[tilespmem:s30], [sflag:$0x2] =	stream.indirect.gather [hbm4b:s1+s24], $0x80, s26, s24, $0xb8;
	[tilespmem:$0x18E00] =	vst v63  }
0xb7: {  	_ =	swait.ge [sflag:s31], $0x2800  }
0xb8: {  	[sflag:s31] =	ssyncset.done $0x0  }
0xb9: {  	[sflag:s31] =	ssyncadd.s32 $0xFFFFD800  }
0xba: {  	[spmem:s2] =	stream.indirect.scatter.add.f32 [tilespmem:s25], [sflag:$0x4], $0x80, s23, s24, $0xb8;
	[tilespmem:$0x18E00] =	vst v63  }
0xbb: {  	_ =	swait.ge [sflag:s28], $0x2800  }
0xbc: {  	[sflag:s28] =	ssyncset.done $0x0  }
0xbd: {  	s14 =	sadd.s32 $0x0, s19;
	[sflag:s28] =	ssyncadd.s32 $0xFFFFD800  }
0xbe: {  	[tilespmem:s22], [sflag:$0x4] =	stream.linear.gather [hbm4b:s14+s4], $0x50, $0x38;
	[tilespmem:$0x18E00] =	vst v63  }
0xbf: {  	_ =	swait.ge [sflag:s28], $0x50  }
0xc0: {  	[sflag:s28] =	ssyncset.done $0x0  }
0xc1: {  	s7 =	sadd.s32 $0x14, s12;
	[sflag:s28] =	ssyncadd.s32 $0xFFFFFFB0  }
0xc2: {  	[tilespmem:s23], [sflag:$0x4] =	stream.linear.gather [hbm4b:s7+s4], $0x50, $0x38;
	[tilespmem:$0x18E00] =	vst v63  }
0xc3: {  	_ =	swait.ge [sflag:s28], $0x50  }
0xc4: {  	[sflag:s28] =	ssyncset.done $0x0  }
0xc5: {  	[sflag:s28] =	ssyncadd.s32 $0xFFFFFFB0  }
0xc6: {  	[tilespmem:s25], [sflag:$0x1] =	stream.indirect.gather [hbm4b:s1+s24], $0x80, s22, s24, $0xb8;
	[tilespmem:$0x18E00] =	vst v63  }
0xc7: {  	_ =	swait.ge [sflag:s0], $0x2800  }
0xc8: {  	[sflag:s0] =	ssyncset.done $0x0  }
0xc9: {  	[sflag:s0] =	ssyncadd.s32 $0xFFFFD800  }
0xca: {  	[spmem:s2] =	stream.indirect.scatter.add.f32 [tilespmem:s30], [sflag:$0x3], $0x80, s29, s24, $0xb8;
	[tilespmem:$0x18E00] =	vst v63  }
0xcb: {  	_ =	swait.ge [sflag:s21], $0x2800  }
0xcc: {  	s11 =	simm.s32 $0x28;
	s7 =	simm.s32 $0x14;
	[sflag:s21] =	ssyncset.done $0x0  }
.LBB2_4:
0xcd: {  	s12 =	sadd.s32 s7, s20  }
0xce: {  	[sflag:s21] =	ssyncadd.s32 $0xFFFFD800;
	s13 =	smov.u32 s11;
	s9 =	sadd.s32 $0x14, s11  }
0xcf: {  	[tilespmem:s26], [sflag:$0x4] =	stream.linear.gather [hbm4b:s12+s4], $0x50, $0x38;
	[tilespmem:$0x18E00] =	vst v63  }
0xd0: {  	p0 =	sne.s32 s11, $0x4C4;
	_ =	swait.ge [sflag:s28], $0x50  }
0xd1: {  	s11 =	sadd.s32 s7, s16;
	[sflag:s28] =	ssyncset.done $0x0  }
0xd2: {  	s12 =	sadd.s32 $0xA, s11;
	[sflag:s28] =	ssyncadd.s32 $0xFFFFFFB0  }
0xd3: {  	[tilespmem:s29], [sflag:$0x4] =	stream.linear.gather [hbm4b:s12+s4], $0x50, $0x38;
	[tilespmem:$0x18E00] =	vst v63  }
0xd4: {  	_ =	swait.ge [sflag:s28], $0x50  }
0xd5: {  	[sflag:s28] =	ssyncset.done $0x0  }
0xd6: {  	[sflag:s28] =	ssyncadd.s32 $0xFFFFFFB0  }
0xd7: {  	[tilespmem:s30], [sflag:$0x2] =	stream.indirect.gather [hbm4b:s1+s24], $0x80, s26, s24, $0xb8;
	[tilespmem:$0x18E00] =	vst v63  }
0xd8: {  	_ =	swait.ge [sflag:s31], $0x2800  }
0xd9: {  	[sflag:s31] =	ssyncset.done $0x0  }
0xda: {  	[sflag:s31] =	ssyncadd.s32 $0xFFFFD800  }
0xdb: {  	[spmem:s2] =	stream.indirect.scatter.add.f32 [tilespmem:s25], [sflag:$0x4], $0x80, s23, s24, $0xb8;
	[tilespmem:$0x18E00] =	vst v63  }
0xdc: {  	_ =	swait.ge [sflag:s28], $0x2800  }
0xdd: {  	[sflag:s28] =	ssyncset.done $0x0  }
0xde: {  	s12 =	sadd.s32 s7, s19;
	s7 =	smov.u32 s13;
	[sflag:s28] =	ssyncadd.s32 $0xFFFFD800  }
0xdf: {  	[tilespmem:s22], [sflag:$0x4] =	stream.linear.gather [hbm4b:s12+s4], $0x50, $0x38;
	[tilespmem:$0x18E00] =	vst v63  }
0xe0: {  	_ =	swait.ge [sflag:s28], $0x50  }
0xe1: {  	[sflag:s28] =	ssyncset.done $0x0  }
0xe2: {  	s11 =	sadd.s32 $0x14, s11;
	[sflag:s28] =	ssyncadd.s32 $0xFFFFFFB0  }
0xe3: {  	[tilespmem:s23], [sflag:$0x4] =	stream.linear.gather [hbm4b:s11+s4], $0x50, $0x38;
	[tilespmem:$0x18E00] =	vst v63  }
0xe4: {  	_ =	swait.ge [sflag:s28], $0x50  }
0xe5: {  	[sflag:s28] =	ssyncset.done $0x0  }
0xe6: {  	[sflag:s28] =	ssyncadd.s32 $0xFFFFFFB0  }
0xe7: {  	[tilespmem:s25], [sflag:$0x1] =	stream.indirect.gather [hbm4b:s1+s24], $0x80, s22, s24, $0xb8;
	[tilespmem:$0x18E00] =	vst v63  }
0xe8: {  	_ =	swait.ge [sflag:s0], $0x2800  }
.Ltmp1:
0xe9: {  	[sflag:s0] =	ssyncset.done $0x0;
	(pc) =	sbr.rel @p0 .LBB2_4-.Ltmp1, $4  }
0xea: {  	[sflag:s0] =	ssyncadd.s32 $0xFFFFD800  }
0xeb: {  	[spmem:s2] =	stream.indirect.scatter.add.f32 [tilespmem:s30], [sflag:$0x3], $0x80, s29, s24, $0xb8;
	[tilespmem:$0x18E00] =	vst v63  }
0xec: {  	_ =	swait.ge [sflag:s21], $0x2800  }
0xed: {  	s11 =	smov.u32 s9;
	[sflag:s21] =	ssyncset.done $0x0  }
0xee: {  	s9 =	sadd.s32 s7, s20;
	[sflag:s21] =	ssyncadd.s32 $0xFFFFD800  }
0xef: {  	[tilespmem:s26], [sflag:$0x4] =	stream.linear.gather [hbm4b:s9+s4], $0x50, $0x38;
	[tilespmem:$0x18E00] =	vst v63  }
0xf0: {  	_ =	swait.ge [sflag:s28], $0x50  }
0xf1: {  	s14 =	sadd.s32 s7, s16;
	[sflag:s28] =	ssyncset.done $0x0  }
0xf2: {  	s11 =	sadd.s32 $0xA, s14;
	[sflag:s28] =	ssyncadd.s32 $0xFFFFFFB0  }
0xf3: {  	[tilespmem:s29], [sflag:$0x4] =	stream.linear.gather [hbm4b:s11+s4], $0x50, $0x38;
	[tilespmem:$0x18E00] =	vst v63  }
0xf4: {  	_ =	swait.ge [sflag:s28], $0x50  }
0xf5: {  	[sflag:s28] =	ssyncset.done $0x0  }
0xf6: {  	[sflag:s28] =	ssyncadd.s32 $0xFFFFFFB0  }
0xf7: {  	[tilespmem:s30], [sflag:$0x2] =	stream.indirect.gather [hbm4b:s1+s24], $0x80, s26, s24, $0xb8;
	[tilespmem:$0x18E00] =	vst v63  }
0xf8: {  	_ =	swait.ge [sflag:s31], $0x2800  }
0xf9: {  	[sflag:s31] =	ssyncset.done $0x0  }
0xfa: {  	[sflag:s31] =	ssyncadd.s32 $0xFFFFD800  }
0xfb: {  	[spmem:s2] =	stream.indirect.scatter.add.f32 [tilespmem:s25], [sflag:$0x4], $0x80, s23, s24, $0xb8;
	[tilespmem:$0x18E00] =	vst v63  }
0xfc: {  	_ =	swait.ge [sflag:s28], $0x2800  }
0xfd: {  	[sflag:s28] =	ssyncset.done $0x0  }
0xfe: {  	s12 =	sadd.s32 s7, s19;
	[sflag:s28] =	ssyncadd.s32 $0xFFFFD800  }
0xff: {  	[tilespmem:s22], [sflag:$0x4] =	stream.linear.gather [hbm4b:s12+s4], $0x50, $0x38;
	[tilespmem:$0x18E00] =	vst v63  }
0x100: {  	_ =	swait.ge [sflag:s28], $0x50  }
0x101: {  	[sflag:s28] =	ssyncset.done $0x0  }
0x102: {  	s13 =	sadd.s32 $0x14, s14;
	[sflag:s28] =	ssyncadd.s32 $0xFFFFFFB0  }
0x103: {  	[tilespmem:s23], [sflag:$0x4] =	stream.linear.gather [hbm4b:s13+s4], $0x50, $0x38;
	[tilespmem:$0x18E00] =	vst v63  }
0x104: {  	_ =	swait.ge [sflag:s28], $0x50  }
0x105: {  	[sflag:s28] =	ssyncset.done $0x0  }
0x106: {  	[sflag:s28] =	ssyncadd.s32 $0xFFFFFFB0  }
0x107: {  	[tilespmem:s25], [sflag:$0x1] =	stream.indirect.gather [hbm4b:s1+s24], $0x80, s22, s24, $0xb8;
	[tilespmem:$0x18E00] =	vst v63  }
0x108: {  	_ =	swait.ge [sflag:s0], $0x2800  }
0x109: {  	[sflag:s0] =	ssyncset.done $0x0  }
0x10a: {  	[sflag:s0] =	ssyncadd.s32 $0xFFFFD800  }
0x10b: {  	[spmem:s2] =	stream.indirect.scatter.add.f32 [tilespmem:s30], [sflag:$0x3], $0x80, s29, s24, $0xb8;
	[tilespmem:$0x18E00] =	vst v63  }
0x10c: {  	_ =	swait.ge [sflag:s21], $0x2800  }
0x10d: {  	[sflag:s21] =	ssyncset.done $0x0  }
0x10e: {  	[sflag:s21] =	ssyncadd.s32 $0xFFFFD800  }
0x10f: {  	_ =	swait.ge [sflag:s31], $0x2800  }
0x110: {  	[sflag:s31] =	ssyncset.done $0x0  }
0x111: {  	[sflag:s31] =	ssyncadd.s32 $0xFFFFD800  }
0x112: {  	[spmem:s2] =	stream.indirect.scatter.add.f32 [tilespmem:s25], [sflag:$0x4], $0x80, s23, s24, $0xb8;
	[tilespmem:$0x18E00] =	vst v63  }
0x113: {  	_ =	swait.ge [sflag:s28], $0x2800  }
0x114: {  	[sflag:s28] =	ssyncset.done $0x0  }
0x115: {  	[sflag:s28] =	ssyncadd.s32 $0xFFFFD800  }
0x116: {  	s3 =	sadd.s32 $0x1, s3;
	[bflag:$0x0] =	sbarrier.arrive $0xFFFF  }
0x117: {  	p0 =	sne.s32 s3, s15;
	s14 =	rddreg [dreg:$0xa]  }
0x118: {  	[hbm:s14], [sflag:s8] =	dma.local [spmem:s6], $0x2780  }
.Ltmp2:
0x119: {  	_ =	swait.ge [sflag:s21], $0x2780;
	(pc) =	sbr.rel @p0 .LBB2_1-.Ltmp2, $3  }
0x11a: {  	[sflag:s21] =	ssyncset.done $0x0  }
0x11b: {  	[sflag:s21] =	ssyncadd.s32 $0xFFFFD880  }
0x11c: {  	[bflag:$0x0] =	sbarrier.arrive $0xFFFF;
	_ =	sdelay $0x1  }
0x11d: {  	_ =	sfence.sel $0x180000  }
0x11e: {  	[bflag:$0x0] =	sbarrier.arrive $0xFFFF  }
0x11f: {  	_ =	strace $0x9000004A  }
0x120: {  	s0 =	stileid.u32;
	[bflag:$0x2] =	sbarrier.arrive $0xFFFF  }
0x121: {  	p0 =	sne.s32 s0, $0x0;
	s0 =	rddreg [dreg:$0x3]  }
0x122: {  	s0 =	sadd.s32 @!p0 $0x100000, s0  }
0x123: {  	[sflag:s0] =	ssyncadd.tile.s32 @!p0 $0x1;
	_ =	shalt  }
.Lfunc_end2:
_tile_overlayer_lowered:
.L_overlay_start_2:
0x124: {  	(tag) =	ssettag $0x2  }
0x125: {  	s0 =	rddreg [dreg:$0x0];
	s2 =	stileid.u32  }
0x126: {  	s1 =	rddreg [dreg:$0x1];
	p0 =	sne.s32 s2, $0x0  }
0x127: {  	s3 =	rddreg [dreg:$0x2];
	[bflag:$0x3] =	sbarrier.arrive $0xFFFF;
	s2 =	simm.s32 @!p0 $0x1C03  }
0x128: {  	[timem:s3], [sflag:s2] =	dma.local @!p0 [hbm:s0], s1  }
0x129: {  	s0 =	simm.s32 @!p0 $0x3  }
0x12a: {  	_ =	swait.ge @!p0 [sflag:s0], s1  }
0x12b: {  	s1 =	ssub.s32 @!p0 $0x0, s1;
	[sflag:s0] =	ssyncset.done @!p0 $0x0  }
0x12c: {  	[sflag:s0] =	ssyncadd.s32 @!p0 s1  }
0x12d: {  	[bflag:$0x3] =	sbarrier.arrive $0xFFFF  }
0x12e: {  	_ =	shalt  }

// kernel: kernel.20.cloned.1.call-start
scs
__scs_entry_jumppad:
0x0: {  	(pc) =	sbr.rel $0x88, $3  }
0x1: {  	(tag) =	ssettag $0x0;
	lr =	simm.s32 $0x1  }
0x2: {  	[smem:$0x3F74] =	sst lr;
	_ =	strace $0xD0000000  }
0x3: {  	_ = 	snop  }
0x4: {  	_ = 	snop  }
0x5: {  	_ = 	snop  }
0x6: {  	_ = 	snop  }
0x7: {  	_ = 	snop  }
__scs_overlays_trampoline_lowered:
0x8: {  	[smem:$0x3F83] =	sst s0  }
0x9: {  	[smem:$0x3F84] =	sst s1  }
0xa: {  	[smem:$0x3F85] =	sst s2  }
0xb: {  	[smem:$0x3F86] =	sst s3  }
0xc: {  	[smem:$0x3F87] =	sst s4  }
0xd: {  	[smem:$0x3F88] =	sst s5  }
0xe: {  	[smem:$0x3F89] =	sst s6  }
0xf: {  	[smem:$0x3F8A] =	sst s7  }
0x10: {  	[smem:$0x3F8B] =	sst s8  }
0x11: {  	[smem:$0x3F8C] =	sst s9;
	s0 =	simm.s32 @!p0 $0x0  }
0x12: {  	s1 =	sld [smem:$0x3F72];
	s0 =	simm.s32 @p0 $0x1  }
0x13: {  	[smem:$0x3F8D] =	sst s0;
	s0 =	simm.s32 @!p1 $0x0  }
0x14: {  	s2 =	sld [smem:$0x3F71];
	s0 =	simm.s32 @p1 $0x1  }
0x15: {  	[smem:$0x3F8E] =	sst s0;
	s0 =	simm.s32 @!p2 $0x0  }
0x16: {  	s3 =	sld [smem:$0x3FDB];
	s0 =	simm.s32 @p2 $0x1  }
0x17: {  	s4 =	simm.s32 $0x1BF5;
	[smem:$0x3F90] =	sst s0  }
0x18: {  	s0 =	sld [smem:$0x3F73];
	_ =	swait.ge [sflag:s4], $0x0  }
0x19: {  	s7 =	sld [smem:$0x3F74]  }
0x1a: {  	s8 =	sadd.s32 $0xFFFFE003, lr  }
0x1b: {  	s9 =	sadd.s32 $0xFFFFFEF7, lr;
	s5 =	simm.s32 $0xFFFFFFFF;
	p2 =	slt.u32 s8, $0xFFFFF086  }
0x1c: {  	p1 =	slt.u32 s9, $0xF7A;
	s5 =	simm.s32 @!p2 $0x0  }
0x1d: {  	s5 =	simm.s32 @p1 $0x1;
	p0 =	seq.s32 s7, s2  }
0x1e: {  	s7 =	smul.u32 @!p0 $0xF7A, s2;
	p2 =	seq.s32 @!p0 s5, $0x0  }
0x1f: {  	s9 =	smul.u32 $0xF7A, s1;
	s8 =	simm.s32 @!p0 $0x1BF5;
	p2 =	por !p2, p0  }
0x20: {  	[sflag:s8] =	ssyncset.s32 @!p0 $0xFFFFF086;
	s6 =	sadd.s32 @!p0 s3, s7;
	s7 =	simm.s32 @!p0 $0x108  }
0x21: {  	s3 =	sadd.s32 s3, s9;
	s6 =	sadd.s32 @!p0 $0x88, s6;
	s7 =	simm.s32 @p2 $0x1082  }
0x22: {  	[simem:s7], [sflag:s8] =	dma.local @!p0 [hbm:s6], $0xF7A  }
0x23: {  	s9 =	sor.u32 $0xD0000000, s2;
	s6 =	simm.s32 $0x108;
	_ =	swait.ge @!p0 [sflag:s8], $0x0  }
0x24: {  	s3 =	sadd.s32 $0x88, s3;
	s6 =	simm.s32 @!p1 $0x1082;
	[sflag:s4] =	ssyncset.s32 $0xFFFFF086  }
0x25: {  	[simem:s6], [sflag:s4] =	dma.local [hbm:s3], $0xF7A  }
0x26: {  	[smem:$0x3F74] =	sst s1;
	(tag) =	ssettag s2;
	_ =	strace s9  }
0x27: {  	s1 =	sld [smem:$0x3F84]  }
0x28: {  	s2 =	sld [smem:$0x3F85]  }
0x29: {  	s4 =	sld [smem:$0x3F87]  }
0x2a: {  	p0 =	seq.s32 s5, $0x0;
	s5 =	sld [smem:$0x3F88]  }
0x2b: {  	s6 =	sld [smem:$0x3F89]  }
0x2c: {  	s7 =	sld [smem:$0x3F8A]  }
0x2d: {  	s3 =	simm.s32 $0x108;
	s8 =	sld [smem:$0x3F8B]  }
0x2e: {  	s3 =	simm.s32 @!p0 $0x1082;
	s9 =	sld [smem:$0x3F8C]  }
0x2f: {  	lr =	sadd.s32 s0, s3;
	s0 =	sld [smem:$0x3F83]  }
0x30: {  	s3 =	sld [smem:$0x3F86]  }
0x31: {  	[smem:$0x3F8F] =	sst s10  }
0x32: {  	s10 =	sld [smem:$0x3F8D];
	_ =	sdelay $0x3  }
0x33: {  	p0 =	seq.s32 s10, $0x1;
	s10 =	sld [smem:$0x3F8F];
	_ =	sdelay $0x3  }
0x34: {  	[smem:$0x3F8F] =	sst s10  }
0x35: {  	s10 =	sld [smem:$0x3F8E];
	_ =	sdelay $0x3  }
0x36: {  	p1 =	seq.s32 s10, $0x1;
	s10 =	sld [smem:$0x3F8F];
	_ =	sdelay $0x3  }
0x37: {  	[smem:$0x3F8F] =	sst s10  }
0x38: {  	s10 =	sld [smem:$0x3F90]  }
0x39: {  	_ = 	snop;
	(pc) =	sbr.ind lr, $3  }
0x3a: {  	_ = 	snop  }
0x3b: {  	_ = 	snop  }
0x3c: {  	p2 =	seq.s32 s10, $0x1;
	s10 =	sld [smem:$0x3F8F]  }
0x3d: {  	_ =	shalt  }
0x3e: {  	_ =	shalt  }
0x3f: {  	_ =	shalt  }
0x40: {  	_ =	shalt  }
0x41: {  	_ =	shalt  }
0x42: {  	_ =	shalt  }
0x43: {  	_ =	shalt  }
0x44: {  	_ =	shalt  }
0x45: {  	_ =	shalt  }
0x46: {  	_ =	shalt  }
0x47: {  	_ =	shalt  }
0x48: {  	_ =	shalt  }
0x49: {  	_ =	shalt  }
0x4a: {  	_ =	shalt  }
0x4b: {  	_ =	shalt  }
0x4c: {  	_ =	shalt  }
0x4d: {  	_ =	shalt  }
0x4e: {  	_ =	shalt  }
0x4f: {  	_ =	shalt  }
0x50: {  	_ =	shalt  }
0x51: {  	_ =	shalt  }
0x52: {  	_ =	shalt  }
0x53: {  	_ =	shalt  }
0x54: {  	_ =	shalt  }
0x55: {  	_ =	shalt  }
0x56: {  	_ =	shalt  }
0x57: {  	_ =	shalt  }
0x58: {  	_ =	shalt  }
0x59: {  	_ =	shalt  }
0x5a: {  	_ =	shalt  }
0x5b: {  	_ =	shalt  }
0x5c: {  	_ =	shalt  }
0x5d: {  	_ =	shalt  }
0x5e: {  	_ =	shalt  }
0x5f: {  	_ =	shalt  }
0x60: {  	_ =	shalt  }
0x61: {  	_ =	shalt  }
0x62: {  	_ =	shalt  }
0x63: {  	_ =	shalt  }
0x64: {  	_ =	shalt  }
0x65: {  	_ =	shalt  }
0x66: {  	_ =	shalt  }
0x67: {  	_ =	shalt  }
0x68: {  	_ =	shalt  }
0x69: {  	_ =	shalt  }
0x6a: {  	_ =	shalt  }
0x6b: {  	_ =	shalt  }
0x6c: {  	_ =	shalt  }
0x6d: {  	_ =	shalt  }
0x6e: {  	_ =	shalt  }
0x6f: {  	_ =	shalt  }
0x70: {  	_ =	shalt  }
0x71: {  	_ =	shalt  }
0x72: {  	_ =	shalt  }
0x73: {  	_ =	shalt  }
0x74: {  	_ =	shalt  }
0x75: {  	_ =	shalt  }
0x76: {  	_ =	shalt  }
0x77: {  	_ =	shalt  }
0x78: {  	_ =	shalt  }
0x79: {  	_ =	shalt  }
0x7a: {  	_ =	shalt  }
0x7b: {  	_ =	shalt  }
0x7c: {  	_ =	shalt  }
0x7d: {  	_ =	shalt  }
0x7e: {  	_ =	shalt  }
0x7f: {  	_ =	shalt  }
0x80: {  	_ =	shalt  }
0x81: {  	_ =	shalt  }
0x82: {  	_ =	shalt  }
0x83: {  	_ =	shalt  }
0x84: {  	_ =	shalt  }
0x85: {  	_ =	shalt  }
0x86: {  	_ =	shalt  }
0x87: {  	_ =	shalt  }
.Lfunc_end0:
.L_simem_size_0:
called_computation.2_lowered:
.L_overlay_start_0:
0x88: {  	s2 =	sld [smem:$0x3FD9]  }
0x89: {  	s3 =	sld [smem:$0x3FFE];
	_ =	sdelay $0x1  }
0x8a: {  	s1 =	srdreg.scid  }
0x8b: {  	s0 =	sand.u32 $0x1, s1  }
0x8c: {  	s17 =	sshll.u32 s0, $0xA;
	s2 =	sadd.s32 s3, s2  }
0x8d: {  	s2 =	sadd.s32 s2, s17  }
0x8e: {  	[smem:$0x3F9B] =	sst s2  }
0x8f: {  	_ = 	snop  }
0x90: {  	s2 =	sld [smem:$0x3FD0];
	(tm) =	ssettm $0x1  }
0x91: {  	s18 =	sld [smem:$0x3FFB];
	_ =	sdelay $0x3  }
0x92: {  	_ =	strace s18  }
0x93: {  	s3 =	sld [smem:$0x3FFC];
	_ =	sdelay $0x3  }
0x94: {  	_ =	strace s3  }
0x95: {  	s3 =	sld [smem:$0x3FFD];
	_ =	sdelay $0x3  }
0x96: {  	_ =	strace s3  }
0x97: {  	_ =	strace $0x8FFFFFFF  }
0x98: {  	s19 =	sld [smem:$0x3FDB];
	_ =	sdelay $0x1  }
0x99: {  	s4 =	simm.s32 $_scs_section_size  }
0x9a: {  	s5 =	simm.s32 $_size__tile_overlayer_lowered;
	s6 =	simm.s32 $_tile_overlayer_lowered  }
0x9b: {  	s22 =	simm.s32 $0x1BFF;
	s21 =	sshll.u32 s6, $0x1;
	s3 =	sadd.s32 s4, s19  }
0x9c: {  	s7 =	simm.s32 $0x0;
	s20 =	sshll.u32 s5, $0x1;
	s5 =	sadd.s32 s21, s3  }
0x9d: {  	[timem:s7], [sflag:s22] =	dma.local [hbm:s5], s20  }
0x9e: {  	_ =	swait.ge [sflag:s22], s20  }
0x9f: {  	s4 =	ssub.s32 $0x0, s20;
	[sflag:s22] =	ssyncset.done $0x0  }
0xa0: {  	[sflag:s22] =	ssyncadd.s32 s4;
	_ =	sdelay $0x1  }
0xa1: {  	s23 =	simm.s32 $0x1B8B  }
0xa2: {  	_ =	swait.ge [sflag:s23], $0x1  }
0xa3: {  	[sflag:s23] =	ssyncset.done $0x0  }
0xa4: {  	s25 =	simm.s32 $0x1B8E;
	s24 =	sld [smem:$0x3FFE];
	[sflag:s23] =	ssyncadd.s32 $0xFFFFFFFF  }
0xa5: {  	s26 =	simm.s32 $execute0_lowered;
	[smem:$0x3FD2] =	sst s25  }
0xa6: {  	s5 =	sshll.u32 s26, $0x1;
	_ =	strace $0x8000004C;
	[dreg:$0x1] =	wrdreg $0xFFFFFFFF  }
0xa7: {  	s28 =	simm.s32 $_size_execute0_lowered;
	s3 =	sadd.s32 s3, s5;
	[dreg:$0x0] =	wrdreg $0x0  }
0xa8: {  	s5 =	sshll.u32 s28, $0x1;
	[dreg:$0x2] =	wrdreg s3  }
0xa9: {  	[dreg:$0x3] =	wrdreg s5  }
0xaa: {  	[dreg:$0x4] =	wrdreg $0xC0  }
0xab: {  	_ =	task [dreg:s7], $0x5FFFF  }
0xac: {  	[dreg:$0x1] =	wrdreg $0xFFFFFFFF  }
0xad: {  	[dreg:$0x0] =	wrdreg $0x60  }
0xae: {  	[dreg:$0x2] =	wrdreg s2  }
0xaf: {  	[dreg:$0x3] =	wrdreg s24  }
0xb0: {  	[dreg:$0x4] =	wrdreg $0x0  }
0xb1: {  	[dreg:$0x5] =	wrdreg $0x9  }
0xb2: {  	_ =	task.clear_ibuf [dreg:s7], $0x6FFFF;
	_ =	strace $0x9000004C  }
0xb3: {  	s29 =	simm.s32 $0x9;
	_ =	strace $0x8000004E  }
0xb4: {  	_ =	swait.ge [sflag:s29], $0x1  }
0xb5: {  	[sflag:s29] =	ssyncadd.s32 $0xFFFFFFFF  }
0xb6: {  	_ =	strace $0x9000004E  }
0xb7: {  	_ =	sfence  }
0xb8: {  	s30 =	sld [smem:$0x0];
	_ =	sdelay $0x2  }
0xb9: {  	s31 =	sshll.u32 s1, $0xD;
	s1 =	sshrl.u32 s1, $0x2  }
0xba: {  	s3 =	sand.u32 $0x4000, s31;
	s1 =	sadd.s32 s1, s30  }
0xbb: {  	s0 =	sor.u32 s3, s0;
	s1 =	sshll.u32 s1, $0x11  }
0xbc: {  	s0 =	sor.u32 s1, s0  }
0xbd: {  	s0 =	sadd.s32 $0x8F2B, s0  }
0xbe: {  	[sflag:s0] =	ssyncadd.remote.s32 $0x1  }
0xbf: {  	_ =	sfence.sel $0xFFFF  }
0xc0: {  	[dreg:$0x0] =	wrdreg $0xFFFFFFFF;
	(pc) =	sbr.abs _section_cstart, $3  }
0xc1: {  	[dreg:$0x1] =	wrdreg $0xFFFFFFFF  }
0xc2: {  	_ =	task.clear_ibuf [dreg:s7], $0x2FFFF;
	_ =	strace $0x9FFFFFFF  }
0xc3: {  	(tm) =	ssettm $0x7FFFFFFF  }
tec
execute0_lowered:
.L_overlay_start_1:
0x0: {  	(tag) =	ssettag $0x1  }
0x1: {  	s1 =	rddreg [dreg:$0x0]  }
0x2: {  	s0 =	rddreg [dreg:$0x1]  }
0x3: {  	s2 =	rddreg [dreg:$0x2]  }
0x4: {  	s4 =	simm.s32 $0x0;
	s3 =	srdreg.scid;
	s16 =	stileid.u32  }
0x5: {  	s28 =	simm.s32 $0x4;
	s29 =	simm.s32 $0x13D80;
	s6 =	smul.u32 $0x278, s16  }
0x6: {  	s30 =	simm.s32 $0x16600;
	s31 =	simm.s32 $0x1;
	s11 =	smul.u32 $0x4F000, s16  }
0x7: {  	[smem:$0x7FF] =	sst s4;
	s5 =	sadd.s32 $0x10A00, s0;
	s13 =	smul.u32 $0x2710, s16  }
0x8: {  	s3 =	sand.u32 $0x1, s3;
	s7 =	sadd.s32 $0x6A00, s0;
	s22 =	smul.u32 $0x4E2, s16  }
0x9: {  	s0 =	sadd.s32 $0x24400, s0;
	s17 =	sshll.u32 s16, $0x6;
	s9 =	smul.u32 $0x4F00, s3  }
0xa: {  	_ =	strace $0x8000004D;
	s8 =	ssub.s32 $0x2, s3;
	s14 =	smul.u32 $0x4E200, s3  }
0xb: {  	s3 =	sshllo.u32 s3, $0x1;
	s10 =	sshrl.u32 s8, $0x1;
	s25 =	sshrl.u32 s11, $0x2  }
0xc: {  	s16 =	sadd.s32 s22, s7;
	s22 =	simm.s32 $0x13C00;
	s12 =	ssub.s32 s8, s10  }
0xd: {  	s24 =	sadd.s32 s6, s9;
	s18 =	sadd.s32 s13, s14;
	s14 =	smul.u32 $0x2780, s3  }
0xe: {  	s9 =	sadd.s32 s25, s2;
	s3 =	smul.u32 $0x27100, s3;
	s8 =	sor.u32 $0x1C03, s17  }
0xf: {  	s26 =	sshll.u32 s24, $0x4;
	[dreg:$0x4] =	wrdreg s9;
	s19 =	sshrl.u32 s18, $0x3  }
0x10: {  	s17 =	sadd.s32 $0xA0, s18;
	s24 =	sadd.s32 $0x50, s18;
	s25 =	sadd.s32 $0x271A0, s18  }
0x11: {  	s15 =	sadd.s32 s1, s26;
	s20 =	sadd.s32 s5, s19;
	s21 =	sadd.s32 s0, s26  }
0x12: {  	s6 =	sadd.s32 s6, s14;
	s3 =	sadd.s32 s13, s3;
	[dreg:$0x5] =	wrdreg s15  }
0x13: {  	s26 =	sadd.s32 $0x27150, s18;
	s15 =	sshrl.u32 s13, $0x3;
	[dreg:$0x6] =	wrdreg s20  }
0x14: {  	[dreg:$0x7] =	wrdreg s21;
	s6 =	sshll.u32 s6, $0x4;
	s3 =	sshrl.u32 s3, $0x3  }
0x15: {  	s21 =	simm.s32 $0x3;
	s10 =	sadd.s32 s7, s15;
	s23 =	sadd.s32 s1, s6  }
0x16: {  	s3 =	sadd.s32 s5, s3;
	s0 =	sadd.s32 s0, s6;
	[dreg:$0x8] =	wrdreg s23  }
0x17: {  	s15 =	smax.u32 s12, $0x1;
	s6 =	sshrl.u32 s26, $0x3;
	[dreg:$0x9] =	wrdreg s3  }
0x18: {  	s26 =	simm.s32 $0x13D00;
	[dreg:$0xa] =	wrdreg s0;
	s0 =	sshrl.u32 s24, $0x3  }
0x19: {  	s3 =	sshrl.u32 s25, $0x3;
	s20 =	sadd.s32 s6, s5;
	s23 =	simm.s32 $0x13C80  }
0x1a: {  	s24 =	simm.s32 $0x50;
	s25 =	simm.s32 $0x13E00;
	s18 =	sadd.s32 s0, s5  }
0x1b: {  	s19 =	sadd.s32 s3, s5;
	s0 =	simm.s32 $0x2;
	s3 =	simm.s32 $0x0  }
.LBB2_1:
0x1c: {  	s6 =	rddreg [dreg:$0x4]  }
0x1d: {  	s7 =	rddreg [dreg:$0x5];
	s6 =	sshrl.u32 s6, $0x3  }
0x1e: {  	[spmem:s6], [sflag:s8] =	dma.local [hbm:s7], $0x2780  }
0x1f: {  	_ =	swait.ge [sflag:s21], $0x2780  }
0x20: {  	[sflag:s21] =	ssyncset.done $0x0  }
0x21: {  	[sflag:s21] =	ssyncadd.s32 $0xFFFFD880  }
0x22: {  	[bflag:$0x0] =	sbarrier.arrive $0xFFFF  }
0x23: {  	s11 =	rddreg [dreg:$0x6]  }
0x24: {  	[tilespmem:s22], [sflag:$0x3] =	stream.linear.gather [hbm4b:s11+s4], $0x50, $0x38;
	[tilespmem:$0x18E00] =	vst v63  }
0x25: {  	_ =	swait.ge [sflag:s21], $0x50  }
0x26: {  	[sflag:s21] =	ssyncset.done $0x0  }
0x27: {  	[sflag:s21] =	ssyncadd.s32 $0xFFFFFFB0  }
0x28: {  	[tilespmem:s23], [sflag:$0x3] =	stream.linear.gather [hbm4b:s10+s4], $0x50, $0x38;
	[tilespmem:$0x18E00] =	vst v63  }
0x29: {  	_ =	swait.ge [sflag:s21], $0x50  }
0x2a: {  	[sflag:s21] =	ssyncset.done $0x0  }
0x2b: {  	[sflag:s21] =	ssyncadd.s32 $0xFFFFFFB0  }
0x2c: {  	[tilespmem:s25], [sflag:$0x1] =	stream.indirect.gather [hbm4b:s1+s24], $0x80, s22, s24, $0xb8;
	[tilespmem:$0x18E00] =	vst v63  }
0x2d: {  	s12 =	sadd.s32 $0x0, s18  }
0x2e: {  	[tilespmem:s26], [sflag:$0x4] =	stream.linear.gather [hbm4b:s12+s4], $0x50, $0x38;
	[tilespmem:$0x18E00] =	vst v63  }
0x2f: {  	_ =	swait.ge [sflag:s28], $0x50  }
0x30: {  	s13 =	sadd.s32 $0x0, s16;
	[sflag:s28] =	ssyncset.done $0x0  }
0x31: {  	s9 =	sadd.s32 $0xA, s13;
	[sflag:s28] =	ssyncadd.s32 $0xFFFFFFB0  }
0x32: {  	[tilespmem:s29], [sflag:$0x4] =	stream.linear.gather [hbm4b:s9+s4], $0x50, $0x38;
	[tilespmem:$0x18E00] =	vst v63  }
0x33: {  	_ =	swait.ge [sflag:s28], $0x50  }
0x34: {  	[sflag:s28] =	ssyncset.done $0x0  }
0x35: {  	[sflag:s28] =	ssyncadd.s32 $0xFFFFFFB0  }
0x36: {  	[tilespmem:s30], [sflag:$0x2] =	stream.indirect.gather [hbm4b:s1+s24], $0x80, s26, s24, $0xb8;
	[tilespmem:$0x18E00] =	vst v63  }
0x37: {  	_ =	swait.ge [sflag:s31], $0x2800  }
0x38: {  	[sflag:s31] =	ssyncset.done $0x0  }
0x39: {  	[sflag:s31] =	ssyncadd.s32 $0xFFFFD800  }
0x3a: {  	[spmem:s2] =	stream.indirect.scatter.add.f32 [tilespmem:s25], [sflag:$0x4], $0x80, s23, s24, $0xb8;
	[tilespmem:$0x18E00] =	vst v63  }
0x3b: {  	_ =	swait.ge [sflag:s28], $0x2800  }
0x3c: {  	s14 =	sshrl.u32 s17, $0x3;
	[sflag:s28] =	ssyncset.done $0x0  }
0x3d: {  	s9 =	sadd.s32 s5, s14;
	[sflag:s28] =	ssyncadd.s32 $0xFFFFD800  }
0x3e: {  	[tilespmem:s22], [sflag:$0x4] =	stream.linear.gather [hbm4b:s9+s4], $0x50, $0x38;
	[tilespmem:$0x18E00] =	vst v63  }
0x3f: {  	_ =	swait.ge [sflag:s28], $0x50  }
0x40: {  	[sflag:s28] =	ssyncset.done $0x0  }
0x41: {  	s7 =	sadd.s32 $0x14, s13;
	[sflag:s28] =	ssyncadd.s32 $0xFFFFFFB0  }
0x42: {  	[tilespmem:s23], [sflag:$0x4] =	stream.linear.gather [hbm4b:s7+s4], $0x50, $0x38;
	[tilespmem:$0x18E00] =	vst v63  }
0x43: {  	_ =	swait.ge [sflag:s28], $0x50  }
0x44: {  	[sflag:s28] =	ssyncset.done $0x0  }
0x45: {  	[sflag:s28] =	ssyncadd.s32 $0xFFFFFFB0  }
0x46: {  	[tilespmem:s25], [sflag:$0x1] =	stream.indirect.gather [hbm4b:s1+s24], $0x80, s22, s24, $0xb8;
	[tilespmem:$0x18E00] =	vst v63  }
0x47: {  	_ =	swait.ge [sflag:s0], $0x2800  }
0x48: {  	[sflag:s0] =	ssyncset.done $0x0  }
0x49: {  	[sflag:s0] =	ssyncadd.s32 $0xFFFFD800  }
0x4a: {  	[spmem:s2] =	stream.indirect.scatter.add.f32 [tilespmem:s30], [sflag:$0x3], $0x80, s29, s24, $0xb8;
	[tilespmem:$0x18E00] =	vst v63  }
0x4b: {  	s11 =	simm.s32 $0x28;
	_ =	swait.ge [sflag:s21], $0x2800  }
0x4c: {  	s9 =	simm.s32 $0x14;
	s7 =	sadd.s32 $0xA0, s17;
	[sflag:s21] =	ssyncset.done $0x0  }
.LBB2_2:
0x4d: {  	s13 =	sadd.s32 s9, s18  }
0x4e: {  	[sflag:s21] =	ssyncadd.s32 $0xFFFFD800;
	s14 =	smov.u32 s11;
	s12 =	sadd.s32 $0x14, s11  }
0x4f: {  	[tilespmem:s26], [sflag:$0x4] =	stream.linear.gather [hbm4b:s13+s4], $0x50, $0x38;
	[tilespmem:$0x18E00] =	vst v63  }
0x50: {  	p0 =	sne.s32 s11, $0x4C4;
	_ =	swait.ge [sflag:s28], $0x50  }
0x51: {  	s11 =	sadd.s32 s9, s16;
	s9 =	smov.u32 s14;
	[sflag:s28] =	ssyncset.done $0x0  }
0x52: {  	s13 =	sadd.s32 $0xA, s11;
	[sflag:s28] =	ssyncadd.s32 $0xFFFFFFB0  }
0x53: {  	[tilespmem:s29], [sflag:$0x4] =	stream.linear.gather [hbm4b:s13+s4], $0x50, $0x38;
	[tilespmem:$0x18E00] =	vst v63  }
0x54: {  	_ =	swait.ge [sflag:s28], $0x50  }
0x55: {  	[sflag:s28] =	ssyncset.done $0x0  }
0x56: {  	[sflag:s28] =	ssyncadd.s32 $0xFFFFFFB0  }
0x57: {  	[tilespmem:s30], [sflag:$0x2] =	stream.indirect.gather [hbm4b:s1+s24], $0x80, s26, s24, $0xb8;
	[tilespmem:$0x18E00] =	vst v63  }
0x58: {  	_ =	swait.ge [sflag:s31], $0x2800  }
0x59: {  	[sflag:s31] =	ssyncset.done $0x0  }
0x5a: {  	[sflag:s31] =	ssyncadd.s32 $0xFFFFD800  }
0x5b: {  	[spmem:s2] =	stream.indirect.scatter.add.f32 [tilespmem:s25], [sflag:$0x4], $0x80, s23, s24, $0xb8;
	[tilespmem:$0x18E00] =	vst v63  }
0x5c: {  	_ =	swait.ge [sflag:s28], $0x2800  }
0x5d: {  	s13 =	sshrl.u32 s7, $0x3;
	[sflag:s28] =	ssyncset.done $0x0  }
0x5e: {  	s13 =	sadd.s32 s5, s13;
	[sflag:s28] =	ssyncadd.s32 $0xFFFFD800  }
0x5f: {  	[tilespmem:s22], [sflag:$0x4] =	stream.linear.gather [hbm4b:s13+s4], $0x50, $0x38;
	[tilespmem:$0x18E00] =	vst v63  }
0x60: {  	_ =	swait.ge [sflag:s28], $0x50  }
0x61: {  	[sflag:s28] =	ssyncset.done $0x0  }
0x62: {  	s11 =	sadd.s32 $0x14, s11;
	[sflag:s28] =	ssyncadd.s32 $0xFFFFFFB0  }
0x63: {  	[tilespmem:s23], [sflag:$0x4] =	stream.linear.gather [hbm4b:s11+s4], $0x50, $0x38;
	[tilespmem:$0x18E00] =	vst v63  }
0x64: {  	_ =	swait.ge [sflag:s28], $0x50  }
0x65: {  	[sflag:s28] =	ssyncset.done $0x0  }
0x66: {  	[sflag:s28] =	ssyncadd.s32 $0xFFFFFFB0  }
0x67: {  	[tilespmem:s25], [sflag:$0x1] =	stream.indirect.gather [hbm4b:s1+s24], $0x80, s22, s24, $0xb8;
	[tilespmem:$0x18E00] =	vst v63  }
0x68: {  	_ =	swait.ge [sflag:s0], $0x2800  }
.Ltmp0:
0x69: {  	[sflag:s0] =	ssyncset.done $0x0;
	(pc) =	sbr.rel @p0 .LBB2_2-.Ltmp0, $4  }
0x6a: {  	[sflag:s0] =	ssyncadd.s32 $0xFFFFD800  }
0x6b: {  	[spmem:s2] =	stream.indirect.scatter.add.f32 [tilespmem:s30], [sflag:$0x3], $0x80, s29, s24, $0xb8;
	[tilespmem:$0x18E00] =	vst v63  }
0x6c: {  	_ =	swait.ge [sflag:s21], $0x2800  }
0x6d: {  	s7 =	sadd.s32 $0xA0, s7;
	s11 =	smov.u32 s12;
	[sflag:s21] =	ssyncset.done $0x0  }
0x6e: {  	s11 =	sadd.s32 s9, s18;
	[sflag:s21] =	ssyncadd.s32 $0xFFFFD800  }
0x6f: {  	[tilespmem:s26], [sflag:$0x4] =	stream.linear.gather [hbm4b:s11+s4], $0x50, $0x38;
	[tilespmem:$0x18E00] =	vst v63  }
0x70: {  	_ =	swait.ge [sflag:s28], $0x50  }
0x71: {  	s13 =	sadd.s32 s9, s16;
	[sflag:s28] =	ssyncset.done $0x0  }
0x72: {  	s14 =	sadd.s32 $0xA, s13;
	[sflag:s28] =	ssyncadd.s32 $0xFFFFFFB0  }
0x73: {  	[tilespmem:s29], [sflag:$0x4] =	stream.linear.gather [hbm4b:s14+s4], $0x50, $0x38;
	[tilespmem:$0x18E00] =	vst v63  }
0x74: {  	_ =	swait.ge [sflag:s28], $0x50  }
0x75: {  	[sflag:s28] =	ssyncset.done $0x0  }
0x76: {  	[sflag:s28] =	ssyncadd.s32 $0xFFFFFFB0  }
0x77: {  	[tilespmem:s30], [sflag:$0x2] =	stream.indirect.gather [hbm4b:s1+s24], $0x80, s26, s24, $0xb8;
	[tilespmem:$0x18E00] =	vst v63  }
0x78: {  	_ =	swait.ge [sflag:s31], $0x2800  }
0x79: {  	[sflag:s31] =	ssyncset.done $0x0  }
0x7a: {  	[sflag:s31] =	ssyncadd.s32 $0xFFFFD800  }
0x7b: {  	[spmem:s2] =	stream.indirect.scatter.add.f32 [tilespmem:s25], [sflag:$0x4], $0x80, s23, s24, $0xb8;
	[tilespmem:$0x18E00] =	vst v63  }
0x7c: {  	_ =	swait.ge [sflag:s28], $0x2800  }
0x7d: {  	s7 =	sshrl.u32 s7, $0x3;
	[sflag:s28] =	ssyncset.done $0x0  }
0x7e: {  	s7 =	sadd.s32 s5, s7;
	[sflag:s28] =	ssyncadd.s32 $0xFFFFD800  }
0x7f: {  	[tilespmem:s22], [sflag:$0x4] =	stream.linear.gather [hbm4b:s7+s4], $0x50, $0x38;
	[tilespmem:$0x18E00] =	vst v63  }
0x80: {  	_ =	swait.ge [sflag:s28], $0x50  }
0x81: {  	[sflag:s28] =	ssyncset.done $0x0  }
0x82: {  	s9 =	sadd.s32 $0x14, s13;
	[sflag:s28] =	ssyncadd.s32 $0xFFFFFFB0  }
0x83: {  	[tilespmem:s23], [sflag:$0x4] =	stream.linear.gather [hbm4b:s9+s4], $0x50, $0x38;
	[tilespmem:$0x18E00] =	vst v63  }
0x84: {  	_ =	swait.ge [sflag:s28], $0x50  }
0x85: {  	[sflag:s28] =	ssyncset.done $0x0  }
0x86: {  	[sflag:s28] =	ssyncadd.s32 $0xFFFFFFB0  }
0x87: {  	[tilespmem:s25], [sflag:$0x1] =	stream.indirect.gather [hbm4b:s1+s24], $0x80, s22, s24, $0xb8;
	[tilespmem:$0x18E00] =	vst v63  }
0x88: {  	_ =	swait.ge [sflag:s0], $0x2800  }
0x89: {  	[sflag:s0] =	ssyncset.done $0x0  }
0x8a: {  	[sflag:s0] =	ssyncadd.s32 $0xFFFFD800  }
0x8b: {  	[spmem:s2] =	stream.indirect.scatter.add.f32 [tilespmem:s30], [sflag:$0x3], $0x80, s29, s24, $0xb8;
	[tilespmem:$0x18E00] =	vst v63  }
0x8c: {  	_ =	swait.ge [sflag:s21], $0x2800  }
0x8d: {  	[sflag:s21] =	ssyncset.done $0x0  }
0x8e: {  	[sflag:s21] =	ssyncadd.s32 $0xFFFFD800  }
0x8f: {  	_ =	swait.ge [sflag:s31], $0x2800  }
0x90: {  	[sflag:s31] =	ssyncset.done $0x0  }
0x91: {  	[sflag:s31] =	ssyncadd.s32 $0xFFFFD800  }
0x92: {  	[spmem:s2] =	stream.indirect.scatter.add.f32 [tilespmem:s25], [sflag:$0x4], $0x80, s23, s24, $0xb8;
	[tilespmem:$0x18E00] =	vst v63  }
0x93: {  	_ =	swait.ge [sflag:s28], $0x2800  }
0x94: {  	[sflag:s28] =	ssyncset.done $0x0  }
0x95: {  	[sflag:s28] =	ssyncadd.s32 $0xFFFFD800  }
0x96: {  	[bflag:$0x0] =	sbarrier.arrive $0xFFFF  }
0x97: {  	s11 =	rddreg [dreg:$0x7]  }
0x98: {  	[hbm:s11], [sflag:s8] =	dma.local [spmem:s6], $0x2780  }
0x99: {  	_ =	swait.ge [sflag:s21], $0x2780  }
0x9a: {  	[sflag:s21] =	ssyncset.done $0x0  }
0x9b: {  	[sflag:s21] =	ssyncadd.s32 $0xFFFFD880  }
0x9c: {  	[bflag:$0x0] =	sbarrier.arrive $0xFFFF  }
0x9d: {  	s12 =	rddreg [dreg:$0x8]  }
0x9e: {  	[spmem:s6], [sflag:s8] =	dma.local [hbm:s12], $0x2780  }
0x9f: {  	_ =	swait.ge [sflag:s21], $0x2780  }
0xa0: {  	[sflag:s21] =	ssyncset.done $0x0  }
0xa1: {  	[sflag:s21] =	ssyncadd.s32 $0xFFFFD880  }
0xa2: {  	[bflag:$0x0] =	sbarrier.arrive $0xFFFF  }
0xa3: {  	s13 =	simm.s32 $0x0;
	s14 =	rddreg [dreg:$0x9]  }
0xa4: {  	[tilespmem:s22], [sflag:$0x3] =	stream.linear.gather [hbm4b:s14+s13], $0x50, $0x38;
	[tilespmem:$0x18E00] =	vst v63  }
0xa5: {  	_ =	swait.ge [sflag:s21], $0x50  }
0xa6: {  	[sflag:s21] =	ssyncset.done $0x0  }
0xa7: {  	[sflag:s21] =	ssyncadd.s32 $0xFFFFFFB0  }
0xa8: {  	[tilespmem:s23], [sflag:$0x3] =	stream.linear.gather [hbm4b:s10+s13], $0x50, $0x38;
	[tilespmem:$0x18E00] =	vst v63  }
0xa9: {  	_ =	swait.ge [sflag:s21], $0x50  }
0xaa: {  	[sflag:s21] =	ssyncset.done $0x0  }
0xab: {  	[sflag:s21] =	ssyncadd.s32 $0xFFFFFFB0  }
0xac: {  	[tilespmem:s25], [sflag:$0x1] =	stream.indirect.gather [hbm4b:s1+s24], $0x80, s22, s24, $0xb8;
	[tilespmem:$0x18E00] =	vst v63  }
0xad: {  	s11 =	sadd.s32 $0x0, s20  }
0xae: {  	[tilespmem:s26], [sflag:$0x4] =	stream.linear.gather [hbm4b:s11+s4], $0x50, $0x38;
	[tilespmem:$0x18E00] =	vst v63  }
0xaf: {  	_ =	swait.ge [sflag:s28], $0x50  }
0xb0: {  	s12 =	sadd.s32 $0x0, s16;
	[sflag:s28] =	ssyncset.done $0x0  }
0xb1: {  	s13 =	sadd.s32 $0xA, s12;
	[sflag:s28] =	ssyncadd.s32 $0xFFFFFFB0  }
0xb2: {  	[tilespmem:s29], [sflag:$0x4] =	stream.linear.gather [hbm4b:s13+s4], $0x50, $0x38;
	[tilespmem:$0x18E00] =	vst v63  }
0xb3: {  	_ =	swait.ge [sflag:s28], $0x50  }
0xb4: {  	[sflag:s28] =	ssyncset.done $0x0  }
0xb5: {  	[sflag:s28] =	ssyncadd.s32 $0xFFFFFFB0  }
0xb6: {  	[tilespmem:s30], [sflag:$0x2] =	stream.indirect.gather [hbm4b:s1+s24], $0x80, s26, s24, $0xb8;
	[tilespmem:$0x18E00] =	vst v63  }
0xb7: {  	_ =	swait.ge [sflag:s31], $0x2800  }
0xb8: {  	[sflag:s31] =	ssyncset.done $0x0  }
0xb9: {  	[sflag:s31] =	ssyncadd.s32 $0xFFFFD800  }
0xba: {  	[spmem:s2] =	stream.indirect.scatter.add.f32 [tilespmem:s25], [sflag:$0x4], $0x80, s23, s24, $0xb8;
	[tilespmem:$0x18E00] =	vst v63  }
0xbb: {  	_ =	swait.ge [sflag:s28], $0x2800  }
0xbc: {  	[sflag:s28] =	ssyncset.done $0x0  }
0xbd: {  	s14 =	sadd.s32 $0x0, s19;
	[sflag:s28] =	ssyncadd.s32 $0xFFFFD800  }
0xbe: {  	[tilespmem:s22], [sflag:$0x4] =	stream.linear.gather [hbm4b:s14+s4], $0x50, $0x38;
	[tilespmem:$0x18E00] =	vst v63  }
0xbf: {  	_ =	swait.ge [sflag:s28], $0x50  }
0xc0: {  	[sflag:s28] =	ssyncset.done $0x0  }
0xc1: {  	s7 =	sadd.s32 $0x14, s12;
	[sflag:s28] =	ssyncadd.s32 $0xFFFFFFB0  }
0xc2: {  	[tilespmem:s23], [sflag:$0x4] =	stream.linear.gather [hbm4b:s7+s4], $0x50, $0x38;
	[tilespmem:$0x18E00] =	vst v63  }
0xc3: {  	_ =	swait.ge [sflag:s28], $0x50  }
0xc4: {  	[sflag:s28] =	ssyncset.done $0x0  }
0xc5: {  	[sflag:s28] =	ssyncadd.s32 $0xFFFFFFB0  }
0xc6: {  	[tilespmem:s25], [sflag:$0x1] =	stream.indirect.gather [hbm4b:s1+s24], $0x80, s22, s24, $0xb8;
	[tilespmem:$0x18E00] =	vst v63  }
0xc7: {  	_ =	swait.ge [sflag:s0], $0x2800  }
0xc8: {  	[sflag:s0] =	ssyncset.done $0x0  }
0xc9: {  	[sflag:s0] =	ssyncadd.s32 $0xFFFFD800  }
0xca: {  	[spmem:s2] =	stream.indirect.scatter.add.f32 [tilespmem:s30], [sflag:$0x3], $0x80, s29, s24, $0xb8;
	[tilespmem:$0x18E00] =	vst v63  }
0xcb: {  	_ =	swait.ge [sflag:s21], $0x2800  }
0xcc: {  	s11 =	simm.s32 $0x28;
	s7 =	simm.s32 $0x14;
	[sflag:s21] =	ssyncset.done $0x0  }
.LBB2_4:
0xcd: {  	s12 =	sadd.s32 s7, s20  }
0xce: {  	[sflag:s21] =	ssyncadd.s32 $0xFFFFD800;
	s13 =	smov.u32 s11;
	s9 =	sadd.s32 $0x14, s11  }
0xcf: {  	[tilespmem:s26], [sflag:$0x4] =	stream.linear.gather [hbm4b:s12+s4], $0x50, $0x38;
	[tilespmem:$0x18E00] =	vst v63  }
0xd0: {  	p0 =	sne.s32 s11, $0x4C4;
	_ =	swait.ge [sflag:s28], $0x50  }
0xd1: {  	s11 =	sadd.s32 s7, s16;
	[sflag:s28] =	ssyncset.done $0x0  }
0xd2: {  	s12 =	sadd.s32 $0xA, s11;
	[sflag:s28] =	ssyncadd.s32 $0xFFFFFFB0  }
0xd3: {  	[tilespmem:s29], [sflag:$0x4] =	stream.linear.gather [hbm4b:s12+s4], $0x50, $0x38;
	[tilespmem:$0x18E00] =	vst v63  }
0xd4: {  	_ =	swait.ge [sflag:s28], $0x50  }
0xd5: {  	[sflag:s28] =	ssyncset.done $0x0  }
0xd6: {  	[sflag:s28] =	ssyncadd.s32 $0xFFFFFFB0  }
0xd7: {  	[tilespmem:s30], [sflag:$0x2] =	stream.indirect.gather [hbm4b:s1+s24], $0x80, s26, s24, $0xb8;
	[tilespmem:$0x18E00] =	vst v63  }
0xd8: {  	_ =	swait.ge [sflag:s31], $0x2800  }
0xd9: {  	[sflag:s31] =	ssyncset.done $0x0  }
0xda: {  	[sflag:s31] =	ssyncadd.s32 $0xFFFFD800  }
0xdb: {  	[spmem:s2] =	stream.indirect.scatter.add.f32 [tilespmem:s25], [sflag:$0x4], $0x80, s23, s24, $0xb8;
	[tilespmem:$0x18E00] =	vst v63  }
0xdc: {  	_ =	swait.ge [sflag:s28], $0x2800  }
0xdd: {  	[sflag:s28] =	ssyncset.done $0x0  }
0xde: {  	s12 =	sadd.s32 s7, s19;
	s7 =	smov.u32 s13;
	[sflag:s28] =	ssyncadd.s32 $0xFFFFD800  }
0xdf: {  	[tilespmem:s22], [sflag:$0x4] =	stream.linear.gather [hbm4b:s12+s4], $0x50, $0x38;
	[tilespmem:$0x18E00] =	vst v63  }
0xe0: {  	_ =	swait.ge [sflag:s28], $0x50  }
0xe1: {  	[sflag:s28] =	ssyncset.done $0x0  }
0xe2: {  	s11 =	sadd.s32 $0x14, s11;
	[sflag:s28] =	ssyncadd.s32 $0xFFFFFFB0  }
0xe3: {  	[tilespmem:s23], [sflag:$0x4] =	stream.linear.gather [hbm4b:s11+s4], $0x50, $0x38;
	[tilespmem:$0x18E00] =	vst v63  }
0xe4: {  	_ =	swait.ge [sflag:s28], $0x50  }
0xe5: {  	[sflag:s28] =	ssyncset.done $0x0  }
0xe6: {  	[sflag:s28] =	ssyncadd.s32 $0xFFFFFFB0  }
0xe7: {  	[tilespmem:s25], [sflag:$0x1] =	stream.indirect.gather [hbm4b:s1+s24], $0x80, s22, s24, $0xb8;
	[tilespmem:$0x18E00] =	vst v63  }
0xe8: {  	_ =	swait.ge [sflag:s0], $0x2800  }
.Ltmp1:
0xe9: {  	[sflag:s0] =	ssyncset.done $0x0;
	(pc) =	sbr.rel @p0 .LBB2_4-.Ltmp1, $4  }
0xea: {  	[sflag:s0] =	ssyncadd.s32 $0xFFFFD800  }
0xeb: {  	[spmem:s2] =	stream.indirect.scatter.add.f32 [tilespmem:s30], [sflag:$0x3], $0x80, s29, s24, $0xb8;
	[tilespmem:$0x18E00] =	vst v63  }
0xec: {  	_ =	swait.ge [sflag:s21], $0x2800  }
0xed: {  	s11 =	smov.u32 s9;
	[sflag:s21] =	ssyncset.done $0x0  }
0xee: {  	s9 =	sadd.s32 s7, s20;
	[sflag:s21] =	ssyncadd.s32 $0xFFFFD800  }
0xef: {  	[tilespmem:s26], [sflag:$0x4] =	stream.linear.gather [hbm4b:s9+s4], $0x50, $0x38;
	[tilespmem:$0x18E00] =	vst v63  }
0xf0: {  	_ =	swait.ge [sflag:s28], $0x50  }
0xf1: {  	s14 =	sadd.s32 s7, s16;
	[sflag:s28] =	ssyncset.done $0x0  }
0xf2: {  	s11 =	sadd.s32 $0xA, s14;
	[sflag:s28] =	ssyncadd.s32 $0xFFFFFFB0  }
0xf3: {  	[tilespmem:s29], [sflag:$0x4] =	stream.linear.gather [hbm4b:s11+s4], $0x50, $0x38;
	[tilespmem:$0x18E00] =	vst v63  }
0xf4: {  	_ =	swait.ge [sflag:s28], $0x50  }
0xf5: {  	[sflag:s28] =	ssyncset.done $0x0  }
0xf6: {  	[sflag:s28] =	ssyncadd.s32 $0xFFFFFFB0  }
0xf7: {  	[tilespmem:s30], [sflag:$0x2] =	stream.indirect.gather [hbm4b:s1+s24], $0x80, s26, s24, $0xb8;
	[tilespmem:$0x18E00] =	vst v63  }
0xf8: {  	_ =	swait.ge [sflag:s31], $0x2800  }
0xf9: {  	[sflag:s31] =	ssyncset.done $0x0  }
0xfa: {  	[sflag:s31] =	ssyncadd.s32 $0xFFFFD800  }
0xfb: {  	[spmem:s2] =	stream.indirect.scatter.add.f32 [tilespmem:s25], [sflag:$0x4], $0x80, s23, s24, $0xb8;
	[tilespmem:$0x18E00] =	vst v63  }
0xfc: {  	_ =	swait.ge [sflag:s28], $0x2800  }
0xfd: {  	[sflag:s28] =	ssyncset.done $0x0  }
0xfe: {  	s12 =	sadd.s32 s7, s19;
	[sflag:s28] =	ssyncadd.s32 $0xFFFFD800  }
0xff: {  	[tilespmem:s22], [sflag:$0x4] =	stream.linear.gather [hbm4b:s12+s4], $0x50, $0x38;
	[tilespmem:$0x18E00] =	vst v63  }
0x100: {  	_ =	swait.ge [sflag:s28], $0x50  }
0x101: {  	[sflag:s28] =	ssyncset.done $0x0  }
0x102: {  	s13 =	sadd.s32 $0x14, s14;
	[sflag:s28] =	ssyncadd.s32 $0xFFFFFFB0  }
0x103: {  	[tilespmem:s23], [sflag:$0x4] =	stream.linear.gather [hbm4b:s13+s4], $0x50, $0x38;
	[tilespmem:$0x18E00] =	vst v63  }
0x104: {  	_ =	swait.ge [sflag:s28], $0x50  }
0x105: {  	[sflag:s28] =	ssyncset.done $0x0  }
0x106: {  	[sflag:s28] =	ssyncadd.s32 $0xFFFFFFB0  }
0x107: {  	[tilespmem:s25], [sflag:$0x1] =	stream.indirect.gather [hbm4b:s1+s24], $0x80, s22, s24, $0xb8;
	[tilespmem:$0x18E00] =	vst v63  }
0x108: {  	_ =	swait.ge [sflag:s0], $0x2800  }
0x109: {  	[sflag:s0] =	ssyncset.done $0x0  }
0x10a: {  	[sflag:s0] =	ssyncadd.s32 $0xFFFFD800  }
0x10b: {  	[spmem:s2] =	stream.indirect.scatter.add.f32 [tilespmem:s30], [sflag:$0x3], $0x80, s29, s24, $0xb8;
	[tilespmem:$0x18E00] =	vst v63  }
0x10c: {  	_ =	swait.ge [sflag:s21], $0x2800  }
0x10d: {  	[sflag:s21] =	ssyncset.done $0x0  }
0x10e: {  	[sflag:s21] =	ssyncadd.s32 $0xFFFFD800  }
0x10f: {  	_ =	swait.ge [sflag:s31], $0x2800  }
0x110: {  	[sflag:s31] =	ssyncset.done $0x0  }
0x111: {  	[sflag:s31] =	ssyncadd.s32 $0xFFFFD800  }
0x112: {  	[spmem:s2] =	stream.indirect.scatter.add.f32 [tilespmem:s25], [sflag:$0x4], $0x80, s23, s24, $0xb8;
	[tilespmem:$0x18E00] =	vst v63  }
0x113: {  	_ =	swait.ge [sflag:s28], $0x2800  }
0x114: {  	[sflag:s28] =	ssyncset.done $0x0  }
0x115: {  	[sflag:s28] =	ssyncadd.s32 $0xFFFFD800  }
0x116: {  	s3 =	sadd.s32 $0x1, s3;
	[bflag:$0x0] =	sbarrier.arrive $0xFFFF  }
0x117: {  	p0 =	sne.s32 s3, s15;
	s14 =	rddreg [dreg:$0xa]  }
0x118: {  	[hbm:s14], [sflag:s8] =	dma.local [spmem:s6], $0x2780  }
.Ltmp2:
0x119: {  	_ =	swait.ge [sflag:s21], $0x2780;
	(pc) =	sbr.rel @p0 .LBB2_1-.Ltmp2, $3  }
0x11a: {  	[sflag:s21] =	ssyncset.done $0x0  }
0x11b: {  	[sflag:s21] =	ssyncadd.s32 $0xFFFFD880  }
0x11c: {  	[bflag:$0x0] =	sbarrier.arrive $0xFFFF;
	_ =	sdelay $0x1  }
0x11d: {  	_ =	sfence.sel $0x180000  }
0x11e: {  	[bflag:$0x0] =	sbarrier.arrive $0xFFFF  }
0x11f: {  	_ =	strace $0x9000004D  }
0x120: {  	s0 =	stileid.u32;
	[bflag:$0x2] =	sbarrier.arrive $0xFFFF  }
0x121: {  	p0 =	sne.s32 s0, $0x0;
	s0 =	rddreg [dreg:$0x3]  }
0x122: {  	s0 =	sadd.s32 @!p0 $0x100000, s0  }
0x123: {  	[sflag:s0] =	ssyncadd.tile.s32 @!p0 $0x1;
	_ =	shalt  }
.Lfunc_end2:
_tile_overlayer_lowered:
.L_overlay_start_2:
0x124: {  	(tag) =	ssettag $0x2  }
0x125: {  	s0 =	rddreg [dreg:$0x0];
	s2 =	stileid.u32  }
0x126: {  	s1 =	rddreg [dreg:$0x1];
	p0 =	sne.s32 s2, $0x0  }
0x127: {  	s3 =	rddreg [dreg:$0x2];
	[bflag:$0x3] =	sbarrier.arrive $0xFFFF;
	s2 =	simm.s32 @!p0 $0x1C03  }
0x128: {  	[timem:s3], [sflag:s2] =	dma.local @!p0 [hbm:s0], s1  }
0x129: {  	s0 =	simm.s32 @!p0 $0x3  }
0x12a: {  	_ =	swait.ge @!p0 [sflag:s0], s1  }
0x12b: {  	s1 =	ssub.s32 @!p0 $0x0, s1;
	[sflag:s0] =	ssyncset.done @!p0 $0x0  }
0x12c: {  	[sflag:s0] =	ssyncadd.s32 @!p0 s1  }
0x12d: {  	[bflag:$0x3] =	sbarrier.arrive $0xFFFF  }
0x12e: {  	_ =	shalt  }

// kernel: kernel.23.cloned.1.call-start
scs
__scs_entry_jumppad:
0x0: {  	(pc) =	sbr.rel $0x88, $3  }
0x1: {  	(tag) =	ssettag $0x0;
	lr =	simm.s32 $0x1  }
0x2: {  	[smem:$0x3F74] =	sst lr;
	_ =	strace $0xD0000000  }
0x3: {  	_ = 	snop  }
0x4: {  	_ = 	snop  }
0x5: {  	_ = 	snop  }
0x6: {  	_ = 	snop  }
0x7: {  	_ = 	snop  }
__scs_overlays_trampoline_lowered:
0x8: {  	[smem:$0x3F83] =	sst s0  }
0x9: {  	[smem:$0x3F84] =	sst s1  }
0xa: {  	[smem:$0x3F85] =	sst s2  }
0xb: {  	[smem:$0x3F86] =	sst s3  }
0xc: {  	[smem:$0x3F87] =	sst s4  }
0xd: {  	[smem:$0x3F88] =	sst s5  }
0xe: {  	[smem:$0x3F89] =	sst s6  }
0xf: {  	[smem:$0x3F8A] =	sst s7  }
0x10: {  	[smem:$0x3F8B] =	sst s8  }
0x11: {  	[smem:$0x3F8C] =	sst s9;
	s0 =	simm.s32 @!p0 $0x0  }
0x12: {  	s1 =	sld [smem:$0x3F72];
	s0 =	simm.s32 @p0 $0x1  }
0x13: {  	[smem:$0x3F8D] =	sst s0;
	s0 =	simm.s32 @!p1 $0x0  }
0x14: {  	s2 =	sld [smem:$0x3F71];
	s0 =	simm.s32 @p1 $0x1  }
0x15: {  	[smem:$0x3F8E] =	sst s0;
	s0 =	simm.s32 @!p2 $0x0  }
0x16: {  	s3 =	sld [smem:$0x3FDB];
	s0 =	simm.s32 @p2 $0x1  }
0x17: {  	s4 =	simm.s32 $0x1BF5;
	[smem:$0x3F90] =	sst s0  }
0x18: {  	s0 =	sld [smem:$0x3F73];
	_ =	swait.ge [sflag:s4], $0x0  }
0x19: {  	s7 =	sld [smem:$0x3F74]  }
0x1a: {  	s8 =	sadd.s32 $0xFFFFE003, lr  }
0x1b: {  	s9 =	sadd.s32 $0xFFFFFEF7, lr;
	s5 =	simm.s32 $0xFFFFFFFF;
	p2 =	slt.u32 s8, $0xFFFFF086  }
0x1c: {  	p1 =	slt.u32 s9, $0xF7A;
	s5 =	simm.s32 @!p2 $0x0  }
0x1d: {  	s5 =	simm.s32 @p1 $0x1;
	p0 =	seq.s32 s7, s2  }
0x1e: {  	s7 =	smul.u32 @!p0 $0xF7A, s2;
	p2 =	seq.s32 @!p0 s5, $0x0  }
0x1f: {  	s9 =	smul.u32 $0xF7A, s1;
	s8 =	simm.s32 @!p0 $0x1BF5;
	p2 =	por !p2, p0  }
0x20: {  	[sflag:s8] =	ssyncset.s32 @!p0 $0xFFFFF086;
	s6 =	sadd.s32 @!p0 s3, s7;
	s7 =	simm.s32 @!p0 $0x108  }
0x21: {  	s3 =	sadd.s32 s3, s9;
	s6 =	sadd.s32 @!p0 $0x88, s6;
	s7 =	simm.s32 @p2 $0x1082  }
0x22: {  	[simem:s7], [sflag:s8] =	dma.local @!p0 [hbm:s6], $0xF7A  }
0x23: {  	s9 =	sor.u32 $0xD0000000, s2;
	s6 =	simm.s32 $0x108;
	_ =	swait.ge @!p0 [sflag:s8], $0x0  }
0x24: {  	s3 =	sadd.s32 $0x88, s3;
	s6 =	simm.s32 @!p1 $0x1082;
	[sflag:s4] =	ssyncset.s32 $0xFFFFF086  }
0x25: {  	[simem:s6], [sflag:s4] =	dma.local [hbm:s3], $0xF7A  }
0x26: {  	[smem:$0x3F74] =	sst s1;
	(tag) =	ssettag s2;
	_ =	strace s9  }
0x27: {  	s1 =	sld [smem:$0x3F84]  }
0x28: {  	s2 =	sld [smem:$0x3F85]  }
0x29: {  	s4 =	sld [smem:$0x3F87]  }
0x2a: {  	p0 =	seq.s32 s5, $0x0;
	s5 =	sld [smem:$0x3F88]  }
0x2b: {  	s6 =	sld [smem:$0x3F89]  }
0x2c: {  	s7 =	sld [smem:$0x3F8A]  }
0x2d: {  	s3 =	simm.s32 $0x108;
	s8 =	sld [smem:$0x3F8B]  }
0x2e: {  	s3 =	simm.s32 @!p0 $0x1082;
	s9 =	sld [smem:$0x3F8C]  }
0x2f: {  	lr =	sadd.s32 s0, s3;
	s0 =	sld [smem:$0x3F83]  }
0x30: {  	s3 =	sld [smem:$0x3F86]  }
0x31: {  	[smem:$0x3F8F] =	sst s10  }
0x32: {  	s10 =	sld [smem:$0x3F8D];
	_ =	sdelay $0x3  }
0x33: {  	p0 =	seq.s32 s10, $0x1;
	s10 =	sld [smem:$0x3F8F];
	_ =	sdelay $0x3  }
0x34: {  	[smem:$0x3F8F] =	sst s10  }
0x35: {  	s10 =	sld [smem:$0x3F8E];
	_ =	sdelay $0x3  }
0x36: {  	p1 =	seq.s32 s10, $0x1;
	s10 =	sld [smem:$0x3F8F];
	_ =	sdelay $0x3  }
0x37: {  	[smem:$0x3F8F] =	sst s10  }
0x38: {  	s10 =	sld [smem:$0x3F90]  }
0x39: {  	_ = 	snop;
	(pc) =	sbr.ind lr, $3  }
0x3a: {  	_ = 	snop  }
0x3b: {  	_ = 	snop  }
0x3c: {  	p2 =	seq.s32 s10, $0x1;
	s10 =	sld [smem:$0x3F8F]  }
0x3d: {  	_ =	shalt  }
0x3e: {  	_ =	shalt  }
0x3f: {  	_ =	shalt  }
0x40: {  	_ =	shalt  }
0x41: {  	_ =	shalt  }
0x42: {  	_ =	shalt  }
0x43: {  	_ =	shalt  }
0x44: {  	_ =	shalt  }
0x45: {  	_ =	shalt  }
0x46: {  	_ =	shalt  }
0x47: {  	_ =	shalt  }
0x48: {  	_ =	shalt  }
0x49: {  	_ =	shalt  }
0x4a: {  	_ =	shalt  }
0x4b: {  	_ =	shalt  }
0x4c: {  	_ =	shalt  }
0x4d: {  	_ =	shalt  }
0x4e: {  	_ =	shalt  }
0x4f: {  	_ =	shalt  }
0x50: {  	_ =	shalt  }
0x51: {  	_ =	shalt  }
0x52: {  	_ =	shalt  }
0x53: {  	_ =	shalt  }
0x54: {  	_ =	shalt  }
0x55: {  	_ =	shalt  }
0x56: {  	_ =	shalt  }
0x57: {  	_ =	shalt  }
0x58: {  	_ =	shalt  }
0x59: {  	_ =	shalt  }
0x5a: {  	_ =	shalt  }
0x5b: {  	_ =	shalt  }
0x5c: {  	_ =	shalt  }
0x5d: {  	_ =	shalt  }
0x5e: {  	_ =	shalt  }
0x5f: {  	_ =	shalt  }
0x60: {  	_ =	shalt  }
0x61: {  	_ =	shalt  }
0x62: {  	_ =	shalt  }
0x63: {  	_ =	shalt  }
0x64: {  	_ =	shalt  }
0x65: {  	_ =	shalt  }
0x66: {  	_ =	shalt  }
0x67: {  	_ =	shalt  }
0x68: {  	_ =	shalt  }
0x69: {  	_ =	shalt  }
0x6a: {  	_ =	shalt  }
0x6b: {  	_ =	shalt  }
0x6c: {  	_ =	shalt  }
0x6d: {  	_ =	shalt  }
0x6e: {  	_ =	shalt  }
0x6f: {  	_ =	shalt  }
0x70: {  	_ =	shalt  }
0x71: {  	_ =	shalt  }
0x72: {  	_ =	shalt  }
0x73: {  	_ =	shalt  }
0x74: {  	_ =	shalt  }
0x75: {  	_ =	shalt  }
0x76: {  	_ =	shalt  }
0x77: {  	_ =	shalt  }
0x78: {  	_ =	shalt  }
0x79: {  	_ =	shalt  }
0x7a: {  	_ =	shalt  }
0x7b: {  	_ =	shalt  }
0x7c: {  	_ =	shalt  }
0x7d: {  	_ =	shalt  }
0x7e: {  	_ =	shalt  }
0x7f: {  	_ =	shalt  }
0x80: {  	_ =	shalt  }
0x81: {  	_ =	shalt  }
0x82: {  	_ =	shalt  }
0x83: {  	_ =	shalt  }
0x84: {  	_ =	shalt  }
0x85: {  	_ =	shalt  }
0x86: {  	_ =	shalt  }
0x87: {  	_ =	shalt  }
.Lfunc_end0:
.L_simem_size_0:
called_computation.3_lowered:
.L_overlay_start_0:
0x88: {  	s2 =	sld [smem:$0x3FD9]  }
0x89: {  	s3 =	sld [smem:$0x3FFE];
	_ =	sdelay $0x1  }
0x8a: {  	s1 =	srdreg.scid  }
0x8b: {  	s0 =	sand.u32 $0x1, s1  }
0x8c: {  	s17 =	sshll.u32 s0, $0xA;
	s2 =	sadd.s32 s3, s2  }
0x8d: {  	s2 =	sadd.s32 s2, s17  }
0x8e: {  	[smem:$0x3F9B] =	sst s2  }
0x8f: {  	_ = 	snop  }
0x90: {  	s2 =	sld [smem:$0x3FD0];
	(tm) =	ssettm $0x1  }
0x91: {  	s18 =	sld [smem:$0x3FFB];
	_ =	sdelay $0x3  }
0x92: {  	_ =	strace s18  }
0x93: {  	s3 =	sld [smem:$0x3FFC];
	_ =	sdelay $0x3  }
0x94: {  	_ =	strace s3  }
0x95: {  	s3 =	sld [smem:$0x3FFD];
	_ =	sdelay $0x3  }
0x96: {  	_ =	strace s3  }
0x97: {  	_ =	strace $0x8FFFFFFF  }
0x98: {  	s19 =	sld [smem:$0x3FDB];
	_ =	sdelay $0x1  }
0x99: {  	s4 =	simm.s32 $_scs_section_size  }
0x9a: {  	s5 =	simm.s32 $_size__tile_overlayer_lowered;
	s6 =	simm.s32 $_tile_overlayer_lowered  }
0x9b: {  	s22 =	simm.s32 $0x1BFF;
	s21 =	sshll.u32 s6, $0x1;
	s3 =	sadd.s32 s4, s19  }
0x9c: {  	s7 =	simm.s32 $0x0;
	s20 =	sshll.u32 s5, $0x1;
	s5 =	sadd.s32 s21, s3  }
0x9d: {  	[timem:s7], [sflag:s22] =	dma.local [hbm:s5], s20  }
0x9e: {  	_ =	swait.ge [sflag:s22], s20  }
0x9f: {  	s4 =	ssub.s32 $0x0, s20;
	[sflag:s22] =	ssyncset.done $0x0  }
0xa0: {  	[sflag:s22] =	ssyncadd.s32 s4;
	_ =	sdelay $0x1  }
0xa1: {  	s23 =	simm.s32 $0x1B8B  }
0xa2: {  	_ =	swait.ge [sflag:s23], $0x1  }
0xa3: {  	[sflag:s23] =	ssyncset.done $0x0  }
0xa4: {  	s25 =	simm.s32 $0x1B8E;
	s24 =	sld [smem:$0x3FFE];
	[sflag:s23] =	ssyncadd.s32 $0xFFFFFFFF  }
0xa5: {  	s26 =	simm.s32 $execute0_lowered;
	[smem:$0x3FD2] =	sst s25  }
0xa6: {  	s5 =	sshll.u32 s26, $0x1;
	_ =	strace $0x8000004F;
	[dreg:$0x1] =	wrdreg $0xFFFFFFFF  }
0xa7: {  	s28 =	simm.s32 $_size_execute0_lowered;
	s3 =	sadd.s32 s3, s5;
	[dreg:$0x0] =	wrdreg $0x0  }
0xa8: {  	s5 =	sshll.u32 s28, $0x1;
	[dreg:$0x2] =	wrdreg s3  }
0xa9: {  	[dreg:$0x3] =	wrdreg s5  }
0xaa: {  	[dreg:$0x4] =	wrdreg $0xC0  }
0xab: {  	_ =	task [dreg:s7], $0x5FFFF  }
0xac: {  	[dreg:$0x1] =	wrdreg $0xFFFFFFFF  }
0xad: {  	[dreg:$0x0] =	wrdreg $0x60  }
0xae: {  	[dreg:$0x2] =	wrdreg s2  }
0xaf: {  	[dreg:$0x3] =	wrdreg s24  }
0xb0: {  	[dreg:$0x4] =	wrdreg $0x9  }
0xb1: {  	_ =	task.clear_ibuf [dreg:s7], $0x5FFFF;
	_ =	strace $0x9000004F  }
0xb2: {  	s29 =	simm.s32 $0x9;
	_ =	strace $0x80000051  }
0xb3: {  	_ =	swait.ge [sflag:s29], $0x1  }
0xb4: {  	[sflag:s29] =	ssyncadd.s32 $0xFFFFFFFF  }
0xb5: {  	_ =	strace $0x90000051  }
0xb6: {  	_ =	sfence  }
0xb7: {  	s30 =	sld [smem:$0x0];
	_ =	sdelay $0x2  }
0xb8: {  	s31 =	sshll.u32 s1, $0xD;
	s1 =	sshrl.u32 s1, $0x2  }
0xb9: {  	s3 =	sand.u32 $0x4000, s31;
	s1 =	sadd.s32 s1, s30  }
0xba: {  	s0 =	sor.u32 s3, s0;
	s1 =	sshll.u32 s1, $0x11  }
0xbb: {  	s0 =	sor.u32 s1, s0  }
0xbc: {  	s0 =	sadd.s32 $0x8F2B, s0  }
0xbd: {  	[sflag:s0] =	ssyncadd.remote.s32 $0x1  }
0xbe: {  	_ =	sfence.sel $0xFFFF  }
0xbf: {  	[dreg:$0x0] =	wrdreg $0xFFFFFFFF;
	(pc) =	sbr.abs _section_cstart, $3  }
0xc0: {  	[dreg:$0x1] =	wrdreg $0xFFFFFFFF  }
0xc1: {  	_ =	task.clear_ibuf [dreg:s7], $0x2FFFF;
	_ =	strace $0x9FFFFFFF  }
0xc2: {  	(tm) =	ssettm $0x7FFFFFFF  }
0xc3: {  	_ =	shalt  }
tec
execute0_lowered:
.L_overlay_start_1:
0x0: {  	(tag) =	ssettag $0x1  }
0x1: {  	s2 =	rddreg [dreg:$0x0]  }
0x2: {  	s0 =	rddreg [dreg:$0x1]  }
0x3: {  	s9 =	stileid.u32;
	s1 =	srdreg.scid;
	s3 =	simm.s32 $0x0  }
0x4: {  	s17 =	simm.s32 $0x200;
	s28 =	simm.s32 $0x5200;
	s14 =	simm.s32 $0x4  }
0x5: {  	s16 =	simm.s32 $0x10A00;
	s19 =	simm.s32 $0x11A00;
	s15 =	simm.s32 $0x12A00  }
0x6: {  	s20 =	simm.s32 $0x1;
	s13 =	simm.s32 $0x0;
	s6 =	smul.u32 $0x9C400, s9  }
0x7: {  	s1 =	sand.u32 $0x1, s1;
	s4 =	sshll.u32 s9, $0x1;
	s9 =	smul.u32 $0x2710, s9  }
0x8: {  	[smem:$0x7FF] =	sst s3;
	s5 =	sor.u32 s1, s4;
	s11 =	smul.u32 $0x1388, s1  }
0x9: {  	_ =	strace $0x80000050;
	s8 =	ssub.s32 $0x2, s1;
	s1 =	smul.u32 $0x4E200, s1  }
0xa: {  	s4 =	sadd.s32 $0xBA00, s0;
	s7 =	smul.u32 $0x1388, s5;
	s10 =	sshrl.u32 s8, $0x1  }
0xb: {  	s5 =	sadd.s32 $0xC2600, s0;
	s0 =	sadd.s32 s6, s0;
	s23 =	ssub.s32 s8, s10  }
0xc: {  	s25 =	sadd.s32 s11, s9;
	s8 =	sadd.s32 $0x100, s2;
	s0 =	sadd.s32 s1, s0  }
0xd: {  	s1 =	simm.s32 $0x7A00;
	s9 =	simm.s32 $0x9200;
	s10 =	simm.s32 $0x9A00  }
0xe: {  	s7 =	sshrl.u32 s7, $0x3;
	s6 =	smax.u32 s23, $0x1;
	s26 =	sadd.s32 $0x28, s25  }
0xf: {  	s11 =	sadd.s32 $0xC7600, s0;
	s12 =	sadd.s32 $0xA8B600, s0;
	s23 =	simm.s32 $0x11200  }
0x10: {  	s24 =	sadd.s32 s4, s7;
	s7 =	sadd.s32 s5, s7;
	[dreg:$0x5] =	wrdreg s6  }
.Ltmp0:
0x11: {  	s29 =	sshrl.u32 s26, $0x3;
	[dreg:$0x3] =	wrdreg s24;
	(pc) =	sbr.rel .LBB2_1-.Ltmp0, $4  }
0x12: {  	s6 =	simm.s32 $0x8200;
	[dreg:$0x4] =	wrdreg s7;
	s7 =	sadd.s32 $0x50, s25  }
0x13: {  	v2 =	vlaneseq.u32;
	s26 =	simm.s32 $0x13A00;
	s30 =	sadd.s32 s29, s5;
	[dreg:$0x6] =	wrdreg s7  }
0x14: {  	vm0 =	vmmov $0xffff;
	v1 =	vshrl.u32 v2, $0x3;
	s31 =	sadd.s32 s29, s4;
	s24 =	simm.s32 $0x12200;
	[dreg:$0x7] =	wrdreg s30  }
0x15: {  	v0 =	vand.u32 $0x7, v2;
	v2 =	vor.u32 $0x8, v2;
	v1 =	vmul.u32 $0x8, v1;
	s25 =	simm.s32 $0x13200;
	[dreg:$0x8] =	wrdreg s31;
	s7 =	simm.s32 $0x8A00  }
.LBB2_7:
0x16: {  	s13 =	rddreg [dreg:$0x9]  }
0x17: {  	s0 =	rddreg [dreg:$0x5];
	s13 =	sadd.s32 $0x1, s13  }
0x18: {  	p0 =	sne.s32 s13, s0  }
.Ltmp1:
0x19: {  	_ = 	snop;
	(pc) =	sbr.rel @!p0 .LBB2_8-.Ltmp1, $1  }
0x1a: {  	_ =	sdelay $0x3  }
.LBB2_1:
0x1b: {  	[dreg:$0x9] =	wrdreg s13  }
0x1c: {  	s0 =	rddreg [dreg:$0x3];
	s22 =	simm.s32 $0x3  }
0x1d: {  	[tilespmem:s3], [sflag:$0x3] =	stream.linear.gather [hbm4b:s0+s3], $0x28, $0x38;
	[tilespmem:$0x14200] =	vst v63  }
0x1e: {  	_ =	swait.ge [sflag:s22], $0x28  }
0x1f: {  	[sflag:s22] =	ssyncset.done $0x0  }
0x20: {  	s18 =	simm.s32 $0x80;
	s31 =	rddreg [dreg:$0x4];
	[sflag:s22] =	ssyncadd.s32 $0xFFFFFFD8  }
0x21: {  	[tilespmem:s18], [sflag:$0x3] =	stream.linear.gather [hbm4b:s31+s3], $0x28, $0x38;
	[tilespmem:$0x14200] =	vst v63  }
0x22: {  	_ =	swait.ge [sflag:s22], $0x28  }
0x23: {  	[sflag:s22] =	ssyncset.done $0x0  }
0x24: {  	[sflag:s22] =	ssyncadd.s32 $0xFFFFFFD8  }
0x25: {  	v3 =	vld [tilespmem:$0x0];
	_ =	sdelay $0x4  }
0x26: {  	v4 =	vshll.u32 v3, $0x2  }
0x27: {  	v3 =	vand.u32 $0x7, v3;
	v4 =	vand.u32 $0xFFFFFFE0, v4  }
0x28: {  	v3 =	vor.u32 v3, v4  }
0x29: {  	v4 =	vperm.xlane v3, v0;
	_ =	sdelay $0x1  }
0x2a: {  	v4 =	vadd.s32 v1, v4;
	_ =	sdelay $0x1  }
0x2b: {  	v3 =	vperm.xlane v3, v2;
	_ =	sdelay $0x1  }
0x2c: {  	v3 =	vadd.s32 v1, v3  }
0x2d: {  	[tilespmem:s17], [sflag:$0x1] =	stream.indirect_vreg.gather [hbm4b:s2+s3], $0x80, v4, vm0, $0xb8;
	[tilespmem:$0x14200] =	vst v63  }
0x2e: {  	s21 =	simm.s32 $0xA00  }
0x2f: {  	[tilespmem:s21], [sflag:$0x1] =	stream.indirect_vreg.gather [hbm4b:s8+s3], $0x80, v4, vm0, $0xb8;
	[tilespmem:$0x14200] =	vst v63  }
0x30: {  	s22 =	simm.s32 $0x1200  }
0x31: {  	[tilespmem:s22], [sflag:$0x1] =	stream.indirect_vreg.gather [hbm4b:s2+s3], $0x80, v3, vm0, $0xb8;
	[tilespmem:$0x14200] =	vst v63  }
0x32: {  	s31 =	simm.s32 $0x1A00  }
0x33: {  	[tilespmem:s31], [sflag:$0x1] =	stream.indirect_vreg.gather [hbm4b:s8+s3], $0x80, v3, vm0, $0xb8;
	[tilespmem:$0x14200] =	vst v63  }
0x34: {  	v3 =	vld [tilespmem:$0x10];
	_ =	sdelay $0x4  }
0x35: {  	v59 =	vshll.u32 v3, $0x2  }
0x36: {  	v3 =	vand.u32 $0x7, v3;
	v4 =	vand.u32 $0xFFFFFFE0, v59  }
0x37: {  	v3 =	vor.u32 v3, v4  }
0x38: {  	v4 =	vperm.xlane v3, v0;
	_ =	sdelay $0x1  }
0x39: {  	v4 =	vadd.s32 v1, v4;
	_ =	sdelay $0x1  }
0x3a: {  	v3 =	vperm.xlane v3, v2;
	_ =	sdelay $0x1  }
0x3b: {  	s13 =	simm.s32 $0x2200;
	v3 =	vadd.s32 v1, v3  }
0x3c: {  	[tilespmem:s13], [sflag:$0x1] =	stream.indirect_vreg.gather [hbm4b:s2+s3], $0x80, v4, vm0, $0xb8;
	[tilespmem:$0x14200] =	vst v63  }
0x3d: {  	s18 =	simm.s32 $0x2A00  }
0x3e: {  	[tilespmem:s18], [sflag:$0x1] =	stream.indirect_vreg.gather [hbm4b:s8+s3], $0x80, v4, vm0, $0xb8;
	[tilespmem:$0x14200] =	vst v63  }
0x3f: {  	s21 =	simm.s32 $0x3200  }
0x40: {  	[tilespmem:s21], [sflag:$0x1] =	stream.indirect_vreg.gather [hbm4b:s2+s3], $0x80, v3, vm0, $0xb8;
	[tilespmem:$0x14200] =	vst v63  }
0x41: {  	s22 =	simm.s32 $0x3A00  }
0x42: {  	[tilespmem:s22], [sflag:$0x1] =	stream.indirect_vreg.gather [hbm4b:s8+s3], $0x80, v3, vm0, $0xb8;
	[tilespmem:$0x14200] =	vst v63  }
0x43: {  	v3 =	vld.msk [tilespmem:$0x20], $0xff;
	_ =	sdelay $0x4  }
0x44: {  	v60 =	vshll.u32 v3, $0x2  }
0x45: {  	v3 =	vand.u32 $0x7, v3;
	v4 =	vand.u32 $0xFFFFFFE0, v60  }
0x46: {  	v3 =	vor.u32 v3, v4  }
0x47: {  	v3 =	vperm.xlane v3, v0;
	_ =	sdelay $0x1  }
0x48: {  	v3 =	vadd.s32 v1, v3;
	_ =	sdelay $0x3  }
0x49: {  	s31 =	simm.s32 $0x4200  }
0x4a: {  	[tilespmem:s31], [sflag:$0x1] =	stream.indirect_vreg.gather [hbm4b:s2+s3], $0x80, v3, vm0, $0xb8;
	[tilespmem:$0x14200] =	vst v63  }
0x4b: {  	s13 =	simm.s32 $0x4A00  }
0x4c: {  	[tilespmem:s13], [sflag:$0x1] =	stream.indirect_vreg.gather [hbm4b:s8+s3], $0x80, v3, vm0, $0xb8;
	[tilespmem:$0x14200] =	vst v63  }
0x4d: {  	v3 =	vld [tilespmem:$0x80];
	_ =	sdelay $0x4  }
0x4e: {  	v61 =	vshll.u32 v3, $0x2  }
0x4f: {  	v3 =	vand.u32 $0x7, v3;
	v4 =	vand.u32 $0xFFFFFFE0, v61  }
0x50: {  	v3 =	vor.u32 v3, v4  }
0x51: {  	v4 =	vperm.xlane v3, v0;
	_ =	sdelay $0x1  }
0x52: {  	v4 =	vadd.s32 v1, v4;
	_ =	sdelay $0x1  }
0x53: {  	v3 =	vperm.xlane v3, v2;
	_ =	sdelay $0x1  }
0x54: {  	v3 =	vadd.s32 v1, v3  }
0x55: {  	[tilespmem:s28], [sflag:$0x1] =	stream.indirect_vreg.gather [hbm4b:s2+s3], $0x80, v4, vm0, $0xb8;
	[tilespmem:$0x14200] =	vst v63  }
0x56: {  	s18 =	simm.s32 $0x5A00  }
0x57: {  	[tilespmem:s18], [sflag:$0x1] =	stream.indirect_vreg.gather [hbm4b:s8+s3], $0x80, v4, vm0, $0xb8;
	[tilespmem:$0x14200] =	vst v63  }
0x58: {  	s21 =	simm.s32 $0x6200  }
0x59: {  	[tilespmem:s21], [sflag:$0x1] =	stream.indirect_vreg.gather [hbm4b:s2+s3], $0x80, v3, vm0, $0xb8;
	[tilespmem:$0x14200] =	vst v63  }
0x5a: {  	s22 =	simm.s32 $0x6A00  }
0x5b: {  	[tilespmem:s22], [sflag:$0x1] =	stream.indirect_vreg.gather [hbm4b:s8+s3], $0x80, v3, vm0, $0xb8;
	[tilespmem:$0x14200] =	vst v63  }
0x5c: {  	v3 =	vld [tilespmem:$0x90];
	_ =	sdelay $0x4  }
0x5d: {  	v62 =	vshll.u32 v3, $0x2  }
0x5e: {  	v3 =	vand.u32 $0x7, v3;
	v4 =	vand.u32 $0xFFFFFFE0, v62  }
0x5f: {  	v3 =	vor.u32 v3, v4  }
0x60: {  	v4 =	vperm.xlane v3, v0;
	_ =	sdelay $0x1  }
0x61: {  	v4 =	vadd.s32 v1, v4;
	_ =	sdelay $0x1  }
0x62: {  	v3 =	vperm.xlane v3, v2;
	_ =	sdelay $0x1  }
0x63: {  	s31 =	simm.s32 $0x7200;
	v3 =	vadd.s32 v1, v3  }
0x64: {  	[tilespmem:s31], [sflag:$0x1] =	stream.indirect_vreg.gather [hbm4b:s2+s3], $0x80, v4, vm0, $0xb8;
	[tilespmem:$0x14200] =	vst v63  }
0x65: {  	_ = 	snop  }
0x66: {  	[tilespmem:s1], [sflag:$0x1] =	stream.indirect_vreg.gather [hbm4b:s8+s3], $0x80, v4, vm0, $0xb8;
	[tilespmem:$0x14200] =	vst v63  }
0x67: {  	_ = 	snop  }
0x68: {  	[tilespmem:s6], [sflag:$0x1] =	stream.indirect_vreg.gather [hbm4b:s2+s3], $0x80, v3, vm0, $0xb8;
	[tilespmem:$0x14200] =	vst v63  }
0x69: {  	_ = 	snop  }
0x6a: {  	[tilespmem:s7], [sflag:$0x1] =	stream.indirect_vreg.gather [hbm4b:s8+s3], $0x80, v3, vm0, $0xb8;
	[tilespmem:$0x14200] =	vst v63  }
0x6b: {  	v3 =	vld.msk [tilespmem:$0xA0], $0xff;
	_ =	sdelay $0x4  }
0x6c: {  	v63 =	vshll.u32 v3, $0x2  }
0x6d: {  	v3 =	vand.u32 $0x7, v3;
	v4 =	vand.u32 $0xFFFFFFE0, v63  }
0x6e: {  	v3 =	vor.u32 v3, v4  }
0x6f: {  	v3 =	vperm.xlane v3, v0;
	_ =	sdelay $0x1  }
0x70: {  	v3 =	vadd.s32 v1, v3;
	_ =	sdelay $0x2  }
.Ltmp2:
0x71: {  	s29 =	rddreg [dreg:$0x8];
	(pc) =	sbr.rel .LBB2_2-.Ltmp2, $4  }
0x72: {  	s30 =	rddreg [dreg:$0x6]  }
0x73: {  	[tilespmem:s9], [sflag:$0x1] =	stream.indirect_vreg.gather [hbm4b:s2+s3], $0x80, v3, vm0, $0xb8;
	[tilespmem:$0x14200] =	vst v63  }
0x74: {  	s13 =	simm.s32 $0x1;
	s18 =	simm.s32 $0x0;
	s21 =	rddreg [dreg:$0x7]  }
0x75: {  	[tilespmem:s10], [sflag:$0x1] =	stream.indirect_vreg.gather [hbm4b:s8+s3], $0x80, v3, vm0, $0xb8;
	[tilespmem:$0x14200] =	vst v63  }
.LBB2_6:
0x76: {  	s22 =	simm.s32 @!p0 $0x2  }
0x77: {  	_ =	swait.ge @!p0 [sflag:s22], $0x5000  }
0x78: {  	[sflag:s22] =	ssyncset.done @!p0 $0x0  }
0x79: {  	[sflag:s22] =	ssyncadd.s32 @!p0 $0xFFFFB000  }
0x7a: {  	_ =	swait.ge @!p0 [sflag:s22], $0x5000  }
0x7b: {  	[sflag:s22] =	ssyncset.done @!p0 $0x0  }
0x7c: {  	[sflag:s22] =	ssyncadd.s32 @!p0 $0xFFFFB000;
	s22 =	sadd.s32 @!p0 s18, s11  }
0x7d: {  	s31 =	simm.s32 @!p0 $0x0;
	s0 =	simm.s32 @!p0 $0xA200;
	s22 =	sadd.s32 @!p0 $0xA00, s22  }
0x7e: {  	[hbm4b:s22+s31] =	stream.linear.scatter @!p0 [tilespmem:s0], [sflag:$0x4], $0x5000, $0x38;
	[tilespmem:$0x14200] =	vst v63  }
0x7f: {  	s0 =	simm.s32 @!p0 $0x4  }
0x80: {  	_ =	swait.ge @!p0 [sflag:s0], $0x5000  }
0x81: {  	s22 =	sadd.s32 @!p0 s18, s12;
	[sflag:s0] =	ssyncset.done @!p0 $0x0  }
0x82: {  	[sflag:s0] =	ssyncadd.s32 @!p0 $0xFFFFB000;
	s0 =	sadd.s32 @!p0 $0xA00, s22;
	s22 =	simm.s32 @!p0 $0xF200  }
0x83: {  	[hbm4b:s0+s31] =	stream.linear.scatter @!p0 [tilespmem:s22], [sflag:$0x3], $0x5000, $0x38;
	[tilespmem:$0x14200] =	vst v63  }
0x84: {  	s0 =	simm.s32 @!p0 $0x3  }
0x85: {  	_ =	swait.ge @!p0 [sflag:s0], $0x5000  }
0x86: {  	s18 =	sadd.s32 $0x1400, s18;
	[sflag:s0] =	ssyncset.done @!p0 $0x0  }
0x87: {  	[sflag:s0] =	ssyncadd.s32 @!p0 $0xFFFFB000;
	p0 =	sne.s32 s18, $0x4EC00  }
.Ltmp3:
0x88: {  	_ = 	snop;
	(pc) =	sbr.rel @!p0 .LBB2_7-.Ltmp3, $3  }
0x89: {  	_ =	sdelay $0x1  }
0x8a: {  	s30 =	sadd.s32 $0x50, s30  }
0x8b: {  	s21 =	sadd.s32 $0xA, s21;
	s29 =	sadd.s32 $0xA, s29;
	s13 =	sadd.s32 $0x2, s13  }
.LBB2_2:
0x8c: {  	p0 =	sgt.u32 s13, $0x7C  }
.Ltmp4:
0x8d: {  	_ = 	snop;
	(pc) =	sbr.rel @p0 .LBB2_4-.Ltmp4, $1  }
0x8e: {  	_ =	sdelay $0x3  }
0x8f: {  	s0 =	simm.s32 $0x100  }
0x90: {  	[tilespmem:s0], [sflag:$0x4] =	stream.linear.gather [hbm4b:s29+s3], $0x28, $0x38;
	[tilespmem:$0x14200] =	vst v63  }
0x91: {  	_ =	swait.ge [sflag:s14], $0x28  }
0x92: {  	[sflag:s14] =	ssyncset.done $0x0  }
0x93: {  	s22 =	simm.s32 $0x180;
	[sflag:s14] =	ssyncadd.s32 $0xFFFFFFD8  }
0x94: {  	[tilespmem:s22], [sflag:$0x4] =	stream.linear.gather [hbm4b:s21+s3], $0x28, $0x38;
	[tilespmem:$0x14200] =	vst v63  }
0x95: {  	_ =	swait.ge [sflag:s14], $0x28  }
0x96: {  	[sflag:s14] =	ssyncset.done $0x0  }
0x97: {  	[sflag:s14] =	ssyncadd.s32 $0xFFFFFFD8  }
0x98: {  	v3 =	vld [tilespmem:$0x100];
	_ =	sdelay $0x4  }
0x99: {  	v4 =	vshll.u32 v3, $0x2  }
0x9a: {  	v3 =	vand.u32 $0x7, v3;
	v4 =	vand.u32 $0xFFFFFFE0, v4  }
0x9b: {  	v3 =	vor.u32 v3, v4  }
0x9c: {  	v4 =	vperm.xlane v3, v0;
	_ =	sdelay $0x1  }
0x9d: {  	v4 =	vadd.s32 v1, v4;
	_ =	sdelay $0x1  }
0x9e: {  	v3 =	vperm.xlane v3, v2;
	_ =	sdelay $0x1  }
0x9f: {  	s31 =	simm.s32 $0xA200;
	v3 =	vadd.s32 v1, v3  }
0xa0: {  	[tilespmem:s31], [sflag:$0x2] =	stream.indirect_vreg.gather [hbm4b:s2+s3], $0x80, v4, vm0, $0xb8;
	[tilespmem:$0x14200] =	vst v63  }
0xa1: {  	s22 =	simm.s32 $0xAA00  }
0xa2: {  	[tilespmem:s22], [sflag:$0x2] =	stream.indirect_vreg.gather [hbm4b:s8+s3], $0x80, v4, vm0, $0xb8;
	[tilespmem:$0x14200] =	vst v63  }
0xa3: {  	s31 =	simm.s32 $0xB200  }
0xa4: {  	[tilespmem:s31], [sflag:$0x2] =	stream.indirect_vreg.gather [hbm4b:s2+s3], $0x80, v3, vm0, $0xb8;
	[tilespmem:$0x14200] =	vst v63  }
0xa5: {  	s22 =	simm.s32 $0xBA00  }
0xa6: {  	[tilespmem:s22], [sflag:$0x2] =	stream.indirect_vreg.gather [hbm4b:s8+s3], $0x80, v3, vm0, $0xb8;
	[tilespmem:$0x14200] =	vst v63  }
0xa7: {  	v3 =	vld [tilespmem:$0x110];
	_ =	sdelay $0x4  }
0xa8: {  	v59 =	vshll.u32 v3, $0x2  }
0xa9: {  	v3 =	vand.u32 $0x7, v3;
	v4 =	vand.u32 $0xFFFFFFE0, v59  }
0xaa: {  	v3 =	vor.u32 v3, v4  }
0xab: {  	v4 =	vperm.xlane v3, v0;
	_ =	sdelay $0x1  }
0xac: {  	v4 =	vadd.s32 v1, v4;
	_ =	sdelay $0x1  }
0xad: {  	v3 =	vperm.xlane v3, v2;
	_ =	sdelay $0x1  }
0xae: {  	s31 =	simm.s32 $0xC200;
	v3 =	vadd.s32 v1, v3  }
0xaf: {  	[tilespmem:s31], [sflag:$0x2] =	stream.indirect_vreg.gather [hbm4b:s2+s3], $0x80, v4, vm0, $0xb8;
	[tilespmem:$0x14200] =	vst v63  }
0xb0: {  	s22 =	simm.s32 $0xCA00  }
0xb1: {  	[tilespmem:s22], [sflag:$0x2] =	stream.indirect_vreg.gather [hbm4b:s8+s3], $0x80, v4, vm0, $0xb8;
	[tilespmem:$0x14200] =	vst v63  }
0xb2: {  	s31 =	simm.s32 $0xD200  }
0xb3: {  	[tilespmem:s31], [sflag:$0x2] =	stream.indirect_vreg.gather [hbm4b:s2+s3], $0x80, v3, vm0, $0xb8;
	[tilespmem:$0x14200] =	vst v63  }
0xb4: {  	s22 =	simm.s32 $0xDA00  }
0xb5: {  	[tilespmem:s22], [sflag:$0x2] =	stream.indirect_vreg.gather [hbm4b:s8+s3], $0x80, v3, vm0, $0xb8;
	[tilespmem:$0x14200] =	vst v63  }
0xb6: {  	v3 =	vld.msk [tilespmem:$0x120], $0xff;
	_ =	sdelay $0x4  }
0xb7: {  	v60 =	vshll.u32 v3, $0x2  }
0xb8: {  	v3 =	vand.u32 $0x7, v3;
	v4 =	vand.u32 $0xFFFFFFE0, v60  }
0xb9: {  	v3 =	vor.u32 v3, v4  }
0xba: {  	v3 =	vperm.xlane v3, v0;
	_ =	sdelay $0x1  }
0xbb: {  	v3 =	vadd.s32 v1, v3;
	_ =	sdelay $0x3  }
0xbc: {  	s31 =	simm.s32 $0xE200  }
0xbd: {  	[tilespmem:s31], [sflag:$0x2] =	stream.indirect_vreg.gather [hbm4b:s2+s3], $0x80, v3, vm0, $0xb8;
	[tilespmem:$0x14200] =	vst v63  }
0xbe: {  	s22 =	simm.s32 $0xEA00  }
0xbf: {  	[tilespmem:s22], [sflag:$0x2] =	stream.indirect_vreg.gather [hbm4b:s8+s3], $0x80, v3, vm0, $0xb8;
	[tilespmem:$0x14200] =	vst v63  }
0xc0: {  	v3 =	vld [tilespmem:$0x180];
	_ =	sdelay $0x4  }
0xc1: {  	v61 =	vshll.u32 v3, $0x2  }
0xc2: {  	v3 =	vand.u32 $0x7, v3;
	v4 =	vand.u32 $0xFFFFFFE0, v61  }
0xc3: {  	v3 =	vor.u32 v3, v4  }
0xc4: {  	v4 =	vperm.xlane v3, v0;
	_ =	sdelay $0x1  }
0xc5: {  	v4 =	vadd.s32 v1, v4;
	_ =	sdelay $0x1  }
0xc6: {  	v3 =	vperm.xlane v3, v2;
	_ =	sdelay $0x1  }
0xc7: {  	s31 =	simm.s32 $0xF200;
	v3 =	vadd.s32 v1, v3  }
0xc8: {  	[tilespmem:s31], [sflag:$0x2] =	stream.indirect_vreg.gather [hbm4b:s2+s3], $0x80, v4, vm0, $0xb8;
	[tilespmem:$0x14200] =	vst v63  }
0xc9: {  	s22 =	simm.s32 $0xFA00  }
0xca: {  	[tilespmem:s22], [sflag:$0x2] =	stream.indirect_vreg.gather [hbm4b:s8+s3], $0x80, v4, vm0, $0xb8;
	[tilespmem:$0x14200] =	vst v63  }
0xcb: {  	s31 =	simm.s32 $0x10200  }
0xcc: {  	[tilespmem:s31], [sflag:$0x2] =	stream.indirect_vreg.gather [hbm4b:s2+s3], $0x80, v3, vm0, $0xb8;
	[tilespmem:$0x14200] =	vst v63  }
0xcd: {  	_ = 	snop  }
0xce: {  	[tilespmem:s16], [sflag:$0x2] =	stream.indirect_vreg.gather [hbm4b:s8+s3], $0x80, v3, vm0, $0xb8;
	[tilespmem:$0x14200] =	vst v63  }
0xcf: {  	v3 =	vld [tilespmem:$0x190];
	_ =	sdelay $0x4  }
0xd0: {  	v62 =	vshll.u32 v3, $0x2  }
0xd1: {  	v3 =	vand.u32 $0x7, v3;
	v4 =	vand.u32 $0xFFFFFFE0, v62  }
0xd2: {  	v3 =	vor.u32 v3, v4  }
0xd3: {  	v4 =	vperm.xlane v3, v0;
	_ =	sdelay $0x1  }
0xd4: {  	v4 =	vadd.s32 v1, v4;
	_ =	sdelay $0x1  }
0xd5: {  	v3 =	vperm.xlane v3, v2;
	_ =	sdelay $0x1  }
0xd6: {  	v3 =	vadd.s32 v1, v3  }
0xd7: {  	[tilespmem:s23], [sflag:$0x2] =	stream.indirect_vreg.gather [hbm4b:s2+s3], $0x80, v4, vm0, $0xb8;
	[tilespmem:$0x14200] =	vst v63  }
0xd8: {  	_ = 	snop  }
0xd9: {  	[tilespmem:s19], [sflag:$0x2] =	stream.indirect_vreg.gather [hbm4b:s8+s3], $0x80, v4, vm0, $0xb8;
	[tilespmem:$0x14200] =	vst v63  }
0xda: {  	_ = 	snop  }
0xdb: {  	[tilespmem:s24], [sflag:$0x2] =	stream.indirect_vreg.gather [hbm4b:s2+s3], $0x80, v3, vm0, $0xb8;
	[tilespmem:$0x14200] =	vst v63  }
0xdc: {  	_ = 	snop  }
0xdd: {  	[tilespmem:s15], [sflag:$0x2] =	stream.indirect_vreg.gather [hbm4b:s8+s3], $0x80, v3, vm0, $0xb8;
	[tilespmem:$0x14200] =	vst v63  }
0xde: {  	v3 =	vld.msk [tilespmem:$0x1A0], $0xff;
	_ =	sdelay $0x4  }
0xdf: {  	v63 =	vshll.u32 v3, $0x2  }
0xe0: {  	v3 =	vand.u32 $0x7, v3;
	v4 =	vand.u32 $0xFFFFFFE0, v63  }
0xe1: {  	v3 =	vor.u32 v3, v4  }
0xe2: {  	v3 =	vperm.xlane v3, v0;
	_ =	sdelay $0x1  }
0xe3: {  	v3 =	vadd.s32 v1, v3;
	_ =	sdelay $0x4  }
0xe4: {  	[tilespmem:s25], [sflag:$0x2] =	stream.indirect_vreg.gather [hbm4b:s2+s3], $0x80, v3, vm0, $0xb8;
	[tilespmem:$0x14200] =	vst v63  }
0xe5: {  	_ = 	snop  }
0xe6: {  	[tilespmem:s26], [sflag:$0x2] =	stream.indirect_vreg.gather [hbm4b:s8+s3], $0x80, v3, vm0, $0xb8;
	[tilespmem:$0x14200] =	vst v63  }
.LBB2_4:
0xe7: {  	_ =	swait.ge [sflag:s20], $0x5000  }
0xe8: {  	[sflag:s20] =	ssyncset.done $0x0  }
0xe9: {  	[sflag:s20] =	ssyncadd.s32 $0xFFFFB000  }
0xea: {  	_ =	swait.ge [sflag:s20], $0x5000  }
0xeb: {  	[sflag:s20] =	ssyncset.done $0x0  }
0xec: {  	s31 =	sadd.s32 s18, s11;
	[sflag:s20] =	ssyncadd.s32 $0xFFFFB000  }
0xed: {  	[hbm4b:s31+s3] =	stream.linear.scatter [tilespmem:s17], [sflag:$0x4], $0x5000, $0x38;
	[tilespmem:$0x14200] =	vst v63  }
0xee: {  	_ =	swait.ge [sflag:s14], $0x5000  }
0xef: {  	p1 =	seq.s32 s18, $0x4D800;
	[sflag:s14] =	ssyncset.done $0x0  }
.Ltmp5:
0xf0: {  	s22 =	sadd.s32 s18, s12;
	[sflag:s14] =	ssyncadd.s32 $0xFFFFB000;
	(pc) =	sbr.rel @p1 .LBB2_6-.Ltmp5, $4  }
0xf1: {  	[hbm4b:s22+s3] =	stream.linear.scatter [tilespmem:s28], [sflag:$0x4], $0x5000, $0x38;
	[tilespmem:$0x14200] =	vst v63  }
0xf2: {  	_ =	swait.ge [sflag:s14], $0x5000  }
0xf3: {  	[sflag:s14] =	ssyncset.done $0x0  }
0xf4: {  	[sflag:s14] =	ssyncadd.s32 $0xFFFFB000  }
0xf5: {  	s31 =	sshrl.u32 s30, $0x3  }
0xf6: {  	s22 =	sadd.s32 s4, s31  }
0xf7: {  	[tilespmem:s3], [sflag:$0x4] =	stream.linear.gather [hbm4b:s22+s3], $0x28, $0x38;
	[tilespmem:$0x14200] =	vst v63  }
0xf8: {  	_ =	swait.ge [sflag:s14], $0x28  }
0xf9: {  	[sflag:s14] =	ssyncset.done $0x0  }
0xfa: {  	s0 =	simm.s32 $0x80;
	s31 =	sadd.s32 s5, s31;
	[sflag:s14] =	ssyncadd.s32 $0xFFFFFFD8  }
0xfb: {  	[tilespmem:s0], [sflag:$0x4] =	stream.linear.gather [hbm4b:s31+s3], $0x28, $0x38;
	[tilespmem:$0x14200] =	vst v63  }
0xfc: {  	_ =	swait.ge [sflag:s14], $0x28  }
0xfd: {  	[sflag:s14] =	ssyncset.done $0x0  }
0xfe: {  	[sflag:s14] =	ssyncadd.s32 $0xFFFFFFD8  }
0xff: {  	v3 =	vld [tilespmem:$0x0];
	_ =	sdelay $0x4  }
0x100: {  	v4 =	vshll.u32 v3, $0x2  }
0x101: {  	v3 =	vand.u32 $0x7, v3;
	v4 =	vand.u32 $0xFFFFFFE0, v4  }
0x102: {  	v3 =	vor.u32 v3, v4  }
0x103: {  	v4 =	vperm.xlane v3, v0;
	_ =	sdelay $0x1  }
0x104: {  	v4 =	vadd.s32 v1, v4;
	_ =	sdelay $0x1  }
0x105: {  	v3 =	vperm.xlane v3, v2;
	_ =	sdelay $0x1  }
0x106: {  	v3 =	vadd.s32 v1, v3  }
0x107: {  	[tilespmem:s17], [sflag:$0x1] =	stream.indirect_vreg.gather [hbm4b:s2+s3], $0x80, v4, vm0, $0xb8;
	[tilespmem:$0x14200] =	vst v63  }
0x108: {  	s31 =	simm.s32 $0xA00  }
0x109: {  	[tilespmem:s31], [sflag:$0x1] =	stream.indirect_vreg.gather [hbm4b:s8+s3], $0x80, v4, vm0, $0xb8;
	[tilespmem:$0x14200] =	vst v63  }
0x10a: {  	s22 =	simm.s32 $0x1200  }
0x10b: {  	[tilespmem:s22], [sflag:$0x1] =	stream.indirect_vreg.gather [hbm4b:s2+s3], $0x80, v3, vm0, $0xb8;
	[tilespmem:$0x14200] =	vst v63  }
0x10c: {  	s31 =	simm.s32 $0x1A00  }
0x10d: {  	[tilespmem:s31], [sflag:$0x1] =	stream.indirect_vreg.gather [hbm4b:s8+s3], $0x80, v3, vm0, $0xb8;
	[tilespmem:$0x14200] =	vst v63  }
0x10e: {  	v3 =	vld [tilespmem:$0x10];
	_ =	sdelay $0x4  }
0x10f: {  	v59 =	vshll.u32 v3, $0x2  }
0x110: {  	v3 =	vand.u32 $0x7, v3;
	v4 =	vand.u32 $0xFFFFFFE0, v59  }
0x111: {  	v3 =	vor.u32 v3, v4  }
0x112: {  	v4 =	vperm.xlane v3, v0;
	_ =	sdelay $0x1  }
0x113: {  	v4 =	vadd.s32 v1, v4;
	_ =	sdelay $0x1  }
0x114: {  	v3 =	vperm.xlane v3, v2;
	_ =	sdelay $0x1  }
0x115: {  	s22 =	simm.s32 $0x2200;
	v3 =	vadd.s32 v1, v3  }
0x116: {  	[tilespmem:s22], [sflag:$0x1] =	stream.indirect_vreg.gather [hbm4b:s2+s3], $0x80, v4, vm0, $0xb8;
	[tilespmem:$0x14200] =	vst v63  }
0x117: {  	s31 =	simm.s32 $0x2A00  }
0x118: {  	[tilespmem:s31], [sflag:$0x1] =	stream.indirect_vreg.gather [hbm4b:s8+s3], $0x80, v4, vm0, $0xb8;
	[tilespmem:$0x14200] =	vst v63  }
0x119: {  	s22 =	simm.s32 $0x3200  }
0x11a: {  	[tilespmem:s22], [sflag:$0x1] =	stream.indirect_vreg.gather [hbm4b:s2+s3], $0x80, v3, vm0, $0xb8;
	[tilespmem:$0x14200] =	vst v63  }
0x11b: {  	s31 =	simm.s32 $0x3A00  }
0x11c: {  	[tilespmem:s31], [sflag:$0x1] =	stream.indirect_vreg.gather [hbm4b:s8+s3], $0x80, v3, vm0, $0xb8;
	[tilespmem:$0x14200] =	vst v63  }
0x11d: {  	v3 =	vld.msk [tilespmem:$0x20], $0xff;
	_ =	sdelay $0x4  }
0x11e: {  	v60 =	vshll.u32 v3, $0x2  }
0x11f: {  	v3 =	vand.u32 $0x7, v3;
	v4 =	vand.u32 $0xFFFFFFE0, v60  }
0x120: {  	v3 =	vor.u32 v3, v4  }
0x121: {  	v3 =	vperm.xlane v3, v0;
	_ =	sdelay $0x1  }
0x122: {  	v3 =	vadd.s32 v1, v3;
	_ =	sdelay $0x3  }
0x123: {  	s22 =	simm.s32 $0x4200  }
0x124: {  	[tilespmem:s22], [sflag:$0x1] =	stream.indirect_vreg.gather [hbm4b:s2+s3], $0x80, v3, vm0, $0xb8;
	[tilespmem:$0x14200] =	vst v63  }
0x125: {  	s31 =	simm.s32 $0x4A00  }
0x126: {  	[tilespmem:s31], [sflag:$0x1] =	stream.indirect_vreg.gather [hbm4b:s8+s3], $0x80, v3, vm0, $0xb8;
	[tilespmem:$0x14200] =	vst v63  }
0x127: {  	v3 =	vld [tilespmem:$0x80];
	_ =	sdelay $0x4  }
0x128: {  	v61 =	vshll.u32 v3, $0x2  }
0x129: {  	v3 =	vand.u32 $0x7, v3;
	v4 =	vand.u32 $0xFFFFFFE0, v61  }
0x12a: {  	v3 =	vor.u32 v3, v4  }
0x12b: {  	v4 =	vperm.xlane v3, v0;
	_ =	sdelay $0x1  }
0x12c: {  	v4 =	vadd.s32 v1, v4;
	_ =	sdelay $0x1  }
0x12d: {  	v3 =	vperm.xlane v3, v2;
	_ =	sdelay $0x1  }
0x12e: {  	v3 =	vadd.s32 v1, v3  }
0x12f: {  	[tilespmem:s28], [sflag:$0x1] =	stream.indirect_vreg.gather [hbm4b:s2+s3], $0x80, v4, vm0, $0xb8;
	[tilespmem:$0x14200] =	vst v63  }
0x130: {  	s22 =	simm.s32 $0x5A00  }
0x131: {  	[tilespmem:s22], [sflag:$0x1] =	stream.indirect_vreg.gather [hbm4b:s8+s3], $0x80, v4, vm0, $0xb8;
	[tilespmem:$0x14200] =	vst v63  }
0x132: {  	s31 =	simm.s32 $0x6200  }
0x133: {  	[tilespmem:s31], [sflag:$0x1] =	stream.indirect_vreg.gather [hbm4b:s2+s3], $0x80, v3, vm0, $0xb8;
	[tilespmem:$0x14200] =	vst v63  }
0x134: {  	s22 =	simm.s32 $0x6A00  }
0x135: {  	[tilespmem:s22], [sflag:$0x1] =	stream.indirect_vreg.gather [hbm4b:s8+s3], $0x80, v3, vm0, $0xb8;
	[tilespmem:$0x14200] =	vst v63  }
0x136: {  	v3 =	vld [tilespmem:$0x90];
	_ =	sdelay $0x4  }
0x137: {  	v62 =	vshll.u32 v3, $0x2  }
0x138: {  	v3 =	vand.u32 $0x7, v3;
	v4 =	vand.u32 $0xFFFFFFE0, v62  }
0x139: {  	v3 =	vor.u32 v3, v4  }
0x13a: {  	v4 =	vperm.xlane v3, v0;
	_ =	sdelay $0x1  }
0x13b: {  	v4 =	vadd.s32 v1, v4;
	_ =	sdelay $0x1  }
0x13c: {  	v3 =	vperm.xlane v3, v2;
	_ =	sdelay $0x1  }
0x13d: {  	s31 =	simm.s32 $0x7200;
	v3 =	vadd.s32 v1, v3  }
0x13e: {  	[tilespmem:s31], [sflag:$0x1] =	stream.indirect_vreg.gather [hbm4b:s2+s3], $0x80, v4, vm0, $0xb8;
	[tilespmem:$0x14200] =	vst v63  }
0x13f: {  	_ = 	snop  }
0x140: {  	[tilespmem:s1], [sflag:$0x1] =	stream.indirect_vreg.gather [hbm4b:s8+s3], $0x80, v4, vm0, $0xb8;
	[tilespmem:$0x14200] =	vst v63  }
0x141: {  	_ = 	snop  }
0x142: {  	[tilespmem:s6], [sflag:$0x1] =	stream.indirect_vreg.gather [hbm4b:s2+s3], $0x80, v3, vm0, $0xb8;
	[tilespmem:$0x14200] =	vst v63  }
0x143: {  	_ = 	snop  }
0x144: {  	[tilespmem:s7], [sflag:$0x1] =	stream.indirect_vreg.gather [hbm4b:s8+s3], $0x80, v3, vm0, $0xb8;
	[tilespmem:$0x14200] =	vst v63  }
0x145: {  	v3 =	vld.msk [tilespmem:$0xA0], $0xff;
	_ =	sdelay $0x4  }
0x146: {  	v63 =	vshll.u32 v3, $0x2  }
0x147: {  	v3 =	vand.u32 $0x7, v3;
	v4 =	vand.u32 $0xFFFFFFE0, v63  }
0x148: {  	v3 =	vor.u32 v3, v4  }
0x149: {  	v3 =	vperm.xlane v3, v0;
	_ =	sdelay $0x1  }
0x14a: {  	v3 =	vadd.s32 v1, v3;
	_ =	sdelay $0x2  }
.Ltmp6:
0x14b: {  	_ = 	snop;
	(pc) =	sbr.rel .LBB2_6-.Ltmp6, $4  }
0x14c: {  	_ = 	snop  }
0x14d: {  	[tilespmem:s9], [sflag:$0x1] =	stream.indirect_vreg.gather [hbm4b:s2+s3], $0x80, v3, vm0, $0xb8;
	[tilespmem:$0x14200] =	vst v63  }
0x14e: {  	_ = 	snop  }
0x14f: {  	[tilespmem:s10], [sflag:$0x1] =	stream.indirect_vreg.gather [hbm4b:s8+s3], $0x80, v3, vm0, $0xb8;
	[tilespmem:$0x14200] =	vst v63  }
.LBB2_8:
0x150: {  	_ =	sfence.sel $0x180000  }
0x151: {  	[bflag:$0x0] =	sbarrier.arrive $0xFFFF  }
0x152: {  	_ =	strace $0x90000050  }
0x153: {  	s0 =	stileid.u32;
	[bflag:$0x2] =	sbarrier.arrive $0xFFFF  }
0x154: {  	p0 =	sne.s32 s0, $0x0;
	s0 =	rddreg [dreg:$0x2]  }
0x155: {  	s0 =	sadd.s32 @!p0 $0x100000, s0  }
0x156: {  	[sflag:s0] =	ssyncadd.tile.s32 @!p0 $0x1;
	_ =	shalt  }
.Lfunc_end2:
_tile_overlayer_lowered:
.L_overlay_start_2:
0x157: {  	(tag) =	ssettag $0x2  }
0x158: {  	s0 =	rddreg [dreg:$0x0];
	s2 =	stileid.u32  }
0x159: {  	s1 =	rddreg [dreg:$0x1];
	p0 =	sne.s32 s2, $0x0  }
0x15a: {  	s3 =	rddreg [dreg:$0x2];
	[bflag:$0x3] =	sbarrier.arrive $0xFFFF;
	s2 =	simm.s32 @!p0 $0x1C03  }
0x15b: {  	[timem:s3], [sflag:s2] =	dma.local @!p0 [hbm:s0], s1  }
0x15c: {  	s0 =	simm.s32 @!p0 $0x3  }
0x15d: {  	_ =	swait.ge @!p0 [sflag:s0], s1  }
0x15e: {  	s1 =	ssub.s32 @!p0 $0x0, s1;
	[sflag:s0] =	ssyncset.done @!p0 $0x0  }
0x15f: {  	[sflag:s0] =	ssyncadd.s32 @!p0 s1  }
0x160: {  	[bflag:$0x3] =	sbarrier.arrive $0xFFFF  }
0x161: {  	_ =	shalt  }

</sc_bundles>
